<compile_context>
chip_gen: v7x
topology: tpu7x:2x2x1
jax: 0.10.2.dev20260603
libtpu: 0.0.44.dev20260713+nightly
codegen_flags: <defaults>
</compile_context>

<pallas_src>
import functools
import jax
import jax.numpy as jnp
from jax import lax
from jax.experimental import pallas as pl
from jax.experimental.pallas import tpu as pltpu
from jax.experimental.pallas import tpu_sc as plsc

NN = 100000
NP = 100352
EE = 3200000
EP = 3211264
NG = 128
F = 16

NC, NS = 2, 16
NW = NC * NS
EW = EP // NW
CH = 128
NCHUNK = EW // CH
RPT = NP // NS

_mesh = plsc.VectorSubcoreMesh(core_axis_name="c", subcore_axis_name="s")
_sc_params = pltpu.CompilerParams(use_tc_tiling_on_sc=False)


_NSL = 8


def _sc_deg_body(dst_hbm, zr16_hbm, on16_hbm, out_hbm,
                 db0, db1, db2, db3, db4, db5, db6, db7, ones16, acc,
                 *sems):
  c = lax.axis_index("c")
  s = lax.axis_index("s")
  w = s * NC + c
  pltpu.sync_copy(on16_hbm, ones16)
  pltpu.sync_copy(zr16_hbm, acc.at[pl.ds(s * RPT, RPT)])
  plsc.subcore_barrier()

  base = w * EW
  dbs = (db0, db1, db2, db3, db4, db5, db6, db7)
  sis = sems[:_NSL]
  sss = sems[_NSL:]

  def ifire(t, p):
    pltpu.async_copy(dst_hbm.at[pl.ds(base + t * CH, CH)], dbs[p], sis[p])

  def sfire(p):
    pltpu.make_async_copy(dst_hbm.at[pl.ds(0, CH)], dbs[p], sis[p]).wait()
    pltpu.async_copy(ones16, acc.at[dbs[p]], sss[p], add=True)

  def sdrain(p):
    pltpu.make_async_copy(ones16, acc.at[dbs[p]], sss[p]).wait()

  def body(i, carry):
    for q in range(_NSL):
      @pl.when(i >= 1)
      def _():
        sdrain(q)
      ifire(_NSL * i + q, q)
      if q >= 2:
        sfire(q - 2)
      else:
        @pl.when(i >= 1)
        def _():
          sfire((q + 6) % _NSL)
    return carry
  lax.fori_loop(0, NCHUNK // _NSL, body, 0)
  sfire(6)
  sfire(7)
  for p in range(_NSL):
    sdrain(p)
  plsc.subcore_barrier()

  pltpu.sync_copy(acc.at[pl.ds(s * RPT, RPT)],
                  out_hbm.at[pl.ds(c * NP + s * RPT, RPT)])


_sc_deg = functools.partial(
    pl.kernel,
    mesh=_mesh,
    out_type=jax.ShapeDtypeStruct((NC * NP, F), jnp.float32),
    scratch_types=[pltpu.VMEM((CH,), jnp.int32)] * 8 + [
        pltpu.VMEM((CH, F), jnp.float32),
        pltpu.VMEM_SHARED((NP, F), jnp.float32),
    ] + [pltpu.SemaphoreType.DMA] * 16,
    compiler_params=_sc_params,
)(_sc_deg_body)


def _sc_agg_body(u_hbm, src_hbm, dst_hbm, zr16_hbm, out_hbm,
                 sb0, sb1, sb2, sb3, sb4, sb5, sb6, sb7,
                 db0, db1, db2, db3, db4, db5, db6, db7,
                 rw0, rw1, rw2, rw3, rw4, rw5, rw6, rw7, acc,
                 *sems):
  c = lax.axis_index("c")
  s = lax.axis_index("s")
  w = s * NC + c
  pltpu.sync_copy(zr16_hbm, acc.at[pl.ds(s * RPT, RPT)])
  plsc.subcore_barrier()

  base = w * EW
  sbs = (sb0, sb1, sb2, sb3, sb4, sb5, sb6, sb7)
  dbs = (db0, db1, db2, db3, db4, db5, db6, db7)
  rws = (rw0, rw1, rw2, rw3, rw4, rw5, rw6, rw7)
  sis = sems[:_NSL]
  sgs = sems[_NSL:2 * _NSL]
  sss = sems[2 * _NSL:]

  def ifire(t, p):
    pltpu.async_copy(src_hbm.at[pl.ds(base + t * CH, CH)], sbs[p], sis[p])
    pltpu.async_copy(dst_hbm.at[pl.ds(base + t * CH, CH)], dbs[p], sis[p])

  def gfire(p):
    pltpu.make_async_copy(src_hbm.at[pl.ds(0, CH)], sbs[p], sis[p]).wait()
    pltpu.make_async_copy(dst_hbm.at[pl.ds(0, CH)], dbs[p], sis[p]).wait()
    pltpu.async_copy(u_hbm.at[sbs[p]], rws[p], sgs[p])

  def sfire(p):
    pltpu.make_async_copy(u_hbm.at[sbs[p]], rws[p], sgs[p]).wait()
    pltpu.async_copy(rws[p], acc.at[dbs[p]], sss[p], add=True)

  def sdrain(p):
    pltpu.make_async_copy(rws[p], acc.at[dbs[p]], sss[p]).wait()

  def body(i, carry):
    for q in range(_NSL):
      @pl.when(i >= 1)
      def _():
        sdrain(q)
      ifire(_NSL * i + q, q)
      if q >= 2:
        gfire(q - 2)
      else:
        @pl.when(i >= 1)
        def _():
          gfire((q + 6) % _NSL)
      if q >= 5:
        sfire(q - 5)
      else:
        @pl.when(i >= 1)
        def _():
          sfire((q + 3) % _NSL)
    return carry
  lax.fori_loop(0, NCHUNK // _NSL, body, 0)
  gfire(6)
  gfire(7)
  for p in (3, 4, 5, 6, 7):
    sfire(p)
  for p in range(_NSL):
    sdrain(p)
  plsc.subcore_barrier()

  pltpu.sync_copy(acc.at[pl.ds(s * RPT, RPT)],
                  out_hbm.at[pl.ds(c * NP + s * RPT, RPT)])


_sc_agg = functools.partial(
    pl.kernel,
    mesh=_mesh,
    out_type=jax.ShapeDtypeStruct((NC * NP, F), jnp.float32),
    scratch_types=[pltpu.VMEM((CH,), jnp.int32)] * 16 + [
        pltpu.VMEM((CH, F), jnp.float32)] * 8 + [
        pltpu.VMEM_SHARED((NP, F), jnp.float32),
    ] + [pltpu.SemaphoreType.DMA] * 24,
    compiler_params=_sc_params,
)(_sc_agg_body)


NR = NP * F // 128
_GB = 4
_R = NR // _GB


def _tc_dinv_body(d0_ref, d1_ref, out_ref):
  out_ref[...] = lax.rsqrt(d0_ref[...] + d1_ref[...] + 1.0)


def _tc_dinv(deg128):
  return pl.pallas_call(
      _tc_dinv_body,
      grid=(_GB,),
      in_specs=[
          pl.BlockSpec((_R, 128), lambda i: (i, 0)),
          pl.BlockSpec((_R, 128), lambda i: (i + _GB, 0)),
      ],
      out_specs=pl.BlockSpec((_R, 128), lambda i: (i, 0)),
      out_shape=jax.ShapeDtypeStruct((NR, 128), jnp.float32),
  )(deg128, deg128)


def _tc_u1_body(dv_ref, x_ref, w1_ref, out_ref):
  h = jnp.dot(x_ref[...], w1_ref[...], preferred_element_type=jnp.float32)
  out_ref[...] = h * dv_ref[...]


def _tc_u1(dinv128, x128, w1bd):
  return pl.pallas_call(
      _tc_u1_body,
      grid=(_GB,),
      in_specs=[
          pl.BlockSpec((_R, 128), lambda i: (i, 0)),
          pl.BlockSpec((_R, 128), lambda i: (i, 0)),
          pl.BlockSpec((128, 128), lambda i: (0, 0)),
      ],
      out_specs=pl.BlockSpec((_R, 128), lambda i: (i, 0)),
      out_shape=jax.ShapeDtypeStruct((NR, 128), jnp.float32),
  )(dinv128, x128, w1bd)


def _tc_u2_body(dv_ref, s0_ref, s1_ref, u1_ref, w2_ref, b1_ref, out_ref):
  z1 = jax.nn.relu(dv_ref[...] * (s0_ref[...] + s1_ref[...] + u1_ref[...])
                   + b1_ref[...])
  h2 = jnp.dot(z1, w2_ref[...], preferred_element_type=jnp.float32)
  out_ref[...] = h2 * dv_ref[...]


def _tc_u2(dinv128, s128, u1, w2bd, b1t):
  return pl.pallas_call(
      _tc_u2_body,
      grid=(_GB,),
      in_specs=[
          pl.BlockSpec((_R, 128), lambda i: (i, 0)),
          pl.BlockSpec((_R, 128), lambda i: (i, 0)),
          pl.BlockSpec((_R, 128), lambda i: (i + _GB, 0)),
          pl.BlockSpec((_R, 128), lambda i: (i, 0)),
          pl.BlockSpec((128, 128), lambda i: (0, 0)),
          pl.BlockSpec((1, 128), lambda i: (0, 0)),
      ],
      out_specs=pl.BlockSpec((_R, 128), lambda i: (i, 0)),
      out_shape=jax.ShapeDtypeStruct((NR, 128), jnp.float32),
  )(dinv128, s128, s128, u1, w2bd, b1t)


def _tc_pool_body(dv_ref, s0_ref, s1_ref, u2_ref, b2_ref, bf_ref, out_ref):
  i = pl.program_id(0)
  z2 = dv_ref[...] * (s0_ref[...] + s1_ref[...] + u2_ref[...]) + b2_ref[...]
  gidf = lax.broadcasted_iota(jnp.int32, (_R, NG), 1).astype(jnp.float32)
  part = jnp.zeros((NG, F), jnp.float32)
  for j in range(8):
    bcol = bf_ref[:, 16 * j:16 * j + 1]
    oh = jnp.where(bcol == gidf, 1.0, 0.0)
    part = part + lax.dot_general(oh, z2[:, 16 * j:16 * j + 16],
                                  (((0,), (0,)), ((), ())),
                                  preferred_element_type=jnp.float32)

  @pl.when(i == 0)
  def _():
    out_ref[...] = jnp.zeros_like(out_ref)

  out_ref[...] += part


def _tc_pool(dinv128, s128, u2, b2t, batch128):
  return pl.pallas_call(
      _tc_pool_body,
      grid=(_GB,),
      in_specs=[
          pl.BlockSpec((_R, 128), lambda i: (i, 0)),
          pl.BlockSpec((_R, 128), lambda i: (i, 0)),
          pl.BlockSpec((_R, 128), lambda i: (i + _GB, 0)),
          pl.BlockSpec((_R, 128), lambda i: (i, 0)),
          pl.BlockSpec((1, 128), lambda i: (0, 0)),
          pl.BlockSpec((_R, 128), lambda i: (i, 0)),
      ],
      out_specs=pl.BlockSpec((NG, F), lambda i: (0, 0)),
      out_shape=jax.ShapeDtypeStruct((NG, F), jnp.float32),
  )(dinv128, s128, s128, u2, b2t, batch128)


def _tc_head_body(g_ref, wl_ref, bl_ref, out_ref):
  logits = jnp.dot(g_ref[...], wl_ref[...],
                   preferred_element_type=jnp.float32) + bl_ref[...]
  valid = lax.broadcasted_iota(jnp.int32, (NG, 8), 1) < 7
  masked = jnp.where(valid, logits, -jnp.inf)
  m = jnp.max(masked, axis=1, keepdims=True)
  e = jnp.where(valid, jnp.exp(logits - m), 0.0)
  lse = jnp.log(jnp.sum(e, axis=1, keepdims=True))
  out_ref[...] = logits - m - lse


def _tc_head(g, wlp, blp):
  return pl.pallas_call(
      _tc_head_body,
      out_shape=jax.ShapeDtypeStruct((NG, 8), jnp.float32),
  )(g, wlp, blp)


def kernel(x, edge_index, edge_attr, batch, W1, b1, W2, b2, Wlin, blin):
  f32 = jnp.float32
  pad_idx = NN + jnp.arange(EP - EE, dtype=jnp.int32) % (NP - NN)
  srcr = jnp.concatenate([edge_index[0], pad_idx])
  dstr = jnp.concatenate([edge_index[1], pad_idx])
  x128 = jnp.pad(x, ((0, NP - NN), (0, F - x.shape[1]))).reshape(NR, 128)
  w1bd = jnp.kron(jnp.eye(8, dtype=f32),
                  jnp.pad(W1, ((0, F - W1.shape[0]), (0, 0))))
  w2bd = jnp.kron(jnp.eye(8, dtype=f32), W2)
  batch128 = jnp.repeat(
      jnp.pad(batch, (0, NP - NN), constant_values=1000), F
  ).astype(f32).reshape(NR, 128)
  zr16 = jnp.zeros((RPT, F), f32)
  on16 = jnp.ones((CH, F), f32)
  b1t = jnp.tile(b1, 8).reshape(1, 128)
  b2t = jnp.tile(b2, 8).reshape(1, 128)
  wlp = jnp.pad(Wlin, ((0, 0), (0, 1)))
  blp = jnp.pad(blin, (0, 1)).reshape(1, 8)

  degp16 = _sc_deg(dstr, zr16, on16)
  dinv128 = _tc_dinv(degp16.reshape(2 * NR, 128))

  u1 = _tc_u1(dinv128, x128, w1bd)
  s1f = _sc_agg(u1.reshape(NP, F), srcr, dstr, zr16)
  u2 = _tc_u2(dinv128, s1f.reshape(2 * NR, 128), u1, w2bd, b1t)
  s2f = _sc_agg(u2.reshape(NP, F), srcr, dstr, zr16)
  g = _tc_pool(dinv128, s2f.reshape(2 * NR, 128), u2, b2t, batch128)
  out = _tc_head(g, wlp, blp)
  return out[:, :7]

# --- scband reference (transcript-rebuilt; emitter-appended) ---
"""Pipeline reference for scband-gnn-3951369912442 (READ-ONLY COPY).

The authoritative reference and input builder live on the scoring server;
editing this copy changes nothing except your own understanding.
"""

import jax, jax.numpy as jnp
import numpy as np

N = 100000
E = 3200000
NUM_GRAPHS = 128


def gcn_conv(x, edge_index, W, b, num_nodes):
    # GCNConv with self-loops and symmetric normalization: D^-1/2 (A+I) D^-1/2 X W + b
    src = edge_index[0]
    dst = edge_index[1]
    loop = jnp.arange(num_nodes, dtype=src.dtype)
    src = jnp.concatenate([src, loop])
    dst = jnp.concatenate([dst, loop])
    deg = jax.ops.segment_sum(jnp.ones_like(src, dtype=x.dtype), dst, num_segments=num_nodes)
    dinv = jnp.where(deg > 0, 1.0 / jnp.sqrt(deg), 0.0)
    norm = dinv[src] * dinv[dst]
    h = x @ W
    msg = norm[:, None] * jnp.take(h, src, axis=0)
    out = jax.ops.segment_sum(msg, dst, num_segments=num_nodes)
    return out + b


def setup_inputs(seed: int = 0):
    key = jax.random.key(seed)
    ks = jax.random.split(key, 9)
    x = jax.random.normal(ks[0], (N, 3), dtype=jnp.float32)
    edge_index = jax.random.randint(ks[1], (2, E), 0, N, dtype=jnp.int32)
    edge_attr = jax.random.normal(ks[2], (E, 4), dtype=jnp.float32)
    batch = jnp.sort(jax.random.randint(ks[3], (N,), 0, NUM_GRAPHS, dtype=jnp.int32))
    W1 = jax.random.normal(ks[4], (3, 16), dtype=jnp.float32) * 0.5
    b1 = jnp.zeros((16,), dtype=jnp.float32)
    W2 = jax.random.normal(ks[5], (16, 16), dtype=jnp.float32) * 0.25
    b2 = jnp.zeros((16,), dtype=jnp.float32)
    Wlin = jax.random.normal(ks[6], (16, 7), dtype=jnp.float32) * 0.25
    blin = jnp.zeros((7,), dtype=jnp.float32)
    return {"x": x, "edge_index": edge_index, "edge_attr": edge_attr, "batch": batch,
            "W1": W1, "b1": b1, "W2": W2, "b2": b2, "Wlin": Wlin, "blin": blin}


def reference(x, edge_index, edge_attr, batch, W1, b1, W2, b2, Wlin, blin):
    h = gcn_conv(x, edge_index, W1, b1, N)
    h = jax.nn.relu(h)
    h = gcn_conv(h, edge_index, W2, b2, N)
    g = jax.ops.segment_sum(h, batch, num_segments=NUM_GRAPHS)  # global_add_pool
    logits = g @ Wlin + blin
    return jax.nn.log_softmax(logits, axis=1)

if __name__ == "__main__":
    import jax
    _d = setup_inputs()
    print(jax.jit(kernel)(*tuple(_d.values())))

</pallas_src>

<mosaic_0001>
#map = affine_map<(d0, d1) -> (0, 0)>
#map1 = affine_map<(d0, d1) -> (0)>
module attributes {stable_mosaic.version = 14 : i64} {
  func.func @_sc_agg_body(%arg0: i32, %arg1: i32, %arg2: memref<100352x16xf32, #tpu.memory_space<hbm>>, %arg3: memref<3211264xi32, #tpu.memory_space<hbm>>, %arg4: memref<3211264xi32, #tpu.memory_space<hbm>>, %arg5: memref<6272x16xf32, #tpu.memory_space<hbm>>, %arg6: memref<200704x16xf32, #tpu.memory_space<hbm>>, %arg7: memref<128xi32, #tpu.memory_space<vmem>>, %arg8: memref<128xi32, #tpu.memory_space<vmem>>, %arg9: memref<128xi32, #tpu.memory_space<vmem>>, %arg10: memref<128xi32, #tpu.memory_space<vmem>>, %arg11: memref<128xi32, #tpu.memory_space<vmem>>, %arg12: memref<128xi32, #tpu.memory_space<vmem>>, %arg13: memref<128xi32, #tpu.memory_space<vmem>>, %arg14: memref<128xi32, #tpu.memory_space<vmem>>, %arg15: memref<128xi32, #tpu.memory_space<vmem>>, %arg16: memref<128xi32, #tpu.memory_space<vmem>>, %arg17: memref<128xi32, #tpu.memory_space<vmem>>, %arg18: memref<128xi32, #tpu.memory_space<vmem>>, %arg19: memref<128xi32, #tpu.memory_space<vmem>>, %arg20: memref<128xi32, #tpu.memory_space<vmem>>, %arg21: memref<128xi32, #tpu.memory_space<vmem>>, %arg22: memref<128xi32, #tpu.memory_space<vmem>>, %arg23: memref<128x16xf32, #tpu.memory_space<vmem>>, %arg24: memref<128x16xf32, #tpu.memory_space<vmem>>, %arg25: memref<128x16xf32, #tpu.memory_space<vmem>>, %arg26: memref<128x16xf32, #tpu.memory_space<vmem>>, %arg27: memref<128x16xf32, #tpu.memory_space<vmem>>, %arg28: memref<128x16xf32, #tpu.memory_space<vmem>>, %arg29: memref<128x16xf32, #tpu.memory_space<vmem>>, %arg30: memref<128x16xf32, #tpu.memory_space<vmem>>, %arg31: memref<100352x16xf32, #tpu.memory_space<vmem_shared>>, %arg32: memref<!tpu.dma_semaphore, #tpu.memory_space<semaphore_mem>>, %arg33: memref<!tpu.dma_semaphore, #tpu.memory_space<semaphore_mem>>, %arg34: memref<!tpu.dma_semaphore, #tpu.memory_space<semaphore_mem>>, %arg35: memref<!tpu.dma_semaphore, #tpu.memory_space<semaphore_mem>>, %arg36: memref<!tpu.dma_semaphore, #tpu.memory_space<semaphore_mem>>, %arg37: memref<!tpu.dma_semaphore, #tpu.memory_space<semaphore_mem>>, %arg38: memref<!tpu.dma_semaphore, #tpu.memory_space<semaphore_mem>>, %arg39: memref<!tpu.dma_semaphore, #tpu.memory_space<semaphore_mem>>, %arg40: memref<!tpu.dma_semaphore, #tpu.memory_space<semaphore_mem>>, %arg41: memref<!tpu.dma_semaphore, #tpu.memory_space<semaphore_mem>>, %arg42: memref<!tpu.dma_semaphore, #tpu.memory_space<semaphore_mem>>, %arg43: memref<!tpu.dma_semaphore, #tpu.memory_space<semaphore_mem>>, %arg44: memref<!tpu.dma_semaphore, #tpu.memory_space<semaphore_mem>>, %arg45: memref<!tpu.dma_semaphore, #tpu.memory_space<semaphore_mem>>, %arg46: memref<!tpu.dma_semaphore, #tpu.memory_space<semaphore_mem>>, %arg47: memref<!tpu.dma_semaphore, #tpu.memory_space<semaphore_mem>>, %arg48: memref<!tpu.dma_semaphore, #tpu.memory_space<semaphore_mem>>, %arg49: memref<!tpu.dma_semaphore, #tpu.memory_space<semaphore_mem>>, %arg50: memref<!tpu.dma_semaphore, #tpu.memory_space<semaphore_mem>>, %arg51: memref<!tpu.dma_semaphore, #tpu.memory_space<semaphore_mem>>, %arg52: memref<!tpu.dma_semaphore, #tpu.memory_space<semaphore_mem>>, %arg53: memref<!tpu.dma_semaphore, #tpu.memory_space<semaphore_mem>>, %arg54: memref<!tpu.dma_semaphore, #tpu.memory_space<semaphore_mem>>, %arg55: memref<!tpu.dma_semaphore, #tpu.memory_space<semaphore_mem>>) attributes {dimension_semantics = [#tpu.dimension_semantics<core_parallel>, #tpu.dimension_semantics<subcore_parallel>], iteration_bounds = array<i64: 2, 16>, scalar_prefetch = 0 : i64, scratch_operands = 49 : i64, tpu.core_type = #tpu.core_type<sc_vector_subcore>, window_params = [{transform_indices = #map}, {transform_indices = #map1}, {transform_indices = #map1}, {transform_indices = #map}, {transform_indices = #map}]} {
    %mul3A = arith.constant 2 : i32
    %mul3A_0 = arith.muli %arg1, %mul3A : i32
    %add3A = arith.addi %mul3A_0, %arg0 : i32
    %mul3A_1 = arith.constant 6272 : i32
    %mul3A_2 = arith.muli %arg1, %mul3A_1 : i32
    "tpu.region"() ({
      %run_scoped3A = tpu.sem_alloc : memref<!tpu.dma_semaphore, #tpu.memory_space<semaphore_mem>>
      %dma_start3A_92 = arith.constant 0 : i32
      %dma_start3A_93 = tpu.memref_slice %arg31[%mul3A_2, %dma_start3A_92] : memref<100352x16xf32, #tpu.memory_space<vmem_shared>> -> memref<6272x16xf32, #tpu.memory_space<vmem_shared>>
      tpu.enqueue_dma source(%arg5 : memref<6272x16xf32, #tpu.memory_space<hbm>>) target(%dma_start3A_93 : memref<6272x16xf32, #tpu.memory_space<vmem_shared>>) target_semaphore(%run_scoped3A : memref<!tpu.dma_semaphore, #tpu.memory_space<semaphore_mem>>)
      %dma_wait3A_94 = arith.constant 0 : i32
      %dma_wait3A_95 = tpu.memref_slice %arg31[%mul3A_2, %dma_wait3A_94] : memref<100352x16xf32, #tpu.memory_space<vmem_shared>> -> memref<6272x16xf32, #tpu.memory_space<vmem_shared>>
      tpu.wait_dma2 semaphore(%run_scoped3A : memref<!tpu.dma_semaphore, #tpu.memory_space<semaphore_mem>>) src(%arg5 : memref<6272x16xf32, #tpu.memory_space<hbm>>) dst(%dma_wait3A_95 : memref<6272x16xf32, #tpu.memory_space<vmem_shared>>)
      tpu.yield
    }) : () -> ()
    %barrier3A = arith.constant 0 : index
    tpu.barrier barrier_id(%barrier3A)
    %mul3A_3 = arith.constant 100352 : i32
    %mul3A_4 = arith.muli %add3A, %mul3A_3 : i32
    %scan3A = arith.constant 0 : i32
    %scan3A_5 = arith.constant 0 : i32
    %scan3A_6 = arith.constant 98 : i32
    %scan3A_7 = arith.addi %scan3A_5, %scan3A_6 : i32
    %scan3A_8 = arith.constant 1 : i32
    scf.for %scan3A_92 = %scan3A_5 to %scan3A_7 step %scan3A_8  : i32 {
      %ge3A = arith.constant 1 : i32
      %ge3A_93 = arith.cmpi sge, %scan3A_92, %ge3A : i32
      %convert_element_type3A = arith.extui %ge3A_93 : i1 to i32
      %cond3A = arith.constant 0 : i32
      %cond3A_94 = arith.cmpi ne, %convert_element_type3A, %cond3A : i32
      scf.if %cond3A_94 {
        %dma_wait3A_361 = arith.constant 0 : i32
        %dma_wait3A_362 = arith.constant 0 : i32
        %dma_wait3A_363 = tpu.memref_slice %arg31[%dma_wait3A_361, %dma_wait3A_362] : memref<100352x16xf32, #tpu.memory_space<vmem_shared>> -> memref<100352x16xf32, #tpu.memory_space<vmem_shared>>
        tpu.wait_indirect_dma semaphore(%arg48 : memref<!tpu.dma_semaphore, #tpu.memory_space<semaphore_mem>>) src(%arg23 : memref<128x16xf32, #tpu.memory_space<vmem>>) dst(%dma_wait3A_363 : memref<100352x16xf32, #tpu.memory_space<vmem_shared>>)
      } else {
      }
      %mul3A_95 = arith.constant 8 : i32
      %mul3A_96 = arith.muli %mul3A_95, %scan3A_92 : i32
      %add3A_97 = arith.constant 0 : i32
      %add3A_98 = arith.addi %mul3A_96, %add3A_97 : i32
      %mul3A_99 = arith.constant 128 : i32
      %mul3A_100 = arith.muli %add3A_98, %mul3A_99 : i32
      %add3A_101 = arith.addi %mul3A_4, %mul3A_100 : i32
      %dma_start3A_102 = tpu.memref_slice %arg3[%add3A_101] : memref<3211264xi32, #tpu.memory_space<hbm>> -> memref<128xi32, #tpu.memory_space<hbm>>
      %dma_start3A_103 = tpu.memref_slice %arg3[%add3A_101] : memref<3211264xi32, #tpu.memory_space<hbm>> -> memref<128xi32, #tpu.memory_space<hbm>>
      tpu.enqueue_dma source(%dma_start3A_103 : memref<128xi32, #tpu.memory_space<hbm>>) target(%arg7 : memref<128xi32, #tpu.memory_space<vmem>>) target_semaphore(%arg32 : memref<!tpu.dma_semaphore, #tpu.memory_space<semaphore_mem>>)
      %mul3A_104 = arith.constant 128 : i32
      %mul3A_105 = arith.muli %add3A_98, %mul3A_104 : i32
      %add3A_106 = arith.addi %mul3A_4, %mul3A_105 : i32
      %dma_start3A_107 = tpu.memref_slice %arg4[%add3A_106] : memref<3211264xi32, #tpu.memory_space<hbm>> -> memref<128xi32, #tpu.memory_space<hbm>>
      %dma_start3A_108 = tpu.memref_slice %arg4[%add3A_106] : memref<3211264xi32, #tpu.memory_space<hbm>> -> memref<128xi32, #tpu.memory_space<hbm>>
      tpu.enqueue_dma source(%dma_start3A_108 : memref<128xi32, #tpu.memory_space<hbm>>) target(%arg15 : memref<128xi32, #tpu.memory_space<vmem>>) target_semaphore(%arg32 : memref<!tpu.dma_semaphore, #tpu.memory_space<semaphore_mem>>)
      %ge3A_109 = arith.constant 1 : i32
      %ge3A_110 = arith.cmpi sge, %scan3A_92, %ge3A_109 : i32
      %convert_element_type3A_111 = arith.extui %ge3A_110 : i1 to i32
      %cond3A_112 = arith.constant 0 : i32
      %cond3A_113 = arith.cmpi ne, %convert_element_type3A_111, %cond3A_112 : i32
      scf.if %cond3A_113 {
        %dma_wait3A_361 = arith.constant 0 : i32
        %dma_wait3A_362 = tpu.memref_slice %arg3[%dma_wait3A_361] : memref<3211264xi32, #tpu.memory_space<hbm>> -> memref<128xi32, #tpu.memory_space<hbm>>
        %dma_wait3A_363 = arith.constant 0 : i32
        %dma_wait3A_364 = tpu.memref_slice %arg3[%dma_wait3A_363] : memref<3211264xi32, #tpu.memory_space<hbm>> -> memref<128xi32, #tpu.memory_space<hbm>>
        tpu.wait_dma2 semaphore(%arg38 : memref<!tpu.dma_semaphore, #tpu.memory_space<semaphore_mem>>) src(%dma_wait3A_364 : memref<128xi32, #tpu.memory_space<hbm>>) dst(%arg13 : memref<128xi32, #tpu.memory_space<vmem>>)
        %dma_wait3A_365 = arith.constant 0 : i32
        %dma_wait3A_366 = tpu.memref_slice %arg4[%dma_wait3A_365] : memref<3211264xi32, #tpu.memory_space<hbm>> -> memref<128xi32, #tpu.memory_space<hbm>>
        %dma_wait3A_367 = arith.constant 0 : i32
        %dma_wait3A_368 = tpu.memref_slice %arg4[%dma_wait3A_367] : memref<3211264xi32, #tpu.memory_space<hbm>> -> memref<128xi32, #tpu.memory_space<hbm>>
        tpu.wait_dma2 semaphore(%arg38 : memref<!tpu.dma_semaphore, #tpu.memory_space<semaphore_mem>>) src(%dma_wait3A_368 : memref<128xi32, #tpu.memory_space<hbm>>) dst(%arg21 : memref<128xi32, #tpu.memory_space<vmem>>)
        %dma_start3A_369 = arith.constant 0 : i32
        %dma_start3A_370 = arith.constant 0 : i32
        %dma_start3A_371 = tpu.memref_slice %arg2[%dma_start3A_369, %dma_start3A_370] : memref<100352x16xf32, #tpu.memory_space<hbm>> -> memref<100352x16xf32, #tpu.memory_space<hbm>>
        tpu.enqueue_indirect_dma source(%dma_start3A_371 : memref<100352x16xf32, #tpu.memory_space<hbm>>) target(%arg29 : memref<128x16xf32, #tpu.memory_space<vmem>>) offsets(%arg13 : memref<128xi32, #tpu.memory_space<vmem>>) semaphore(%arg46 : memref<!tpu.dma_semaphore, #tpu.memory_space<semaphore_mem>>)
      } else {
      }
      %ge3A_114 = arith.constant 1 : i32
      %ge3A_115 = arith.cmpi sge, %scan3A_92, %ge3A_114 : i32
      %convert_element_type3A_116 = arith.extui %ge3A_115 : i1 to i32
      %cond3A_117 = arith.constant 0 : i32
      %cond3A_118 = arith.cmpi ne, %convert_element_type3A_116, %cond3A_117 : i32
      scf.if %cond3A_118 {
        %dma_wait3A_361 = arith.constant 0 : i32
        %dma_wait3A_362 = arith.constant 0 : i32
        %dma_wait3A_363 = tpu.memref_slice %arg2[%dma_wait3A_361, %dma_wait3A_362] : memref<100352x16xf32, #tpu.memory_space<hbm>> -> memref<100352x16xf32, #tpu.memory_space<hbm>>
        tpu.wait_indirect_dma semaphore(%arg43 : memref<!tpu.dma_semaphore, #tpu.memory_space<semaphore_mem>>) src(%dma_wait3A_363 : memref<100352x16xf32, #tpu.memory_space<hbm>>) dst(%arg26 : memref<128x16xf32, #tpu.memory_space<vmem>>)
        %dma_start3A_364 = arith.constant 0 : i32
        %dma_start3A_365 = arith.constant 0 : i32
        %dma_start3A_366 = tpu.memref_slice %arg31[%dma_start3A_364, %dma_start3A_365] : memref<100352x16xf32, #tpu.memory_space<vmem_shared>> -> memref<100352x16xf32, #tpu.memory_space<vmem_shared>>
        tpu.enqueue_indirect_dma source(%arg26 : memref<128x16xf32, #tpu.memory_space<vmem>>) target(%dma_start3A_366 : memref<100352x16xf32, #tpu.memory_space<vmem_shared>>) offsets(%arg18 : memref<128xi32, #tpu.memory_space<vmem>>) semaphore(%arg51 : memref<!tpu.dma_semaphore, #tpu.memory_space<semaphore_mem>>) {add = true}
      } else {
      }
      %ge3A_119 = arith.constant 1 : i32
      %ge3A_120 = arith.cmpi sge, %scan3A_92, %ge3A_119 : i32
      %convert_element_type3A_121 = arith.extui %ge3A_120 : i1 to i32
      %cond3A_122 = arith.constant 0 : i32
      %cond3A_123 = arith.cmpi ne, %convert_element_type3A_121, %cond3A_122 : i32
      scf.if %cond3A_123 {
        %dma_wait3A_361 = arith.constant 0 : i32
        %dma_wait3A_362 = arith.constant 0 : i32
        %dma_wait3A_363 = tpu.memref_slice %arg31[%dma_wait3A_361, %dma_wait3A_362] : memref<100352x16xf32, #tpu.memory_space<vmem_shared>> -> memref<100352x16xf32, #tpu.memory_space<vmem_shared>>
        tpu.wait_indirect_dma semaphore(%arg49 : memref<!tpu.dma_semaphore, #tpu.memory_space<semaphore_mem>>) src(%arg24 : memref<128x16xf32, #tpu.memory_space<vmem>>) dst(%dma_wait3A_363 : memref<100352x16xf32, #tpu.memory_space<vmem_shared>>)
      } else {
      }
      %mul3A_124 = arith.constant 8 : i32
      %mul3A_125 = arith.muli %mul3A_124, %scan3A_92 : i32
      %add3A_126 = arith.constant 1 : i32
      %add3A_127 = arith.addi %mul3A_125, %add3A_126 : i32
      %mul3A_128 = arith.constant 128 : i32
      %mul3A_129 = arith.muli %add3A_127, %mul3A_128 : i32
      %add3A_130 = arith.addi %mul3A_4, %mul3A_129 : i32
      %dma_start3A_131 = tpu.memref_slice %arg3[%add3A_130] : memref<3211264xi32, #tpu.memory_space<hbm>> -> memref<128xi32, #tpu.memory_space<hbm>>
      %dma_start3A_132 = tpu.memref_slice %arg3[%add3A_130] : memref<3211264xi32, #tpu.memory_space<hbm>> -> memref<128xi32, #tpu.memory_space<hbm>>
      tpu.enqueue_dma source(%dma_start3A_132 : memref<128xi32, #tpu.memory_space<hbm>>) target(%arg8 : memref<128xi32, #tpu.memory_space<vmem>>) target_semaphore(%arg33 : memref<!tpu.dma_semaphore, #tpu.memory_space<semaphore_mem>>)
      %mul3A_133 = arith.constant 128 : i32
      %mul3A_134 = arith.muli %add3A_127, %mul3A_133 : i32
      %add3A_135 = arith.addi %mul3A_4, %mul3A_134 : i32
      %dma_start3A_136 = tpu.memref_slice %arg4[%add3A_135] : memref<3211264xi32, #tpu.memory_space<hbm>> -> memref<128xi32, #tpu.memory_space<hbm>>
      %dma_start3A_137 = tpu.memref_slice %arg4[%add3A_135] : memref<3211264xi32, #tpu.memory_space<hbm>> -> memref<128xi32, #tpu.memory_space<hbm>>
      tpu.enqueue_dma source(%dma_start3A_137 : memref<128xi32, #tpu.memory_space<hbm>>) target(%arg16 : memref<128xi32, #tpu.memory_space<vmem>>) target_semaphore(%arg33 : memref<!tpu.dma_semaphore, #tpu.memory_space<semaphore_mem>>)
      %ge3A_138 = arith.constant 1 : i32
      %ge3A_139 = arith.cmpi sge, %scan3A_92, %ge3A_138 : i32
      %convert_element_type3A_140 = arith.extui %ge3A_139 : i1 to i32
      %cond3A_141 = arith.constant 0 : i32
      %cond3A_142 = arith.cmpi ne, %convert_element_type3A_140, %cond3A_141 : i32
      scf.if %cond3A_142 {
        %dma_wait3A_361 = arith.constant 0 : i32
        %dma_wait3A_362 = tpu.memref_slice %arg3[%dma_wait3A_361] : memref<3211264xi32, #tpu.memory_space<hbm>> -> memref<128xi32, #tpu.memory_space<hbm>>
        %dma_wait3A_363 = arith.constant 0 : i32
        %dma_wait3A_364 = tpu.memref_slice %arg3[%dma_wait3A_363] : memref<3211264xi32, #tpu.memory_space<hbm>> -> memref<128xi32, #tpu.memory_space<hbm>>
        tpu.wait_dma2 semaphore(%arg39 : memref<!tpu.dma_semaphore, #tpu.memory_space<semaphore_mem>>) src(%dma_wait3A_364 : memref<128xi32, #tpu.memory_space<hbm>>) dst(%arg14 : memref<128xi32, #tpu.memory_space<vmem>>)
        %dma_wait3A_365 = arith.constant 0 : i32
        %dma_wait3A_366 = tpu.memref_slice %arg4[%dma_wait3A_365] : memref<3211264xi32, #tpu.memory_space<hbm>> -> memref<128xi32, #tpu.memory_space<hbm>>
        %dma_wait3A_367 = arith.constant 0 : i32
        %dma_wait3A_368 = tpu.memref_slice %arg4[%dma_wait3A_367] : memref<3211264xi32, #tpu.memory_space<hbm>> -> memref<128xi32, #tpu.memory_space<hbm>>
        tpu.wait_dma2 semaphore(%arg39 : memref<!tpu.dma_semaphore, #tpu.memory_space<semaphore_mem>>) src(%dma_wait3A_368 : memref<128xi32, #tpu.memory_space<hbm>>) dst(%arg22 : memref<128xi32, #tpu.memory_space<vmem>>)
        %dma_start3A_369 = arith.constant 0 : i32
        %dma_start3A_370 = arith.constant 0 : i32
        %dma_start3A_371 = tpu.memref_slice %arg2[%dma_start3A_369, %dma_start3A_370] : memref<100352x16xf32, #tpu.memory_space<hbm>> -> memref<100352x16xf32, #tpu.memory_space<hbm>>
        tpu.enqueue_indirect_dma source(%dma_start3A_371 : memref<100352x16xf32, #tpu.memory_space<hbm>>) target(%arg30 : memref<128x16xf32, #tpu.memory_space<vmem>>) offsets(%arg14 : memref<128xi32, #tpu.memory_space<vmem>>) semaphore(%arg47 : memref<!tpu.dma_semaphore, #tpu.memory_space<semaphore_mem>>)
      } else {
      }
      %ge3A_143 = arith.constant 1 : i32
      %ge3A_144 = arith.cmpi sge, %scan3A_92, %ge3A_143 : i32
      %convert_element_type3A_145 = arith.extui %ge3A_144 : i1 to i32
      %cond3A_146 = arith.constant 0 : i32
      %cond3A_147 = arith.cmpi ne, %convert_element_type3A_145, %cond3A_146 : i32
      scf.if %cond3A_147 {
        %dma_wait3A_361 = arith.constant 0 : i32
        %dma_wait3A_362 = arith.constant 0 : i32
        %dma_wait3A_363 = tpu.memref_slice %arg2[%dma_wait3A_361, %dma_wait3A_362] : memref<100352x16xf32, #tpu.memory_space<hbm>> -> memref<100352x16xf32, #tpu.memory_space<hbm>>
        tpu.wait_indirect_dma semaphore(%arg44 : memref<!tpu.dma_semaphore, #tpu.memory_space<semaphore_mem>>) src(%dma_wait3A_363 : memref<100352x16xf32, #tpu.memory_space<hbm>>) dst(%arg27 : memref<128x16xf32, #tpu.memory_space<vmem>>)
        %dma_start3A_364 = arith.constant 0 : i32
        %dma_start3A_365 = arith.constant 0 : i32
        %dma_start3A_366 = tpu.memref_slice %arg31[%dma_start3A_364, %dma_start3A_365] : memref<100352x16xf32, #tpu.memory_space<vmem_shared>> -> memref<100352x16xf32, #tpu.memory_space<vmem_shared>>
        tpu.enqueue_indirect_dma source(%arg27 : memref<128x16xf32, #tpu.memory_space<vmem>>) target(%dma_start3A_366 : memref<100352x16xf32, #tpu.memory_space<vmem_shared>>) offsets(%arg19 : memref<128xi32, #tpu.memory_space<vmem>>) semaphore(%arg52 : memref<!tpu.dma_semaphore, #tpu.memory_space<semaphore_mem>>) {add = true}
      } else {
      }
      %ge3A_148 = arith.constant 1 : i32
      %ge3A_149 = arith.cmpi sge, %scan3A_92, %ge3A_148 : i32
      %convert_element_type3A_150 = arith.extui %ge3A_149 : i1 to i32
      %cond3A_151 = arith.constant 0 : i32
      %cond3A_152 = arith.cmpi ne, %convert_element_type3A_150, %cond3A_151 : i32
      scf.if %cond3A_152 {
        %dma_wait3A_361 = arith.constant 0 : i32
        %dma_wait3A_362 = arith.constant 0 : i32
        %dma_wait3A_363 = tpu.memref_slice %arg31[%dma_wait3A_361, %dma_wait3A_362] : memref<100352x16xf32, #tpu.memory_space<vmem_shared>> -> memref<100352x16xf32, #tpu.memory_space<vmem_shared>>
        tpu.wait_indirect_dma semaphore(%arg50 : memref<!tpu.dma_semaphore, #tpu.memory_space<semaphore_mem>>) src(%arg25 : memref<128x16xf32, #tpu.memory_space<vmem>>) dst(%dma_wait3A_363 : memref<100352x16xf32, #tpu.memory_space<vmem_shared>>)
      } else {
      }
      %mul3A_153 = arith.constant 8 : i32
      %mul3A_154 = arith.muli %mul3A_153, %scan3A_92 : i32
      %add3A_155 = arith.constant 2 : i32
      %add3A_156 = arith.addi %mul3A_154, %add3A_155 : i32
      %mul3A_157 = arith.constant 128 : i32
      %mul3A_158 = arith.muli %add3A_156, %mul3A_157 : i32
      %add3A_159 = arith.addi %mul3A_4, %mul3A_158 : i32
      %dma_start3A_160 = tpu.memref_slice %arg3[%add3A_159] : memref<3211264xi32, #tpu.memory_space<hbm>> -> memref<128xi32, #tpu.memory_space<hbm>>
      %dma_start3A_161 = tpu.memref_slice %arg3[%add3A_159] : memref<3211264xi32, #tpu.memory_space<hbm>> -> memref<128xi32, #tpu.memory_space<hbm>>
      tpu.enqueue_dma source(%dma_start3A_161 : memref<128xi32, #tpu.memory_space<hbm>>) target(%arg9 : memref<128xi32, #tpu.memory_space<vmem>>) target_semaphore(%arg34 : memref<!tpu.dma_semaphore, #tpu.memory_space<semaphore_mem>>)
      %mul3A_162 = arith.constant 128 : i32
      %mul3A_163 = arith.muli %add3A_156, %mul3A_162 : i32
      %add3A_164 = arith.addi %mul3A_4, %mul3A_163 : i32
      %dma_start3A_165 = tpu.memref_slice %arg4[%add3A_164] : memref<3211264xi32, #tpu.memory_space<hbm>> -> memref<128xi32, #tpu.memory_space<hbm>>
      %dma_start3A_166 = tpu.memref_slice %arg4[%add3A_164] : memref<3211264xi32, #tpu.memory_space<hbm>> -> memref<128xi32, #tpu.memory_space<hbm>>
      tpu.enqueue_dma source(%dma_start3A_166 : memref<128xi32, #tpu.memory_space<hbm>>) target(%arg17 : memref<128xi32, #tpu.memory_space<vmem>>) target_semaphore(%arg34 : memref<!tpu.dma_semaphore, #tpu.memory_space<semaphore_mem>>)
      %dma_wait3A_167 = arith.constant 0 : i32
      %dma_wait3A_168 = tpu.memref_slice %arg3[%dma_wait3A_167] : memref<3211264xi32, #tpu.memory_space<hbm>> -> memref<128xi32, #tpu.memory_space<hbm>>
      %dma_wait3A_169 = arith.constant 0 : i32
      %dma_wait3A_170 = tpu.memref_slice %arg3[%dma_wait3A_169] : memref<3211264xi32, #tpu.memory_space<hbm>> -> memref<128xi32, #tpu.memory_space<hbm>>
      tpu.wait_dma2 semaphore(%arg32 : memref<!tpu.dma_semaphore, #tpu.memory_space<semaphore_mem>>) src(%dma_wait3A_170 : memref<128xi32, #tpu.memory_space<hbm>>) dst(%arg7 : memref<128xi32, #tpu.memory_space<vmem>>)
      %dma_wait3A_171 = arith.constant 0 : i32
      %dma_wait3A_172 = tpu.memref_slice %arg4[%dma_wait3A_171] : memref<3211264xi32, #tpu.memory_space<hbm>> -> memref<128xi32, #tpu.memory_space<hbm>>
      %dma_wait3A_173 = arith.constant 0 : i32
      %dma_wait3A_174 = tpu.memref_slice %arg4[%dma_wait3A_173] : memref<3211264xi32, #tpu.memory_space<hbm>> -> memref<128xi32, #tpu.memory_space<hbm>>
      tpu.wait_dma2 semaphore(%arg32 : memref<!tpu.dma_semaphore, #tpu.memory_space<semaphore_mem>>) src(%dma_wait3A_174 : memref<128xi32, #tpu.memory_space<hbm>>) dst(%arg15 : memref<128xi32, #tpu.memory_space<vmem>>)
      %dma_start3A_175 = arith.constant 0 : i32
      %dma_start3A_176 = arith.constant 0 : i32
      %dma_start3A_177 = tpu.memref_slice %arg2[%dma_start3A_175, %dma_start3A_176] : memref<100352x16xf32, #tpu.memory_space<hbm>> -> memref<100352x16xf32, #tpu.memory_space<hbm>>
      tpu.enqueue_indirect_dma source(%dma_start3A_177 : memref<100352x16xf32, #tpu.memory_space<hbm>>) target(%arg23 : memref<128x16xf32, #tpu.memory_space<vmem>>) offsets(%arg7 : memref<128xi32, #tpu.memory_space<vmem>>) semaphore(%arg40 : memref<!tpu.dma_semaphore, #tpu.memory_space<semaphore_mem>>)
      %ge3A_178 = arith.constant 1 : i32
      %ge3A_179 = arith.cmpi sge, %scan3A_92, %ge3A_178 : i32
      %convert_element_type3A_180 = arith.extui %ge3A_179 : i1 to i32
      %cond3A_181 = arith.constant 0 : i32
      %cond3A_182 = arith.cmpi ne, %convert_element_type3A_180, %cond3A_181 : i32
      scf.if %cond3A_182 {
        %dma_wait3A_361 = arith.constant 0 : i32
        %dma_wait3A_362 = arith.constant 0 : i32
        %dma_wait3A_363 = tpu.memref_slice %arg2[%dma_wait3A_361, %dma_wait3A_362] : memref<100352x16xf32, #tpu.memory_space<hbm>> -> memref<100352x16xf32, #tpu.memory_space<hbm>>
        tpu.wait_indirect_dma semaphore(%arg45 : memref<!tpu.dma_semaphore, #tpu.memory_space<semaphore_mem>>) src(%dma_wait3A_363 : memref<100352x16xf32, #tpu.memory_space<hbm>>) dst(%arg28 : memref<128x16xf32, #tpu.memory_space<vmem>>)
        %dma_start3A_364 = arith.constant 0 : i32
        %dma_start3A_365 = arith.constant 0 : i32
        %dma_start3A_366 = tpu.memref_slice %arg31[%dma_start3A_364, %dma_start3A_365] : memref<100352x16xf32, #tpu.memory_space<vmem_shared>> -> memref<100352x16xf32, #tpu.memory_space<vmem_shared>>
        tpu.enqueue_indirect_dma source(%arg28 : memref<128x16xf32, #tpu.memory_space<vmem>>) target(%dma_start3A_366 : memref<100352x16xf32, #tpu.memory_space<vmem_shared>>) offsets(%arg20 : memref<128xi32, #tpu.memory_space<vmem>>) semaphore(%arg53 : memref<!tpu.dma_semaphore, #tpu.memory_space<semaphore_mem>>) {add = true}
      } else {
      }
      %ge3A_183 = arith.constant 1 : i32
      %ge3A_184 = arith.cmpi sge, %scan3A_92, %ge3A_183 : i32
      %convert_element_type3A_185 = arith.extui %ge3A_184 : i1 to i32
      %cond3A_186 = arith.constant 0 : i32
      %cond3A_187 = arith.cmpi ne, %convert_element_type3A_185, %cond3A_186 : i32
      scf.if %cond3A_187 {
        %dma_wait3A_361 = arith.constant 0 : i32
        %dma_wait3A_362 = arith.constant 0 : i32
        %dma_wait3A_363 = tpu.memref_slice %arg31[%dma_wait3A_361, %dma_wait3A_362] : memref<100352x16xf32, #tpu.memory_space<vmem_shared>> -> memref<100352x16xf32, #tpu.memory_space<vmem_shared>>
        tpu.wait_indirect_dma semaphore(%arg51 : memref<!tpu.dma_semaphore, #tpu.memory_space<semaphore_mem>>) src(%arg26 : memref<128x16xf32, #tpu.memory_space<vmem>>) dst(%dma_wait3A_363 : memref<100352x16xf32, #tpu.memory_space<vmem_shared>>)
      } else {
      }
      %mul3A_188 = arith.constant 8 : i32
      %mul3A_189 = arith.muli %mul3A_188, %scan3A_92 : i32
      %add3A_190 = arith.constant 3 : i32
      %add3A_191 = arith.addi %mul3A_189, %add3A_190 : i32
      %mul3A_192 = arith.constant 128 : i32
      %mul3A_193 = arith.muli %add3A_191, %mul3A_192 : i32
      %add3A_194 = arith.addi %mul3A_4, %mul3A_193 : i32
      %dma_start3A_195 = tpu.memref_slice %arg3[%add3A_194] : memref<3211264xi32, #tpu.memory_space<hbm>> -> memref<128xi32, #tpu.memory_space<hbm>>
      %dma_start3A_196 = tpu.memref_slice %arg3[%add3A_194] : memref<3211264xi32, #tpu.memory_space<hbm>> -> memref<128xi32, #tpu.memory_space<hbm>>
      tpu.enqueue_dma source(%dma_start3A_196 : memref<128xi32, #tpu.memory_space<hbm>>) target(%arg10 : memref<128xi32, #tpu.memory_space<vmem>>) target_semaphore(%arg35 : memref<!tpu.dma_semaphore, #tpu.memory_space<semaphore_mem>>)
      %mul3A_197 = arith.constant 128 : i32
      %mul3A_198 = arith.muli %add3A_191, %mul3A_197 : i32
      %add3A_199 = arith.addi %mul3A_4, %mul3A_198 : i32
      %dma_start3A_200 = tpu.memref_slice %arg4[%add3A_199] : memref<3211264xi32, #tpu.memory_space<hbm>> -> memref<128xi32, #tpu.memory_space<hbm>>
      %dma_start3A_201 = tpu.memref_slice %arg4[%add3A_199] : memref<3211264xi32, #tpu.memory_space<hbm>> -> memref<128xi32, #tpu.memory_space<hbm>>
      tpu.enqueue_dma source(%dma_start3A_201 : memref<128xi32, #tpu.memory_space<hbm>>) target(%arg18 : memref<128xi32, #tpu.memory_space<vmem>>) target_semaphore(%arg35 : memref<!tpu.dma_semaphore, #tpu.memory_space<semaphore_mem>>)
      %dma_wait3A_202 = arith.constant 0 : i32
      %dma_wait3A_203 = tpu.memref_slice %arg3[%dma_wait3A_202] : memref<3211264xi32, #tpu.memory_space<hbm>> -> memref<128xi32, #tpu.memory_space<hbm>>
      %dma_wait3A_204 = arith.constant 0 : i32
      %dma_wait3A_205 = tpu.memref_slice %arg3[%dma_wait3A_204] : memref<3211264xi32, #tpu.memory_space<hbm>> -> memref<128xi32, #tpu.memory_space<hbm>>
      tpu.wait_dma2 semaphore(%arg33 : memref<!tpu.dma_semaphore, #tpu.memory_space<semaphore_mem>>) src(%dma_wait3A_205 : memref<128xi32, #tpu.memory_space<hbm>>) dst(%arg8 : memref<128xi32, #tpu.memory_space<vmem>>)
      %dma_wait3A_206 = arith.constant 0 : i32
      %dma_wait3A_207 = tpu.memref_slice %arg4[%dma_wait3A_206] : memref<3211264xi32, #tpu.memory_space<hbm>> -> memref<128xi32, #tpu.memory_space<hbm>>
      %dma_wait3A_208 = arith.constant 0 : i32
      %dma_wait3A_209 = tpu.memref_slice %arg4[%dma_wait3A_208] : memref<3211264xi32, #tpu.memory_space<hbm>> -> memref<128xi32, #tpu.memory_space<hbm>>
      tpu.wait_dma2 semaphore(%arg33 : memref<!tpu.dma_semaphore, #tpu.memory_space<semaphore_mem>>) src(%dma_wait3A_209 : memref<128xi32, #tpu.memory_space<hbm>>) dst(%arg16 : memref<128xi32, #tpu.memory_space<vmem>>)
      %dma_start3A_210 = arith.constant 0 : i32
      %dma_start3A_211 = arith.constant 0 : i32
      %dma_start3A_212 = tpu.memref_slice %arg2[%dma_start3A_210, %dma_start3A_211] : memref<100352x16xf32, #tpu.memory_space<hbm>> -> memref<100352x16xf32, #tpu.memory_space<hbm>>
      tpu.enqueue_indirect_dma source(%dma_start3A_212 : memref<100352x16xf32, #tpu.memory_space<hbm>>) target(%arg24 : memref<128x16xf32, #tpu.memory_space<vmem>>) offsets(%arg8 : memref<128xi32, #tpu.memory_space<vmem>>) semaphore(%arg41 : memref<!tpu.dma_semaphore, #tpu.memory_space<semaphore_mem>>)
      %ge3A_213 = arith.constant 1 : i32
      %ge3A_214 = arith.cmpi sge, %scan3A_92, %ge3A_213 : i32
      %convert_element_type3A_215 = arith.extui %ge3A_214 : i1 to i32
      %cond3A_216 = arith.constant 0 : i32
      %cond3A_217 = arith.cmpi ne, %convert_element_type3A_215, %cond3A_216 : i32
      scf.if %cond3A_217 {
        %dma_wait3A_361 = arith.constant 0 : i32
        %dma_wait3A_362 = arith.constant 0 : i32
        %dma_wait3A_363 = tpu.memref_slice %arg2[%dma_wait3A_361, %dma_wait3A_362] : memref<100352x16xf32, #tpu.memory_space<hbm>> -> memref<100352x16xf32, #tpu.memory_space<hbm>>
        tpu.wait_indirect_dma semaphore(%arg46 : memref<!tpu.dma_semaphore, #tpu.memory_space<semaphore_mem>>) src(%dma_wait3A_363 : memref<100352x16xf32, #tpu.memory_space<hbm>>) dst(%arg29 : memref<128x16xf32, #tpu.memory_space<vmem>>)
        %dma_start3A_364 = arith.constant 0 : i32
        %dma_start3A_365 = arith.constant 0 : i32
        %dma_start3A_366 = tpu.memref_slice %arg31[%dma_start3A_364, %dma_start3A_365] : memref<100352x16xf32, #tpu.memory_space<vmem_shared>> -> memref<100352x16xf32, #tpu.memory_space<vmem_shared>>
        tpu.enqueue_indirect_dma source(%arg29 : memref<128x16xf32, #tpu.memory_space<vmem>>) target(%dma_start3A_366 : memref<100352x16xf32, #tpu.memory_space<vmem_shared>>) offsets(%arg21 : memref<128xi32, #tpu.memory_space<vmem>>) semaphore(%arg54 : memref<!tpu.dma_semaphore, #tpu.memory_space<semaphore_mem>>) {add = true}
      } else {
      }
      %ge3A_218 = arith.constant 1 : i32
      %ge3A_219 = arith.cmpi sge, %scan3A_92, %ge3A_218 : i32
      %convert_element_type3A_220 = arith.extui %ge3A_219 : i1 to i32
      %cond3A_221 = arith.constant 0 : i32
      %cond3A_222 = arith.cmpi ne, %convert_element_type3A_220, %cond3A_221 : i32
      scf.if %cond3A_222 {
        %dma_wait3A_361 = arith.constant 0 : i32
        %dma_wait3A_362 = arith.constant 0 : i32
        %dma_wait3A_363 = tpu.memref_slice %arg31[%dma_wait3A_361, %dma_wait3A_362] : memref<100352x16xf32, #tpu.memory_space<vmem_shared>> -> memref<100352x16xf32, #tpu.memory_space<vmem_shared>>
        tpu.wait_indirect_dma semaphore(%arg52 : memref<!tpu.dma_semaphore, #tpu.memory_space<semaphore_mem>>) src(%arg27 : memref<128x16xf32, #tpu.memory_space<vmem>>) dst(%dma_wait3A_363 : memref<100352x16xf32, #tpu.memory_space<vmem_shared>>)
      } else {
      }
      %mul3A_223 = arith.constant 8 : i32
      %mul3A_224 = arith.muli %mul3A_223, %scan3A_92 : i32
      %add3A_225 = arith.constant 4 : i32
      %add3A_226 = arith.addi %mul3A_224, %add3A_225 : i32
      %mul3A_227 = arith.constant 128 : i32
      %mul3A_228 = arith.muli %add3A_226, %mul3A_227 : i32
      %add3A_229 = arith.addi %mul3A_4, %mul3A_228 : i32
      %dma_start3A_230 = tpu.memref_slice %arg3[%add3A_229] : memref<3211264xi32, #tpu.memory_space<hbm>> -> memref<128xi32, #tpu.memory_space<hbm>>
      %dma_start3A_231 = tpu.memref_slice %arg3[%add3A_229] : memref<3211264xi32, #tpu.memory_space<hbm>> -> memref<128xi32, #tpu.memory_space<hbm>>
      tpu.enqueue_dma source(%dma_start3A_231 : memref<128xi32, #tpu.memory_space<hbm>>) target(%arg11 : memref<128xi32, #tpu.memory_space<vmem>>) target_semaphore(%arg36 : memref<!tpu.dma_semaphore, #tpu.memory_space<semaphore_mem>>)
      %mul3A_232 = arith.constant 128 : i32
      %mul3A_233 = arith.muli %add3A_226, %mul3A_232 : i32
      %add3A_234 = arith.addi %mul3A_4, %mul3A_233 : i32
      %dma_start3A_235 = tpu.memref_slice %arg4[%add3A_234] : memref<3211264xi32, #tpu.memory_space<hbm>> -> memref<128xi32, #tpu.memory_space<hbm>>
      %dma_start3A_236 = tpu.memref_slice %arg4[%add3A_234] : memref<3211264xi32, #tpu.memory_space<hbm>> -> memref<128xi32, #tpu.memory_space<hbm>>
      tpu.enqueue_dma source(%dma_start3A_236 : memref<128xi32, #tpu.memory_space<hbm>>) target(%arg19 : memref<128xi32, #tpu.memory_space<vmem>>) target_semaphore(%arg36 : memref<!tpu.dma_semaphore, #tpu.memory_space<semaphore_mem>>)
      %dma_wait3A_237 = arith.constant 0 : i32
      %dma_wait3A_238 = tpu.memref_slice %arg3[%dma_wait3A_237] : memref<3211264xi32, #tpu.memory_space<hbm>> -> memref<128xi32, #tpu.memory_space<hbm>>
      %dma_wait3A_239 = arith.constant 0 : i32
      %dma_wait3A_240 = tpu.memref_slice %arg3[%dma_wait3A_239] : memref<3211264xi32, #tpu.memory_space<hbm>> -> memref<128xi32, #tpu.memory_space<hbm>>
      tpu.wait_dma2 semaphore(%arg34 : memref<!tpu.dma_semaphore, #tpu.memory_space<semaphore_mem>>) src(%dma_wait3A_240 : memref<128xi32, #tpu.memory_space<hbm>>) dst(%arg9 : memref<128xi32, #tpu.memory_space<vmem>>)
      %dma_wait3A_241 = arith.constant 0 : i32
      %dma_wait3A_242 = tpu.memref_slice %arg4[%dma_wait3A_241] : memref<3211264xi32, #tpu.memory_space<hbm>> -> memref<128xi32, #tpu.memory_space<hbm>>
      %dma_wait3A_243 = arith.constant 0 : i32
      %dma_wait3A_244 = tpu.memref_slice %arg4[%dma_wait3A_243] : memref<3211264xi32, #tpu.memory_space<hbm>> -> memref<128xi32, #tpu.memory_space<hbm>>
      tpu.wait_dma2 semaphore(%arg34 : memref<!tpu.dma_semaphore, #tpu.memory_space<semaphore_mem>>) src(%dma_wait3A_244 : memref<128xi32, #tpu.memory_space<hbm>>) dst(%arg17 : memref<128xi32, #tpu.memory_space<vmem>>)
      %dma_start3A_245 = arith.constant 0 : i32
      %dma_start3A_246 = arith.constant 0 : i32
      %dma_start3A_247 = tpu.memref_slice %arg2[%dma_start3A_245, %dma_start3A_246] : memref<100352x16xf32, #tpu.memory_space<hbm>> -> memref<100352x16xf32, #tpu.memory_space<hbm>>
      tpu.enqueue_indirect_dma source(%dma_start3A_247 : memref<100352x16xf32, #tpu.memory_space<hbm>>) target(%arg25 : memref<128x16xf32, #tpu.memory_space<vmem>>) offsets(%arg9 : memref<128xi32, #tpu.memory_space<vmem>>) semaphore(%arg42 : memref<!tpu.dma_semaphore, #tpu.memory_space<semaphore_mem>>)
      %ge3A_248 = arith.constant 1 : i32
      %ge3A_249 = arith.cmpi sge, %scan3A_92, %ge3A_248 : i32
      %convert_element_type3A_250 = arith.extui %ge3A_249 : i1 to i32
      %cond3A_251 = arith.constant 0 : i32
      %cond3A_252 = arith.cmpi ne, %convert_element_type3A_250, %cond3A_251 : i32
      scf.if %cond3A_252 {
        %dma_wait3A_361 = arith.constant 0 : i32
        %dma_wait3A_362 = arith.constant 0 : i32
        %dma_wait3A_363 = tpu.memref_slice %arg2[%dma_wait3A_361, %dma_wait3A_362] : memref<100352x16xf32, #tpu.memory_space<hbm>> -> memref<100352x16xf32, #tpu.memory_space<hbm>>
        tpu.wait_indirect_dma semaphore(%arg47 : memref<!tpu.dma_semaphore, #tpu.memory_space<semaphore_mem>>) src(%dma_wait3A_363 : memref<100352x16xf32, #tpu.memory_space<hbm>>) dst(%arg30 : memref<128x16xf32, #tpu.memory_space<vmem>>)
        %dma_start3A_364 = arith.constant 0 : i32
        %dma_start3A_365 = arith.constant 0 : i32
        %dma_start3A_366 = tpu.memref_slice %arg31[%dma_start3A_364, %dma_start3A_365] : memref<100352x16xf32, #tpu.memory_space<vmem_shared>> -> memref<100352x16xf32, #tpu.memory_space<vmem_shared>>
        tpu.enqueue_indirect_dma source(%arg30 : memref<128x16xf32, #tpu.memory_space<vmem>>) target(%dma_start3A_366 : memref<100352x16xf32, #tpu.memory_space<vmem_shared>>) offsets(%arg22 : memref<128xi32, #tpu.memory_space<vmem>>) semaphore(%arg55 : memref<!tpu.dma_semaphore, #tpu.memory_space<semaphore_mem>>) {add = true}
      } else {
      }
      %ge3A_253 = arith.constant 1 : i32
      %ge3A_254 = arith.cmpi sge, %scan3A_92, %ge3A_253 : i32
      %convert_element_type3A_255 = arith.extui %ge3A_254 : i1 to i32
      %cond3A_256 = arith.constant 0 : i32
      %cond3A_257 = arith.cmpi ne, %convert_element_type3A_255, %cond3A_256 : i32
      scf.if %cond3A_257 {
        %dma_wait3A_361 = arith.constant 0 : i32
        %dma_wait3A_362 = arith.constant 0 : i32
        %dma_wait3A_363 = tpu.memref_slice %arg31[%dma_wait3A_361, %dma_wait3A_362] : memref<100352x16xf32, #tpu.memory_space<vmem_shared>> -> memref<100352x16xf32, #tpu.memory_space<vmem_shared>>
        tpu.wait_indirect_dma semaphore(%arg53 : memref<!tpu.dma_semaphore, #tpu.memory_space<semaphore_mem>>) src(%arg28 : memref<128x16xf32, #tpu.memory_space<vmem>>) dst(%dma_wait3A_363 : memref<100352x16xf32, #tpu.memory_space<vmem_shared>>)
      } else {
      }
      %mul3A_258 = arith.constant 8 : i32
      %mul3A_259 = arith.muli %mul3A_258, %scan3A_92 : i32
      %add3A_260 = arith.constant 5 : i32
      %add3A_261 = arith.addi %mul3A_259, %add3A_260 : i32
      %mul3A_262 = arith.constant 128 : i32
      %mul3A_263 = arith.muli %add3A_261, %mul3A_262 : i32
      %add3A_264 = arith.addi %mul3A_4, %mul3A_263 : i32
      %dma_start3A_265 = tpu.memref_slice %arg3[%add3A_264] : memref<3211264xi32, #tpu.memory_space<hbm>> -> memref<128xi32, #tpu.memory_space<hbm>>
      %dma_start3A_266 = tpu.memref_slice %arg3[%add3A_264] : memref<3211264xi32, #tpu.memory_space<hbm>> -> memref<128xi32, #tpu.memory_space<hbm>>
      tpu.enqueue_dma source(%dma_start3A_266 : memref<128xi32, #tpu.memory_space<hbm>>) target(%arg12 : memref<128xi32, #tpu.memory_space<vmem>>) target_semaphore(%arg37 : memref<!tpu.dma_semaphore, #tpu.memory_space<semaphore_mem>>)
      %mul3A_267 = arith.constant 128 : i32
      %mul3A_268 = arith.muli %add3A_261, %mul3A_267 : i32
      %add3A_269 = arith.addi %mul3A_4, %mul3A_268 : i32
      %dma_start3A_270 = tpu.memref_slice %arg4[%add3A_269] : memref<3211264xi32, #tpu.memory_space<hbm>> -> memref<128xi32, #tpu.memory_space<hbm>>
      %dma_start3A_271 = tpu.memref_slice %arg4[%add3A_269] : memref<3211264xi32, #tpu.memory_space<hbm>> -> memref<128xi32, #tpu.memory_space<hbm>>
      tpu.enqueue_dma source(%dma_start3A_271 : memref<128xi32, #tpu.memory_space<hbm>>) target(%arg20 : memref<128xi32, #tpu.memory_space<vmem>>) target_semaphore(%arg37 : memref<!tpu.dma_semaphore, #tpu.memory_space<semaphore_mem>>)
      %dma_wait3A_272 = arith.constant 0 : i32
      %dma_wait3A_273 = tpu.memref_slice %arg3[%dma_wait3A_272] : memref<3211264xi32, #tpu.memory_space<hbm>> -> memref<128xi32, #tpu.memory_space<hbm>>
      %dma_wait3A_274 = arith.constant 0 : i32
      %dma_wait3A_275 = tpu.memref_slice %arg3[%dma_wait3A_274] : memref<3211264xi32, #tpu.memory_space<hbm>> -> memref<128xi32, #tpu.memory_space<hbm>>
      tpu.wait_dma2 semaphore(%arg35 : memref<!tpu.dma_semaphore, #tpu.memory_space<semaphore_mem>>) src(%dma_wait3A_275 : memref<128xi32, #tpu.memory_space<hbm>>) dst(%arg10 : memref<128xi32, #tpu.memory_space<vmem>>)
      %dma_wait3A_276 = arith.constant 0 : i32
      %dma_wait3A_277 = tpu.memref_slice %arg4[%dma_wait3A_276] : memref<3211264xi32, #tpu.memory_space<hbm>> -> memref<128xi32, #tpu.memory_space<hbm>>
      %dma_wait3A_278 = arith.constant 0 : i32
      %dma_wait3A_279 = tpu.memref_slice %arg4[%dma_wait3A_278] : memref<3211264xi32, #tpu.memory_space<hbm>> -> memref<128xi32, #tpu.memory_space<hbm>>
      tpu.wait_dma2 semaphore(%arg35 : memref<!tpu.dma_semaphore, #tpu.memory_space<semaphore_mem>>) src(%dma_wait3A_279 : memref<128xi32, #tpu.memory_space<hbm>>) dst(%arg18 : memref<128xi32, #tpu.memory_space<vmem>>)
      %dma_start3A_280 = arith.constant 0 : i32
      %dma_start3A_281 = arith.constant 0 : i32
      %dma_start3A_282 = tpu.memref_slice %arg2[%dma_start3A_280, %dma_start3A_281] : memref<100352x16xf32, #tpu.memory_space<hbm>> -> memref<100352x16xf32, #tpu.memory_space<hbm>>
      tpu.enqueue_indirect_dma source(%dma_start3A_282 : memref<100352x16xf32, #tpu.memory_space<hbm>>) target(%arg26 : memref<128x16xf32, #tpu.memory_space<vmem>>) offsets(%arg10 : memref<128xi32, #tpu.memory_space<vmem>>) semaphore(%arg43 : memref<!tpu.dma_semaphore, #tpu.memory_space<semaphore_mem>>)
      %dma_wait3A_283 = arith.constant 0 : i32
      %dma_wait3A_284 = arith.constant 0 : i32
      %dma_wait3A_285 = tpu.memref_slice %arg2[%dma_wait3A_283, %dma_wait3A_284] : memref<100352x16xf32, #tpu.memory_space<hbm>> -> memref<100352x16xf32, #tpu.memory_space<hbm>>
      tpu.wait_indirect_dma semaphore(%arg40 : memref<!tpu.dma_semaphore, #tpu.memory_space<semaphore_mem>>) src(%dma_wait3A_285 : memref<100352x16xf32, #tpu.memory_space<hbm>>) dst(%arg23 : memref<128x16xf32, #tpu.memory_space<vmem>>)
      %dma_start3A_286 = arith.constant 0 : i32
      %dma_start3A_287 = arith.constant 0 : i32
      %dma_start3A_288 = tpu.memref_slice %arg31[%dma_start3A_286, %dma_start3A_287] : memref<100352x16xf32, #tpu.memory_space<vmem_shared>> -> memref<100352x16xf32, #tpu.memory_space<vmem_shared>>
      tpu.enqueue_indirect_dma source(%arg23 : memref<128x16xf32, #tpu.memory_space<vmem>>) target(%dma_start3A_288 : memref<100352x16xf32, #tpu.memory_space<vmem_shared>>) offsets(%arg15 : memref<128xi32, #tpu.memory_space<vmem>>) semaphore(%arg48 : memref<!tpu.dma_semaphore, #tpu.memory_space<semaphore_mem>>) {add = true}
      %ge3A_289 = arith.constant 1 : i32
      %ge3A_290 = arith.cmpi sge, %scan3A_92, %ge3A_289 : i32
      %convert_element_type3A_291 = arith.extui %ge3A_290 : i1 to i32
      %cond3A_292 = arith.constant 0 : i32
      %cond3A_293 = arith.cmpi ne, %convert_element_type3A_291, %cond3A_292 : i32
      scf.if %cond3A_293 {
        %dma_wait3A_361 = arith.constant 0 : i32
        %dma_wait3A_362 = arith.constant 0 : i32
        %dma_wait3A_363 = tpu.memref_slice %arg31[%dma_wait3A_361, %dma_wait3A_362] : memref<100352x16xf32, #tpu.memory_space<vmem_shared>> -> memref<100352x16xf32, #tpu.memory_space<vmem_shared>>
        tpu.wait_indirect_dma semaphore(%arg54 : memref<!tpu.dma_semaphore, #tpu.memory_space<semaphore_mem>>) src(%arg29 : memref<128x16xf32, #tpu.memory_space<vmem>>) dst(%dma_wait3A_363 : memref<100352x16xf32, #tpu.memory_space<vmem_shared>>)
      } else {
      }
      %mul3A_294 = arith.constant 8 : i32
      %mul3A_295 = arith.muli %mul3A_294, %scan3A_92 : i32
      %add3A_296 = arith.constant 6 : i32
      %add3A_297 = arith.addi %mul3A_295, %add3A_296 : i32
      %mul3A_298 = arith.constant 128 : i32
      %mul3A_299 = arith.muli %add3A_297, %mul3A_298 : i32
      %add3A_300 = arith.addi %mul3A_4, %mul3A_299 : i32
      %dma_start3A_301 = tpu.memref_slice %arg3[%add3A_300] : memref<3211264xi32, #tpu.memory_space<hbm>> -> memref<128xi32, #tpu.memory_space<hbm>>
      %dma_start3A_302 = tpu.memref_slice %arg3[%add3A_300] : memref<3211264xi32, #tpu.memory_space<hbm>> -> memref<128xi32, #tpu.memory_space<hbm>>
      tpu.enqueue_dma source(%dma_start3A_302 : memref<128xi32, #tpu.memory_space<hbm>>) target(%arg13 : memref<128xi32, #tpu.memory_space<vmem>>) target_semaphore(%arg38 : memref<!tpu.dma_semaphore, #tpu.memory_space<semaphore_mem>>)
      %mul3A_303 = arith.constant 128 : i32
      %mul3A_304 = arith.muli %add3A_297, %mul3A_303 : i32
      %add3A_305 = arith.addi %mul3A_4, %mul3A_304 : i32
      %dma_start3A_306 = tpu.memref_slice %arg4[%add3A_305] : memref<3211264xi32, #tpu.memory_space<hbm>> -> memref<128xi32, #tpu.memory_space<hbm>>
      %dma_start3A_307 = tpu.memref_slice %arg4[%add3A_305] : memref<3211264xi32, #tpu.memory_space<hbm>> -> memref<128xi32, #tpu.memory_space<hbm>>
      tpu.enqueue_dma source(%dma_start3A_307 : memref<128xi32, #tpu.memory_space<hbm>>) target(%arg21 : memref<128xi32, #tpu.memory_space<vmem>>) target_semaphore(%arg38 : memref<!tpu.dma_semaphore, #tpu.memory_space<semaphore_mem>>)
      %dma_wait3A_308 = arith.constant 0 : i32
      %dma_wait3A_309 = tpu.memref_slice %arg3[%dma_wait3A_308] : memref<3211264xi32, #tpu.memory_space<hbm>> -> memref<128xi32, #tpu.memory_space<hbm>>
      %dma_wait3A_310 = arith.constant 0 : i32
      %dma_wait3A_311 = tpu.memref_slice %arg3[%dma_wait3A_310] : memref<3211264xi32, #tpu.memory_space<hbm>> -> memref<128xi32, #tpu.memory_space<hbm>>
      tpu.wait_dma2 semaphore(%arg36 : memref<!tpu.dma_semaphore, #tpu.memory_space<semaphore_mem>>) src(%dma_wait3A_311 : memref<128xi32, #tpu.memory_space<hbm>>) dst(%arg11 : memref<128xi32, #tpu.memory_space<vmem>>)
      %dma_wait3A_312 = arith.constant 0 : i32
      %dma_wait3A_313 = tpu.memref_slice %arg4[%dma_wait3A_312] : memref<3211264xi32, #tpu.memory_space<hbm>> -> memref<128xi32, #tpu.memory_space<hbm>>
      %dma_wait3A_314 = arith.constant 0 : i32
      %dma_wait3A_315 = tpu.memref_slice %arg4[%dma_wait3A_314] : memref<3211264xi32, #tpu.memory_space<hbm>> -> memref<128xi32, #tpu.memory_space<hbm>>
      tpu.wait_dma2 semaphore(%arg36 : memref<!tpu.dma_semaphore, #tpu.memory_space<semaphore_mem>>) src(%dma_wait3A_315 : memref<128xi32, #tpu.memory_space<hbm>>) dst(%arg19 : memref<128xi32, #tpu.memory_space<vmem>>)
      %dma_start3A_316 = arith.constant 0 : i32
      %dma_start3A_317 = arith.constant 0 : i32
      %dma_start3A_318 = tpu.memref_slice %arg2[%dma_start3A_316, %dma_start3A_317] : memref<100352x16xf32, #tpu.memory_space<hbm>> -> memref<100352x16xf32, #tpu.memory_space<hbm>>
      tpu.enqueue_indirect_dma source(%dma_start3A_318 : memref<100352x16xf32, #tpu.memory_space<hbm>>) target(%arg27 : memref<128x16xf32, #tpu.memory_space<vmem>>) offsets(%arg11 : memref<128xi32, #tpu.memory_space<vmem>>) semaphore(%arg44 : memref<!tpu.dma_semaphore, #tpu.memory_space<semaphore_mem>>)
      %dma_wait3A_319 = arith.constant 0 : i32
      %dma_wait3A_320 = arith.constant 0 : i32
      %dma_wait3A_321 = tpu.memref_slice %arg2[%dma_wait3A_319, %dma_wait3A_320] : memref<100352x16xf32, #tpu.memory_space<hbm>> -> memref<100352x16xf32, #tpu.memory_space<hbm>>
      tpu.wait_indirect_dma semaphore(%arg41 : memref<!tpu.dma_semaphore, #tpu.memory_space<semaphore_mem>>) src(%dma_wait3A_321 : memref<100352x16xf32, #tpu.memory_space<hbm>>) dst(%arg24 : memref<128x16xf32, #tpu.memory_space<vmem>>)
      %dma_start3A_322 = arith.constant 0 : i32
      %dma_start3A_323 = arith.constant 0 : i32
      %dma_start3A_324 = tpu.memref_slice %arg31[%dma_start3A_322, %dma_start3A_323] : memref<100352x16xf32, #tpu.memory_space<vmem_shared>> -> memref<100352x16xf32, #tpu.memory_space<vmem_shared>>
      tpu.enqueue_indirect_dma source(%arg24 : memref<128x16xf32, #tpu.memory_space<vmem>>) target(%dma_start3A_324 : memref<100352x16xf32, #tpu.memory_space<vmem_shared>>) offsets(%arg16 : memref<128xi32, #tpu.memory_space<vmem>>) semaphore(%arg49 : memref<!tpu.dma_semaphore, #tpu.memory_space<semaphore_mem>>) {add = true}
      %ge3A_325 = arith.constant 1 : i32
      %ge3A_326 = arith.cmpi sge, %scan3A_92, %ge3A_325 : i32
      %convert_element_type3A_327 = arith.extui %ge3A_326 : i1 to i32
      %cond3A_328 = arith.constant 0 : i32
      %cond3A_329 = arith.cmpi ne, %convert_element_type3A_327, %cond3A_328 : i32
      scf.if %cond3A_329 {
        %dma_wait3A_361 = arith.constant 0 : i32
        %dma_wait3A_362 = arith.constant 0 : i32
        %dma_wait3A_363 = tpu.memref_slice %arg31[%dma_wait3A_361, %dma_wait3A_362] : memref<100352x16xf32, #tpu.memory_space<vmem_shared>> -> memref<100352x16xf32, #tpu.memory_space<vmem_shared>>
        tpu.wait_indirect_dma semaphore(%arg55 : memref<!tpu.dma_semaphore, #tpu.memory_space<semaphore_mem>>) src(%arg30 : memref<128x16xf32, #tpu.memory_space<vmem>>) dst(%dma_wait3A_363 : memref<100352x16xf32, #tpu.memory_space<vmem_shared>>)
      } else {
      }
      %mul3A_330 = arith.constant 8 : i32
      %mul3A_331 = arith.muli %mul3A_330, %scan3A_92 : i32
      %add3A_332 = arith.constant 7 : i32
      %add3A_333 = arith.addi %mul3A_331, %add3A_332 : i32
      %mul3A_334 = arith.constant 128 : i32
      %mul3A_335 = arith.muli %add3A_333, %mul3A_334 : i32
      %add3A_336 = arith.addi %mul3A_4, %mul3A_335 : i32
      %dma_start3A_337 = tpu.memref_slice %arg3[%add3A_336] : memref<3211264xi32, #tpu.memory_space<hbm>> -> memref<128xi32, #tpu.memory_space<hbm>>
      %dma_start3A_338 = tpu.memref_slice %arg3[%add3A_336] : memref<3211264xi32, #tpu.memory_space<hbm>> -> memref<128xi32, #tpu.memory_space<hbm>>
      tpu.enqueue_dma source(%dma_start3A_338 : memref<128xi32, #tpu.memory_space<hbm>>) target(%arg14 : memref<128xi32, #tpu.memory_space<vmem>>) target_semaphore(%arg39 : memref<!tpu.dma_semaphore, #tpu.memory_space<semaphore_mem>>)
      %mul3A_339 = arith.constant 128 : i32
      %mul3A_340 = arith.muli %add3A_333, %mul3A_339 : i32
      %add3A_341 = arith.addi %mul3A_4, %mul3A_340 : i32
      %dma_start3A_342 = tpu.memref_slice %arg4[%add3A_341] : memref<3211264xi32, #tpu.memory_space<hbm>> -> memref<128xi32, #tpu.memory_space<hbm>>
      %dma_start3A_343 = tpu.memref_slice %arg4[%add3A_341] : memref<3211264xi32, #tpu.memory_space<hbm>> -> memref<128xi32, #tpu.memory_space<hbm>>
      tpu.enqueue_dma source(%dma_start3A_343 : memref<128xi32, #tpu.memory_space<hbm>>) target(%arg22 : memref<128xi32, #tpu.memory_space<vmem>>) target_semaphore(%arg39 : memref<!tpu.dma_semaphore, #tpu.memory_space<semaphore_mem>>)
      %dma_wait3A_344 = arith.constant 0 : i32
      %dma_wait3A_345 = tpu.memref_slice %arg3[%dma_wait3A_344] : memref<3211264xi32, #tpu.memory_space<hbm>> -> memref<128xi32, #tpu.memory_space<hbm>>
      %dma_wait3A_346 = arith.constant 0 : i32
      %dma_wait3A_347 = tpu.memref_slice %arg3[%dma_wait3A_346] : memref<3211264xi32, #tpu.memory_space<hbm>> -> memref<128xi32, #tpu.memory_space<hbm>>
      tpu.wait_dma2 semaphore(%arg37 : memref<!tpu.dma_semaphore, #tpu.memory_space<semaphore_mem>>) src(%dma_wait3A_347 : memref<128xi32, #tpu.memory_space<hbm>>) dst(%arg12 : memref<128xi32, #tpu.memory_space<vmem>>)
      %dma_wait3A_348 = arith.constant 0 : i32
      %dma_wait3A_349 = tpu.memref_slice %arg4[%dma_wait3A_348] : memref<3211264xi32, #tpu.memory_space<hbm>> -> memref<128xi32, #tpu.memory_space<hbm>>
      %dma_wait3A_350 = arith.constant 0 : i32
      %dma_wait3A_351 = tpu.memref_slice %arg4[%dma_wait3A_350] : memref<3211264xi32, #tpu.memory_space<hbm>> -> memref<128xi32, #tpu.memory_space<hbm>>
      tpu.wait_dma2 semaphore(%arg37 : memref<!tpu.dma_semaphore, #tpu.memory_space<semaphore_mem>>) src(%dma_wait3A_351 : memref<128xi32, #tpu.memory_space<hbm>>) dst(%arg20 : memref<128xi32, #tpu.memory_space<vmem>>)
      %dma_start3A_352 = arith.constant 0 : i32
      %dma_start3A_353 = arith.constant 0 : i32
      %dma_start3A_354 = tpu.memref_slice %arg2[%dma_start3A_352, %dma_start3A_353] : memref<100352x16xf32, #tpu.memory_space<hbm>> -> memref<100352x16xf32, #tpu.memory_space<hbm>>
      tpu.enqueue_indirect_dma source(%dma_start3A_354 : memref<100352x16xf32, #tpu.memory_space<hbm>>) target(%arg28 : memref<128x16xf32, #tpu.memory_space<vmem>>) offsets(%arg12 : memref<128xi32, #tpu.memory_space<vmem>>) semaphore(%arg45 : memref<!tpu.dma_semaphore, #tpu.memory_space<semaphore_mem>>)
      %dma_wait3A_355 = arith.constant 0 : i32
      %dma_wait3A_356 = arith.constant 0 : i32
      %dma_wait3A_357 = tpu.memref_slice %arg2[%dma_wait3A_355, %dma_wait3A_356] : memref<100352x16xf32, #tpu.memory_space<hbm>> -> memref<100352x16xf32, #tpu.memory_space<hbm>>
      tpu.wait_indirect_dma semaphore(%arg42 : memref<!tpu.dma_semaphore, #tpu.memory_space<semaphore_mem>>) src(%dma_wait3A_357 : memref<100352x16xf32, #tpu.memory_space<hbm>>) dst(%arg25 : memref<128x16xf32, #tpu.memory_space<vmem>>)
      %dma_start3A_358 = arith.constant 0 : i32
      %dma_start3A_359 = arith.constant 0 : i32
      %dma_start3A_360 = tpu.memref_slice %arg31[%dma_start3A_358, %dma_start3A_359] : memref<100352x16xf32, #tpu.memory_space<vmem_shared>> -> memref<100352x16xf32, #tpu.memory_space<vmem_shared>>
      tpu.enqueue_indirect_dma source(%arg25 : memref<128x16xf32, #tpu.memory_space<vmem>>) target(%dma_start3A_360 : memref<100352x16xf32, #tpu.memory_space<vmem_shared>>) offsets(%arg17 : memref<128xi32, #tpu.memory_space<vmem>>) semaphore(%arg50 : memref<!tpu.dma_semaphore, #tpu.memory_space<semaphore_mem>>) {add = true}
    }
    %scan3A_9 = arith.constant 98 : i32
    %dma_wait3A = arith.constant 0 : i32
    %dma_wait3A_10 = tpu.memref_slice %arg3[%dma_wait3A] : memref<3211264xi32, #tpu.memory_space<hbm>> -> memref<128xi32, #tpu.memory_space<hbm>>
    %dma_wait3A_11 = arith.constant 0 : i32
    %dma_wait3A_12 = tpu.memref_slice %arg3[%dma_wait3A_11] : memref<3211264xi32, #tpu.memory_space<hbm>> -> memref<128xi32, #tpu.memory_space<hbm>>
    tpu.wait_dma2 semaphore(%arg38 : memref<!tpu.dma_semaphore, #tpu.memory_space<semaphore_mem>>) src(%dma_wait3A_12 : memref<128xi32, #tpu.memory_space<hbm>>) dst(%arg13 : memref<128xi32, #tpu.memory_space<vmem>>)
    %dma_wait3A_13 = arith.constant 0 : i32
    %dma_wait3A_14 = tpu.memref_slice %arg4[%dma_wait3A_13] : memref<3211264xi32, #tpu.memory_space<hbm>> -> memref<128xi32, #tpu.memory_space<hbm>>
    %dma_wait3A_15 = arith.constant 0 : i32
    %dma_wait3A_16 = tpu.memref_slice %arg4[%dma_wait3A_15] : memref<3211264xi32, #tpu.memory_space<hbm>> -> memref<128xi32, #tpu.memory_space<hbm>>
    tpu.wait_dma2 semaphore(%arg38 : memref<!tpu.dma_semaphore, #tpu.memory_space<semaphore_mem>>) src(%dma_wait3A_16 : memref<128xi32, #tpu.memory_space<hbm>>) dst(%arg21 : memref<128xi32, #tpu.memory_space<vmem>>)
    %dma_start3A = arith.constant 0 : i32
    %dma_start3A_17 = arith.constant 0 : i32
    %dma_start3A_18 = tpu.memref_slice %arg2[%dma_start3A, %dma_start3A_17] : memref<100352x16xf32, #tpu.memory_space<hbm>> -> memref<100352x16xf32, #tpu.memory_space<hbm>>
    tpu.enqueue_indirect_dma source(%dma_start3A_18 : memref<100352x16xf32, #tpu.memory_space<hbm>>) target(%arg29 : memref<128x16xf32, #tpu.memory_space<vmem>>) offsets(%arg13 : memref<128xi32, #tpu.memory_space<vmem>>) semaphore(%arg46 : memref<!tpu.dma_semaphore, #tpu.memory_space<semaphore_mem>>)
    %dma_wait3A_19 = arith.constant 0 : i32
    %dma_wait3A_20 = tpu.memref_slice %arg3[%dma_wait3A_19] : memref<3211264xi32, #tpu.memory_space<hbm>> -> memref<128xi32, #tpu.memory_space<hbm>>
    %dma_wait3A_21 = arith.constant 0 : i32
    %dma_wait3A_22 = tpu.memref_slice %arg3[%dma_wait3A_21] : memref<3211264xi32, #tpu.memory_space<hbm>> -> memref<128xi32, #tpu.memory_space<hbm>>
    tpu.wait_dma2 semaphore(%arg39 : memref<!tpu.dma_semaphore, #tpu.memory_space<semaphore_mem>>) src(%dma_wait3A_22 : memref<128xi32, #tpu.memory_space<hbm>>) dst(%arg14 : memref<128xi32, #tpu.memory_space<vmem>>)
    %dma_wait3A_23 = arith.constant 0 : i32
    %dma_wait3A_24 = tpu.memref_slice %arg4[%dma_wait3A_23] : memref<3211264xi32, #tpu.memory_space<hbm>> -> memref<128xi32, #tpu.memory_space<hbm>>
    %dma_wait3A_25 = arith.constant 0 : i32
    %dma_wait3A_26 = tpu.memref_slice %arg4[%dma_wait3A_25] : memref<3211264xi32, #tpu.memory_space<hbm>> -> memref<128xi32, #tpu.memory_space<hbm>>
    tpu.wait_dma2 semaphore(%arg39 : memref<!tpu.dma_semaphore, #tpu.memory_space<semaphore_mem>>) src(%dma_wait3A_26 : memref<128xi32, #tpu.memory_space<hbm>>) dst(%arg22 : memref<128xi32, #tpu.memory_space<vmem>>)
    %dma_start3A_27 = arith.constant 0 : i32
    %dma_start3A_28 = arith.constant 0 : i32
    %dma_start3A_29 = tpu.memref_slice %arg2[%dma_start3A_27, %dma_start3A_28] : memref<100352x16xf32, #tpu.memory_space<hbm>> -> memref<100352x16xf32, #tpu.memory_space<hbm>>
    tpu.enqueue_indirect_dma source(%dma_start3A_29 : memref<100352x16xf32, #tpu.memory_space<hbm>>) target(%arg30 : memref<128x16xf32, #tpu.memory_space<vmem>>) offsets(%arg14 : memref<128xi32, #tpu.memory_space<vmem>>) semaphore(%arg47 : memref<!tpu.dma_semaphore, #tpu.memory_space<semaphore_mem>>)
    %dma_wait3A_30 = arith.constant 0 : i32
    %dma_wait3A_31 = arith.constant 0 : i32
    %dma_wait3A_32 = tpu.memref_slice %arg2[%dma_wait3A_30, %dma_wait3A_31] : memref<100352x16xf32, #tpu.memory_space<hbm>> -> memref<100352x16xf32, #tpu.memory_space<hbm>>
    tpu.wait_indirect_dma semaphore(%arg43 : memref<!tpu.dma_semaphore, #tpu.memory_space<semaphore_mem>>) src(%dma_wait3A_32 : memref<100352x16xf32, #tpu.memory_space<hbm>>) dst(%arg26 : memref<128x16xf32, #tpu.memory_space<vmem>>)
    %dma_start3A_33 = arith.constant 0 : i32
    %dma_start3A_34 = arith.constant 0 : i32
    %dma_start3A_35 = tpu.memref_slice %arg31[%dma_start3A_33, %dma_start3A_34] : memref<100352x16xf32, #tpu.memory_space<vmem_shared>> -> memref<100352x16xf32, #tpu.memory_space<vmem_shared>>
    tpu.enqueue_indirect_dma source(%arg26 : memref<128x16xf32, #tpu.memory_space<vmem>>) target(%dma_start3A_35 : memref<100352x16xf32, #tpu.memory_space<vmem_shared>>) offsets(%arg18 : memref<128xi32, #tpu.memory_space<vmem>>) semaphore(%arg51 : memref<!tpu.dma_semaphore, #tpu.memory_space<semaphore_mem>>) {add = true}
    %dma_wait3A_36 = arith.constant 0 : i32
    %dma_wait3A_37 = arith.constant 0 : i32
    %dma_wait3A_38 = tpu.memref_slice %arg2[%dma_wait3A_36, %dma_wait3A_37] : memref<100352x16xf32, #tpu.memory_space<hbm>> -> memref<100352x16xf32, #tpu.memory_space<hbm>>
    tpu.wait_indirect_dma semaphore(%arg44 : memref<!tpu.dma_semaphore, #tpu.memory_space<semaphore_mem>>) src(%dma_wait3A_38 : memref<100352x16xf32, #tpu.memory_space<hbm>>) dst(%arg27 : memref<128x16xf32, #tpu.memory_space<vmem>>)
    %dma_start3A_39 = arith.constant 0 : i32
    %dma_start3A_40 = arith.constant 0 : i32
    %dma_start3A_41 = tpu.memref_slice %arg31[%dma_start3A_39, %dma_start3A_40] : memref<100352x16xf32, #tpu.memory_space<vmem_shared>> -> memref<100352x16xf32, #tpu.memory_space<vmem_shared>>
    tpu.enqueue_indirect_dma source(%arg27 : memref<128x16xf32, #tpu.memory_space<vmem>>) target(%dma_start3A_41 : memref<100352x16xf32, #tpu.memory_space<vmem_shared>>) offsets(%arg19 : memref<128xi32, #tpu.memory_space<vmem>>) semaphore(%arg52 : memref<!tpu.dma_semaphore, #tpu.memory_space<semaphore_mem>>) {add = true}
    %dma_wait3A_42 = arith.constant 0 : i32
    %dma_wait3A_43 = arith.constant 0 : i32
    %dma_wait3A_44 = tpu.memref_slice %arg2[%dma_wait3A_42, %dma_wait3A_43] : memref<100352x16xf32, #tpu.memory_space<hbm>> -> memref<100352x16xf32, #tpu.memory_space<hbm>>
    tpu.wait_indirect_dma semaphore(%arg45 : memref<!tpu.dma_semaphore, #tpu.memory_space<semaphore_mem>>) src(%dma_wait3A_44 : memref<100352x16xf32, #tpu.memory_space<hbm>>) dst(%arg28 : memref<128x16xf32, #tpu.memory_space<vmem>>)
    %dma_start3A_45 = arith.constant 0 : i32
    %dma_start3A_46 = arith.constant 0 : i32
    %dma_start3A_47 = tpu.memref_slice %arg31[%dma_start3A_45, %dma_start3A_46] : memref<100352x16xf32, #tpu.memory_space<vmem_shared>> -> memref<100352x16xf32, #tpu.memory_space<vmem_shared>>
    tpu.enqueue_indirect_dma source(%arg28 : memref<128x16xf32, #tpu.memory_space<vmem>>) target(%dma_start3A_47 : memref<100352x16xf32, #tpu.memory_space<vmem_shared>>) offsets(%arg20 : memref<128xi32, #tpu.memory_space<vmem>>) semaphore(%arg53 : memref<!tpu.dma_semaphore, #tpu.memory_space<semaphore_mem>>) {add = true}
    %dma_wait3A_48 = arith.constant 0 : i32
    %dma_wait3A_49 = arith.constant 0 : i32
    %dma_wait3A_50 = tpu.memref_slice %arg2[%dma_wait3A_48, %dma_wait3A_49] : memref<100352x16xf32, #tpu.memory_space<hbm>> -> memref<100352x16xf32, #tpu.memory_space<hbm>>
    tpu.wait_indirect_dma semaphore(%arg46 : memref<!tpu.dma_semaphore, #tpu.memory_space<semaphore_mem>>) src(%dma_wait3A_50 : memref<100352x16xf32, #tpu.memory_space<hbm>>) dst(%arg29 : memref<128x16xf32, #tpu.memory_space<vmem>>)
    %dma_start3A_51 = arith.constant 0 : i32
    %dma_start3A_52 = arith.constant 0 : i32
    %dma_start3A_53 = tpu.memref_slice %arg31[%dma_start3A_51, %dma_start3A_52] : memref<100352x16xf32, #tpu.memory_space<vmem_shared>> -> memref<100352x16xf32, #tpu.memory_space<vmem_shared>>
    tpu.enqueue_indirect_dma source(%arg29 : memref<128x16xf32, #tpu.memory_space<vmem>>) target(%dma_start3A_53 : memref<100352x16xf32, #tpu.memory_space<vmem_shared>>) offsets(%arg21 : memref<128xi32, #tpu.memory_space<vmem>>) semaphore(%arg54 : memref<!tpu.dma_semaphore, #tpu.memory_space<semaphore_mem>>) {add = true}
    %dma_wait3A_54 = arith.constant 0 : i32
    %dma_wait3A_55 = arith.constant 0 : i32
    %dma_wait3A_56 = tpu.memref_slice %arg2[%dma_wait3A_54, %dma_wait3A_55] : memref<100352x16xf32, #tpu.memory_space<hbm>> -> memref<100352x16xf32, #tpu.memory_space<hbm>>
    tpu.wait_indirect_dma semaphore(%arg47 : memref<!tpu.dma_semaphore, #tpu.memory_space<semaphore_mem>>) src(%dma_wait3A_56 : memref<100352x16xf32, #tpu.memory_space<hbm>>) dst(%arg30 : memref<128x16xf32, #tpu.memory_space<vmem>>)
    %dma_start3A_57 = arith.constant 0 : i32
    %dma_start3A_58 = arith.constant 0 : i32
    %dma_start3A_59 = tpu.memref_slice %arg31[%dma_start3A_57, %dma_start3A_58] : memref<100352x16xf32, #tpu.memory_space<vmem_shared>> -> memref<100352x16xf32, #tpu.memory_space<vmem_shared>>
    tpu.enqueue_indirect_dma source(%arg30 : memref<128x16xf32, #tpu.memory_space<vmem>>) target(%dma_start3A_59 : memref<100352x16xf32, #tpu.memory_space<vmem_shared>>) offsets(%arg22 : memref<128xi32, #tpu.memory_space<vmem>>) semaphore(%arg55 : memref<!tpu.dma_semaphore, #tpu.memory_space<semaphore_mem>>) {add = true}
    %dma_wait3A_60 = arith.constant 0 : i32
    %dma_wait3A_61 = arith.constant 0 : i32
    %dma_wait3A_62 = tpu.memref_slice %arg31[%dma_wait3A_60, %dma_wait3A_61] : memref<100352x16xf32, #tpu.memory_space<vmem_shared>> -> memref<100352x16xf32, #tpu.memory_space<vmem_shared>>
    tpu.wait_indirect_dma semaphore(%arg48 : memref<!tpu.dma_semaphore, #tpu.memory_space<semaphore_mem>>) src(%arg23 : memref<128x16xf32, #tpu.memory_space<vmem>>) dst(%dma_wait3A_62 : memref<100352x16xf32, #tpu.memory_space<vmem_shared>>)
    %dma_wait3A_63 = arith.constant 0 : i32
    %dma_wait3A_64 = arith.constant 0 : i32
    %dma_wait3A_65 = tpu.memref_slice %arg31[%dma_wait3A_63, %dma_wait3A_64] : memref<100352x16xf32, #tpu.memory_space<vmem_shared>> -> memref<100352x16xf32, #tpu.memory_space<vmem_shared>>
    tpu.wait_indirect_dma semaphore(%arg49 : memref<!tpu.dma_semaphore, #tpu.memory_space<semaphore_mem>>) src(%arg24 : memref<128x16xf32, #tpu.memory_space<vmem>>) dst(%dma_wait3A_65 : memref<100352x16xf32, #tpu.memory_space<vmem_shared>>)
    %dma_wait3A_66 = arith.constant 0 : i32
    %dma_wait3A_67 = arith.constant 0 : i32
    %dma_wait3A_68 = tpu.memref_slice %arg31[%dma_wait3A_66, %dma_wait3A_67] : memref<100352x16xf32, #tpu.memory_space<vmem_shared>> -> memref<100352x16xf32, #tpu.memory_space<vmem_shared>>
    tpu.wait_indirect_dma semaphore(%arg50 : memref<!tpu.dma_semaphore, #tpu.memory_space<semaphore_mem>>) src(%arg25 : memref<128x16xf32, #tpu.memory_space<vmem>>) dst(%dma_wait3A_68 : memref<100352x16xf32, #tpu.memory_space<vmem_shared>>)
    %dma_wait3A_69 = arith.constant 0 : i32
    %dma_wait3A_70 = arith.constant 0 : i32
    %dma_wait3A_71 = tpu.memref_slice %arg31[%dma_wait3A_69, %dma_wait3A_70] : memref<100352x16xf32, #tpu.memory_space<vmem_shared>> -> memref<100352x16xf32, #tpu.memory_space<vmem_shared>>
    tpu.wait_indirect_dma semaphore(%arg51 : memref<!tpu.dma_semaphore, #tpu.memory_space<semaphore_mem>>) src(%arg26 : memref<128x16xf32, #tpu.memory_space<vmem>>) dst(%dma_wait3A_71 : memref<100352x16xf32, #tpu.memory_space<vmem_shared>>)
    %dma_wait3A_72 = arith.constant 0 : i32
    %dma_wait3A_73 = arith.constant 0 : i32
    %dma_wait3A_74 = tpu.memref_slice %arg31[%dma_wait3A_72, %dma_wait3A_73] : memref<100352x16xf32, #tpu.memory_space<vmem_shared>> -> memref<100352x16xf32, #tpu.memory_space<vmem_shared>>
    tpu.wait_indirect_dma semaphore(%arg52 : memref<!tpu.dma_semaphore, #tpu.memory_space<semaphore_mem>>) src(%arg27 : memref<128x16xf32, #tpu.memory_space<vmem>>) dst(%dma_wait3A_74 : memref<100352x16xf32, #tpu.memory_space<vmem_shared>>)
    %dma_wait3A_75 = arith.constant 0 : i32
    %dma_wait3A_76 = arith.constant 0 : i32
    %dma_wait3A_77 = tpu.memref_slice %arg31[%dma_wait3A_75, %dma_wait3A_76] : memref<100352x16xf32, #tpu.memory_space<vmem_shared>> -> memref<100352x16xf32, #tpu.memory_space<vmem_shared>>
    tpu.wait_indirect_dma semaphore(%arg53 : memref<!tpu.dma_semaphore, #tpu.memory_space<semaphore_mem>>) src(%arg28 : memref<128x16xf32, #tpu.memory_space<vmem>>) dst(%dma_wait3A_77 : memref<100352x16xf32, #tpu.memory_space<vmem_shared>>)
    %dma_wait3A_78 = arith.constant 0 : i32
    %dma_wait3A_79 = arith.constant 0 : i32
    %dma_wait3A_80 = tpu.memref_slice %arg31[%dma_wait3A_78, %dma_wait3A_79] : memref<100352x16xf32, #tpu.memory_space<vmem_shared>> -> memref<100352x16xf32, #tpu.memory_space<vmem_shared>>
    tpu.wait_indirect_dma semaphore(%arg54 : memref<!tpu.dma_semaphore, #tpu.memory_space<semaphore_mem>>) src(%arg29 : memref<128x16xf32, #tpu.memory_space<vmem>>) dst(%dma_wait3A_80 : memref<100352x16xf32, #tpu.memory_space<vmem_shared>>)
    %dma_wait3A_81 = arith.constant 0 : i32
    %dma_wait3A_82 = arith.constant 0 : i32
    %dma_wait3A_83 = tpu.memref_slice %arg31[%dma_wait3A_81, %dma_wait3A_82] : memref<100352x16xf32, #tpu.memory_space<vmem_shared>> -> memref<100352x16xf32, #tpu.memory_space<vmem_shared>>
    tpu.wait_indirect_dma semaphore(%arg55 : memref<!tpu.dma_semaphore, #tpu.memory_space<semaphore_mem>>) src(%arg30 : memref<128x16xf32, #tpu.memory_space<vmem>>) dst(%dma_wait3A_83 : memref<100352x16xf32, #tpu.memory_space<vmem_shared>>)
    %barrier3A_84 = arith.constant 0 : index
    tpu.barrier barrier_id(%barrier3A_84)
    %mul3A_85 = arith.constant 6272 : i32
    %mul3A_86 = arith.muli %arg1, %mul3A_85 : i32
    %mul3A_87 = arith.constant 100352 : i32
    %mul3A_88 = arith.muli %arg0, %mul3A_87 : i32
    %mul3A_89 = arith.constant 6272 : i32
    %mul3A_90 = arith.muli %arg1, %mul3A_89 : i32
    %add3A_91 = arith.addi %mul3A_88, %mul3A_90 : i32
    "tpu.region"() ({
      %run_scoped3A = tpu.sem_alloc : memref<!tpu.dma_semaphore, #tpu.memory_space<semaphore_mem>>
      %dma_start3A_92 = arith.constant 0 : i32
      %dma_start3A_93 = tpu.memref_slice %arg6[%add3A_91, %dma_start3A_92] : memref<200704x16xf32, #tpu.memory_space<hbm>> -> memref<6272x16xf32, #tpu.memory_space<hbm>>
      %dma_start3A_94 = arith.constant 0 : i32
      %dma_start3A_95 = tpu.memref_slice %arg31[%mul3A_86, %dma_start3A_94] : memref<100352x16xf32, #tpu.memory_space<vmem_shared>> -> memref<6272x16xf32, #tpu.memory_space<vmem_shared>>
      tpu.enqueue_dma source(%dma_start3A_95 : memref<6272x16xf32, #tpu.memory_space<vmem_shared>>) target(%dma_start3A_93 : memref<6272x16xf32, #tpu.memory_space<hbm>>) target_semaphore(%run_scoped3A : memref<!tpu.dma_semaphore, #tpu.memory_space<semaphore_mem>>)
      %dma_wait3A_96 = arith.constant 0 : i32
      %dma_wait3A_97 = tpu.memref_slice %arg6[%add3A_91, %dma_wait3A_96] : memref<200704x16xf32, #tpu.memory_space<hbm>> -> memref<6272x16xf32, #tpu.memory_space<hbm>>
      %dma_wait3A_98 = arith.constant 0 : i32
      %dma_wait3A_99 = tpu.memref_slice %arg31[%mul3A_86, %dma_wait3A_98] : memref<100352x16xf32, #tpu.memory_space<vmem_shared>> -> memref<6272x16xf32, #tpu.memory_space<vmem_shared>>
      tpu.wait_dma2 semaphore(%run_scoped3A : memref<!tpu.dma_semaphore, #tpu.memory_space<semaphore_mem>>) src(%dma_wait3A_99 : memref<6272x16xf32, #tpu.memory_space<vmem_shared>>) dst(%dma_wait3A_97 : memref<6272x16xf32, #tpu.memory_space<hbm>>)
      tpu.yield
    }) : () -> ()
    return
  }
}

#map = affine_map<(d0, d1) -> (0)>
#map1 = affine_map<(d0, d1) -> (0, 0)>
module attributes {stable_mosaic.version = 14 : i64} {
  func.func @_sc_deg_body(%arg0: i32, %arg1: i32, %arg2: memref<3211264xi32, #tpu.memory_space<hbm>>, %arg3: memref<6272x16xf32, #tpu.memory_space<hbm>>, %arg4: memref<128x16xf32, #tpu.memory_space<hbm>>, %arg5: memref<200704x16xf32, #tpu.memory_space<hbm>>, %arg6: memref<128xi32, #tpu.memory_space<vmem>>, %arg7: memref<128xi32, #tpu.memory_space<vmem>>, %arg8: memref<128xi32, #tpu.memory_space<vmem>>, %arg9: memref<128xi32, #tpu.memory_space<vmem>>, %arg10: memref<128xi32, #tpu.memory_space<vmem>>, %arg11: memref<128xi32, #tpu.memory_space<vmem>>, %arg12: memref<128xi32, #tpu.memory_space<vmem>>, %arg13: memref<128xi32, #tpu.memory_space<vmem>>, %arg14: memref<128x16xf32, #tpu.memory_space<vmem>>, %arg15: memref<100352x16xf32, #tpu.memory_space<vmem_shared>>, %arg16: memref<!tpu.dma_semaphore, #tpu.memory_space<semaphore_mem>>, %arg17: memref<!tpu.dma_semaphore, #tpu.memory_space<semaphore_mem>>, %arg18: memref<!tpu.dma_semaphore, #tpu.memory_space<semaphore_mem>>, %arg19: memref<!tpu.dma_semaphore, #tpu.memory_space<semaphore_mem>>, %arg20: memref<!tpu.dma_semaphore, #tpu.memory_space<semaphore_mem>>, %arg21: memref<!tpu.dma_semaphore, #tpu.memory_space<semaphore_mem>>, %arg22: memref<!tpu.dma_semaphore, #tpu.memory_space<semaphore_mem>>, %arg23: memref<!tpu.dma_semaphore, #tpu.memory_space<semaphore_mem>>, %arg24: memref<!tpu.dma_semaphore, #tpu.memory_space<semaphore_mem>>, %arg25: memref<!tpu.dma_semaphore, #tpu.memory_space<semaphore_mem>>, %arg26: memref<!tpu.dma_semaphore, #tpu.memory_space<semaphore_mem>>, %arg27: memref<!tpu.dma_semaphore, #tpu.memory_space<semaphore_mem>>, %arg28: memref<!tpu.dma_semaphore, #tpu.memory_space<semaphore_mem>>, %arg29: memref<!tpu.dma_semaphore, #tpu.memory_space<semaphore_mem>>, %arg30: memref<!tpu.dma_semaphore, #tpu.memory_space<semaphore_mem>>, %arg31: memref<!tpu.dma_semaphore, #tpu.memory_space<semaphore_mem>>) attributes {dimension_semantics = [#tpu.dimension_semantics<core_parallel>, #tpu.dimension_semantics<subcore_parallel>], iteration_bounds = array<i64: 2, 16>, scalar_prefetch = 0 : i64, scratch_operands = 26 : i64, tpu.core_type = #tpu.core_type<sc_vector_subcore>, window_params = [{transform_indices = #map}, {transform_indices = #map1}, {transform_indices = #map1}, {transform_indices = #map1}]} {
    %mul3A = arith.constant 2 : i32
    %mul3A_0 = arith.muli %arg1, %mul3A : i32
    %add3A = arith.addi %mul3A_0, %arg0 : i32
    "tpu.region"() ({
      %run_scoped3A = tpu.sem_alloc : memref<!tpu.dma_semaphore, #tpu.memory_space<semaphore_mem>>
      tpu.enqueue_dma source(%arg4 : memref<128x16xf32, #tpu.memory_space<hbm>>) target(%arg14 : memref<128x16xf32, #tpu.memory_space<vmem>>) target_semaphore(%run_scoped3A : memref<!tpu.dma_semaphore, #tpu.memory_space<semaphore_mem>>)
      tpu.wait_dma2 semaphore(%run_scoped3A : memref<!tpu.dma_semaphore, #tpu.memory_space<semaphore_mem>>) src(%arg4 : memref<128x16xf32, #tpu.memory_space<hbm>>) dst(%arg14 : memref<128x16xf32, #tpu.memory_space<vmem>>)
      tpu.yield
    }) : () -> ()
    %mul3A_1 = arith.constant 6272 : i32
    %mul3A_2 = arith.muli %arg1, %mul3A_1 : i32
    "tpu.region"() ({
      %run_scoped3A = tpu.sem_alloc : memref<!tpu.dma_semaphore, #tpu.memory_space<semaphore_mem>>
      %dma_start3A_54 = arith.constant 0 : i32
      %dma_start3A_55 = tpu.memref_slice %arg15[%mul3A_2, %dma_start3A_54] : memref<100352x16xf32, #tpu.memory_space<vmem_shared>> -> memref<6272x16xf32, #tpu.memory_space<vmem_shared>>
      tpu.enqueue_dma source(%arg3 : memref<6272x16xf32, #tpu.memory_space<hbm>>) target(%dma_start3A_55 : memref<6272x16xf32, #tpu.memory_space<vmem_shared>>) target_semaphore(%run_scoped3A : memref<!tpu.dma_semaphore, #tpu.memory_space<semaphore_mem>>)
      %dma_wait3A_56 = arith.constant 0 : i32
      %dma_wait3A_57 = tpu.memref_slice %arg15[%mul3A_2, %dma_wait3A_56] : memref<100352x16xf32, #tpu.memory_space<vmem_shared>> -> memref<6272x16xf32, #tpu.memory_space<vmem_shared>>
      tpu.wait_dma2 semaphore(%run_scoped3A : memref<!tpu.dma_semaphore, #tpu.memory_space<semaphore_mem>>) src(%arg3 : memref<6272x16xf32, #tpu.memory_space<hbm>>) dst(%dma_wait3A_57 : memref<6272x16xf32, #tpu.memory_space<vmem_shared>>)
      tpu.yield
    }) : () -> ()
    %barrier3A = arith.constant 0 : index
    tpu.barrier barrier_id(%barrier3A)
    %mul3A_3 = arith.constant 100352 : i32
    %mul3A_4 = arith.muli %add3A, %mul3A_3 : i32
    %scan3A = arith.constant 0 : i32
    %scan3A_5 = arith.constant 0 : i32
    %scan3A_6 = arith.constant 98 : i32
    %scan3A_7 = arith.addi %scan3A_5, %scan3A_6 : i32
    %scan3A_8 = arith.constant 1 : i32
    scf.for %scan3A_54 = %scan3A_5 to %scan3A_7 step %scan3A_8  : i32 {
      %ge3A = arith.constant 1 : i32
      %ge3A_55 = arith.cmpi sge, %scan3A_54, %ge3A : i32
      %convert_element_type3A = arith.extui %ge3A_55 : i1 to i32
      %cond3A = arith.constant 0 : i32
      %cond3A_56 = arith.cmpi ne, %convert_element_type3A, %cond3A : i32
      scf.if %cond3A_56 {
        %dma_wait3A_216 = arith.constant 0 : i32
        %dma_wait3A_217 = arith.constant 0 : i32
        %dma_wait3A_218 = tpu.memref_slice %arg15[%dma_wait3A_216, %dma_wait3A_217] : memref<100352x16xf32, #tpu.memory_space<vmem_shared>> -> memref<100352x16xf32, #tpu.memory_space<vmem_shared>>
        tpu.wait_indirect_dma semaphore(%arg24 : memref<!tpu.dma_semaphore, #tpu.memory_space<semaphore_mem>>) src(%arg14 : memref<128x16xf32, #tpu.memory_space<vmem>>) dst(%dma_wait3A_218 : memref<100352x16xf32, #tpu.memory_space<vmem_shared>>)
      } else {
      }
      %mul3A_57 = arith.constant 8 : i32
      %mul3A_58 = arith.muli %mul3A_57, %scan3A_54 : i32
      %add3A_59 = arith.constant 0 : i32
      %add3A_60 = arith.addi %mul3A_58, %add3A_59 : i32
      %mul3A_61 = arith.constant 128 : i32
      %mul3A_62 = arith.muli %add3A_60, %mul3A_61 : i32
      %add3A_63 = arith.addi %mul3A_4, %mul3A_62 : i32
      %dma_start3A_64 = tpu.memref_slice %arg2[%add3A_63] : memref<3211264xi32, #tpu.memory_space<hbm>> -> memref<128xi32, #tpu.memory_space<hbm>>
      %dma_start3A_65 = tpu.memref_slice %arg2[%add3A_63] : memref<3211264xi32, #tpu.memory_space<hbm>> -> memref<128xi32, #tpu.memory_space<hbm>>
      tpu.enqueue_dma source(%dma_start3A_65 : memref<128xi32, #tpu.memory_space<hbm>>) target(%arg6 : memref<128xi32, #tpu.memory_space<vmem>>) target_semaphore(%arg16 : memref<!tpu.dma_semaphore, #tpu.memory_space<semaphore_mem>>)
      %ge3A_66 = arith.constant 1 : i32
      %ge3A_67 = arith.cmpi sge, %scan3A_54, %ge3A_66 : i32
      %convert_element_type3A_68 = arith.extui %ge3A_67 : i1 to i32
      %cond3A_69 = arith.constant 0 : i32
      %cond3A_70 = arith.cmpi ne, %convert_element_type3A_68, %cond3A_69 : i32
      scf.if %cond3A_70 {
        %dma_wait3A_216 = arith.constant 0 : i32
        %dma_wait3A_217 = tpu.memref_slice %arg2[%dma_wait3A_216] : memref<3211264xi32, #tpu.memory_space<hbm>> -> memref<128xi32, #tpu.memory_space<hbm>>
        %dma_wait3A_218 = arith.constant 0 : i32
        %dma_wait3A_219 = tpu.memref_slice %arg2[%dma_wait3A_218] : memref<3211264xi32, #tpu.memory_space<hbm>> -> memref<128xi32, #tpu.memory_space<hbm>>
        tpu.wait_dma2 semaphore(%arg22 : memref<!tpu.dma_semaphore, #tpu.memory_space<semaphore_mem>>) src(%dma_wait3A_219 : memref<128xi32, #tpu.memory_space<hbm>>) dst(%arg12 : memref<128xi32, #tpu.memory_space<vmem>>)
        %dma_start3A_220 = arith.constant 0 : i32
        %dma_start3A_221 = arith.constant 0 : i32
        %dma_start3A_222 = tpu.memref_slice %arg15[%dma_start3A_220, %dma_start3A_221] : memref<100352x16xf32, #tpu.memory_space<vmem_shared>> -> memref<100352x16xf32, #tpu.memory_space<vmem_shared>>
        tpu.enqueue_indirect_dma source(%arg14 : memref<128x16xf32, #tpu.memory_space<vmem>>) target(%dma_start3A_222 : memref<100352x16xf32, #tpu.memory_space<vmem_shared>>) offsets(%arg12 : memref<128xi32, #tpu.memory_space<vmem>>) semaphore(%arg30 : memref<!tpu.dma_semaphore, #tpu.memory_space<semaphore_mem>>) {add = true}
      } else {
      }
      %ge3A_71 = arith.constant 1 : i32
      %ge3A_72 = arith.cmpi sge, %scan3A_54, %ge3A_71 : i32
      %convert_element_type3A_73 = arith.extui %ge3A_72 : i1 to i32
      %cond3A_74 = arith.constant 0 : i32
      %cond3A_75 = arith.cmpi ne, %convert_element_type3A_73, %cond3A_74 : i32
      scf.if %cond3A_75 {
        %dma_wait3A_216 = arith.constant 0 : i32
        %dma_wait3A_217 = arith.constant 0 : i32
        %dma_wait3A_218 = tpu.memref_slice %arg15[%dma_wait3A_216, %dma_wait3A_217] : memref<100352x16xf32, #tpu.memory_space<vmem_shared>> -> memref<100352x16xf32, #tpu.memory_space<vmem_shared>>
        tpu.wait_indirect_dma semaphore(%arg25 : memref<!tpu.dma_semaphore, #tpu.memory_space<semaphore_mem>>) src(%arg14 : memref<128x16xf32, #tpu.memory_space<vmem>>) dst(%dma_wait3A_218 : memref<100352x16xf32, #tpu.memory_space<vmem_shared>>)
      } else {
      }
      %mul3A_76 = arith.constant 8 : i32
      %mul3A_77 = arith.muli %mul3A_76, %scan3A_54 : i32
      %add3A_78 = arith.constant 1 : i32
      %add3A_79 = arith.addi %mul3A_77, %add3A_78 : i32
      %mul3A_80 = arith.constant 128 : i32
      %mul3A_81 = arith.muli %add3A_79, %mul3A_80 : i32
      %add3A_82 = arith.addi %mul3A_4, %mul3A_81 : i32
      %dma_start3A_83 = tpu.memref_slice %arg2[%add3A_82] : memref<3211264xi32, #tpu.memory_space<hbm>> -> memref<128xi32, #tpu.memory_space<hbm>>
      %dma_start3A_84 = tpu.memref_slice %arg2[%add3A_82] : memref<3211264xi32, #tpu.memory_space<hbm>> -> memref<128xi32, #tpu.memory_space<hbm>>
      tpu.enqueue_dma source(%dma_start3A_84 : memref<128xi32, #tpu.memory_space<hbm>>) target(%arg7 : memref<128xi32, #tpu.memory_space<vmem>>) target_semaphore(%arg17 : memref<!tpu.dma_semaphore, #tpu.memory_space<semaphore_mem>>)
      %ge3A_85 = arith.constant 1 : i32
      %ge3A_86 = arith.cmpi sge, %scan3A_54, %ge3A_85 : i32
      %convert_element_type3A_87 = arith.extui %ge3A_86 : i1 to i32
      %cond3A_88 = arith.constant 0 : i32
      %cond3A_89 = arith.cmpi ne, %convert_element_type3A_87, %cond3A_88 : i32
      scf.if %cond3A_89 {
        %dma_wait3A_216 = arith.constant 0 : i32
        %dma_wait3A_217 = tpu.memref_slice %arg2[%dma_wait3A_216] : memref<3211264xi32, #tpu.memory_space<hbm>> -> memref<128xi32, #tpu.memory_space<hbm>>
        %dma_wait3A_218 = arith.constant 0 : i32
        %dma_wait3A_219 = tpu.memref_slice %arg2[%dma_wait3A_218] : memref<3211264xi32, #tpu.memory_space<hbm>> -> memref<128xi32, #tpu.memory_space<hbm>>
        tpu.wait_dma2 semaphore(%arg23 : memref<!tpu.dma_semaphore, #tpu.memory_space<semaphore_mem>>) src(%dma_wait3A_219 : memref<128xi32, #tpu.memory_space<hbm>>) dst(%arg13 : memref<128xi32, #tpu.memory_space<vmem>>)
        %dma_start3A_220 = arith.constant 0 : i32
        %dma_start3A_221 = arith.constant 0 : i32
        %dma_start3A_222 = tpu.memref_slice %arg15[%dma_start3A_220, %dma_start3A_221] : memref<100352x16xf32, #tpu.memory_space<vmem_shared>> -> memref<100352x16xf32, #tpu.memory_space<vmem_shared>>
        tpu.enqueue_indirect_dma source(%arg14 : memref<128x16xf32, #tpu.memory_space<vmem>>) target(%dma_start3A_222 : memref<100352x16xf32, #tpu.memory_space<vmem_shared>>) offsets(%arg13 : memref<128xi32, #tpu.memory_space<vmem>>) semaphore(%arg31 : memref<!tpu.dma_semaphore, #tpu.memory_space<semaphore_mem>>) {add = true}
      } else {
      }
      %ge3A_90 = arith.constant 1 : i32
      %ge3A_91 = arith.cmpi sge, %scan3A_54, %ge3A_90 : i32
      %convert_element_type3A_92 = arith.extui %ge3A_91 : i1 to i32
      %cond3A_93 = arith.constant 0 : i32
      %cond3A_94 = arith.cmpi ne, %convert_element_type3A_92, %cond3A_93 : i32
      scf.if %cond3A_94 {
        %dma_wait3A_216 = arith.constant 0 : i32
        %dma_wait3A_217 = arith.constant 0 : i32
        %dma_wait3A_218 = tpu.memref_slice %arg15[%dma_wait3A_216, %dma_wait3A_217] : memref<100352x16xf32, #tpu.memory_space<vmem_shared>> -> memref<100352x16xf32, #tpu.memory_space<vmem_shared>>
        tpu.wait_indirect_dma semaphore(%arg26 : memref<!tpu.dma_semaphore, #tpu.memory_space<semaphore_mem>>) src(%arg14 : memref<128x16xf32, #tpu.memory_space<vmem>>) dst(%dma_wait3A_218 : memref<100352x16xf32, #tpu.memory_space<vmem_shared>>)
      } else {
      }
      %mul3A_95 = arith.constant 8 : i32
      %mul3A_96 = arith.muli %mul3A_95, %scan3A_54 : i32
      %add3A_97 = arith.constant 2 : i32
      %add3A_98 = arith.addi %mul3A_96, %add3A_97 : i32
      %mul3A_99 = arith.constant 128 : i32
      %mul3A_100 = arith.muli %add3A_98, %mul3A_99 : i32
      %add3A_101 = arith.addi %mul3A_4, %mul3A_100 : i32
      %dma_start3A_102 = tpu.memref_slice %arg2[%add3A_101] : memref<3211264xi32, #tpu.memory_space<hbm>> -> memref<128xi32, #tpu.memory_space<hbm>>
      %dma_start3A_103 = tpu.memref_slice %arg2[%add3A_101] : memref<3211264xi32, #tpu.memory_space<hbm>> -> memref<128xi32, #tpu.memory_space<hbm>>
      tpu.enqueue_dma source(%dma_start3A_103 : memref<128xi32, #tpu.memory_space<hbm>>) target(%arg8 : memref<128xi32, #tpu.memory_space<vmem>>) target_semaphore(%arg18 : memref<!tpu.dma_semaphore, #tpu.memory_space<semaphore_mem>>)
      %dma_wait3A_104 = arith.constant 0 : i32
      %dma_wait3A_105 = tpu.memref_slice %arg2[%dma_wait3A_104] : memref<3211264xi32, #tpu.memory_space<hbm>> -> memref<128xi32, #tpu.memory_space<hbm>>
      %dma_wait3A_106 = arith.constant 0 : i32
      %dma_wait3A_107 = tpu.memref_slice %arg2[%dma_wait3A_106] : memref<3211264xi32, #tpu.memory_space<hbm>> -> memref<128xi32, #tpu.memory_space<hbm>>
      tpu.wait_dma2 semaphore(%arg16 : memref<!tpu.dma_semaphore, #tpu.memory_space<semaphore_mem>>) src(%dma_wait3A_107 : memref<128xi32, #tpu.memory_space<hbm>>) dst(%arg6 : memref<128xi32, #tpu.memory_space<vmem>>)
      %dma_start3A_108 = arith.constant 0 : i32
      %dma_start3A_109 = arith.constant 0 : i32
      %dma_start3A_110 = tpu.memref_slice %arg15[%dma_start3A_108, %dma_start3A_109] : memref<100352x16xf32, #tpu.memory_space<vmem_shared>> -> memref<100352x16xf32, #tpu.memory_space<vmem_shared>>
      tpu.enqueue_indirect_dma source(%arg14 : memref<128x16xf32, #tpu.memory_space<vmem>>) target(%dma_start3A_110 : memref<100352x16xf32, #tpu.memory_space<vmem_shared>>) offsets(%arg6 : memref<128xi32, #tpu.memory_space<vmem>>) semaphore(%arg24 : memref<!tpu.dma_semaphore, #tpu.memory_space<semaphore_mem>>) {add = true}
      %ge3A_111 = arith.constant 1 : i32
      %ge3A_112 = arith.cmpi sge, %scan3A_54, %ge3A_111 : i32
      %convert_element_type3A_113 = arith.extui %ge3A_112 : i1 to i32
      %cond3A_114 = arith.constant 0 : i32
      %cond3A_115 = arith.cmpi ne, %convert_element_type3A_113, %cond3A_114 : i32
      scf.if %cond3A_115 {
        %dma_wait3A_216 = arith.constant 0 : i32
        %dma_wait3A_217 = arith.constant 0 : i32
        %dma_wait3A_218 = tpu.memref_slice %arg15[%dma_wait3A_216, %dma_wait3A_217] : memref<100352x16xf32, #tpu.memory_space<vmem_shared>> -> memref<100352x16xf32, #tpu.memory_space<vmem_shared>>
        tpu.wait_indirect_dma semaphore(%arg27 : memref<!tpu.dma_semaphore, #tpu.memory_space<semaphore_mem>>) src(%arg14 : memref<128x16xf32, #tpu.memory_space<vmem>>) dst(%dma_wait3A_218 : memref<100352x16xf32, #tpu.memory_space<vmem_shared>>)
      } else {
      }
      %mul3A_116 = arith.constant 8 : i32
      %mul3A_117 = arith.muli %mul3A_116, %scan3A_54 : i32
      %add3A_118 = arith.constant 3 : i32
      %add3A_119 = arith.addi %mul3A_117, %add3A_118 : i32
      %mul3A_120 = arith.constant 128 : i32
      %mul3A_121 = arith.muli %add3A_119, %mul3A_120 : i32
      %add3A_122 = arith.addi %mul3A_4, %mul3A_121 : i32
      %dma_start3A_123 = tpu.memref_slice %arg2[%add3A_122] : memref<3211264xi32, #tpu.memory_space<hbm>> -> memref<128xi32, #tpu.memory_space<hbm>>
      %dma_start3A_124 = tpu.memref_slice %arg2[%add3A_122] : memref<3211264xi32, #tpu.memory_space<hbm>> -> memref<128xi32, #tpu.memory_space<hbm>>
      tpu.enqueue_dma source(%dma_start3A_124 : memref<128xi32, #tpu.memory_space<hbm>>) target(%arg9 : memref<128xi32, #tpu.memory_space<vmem>>) target_semaphore(%arg19 : memref<!tpu.dma_semaphore, #tpu.memory_space<semaphore_mem>>)
      %dma_wait3A_125 = arith.constant 0 : i32
      %dma_wait3A_126 = tpu.memref_slice %arg2[%dma_wait3A_125] : memref<3211264xi32, #tpu.memory_space<hbm>> -> memref<128xi32, #tpu.memory_space<hbm>>
      %dma_wait3A_127 = arith.constant 0 : i32
      %dma_wait3A_128 = tpu.memref_slice %arg2[%dma_wait3A_127] : memref<3211264xi32, #tpu.memory_space<hbm>> -> memref<128xi32, #tpu.memory_space<hbm>>
      tpu.wait_dma2 semaphore(%arg17 : memref<!tpu.dma_semaphore, #tpu.memory_space<semaphore_mem>>) src(%dma_wait3A_128 : memref<128xi32, #tpu.memory_space<hbm>>) dst(%arg7 : memref<128xi32, #tpu.memory_space<vmem>>)
      %dma_start3A_129 = arith.constant 0 : i32
      %dma_start3A_130 = arith.constant 0 : i32
      %dma_start3A_131 = tpu.memref_slice %arg15[%dma_start3A_129, %dma_start3A_130] : memref<100352x16xf32, #tpu.memory_space<vmem_shared>> -> memref<100352x16xf32, #tpu.memory_space<vmem_shared>>
      tpu.enqueue_indirect_dma source(%arg14 : memref<128x16xf32, #tpu.memory_space<vmem>>) target(%dma_start3A_131 : memref<100352x16xf32, #tpu.memory_space<vmem_shared>>) offsets(%arg7 : memref<128xi32, #tpu.memory_space<vmem>>) semaphore(%arg25 : memref<!tpu.dma_semaphore, #tpu.memory_space<semaphore_mem>>) {add = true}
      %ge3A_132 = arith.constant 1 : i32
      %ge3A_133 = arith.cmpi sge, %scan3A_54, %ge3A_132 : i32
      %convert_element_type3A_134 = arith.extui %ge3A_133 : i1 to i32
      %cond3A_135 = arith.constant 0 : i32
      %cond3A_136 = arith.cmpi ne, %convert_element_type3A_134, %cond3A_135 : i32
      scf.if %cond3A_136 {
        %dma_wait3A_216 = arith.constant 0 : i32
        %dma_wait3A_217 = arith.constant 0 : i32
        %dma_wait3A_218 = tpu.memref_slice %arg15[%dma_wait3A_216, %dma_wait3A_217] : memref<100352x16xf32, #tpu.memory_space<vmem_shared>> -> memref<100352x16xf32, #tpu.memory_space<vmem_shared>>
        tpu.wait_indirect_dma semaphore(%arg28 : memref<!tpu.dma_semaphore, #tpu.memory_space<semaphore_mem>>) src(%arg14 : memref<128x16xf32, #tpu.memory_space<vmem>>) dst(%dma_wait3A_218 : memref<100352x16xf32, #tpu.memory_space<vmem_shared>>)
      } else {
      }
      %mul3A_137 = arith.constant 8 : i32
      %mul3A_138 = arith.muli %mul3A_137, %scan3A_54 : i32
      %add3A_139 = arith.constant 4 : i32
      %add3A_140 = arith.addi %mul3A_138, %add3A_139 : i32
      %mul3A_141 = arith.constant 128 : i32
      %mul3A_142 = arith.muli %add3A_140, %mul3A_141 : i32
      %add3A_143 = arith.addi %mul3A_4, %mul3A_142 : i32
      %dma_start3A_144 = tpu.memref_slice %arg2[%add3A_143] : memref<3211264xi32, #tpu.memory_space<hbm>> -> memref<128xi32, #tpu.memory_space<hbm>>
      %dma_start3A_145 = tpu.memref_slice %arg2[%add3A_143] : memref<3211264xi32, #tpu.memory_space<hbm>> -> memref<128xi32, #tpu.memory_space<hbm>>
      tpu.enqueue_dma source(%dma_start3A_145 : memref<128xi32, #tpu.memory_space<hbm>>) target(%arg10 : memref<128xi32, #tpu.memory_space<vmem>>) target_semaphore(%arg20 : memref<!tpu.dma_semaphore, #tpu.memory_space<semaphore_mem>>)
      %dma_wait3A_146 = arith.constant 0 : i32
      %dma_wait3A_147 = tpu.memref_slice %arg2[%dma_wait3A_146] : memref<3211264xi32, #tpu.memory_space<hbm>> -> memref<128xi32, #tpu.memory_space<hbm>>
      %dma_wait3A_148 = arith.constant 0 : i32
      %dma_wait3A_149 = tpu.memref_slice %arg2[%dma_wait3A_148] : memref<3211264xi32, #tpu.memory_space<hbm>> -> memref<128xi32, #tpu.memory_space<hbm>>
      tpu.wait_dma2 semaphore(%arg18 : memref<!tpu.dma_semaphore, #tpu.memory_space<semaphore_mem>>) src(%dma_wait3A_149 : memref<128xi32, #tpu.memory_space<hbm>>) dst(%arg8 : memref<128xi32, #tpu.memory_space<vmem>>)
      %dma_start3A_150 = arith.constant 0 : i32
      %dma_start3A_151 = arith.constant 0 : i32
      %dma_start3A_152 = tpu.memref_slice %arg15[%dma_start3A_150, %dma_start3A_151] : memref<100352x16xf32, #tpu.memory_space<vmem_shared>> -> memref<100352x16xf32, #tpu.memory_space<vmem_shared>>
      tpu.enqueue_indirect_dma source(%arg14 : memref<128x16xf32, #tpu.memory_space<vmem>>) target(%dma_start3A_152 : memref<100352x16xf32, #tpu.memory_space<vmem_shared>>) offsets(%arg8 : memref<128xi32, #tpu.memory_space<vmem>>) semaphore(%arg26 : memref<!tpu.dma_semaphore, #tpu.memory_space<semaphore_mem>>) {add = true}
      %ge3A_153 = arith.constant 1 : i32
      %ge3A_154 = arith.cmpi sge, %scan3A_54, %ge3A_153 : i32
      %convert_element_type3A_155 = arith.extui %ge3A_154 : i1 to i32
      %cond3A_156 = arith.constant 0 : i32
      %cond3A_157 = arith.cmpi ne, %convert_element_type3A_155, %cond3A_156 : i32
      scf.if %cond3A_157 {
        %dma_wait3A_216 = arith.constant 0 : i32
        %dma_wait3A_217 = arith.constant 0 : i32
        %dma_wait3A_218 = tpu.memref_slice %arg15[%dma_wait3A_216, %dma_wait3A_217] : memref<100352x16xf32, #tpu.memory_space<vmem_shared>> -> memref<100352x16xf32, #tpu.memory_space<vmem_shared>>
        tpu.wait_indirect_dma semaphore(%arg29 : memref<!tpu.dma_semaphore, #tpu.memory_space<semaphore_mem>>) src(%arg14 : memref<128x16xf32, #tpu.memory_space<vmem>>) dst(%dma_wait3A_218 : memref<100352x16xf32, #tpu.memory_space<vmem_shared>>)
      } else {
      }
      %mul3A_158 = arith.constant 8 : i32
      %mul3A_159 = arith.muli %mul3A_158, %scan3A_54 : i32
      %add3A_160 = arith.constant 5 : i32
      %add3A_161 = arith.addi %mul3A_159, %add3A_160 : i32
      %mul3A_162 = arith.constant 128 : i32
      %mul3A_163 = arith.muli %add3A_161, %mul3A_162 : i32
      %add3A_164 = arith.addi %mul3A_4, %mul3A_163 : i32
      %dma_start3A_165 = tpu.memref_slice %arg2[%add3A_164] : memref<3211264xi32, #tpu.memory_space<hbm>> -> memref<128xi32, #tpu.memory_space<hbm>>
      %dma_start3A_166 = tpu.memref_slice %arg2[%add3A_164] : memref<3211264xi32, #tpu.memory_space<hbm>> -> memref<128xi32, #tpu.memory_space<hbm>>
      tpu.enqueue_dma source(%dma_start3A_166 : memref<128xi32, #tpu.memory_space<hbm>>) target(%arg11 : memref<128xi32, #tpu.memory_space<vmem>>) target_semaphore(%arg21 : memref<!tpu.dma_semaphore, #tpu.memory_space<semaphore_mem>>)
      %dma_wait3A_167 = arith.constant 0 : i32
      %dma_wait3A_168 = tpu.memref_slice %arg2[%dma_wait3A_167] : memref<3211264xi32, #tpu.memory_space<hbm>> -> memref<128xi32, #tpu.memory_space<hbm>>
      %dma_wait3A_169 = arith.constant 0 : i32
      %dma_wait3A_170 = tpu.memref_slice %arg2[%dma_wait3A_169] : memref<3211264xi32, #tpu.memory_space<hbm>> -> memref<128xi32, #tpu.memory_space<hbm>>
      tpu.wait_dma2 semaphore(%arg19 : memref<!tpu.dma_semaphore, #tpu.memory_space<semaphore_mem>>) src(%dma_wait3A_170 : memref<128xi32, #tpu.memory_space<hbm>>) dst(%arg9 : memref<128xi32, #tpu.memory_space<vmem>>)
      %dma_start3A_171 = arith.constant 0 : i32
      %dma_start3A_172 = arith.constant 0 : i32
      %dma_start3A_173 = tpu.memref_slice %arg15[%dma_start3A_171, %dma_start3A_172] : memref<100352x16xf32, #tpu.memory_space<vmem_shared>> -> memref<100352x16xf32, #tpu.memory_space<vmem_shared>>
      tpu.enqueue_indirect_dma source(%arg14 : memref<128x16xf32, #tpu.memory_space<vmem>>) target(%dma_start3A_173 : memref<100352x16xf32, #tpu.memory_space<vmem_shared>>) offsets(%arg9 : memref<128xi32, #tpu.memory_space<vmem>>) semaphore(%arg27 : memref<!tpu.dma_semaphore, #tpu.memory_space<semaphore_mem>>) {add = true}
      %ge3A_174 = arith.constant 1 : i32
      %ge3A_175 = arith.cmpi sge, %scan3A_54, %ge3A_174 : i32
      %convert_element_type3A_176 = arith.extui %ge3A_175 : i1 to i32
      %cond3A_177 = arith.constant 0 : i32
      %cond3A_178 = arith.cmpi ne, %convert_element_type3A_176, %cond3A_177 : i32
      scf.if %cond3A_178 {
        %dma_wait3A_216 = arith.constant 0 : i32
        %dma_wait3A_217 = arith.constant 0 : i32
        %dma_wait3A_218 = tpu.memref_slice %arg15[%dma_wait3A_216, %dma_wait3A_217] : memref<100352x16xf32, #tpu.memory_space<vmem_shared>> -> memref<100352x16xf32, #tpu.memory_space<vmem_shared>>
        tpu.wait_indirect_dma semaphore(%arg30 : memref<!tpu.dma_semaphore, #tpu.memory_space<semaphore_mem>>) src(%arg14 : memref<128x16xf32, #tpu.memory_space<vmem>>) dst(%dma_wait3A_218 : memref<100352x16xf32, #tpu.memory_space<vmem_shared>>)
      } else {
      }
      %mul3A_179 = arith.constant 8 : i32
      %mul3A_180 = arith.muli %mul3A_179, %scan3A_54 : i32
      %add3A_181 = arith.constant 6 : i32
      %add3A_182 = arith.addi %mul3A_180, %add3A_181 : i32
      %mul3A_183 = arith.constant 128 : i32
      %mul3A_184 = arith.muli %add3A_182, %mul3A_183 : i32
      %add3A_185 = arith.addi %mul3A_4, %mul3A_184 : i32
      %dma_start3A_186 = tpu.memref_slice %arg2[%add3A_185] : memref<3211264xi32, #tpu.memory_space<hbm>> -> memref<128xi32, #tpu.memory_space<hbm>>
      %dma_start3A_187 = tpu.memref_slice %arg2[%add3A_185] : memref<3211264xi32, #tpu.memory_space<hbm>> -> memref<128xi32, #tpu.memory_space<hbm>>
      tpu.enqueue_dma source(%dma_start3A_187 : memref<128xi32, #tpu.memory_space<hbm>>) target(%arg12 : memref<128xi32, #tpu.memory_space<vmem>>) target_semaphore(%arg22 : memref<!tpu.dma_semaphore, #tpu.memory_space<semaphore_mem>>)
      %dma_wait3A_188 = arith.constant 0 : i32
      %dma_wait3A_189 = tpu.memref_slice %arg2[%dma_wait3A_188] : memref<3211264xi32, #tpu.memory_space<hbm>> -> memref<128xi32, #tpu.memory_space<hbm>>
      %dma_wait3A_190 = arith.constant 0 : i32
      %dma_wait3A_191 = tpu.memref_slice %arg2[%dma_wait3A_190] : memref<3211264xi32, #tpu.memory_space<hbm>> -> memref<128xi32, #tpu.memory_space<hbm>>
      tpu.wait_dma2 semaphore(%arg20 : memref<!tpu.dma_semaphore, #tpu.memory_space<semaphore_mem>>) src(%dma_wait3A_191 : memref<128xi32, #tpu.memory_space<hbm>>) dst(%arg10 : memref<128xi32, #tpu.memory_space<vmem>>)
      %dma_start3A_192 = arith.constant 0 : i32
      %dma_start3A_193 = arith.constant 0 : i32
      %dma_start3A_194 = tpu.memref_slice %arg15[%dma_start3A_192, %dma_start3A_193] : memref<100352x16xf32, #tpu.memory_space<vmem_shared>> -> memref<100352x16xf32, #tpu.memory_space<vmem_shared>>
      tpu.enqueue_indirect_dma source(%arg14 : memref<128x16xf32, #tpu.memory_space<vmem>>) target(%dma_start3A_194 : memref<100352x16xf32, #tpu.memory_space<vmem_shared>>) offsets(%arg10 : memref<128xi32, #tpu.memory_space<vmem>>) semaphore(%arg28 : memref<!tpu.dma_semaphore, #tpu.memory_space<semaphore_mem>>) {add = true}
      %ge3A_195 = arith.constant 1 : i32
      %ge3A_196 = arith.cmpi sge, %scan3A_54, %ge3A_195 : i32
      %convert_element_type3A_197 = arith.extui %ge3A_196 : i1 to i32
      %cond3A_198 = arith.constant 0 : i32
      %cond3A_199 = arith.cmpi ne, %convert_element_type3A_197, %cond3A_198 : i32
      scf.if %cond3A_199 {
        %dma_wait3A_216 = arith.constant 0 : i32
        %dma_wait3A_217 = arith.constant 0 : i32
        %dma_wait3A_218 = tpu.memref_slice %arg15[%dma_wait3A_216, %dma_wait3A_217] : memref<100352x16xf32, #tpu.memory_space<vmem_shared>> -> memref<100352x16xf32, #tpu.memory_space<vmem_shared>>
        tpu.wait_indirect_dma semaphore(%arg31 : memref<!tpu.dma_semaphore, #tpu.memory_space<semaphore_mem>>) src(%arg14 : memref<128x16xf32, #tpu.memory_space<vmem>>) dst(%dma_wait3A_218 : memref<100352x16xf32, #tpu.memory_space<vmem_shared>>)
      } else {
      }
      %mul3A_200 = arith.constant 8 : i32
      %mul3A_201 = arith.muli %mul3A_200, %scan3A_54 : i32
      %add3A_202 = arith.constant 7 : i32
      %add3A_203 = arith.addi %mul3A_201, %add3A_202 : i32
      %mul3A_204 = arith.constant 128 : i32
      %mul3A_205 = arith.muli %add3A_203, %mul3A_204 : i32
      %add3A_206 = arith.addi %mul3A_4, %mul3A_205 : i32
      %dma_start3A_207 = tpu.memref_slice %arg2[%add3A_206] : memref<3211264xi32, #tpu.memory_space<hbm>> -> memref<128xi32, #tpu.memory_space<hbm>>
      %dma_start3A_208 = tpu.memref_slice %arg2[%add3A_206] : memref<3211264xi32, #tpu.memory_space<hbm>> -> memref<128xi32, #tpu.memory_space<hbm>>
      tpu.enqueue_dma source(%dma_start3A_208 : memref<128xi32, #tpu.memory_space<hbm>>) target(%arg13 : memref<128xi32, #tpu.memory_space<vmem>>) target_semaphore(%arg23 : memref<!tpu.dma_semaphore, #tpu.memory_space<semaphore_mem>>)
      %dma_wait3A_209 = arith.constant 0 : i32
      %dma_wait3A_210 = tpu.memref_slice %arg2[%dma_wait3A_209] : memref<3211264xi32, #tpu.memory_space<hbm>> -> memref<128xi32, #tpu.memory_space<hbm>>
      %dma_wait3A_211 = arith.constant 0 : i32
      %dma_wait3A_212 = tpu.memref_slice %arg2[%dma_wait3A_211] : memref<3211264xi32, #tpu.memory_space<hbm>> -> memref<128xi32, #tpu.memory_space<hbm>>
      tpu.wait_dma2 semaphore(%arg21 : memref<!tpu.dma_semaphore, #tpu.memory_space<semaphore_mem>>) src(%dma_wait3A_212 : memref<128xi32, #tpu.memory_space<hbm>>) dst(%arg11 : memref<128xi32, #tpu.memory_space<vmem>>)
      %dma_start3A_213 = arith.constant 0 : i32
      %dma_start3A_214 = arith.constant 0 : i32
      %dma_start3A_215 = tpu.memref_slice %arg15[%dma_start3A_213, %dma_start3A_214] : memref<100352x16xf32, #tpu.memory_space<vmem_shared>> -> memref<100352x16xf32, #tpu.memory_space<vmem_shared>>
      tpu.enqueue_indirect_dma source(%arg14 : memref<128x16xf32, #tpu.memory_space<vmem>>) target(%dma_start3A_215 : memref<100352x16xf32, #tpu.memory_space<vmem_shared>>) offsets(%arg11 : memref<128xi32, #tpu.memory_space<vmem>>) semaphore(%arg29 : memref<!tpu.dma_semaphore, #tpu.memory_space<semaphore_mem>>) {add = true}
    }
    %scan3A_9 = arith.constant 98 : i32
    %dma_wait3A = arith.constant 0 : i32
    %dma_wait3A_10 = tpu.memref_slice %arg2[%dma_wait3A] : memref<3211264xi32, #tpu.memory_space<hbm>> -> memref<128xi32, #tpu.memory_space<hbm>>
    %dma_wait3A_11 = arith.constant 0 : i32
    %dma_wait3A_12 = tpu.memref_slice %arg2[%dma_wait3A_11] : memref<3211264xi32, #tpu.memory_space<hbm>> -> memref<128xi32, #tpu.memory_space<hbm>>
    tpu.wait_dma2 semaphore(%arg22 : memref<!tpu.dma_semaphore, #tpu.memory_space<semaphore_mem>>) src(%dma_wait3A_12 : memref<128xi32, #tpu.memory_space<hbm>>) dst(%arg12 : memref<128xi32, #tpu.memory_space<vmem>>)
    %dma_start3A = arith.constant 0 : i32
    %dma_start3A_13 = arith.constant 0 : i32
    %dma_start3A_14 = tpu.memref_slice %arg15[%dma_start3A, %dma_start3A_13] : memref<100352x16xf32, #tpu.memory_space<vmem_shared>> -> memref<100352x16xf32, #tpu.memory_space<vmem_shared>>
    tpu.enqueue_indirect_dma source(%arg14 : memref<128x16xf32, #tpu.memory_space<vmem>>) target(%dma_start3A_14 : memref<100352x16xf32, #tpu.memory_space<vmem_shared>>) offsets(%arg12 : memref<128xi32, #tpu.memory_space<vmem>>) semaphore(%arg30 : memref<!tpu.dma_semaphore, #tpu.memory_space<semaphore_mem>>) {add = true}
    %dma_wait3A_15 = arith.constant 0 : i32
    %dma_wait3A_16 = tpu.memref_slice %arg2[%dma_wait3A_15] : memref<3211264xi32, #tpu.memory_space<hbm>> -> memref<128xi32, #tpu.memory_space<hbm>>
    %dma_wait3A_17 = arith.constant 0 : i32
    %dma_wait3A_18 = tpu.memref_slice %arg2[%dma_wait3A_17] : memref<3211264xi32, #tpu.memory_space<hbm>> -> memref<128xi32, #tpu.memory_space<hbm>>
    tpu.wait_dma2 semaphore(%arg23 : memref<!tpu.dma_semaphore, #tpu.memory_space<semaphore_mem>>) src(%dma_wait3A_18 : memref<128xi32, #tpu.memory_space<hbm>>) dst(%arg13 : memref<128xi32, #tpu.memory_space<vmem>>)
    %dma_start3A_19 = arith.constant 0 : i32
    %dma_start3A_20 = arith.constant 0 : i32
    %dma_start3A_21 = tpu.memref_slice %arg15[%dma_start3A_19, %dma_start3A_20] : memref<100352x16xf32, #tpu.memory_space<vmem_shared>> -> memref<100352x16xf32, #tpu.memory_space<vmem_shared>>
    tpu.enqueue_indirect_dma source(%arg14 : memref<128x16xf32, #tpu.memory_space<vmem>>) target(%dma_start3A_21 : memref<100352x16xf32, #tpu.memory_space<vmem_shared>>) offsets(%arg13 : memref<128xi32, #tpu.memory_space<vmem>>) semaphore(%arg31 : memref<!tpu.dma_semaphore, #tpu.memory_space<semaphore_mem>>) {add = true}
    %dma_wait3A_22 = arith.constant 0 : i32
    %dma_wait3A_23 = arith.constant 0 : i32
    %dma_wait3A_24 = tpu.memref_slice %arg15[%dma_wait3A_22, %dma_wait3A_23] : memref<100352x16xf32, #tpu.memory_space<vmem_shared>> -> memref<100352x16xf32, #tpu.memory_space<vmem_shared>>
    tpu.wait_indirect_dma semaphore(%arg24 : memref<!tpu.dma_semaphore, #tpu.memory_space<semaphore_mem>>) src(%arg14 : memref<128x16xf32, #tpu.memory_space<vmem>>) dst(%dma_wait3A_24 : memref<100352x16xf32, #tpu.memory_space<vmem_shared>>)
    %dma_wait3A_25 = arith.constant 0 : i32
    %dma_wait3A_26 = arith.constant 0 : i32
    %dma_wait3A_27 = tpu.memref_slice %arg15[%dma_wait3A_25, %dma_wait3A_26] : memref<100352x16xf32, #tpu.memory_space<vmem_shared>> -> memref<100352x16xf32, #tpu.memory_space<vmem_shared>>
    tpu.wait_indirect_dma semaphore(%arg25 : memref<!tpu.dma_semaphore, #tpu.memory_space<semaphore_mem>>) src(%arg14 : memref<128x16xf32, #tpu.memory_space<vmem>>) dst(%dma_wait3A_27 : memref<100352x16xf32, #tpu.memory_space<vmem_shared>>)
    %dma_wait3A_28 = arith.constant 0 : i32
    %dma_wait3A_29 = arith.constant 0 : i32
    %dma_wait3A_30 = tpu.memref_slice %arg15[%dma_wait3A_28, %dma_wait3A_29] : memref<100352x16xf32, #tpu.memory_space<vmem_shared>> -> memref<100352x16xf32, #tpu.memory_space<vmem_shared>>
    tpu.wait_indirect_dma semaphore(%arg26 : memref<!tpu.dma_semaphore, #tpu.memory_space<semaphore_mem>>) src(%arg14 : memref<128x16xf32, #tpu.memory_space<vmem>>) dst(%dma_wait3A_30 : memref<100352x16xf32, #tpu.memory_space<vmem_shared>>)
    %dma_wait3A_31 = arith.constant 0 : i32
    %dma_wait3A_32 = arith.constant 0 : i32
    %dma_wait3A_33 = tpu.memref_slice %arg15[%dma_wait3A_31, %dma_wait3A_32] : memref<100352x16xf32, #tpu.memory_space<vmem_shared>> -> memref<100352x16xf32, #tpu.memory_space<vmem_shared>>
    tpu.wait_indirect_dma semaphore(%arg27 : memref<!tpu.dma_semaphore, #tpu.memory_space<semaphore_mem>>) src(%arg14 : memref<128x16xf32, #tpu.memory_space<vmem>>) dst(%dma_wait3A_33 : memref<100352x16xf32, #tpu.memory_space<vmem_shared>>)
    %dma_wait3A_34 = arith.constant 0 : i32
    %dma_wait3A_35 = arith.constant 0 : i32
    %dma_wait3A_36 = tpu.memref_slice %arg15[%dma_wait3A_34, %dma_wait3A_35] : memref<100352x16xf32, #tpu.memory_space<vmem_shared>> -> memref<100352x16xf32, #tpu.memory_space<vmem_shared>>
    tpu.wait_indirect_dma semaphore(%arg28 : memref<!tpu.dma_semaphore, #tpu.memory_space<semaphore_mem>>) src(%arg14 : memref<128x16xf32, #tpu.memory_space<vmem>>) dst(%dma_wait3A_36 : memref<100352x16xf32, #tpu.memory_space<vmem_shared>>)
    %dma_wait3A_37 = arith.constant 0 : i32
    %dma_wait3A_38 = arith.constant 0 : i32
    %dma_wait3A_39 = tpu.memref_slice %arg15[%dma_wait3A_37, %dma_wait3A_38] : memref<100352x16xf32, #tpu.memory_space<vmem_shared>> -> memref<100352x16xf32, #tpu.memory_space<vmem_shared>>
    tpu.wait_indirect_dma semaphore(%arg29 : memref<!tpu.dma_semaphore, #tpu.memory_space<semaphore_mem>>) src(%arg14 : memref<128x16xf32, #tpu.memory_space<vmem>>) dst(%dma_wait3A_39 : memref<100352x16xf32, #tpu.memory_space<vmem_shared>>)
    %dma_wait3A_40 = arith.constant 0 : i32
    %dma_wait3A_41 = arith.constant 0 : i32
    %dma_wait3A_42 = tpu.memref_slice %arg15[%dma_wait3A_40, %dma_wait3A_41] : memref<100352x16xf32, #tpu.memory_space<vmem_shared>> -> memref<100352x16xf32, #tpu.memory_space<vmem_shared>>
    tpu.wait_indirect_dma semaphore(%arg30 : memref<!tpu.dma_semaphore, #tpu.memory_space<semaphore_mem>>) src(%arg14 : memref<128x16xf32, #tpu.memory_space<vmem>>) dst(%dma_wait3A_42 : memref<100352x16xf32, #tpu.memory_space<vmem_shared>>)
    %dma_wait3A_43 = arith.constant 0 : i32
    %dma_wait3A_44 = arith.constant 0 : i32
    %dma_wait3A_45 = tpu.memref_slice %arg15[%dma_wait3A_43, %dma_wait3A_44] : memref<100352x16xf32, #tpu.memory_space<vmem_shared>> -> memref<100352x16xf32, #tpu.memory_space<vmem_shared>>
    tpu.wait_indirect_dma semaphore(%arg31 : memref<!tpu.dma_semaphore, #tpu.memory_space<semaphore_mem>>) src(%arg14 : memref<128x16xf32, #tpu.memory_space<vmem>>) dst(%dma_wait3A_45 : memref<100352x16xf32, #tpu.memory_space<vmem_shared>>)
    %barrier3A_46 = arith.constant 0 : index
    tpu.barrier barrier_id(%barrier3A_46)
    %mul3A_47 = arith.constant 6272 : i32
    %mul3A_48 = arith.muli %arg1, %mul3A_47 : i32
    %mul3A_49 = arith.constant 100352 : i32
    %mul3A_50 = arith.muli %arg0, %mul3A_49 : i32
    %mul3A_51 = arith.constant 6272 : i32
    %mul3A_52 = arith.muli %arg1, %mul3A_51 : i32
    %add3A_53 = arith.addi %mul3A_50, %mul3A_52 : i32
    "tpu.region"() ({
      %run_scoped3A = tpu.sem_alloc : memref<!tpu.dma_semaphore, #tpu.memory_space<semaphore_mem>>
      %dma_start3A_54 = arith.constant 0 : i32
      %dma_start3A_55 = tpu.memref_slice %arg5[%add3A_53, %dma_start3A_54] : memref<200704x16xf32, #tpu.memory_space<hbm>> -> memref<6272x16xf32, #tpu.memory_space<hbm>>
      %dma_start3A_56 = arith.constant 0 : i32
      %dma_start3A_57 = tpu.memref_slice %arg15[%mul3A_48, %dma_start3A_56] : memref<100352x16xf32, #tpu.memory_space<vmem_shared>> -> memref<6272x16xf32, #tpu.memory_space<vmem_shared>>
      tpu.enqueue_dma source(%dma_start3A_57 : memref<6272x16xf32, #tpu.memory_space<vmem_shared>>) target(%dma_start3A_55 : memref<6272x16xf32, #tpu.memory_space<hbm>>) target_semaphore(%run_scoped3A : memref<!tpu.dma_semaphore, #tpu.memory_space<semaphore_mem>>)
      %dma_wait3A_58 = arith.constant 0 : i32
      %dma_wait3A_59 = tpu.memref_slice %arg5[%add3A_53, %dma_wait3A_58] : memref<200704x16xf32, #tpu.memory_space<hbm>> -> memref<6272x16xf32, #tpu.memory_space<hbm>>
      %dma_wait3A_60 = arith.constant 0 : i32
      %dma_wait3A_61 = tpu.memref_slice %arg15[%mul3A_48, %dma_wait3A_60] : memref<100352x16xf32, #tpu.memory_space<vmem_shared>> -> memref<6272x16xf32, #tpu.memory_space<vmem_shared>>
      tpu.wait_dma2 semaphore(%run_scoped3A : memref<!tpu.dma_semaphore, #tpu.memory_space<semaphore_mem>>) src(%dma_wait3A_61 : memref<6272x16xf32, #tpu.memory_space<vmem_shared>>) dst(%dma_wait3A_59 : memref<6272x16xf32, #tpu.memory_space<hbm>>)
      tpu.yield
    }) : () -> ()
    return
  }
}

#map = affine_map<(d0, d1) -> (0, 0)>
#map1 = affine_map<(d0, d1) -> (0)>
module attributes {stable_mosaic.version = 14 : i64} {
  func.func @_sc_agg_body(%arg0: i32, %arg1: i32, %arg2: memref<100352x16xf32, #tpu.memory_space<hbm>>, %arg3: memref<3211264xi32, #tpu.memory_space<hbm>>, %arg4: memref<3211264xi32, #tpu.memory_space<hbm>>, %arg5: memref<6272x16xf32, #tpu.memory_space<hbm>>, %arg6: memref<200704x16xf32, #tpu.memory_space<hbm>>, %arg7: memref<128xi32, #tpu.memory_space<vmem>>, %arg8: memref<128xi32, #tpu.memory_space<vmem>>, %arg9: memref<128xi32, #tpu.memory_space<vmem>>, %arg10: memref<128xi32, #tpu.memory_space<vmem>>, %arg11: memref<128xi32, #tpu.memory_space<vmem>>, %arg12: memref<128xi32, #tpu.memory_space<vmem>>, %arg13: memref<128xi32, #tpu.memory_space<vmem>>, %arg14: memref<128xi32, #tpu.memory_space<vmem>>, %arg15: memref<128xi32, #tpu.memory_space<vmem>>, %arg16: memref<128xi32, #tpu.memory_space<vmem>>, %arg17: memref<128xi32, #tpu.memory_space<vmem>>, %arg18: memref<128xi32, #tpu.memory_space<vmem>>, %arg19: memref<128xi32, #tpu.memory_space<vmem>>, %arg20: memref<128xi32, #tpu.memory_space<vmem>>, %arg21: memref<128xi32, #tpu.memory_space<vmem>>, %arg22: memref<128xi32, #tpu.memory_space<vmem>>, %arg23: memref<128x16xf32, #tpu.memory_space<vmem>>, %arg24: memref<128x16xf32, #tpu.memory_space<vmem>>, %arg25: memref<128x16xf32, #tpu.memory_space<vmem>>, %arg26: memref<128x16xf32, #tpu.memory_space<vmem>>, %arg27: memref<128x16xf32, #tpu.memory_space<vmem>>, %arg28: memref<128x16xf32, #tpu.memory_space<vmem>>, %arg29: memref<128x16xf32, #tpu.memory_space<vmem>>, %arg30: memref<128x16xf32, #tpu.memory_space<vmem>>, %arg31: memref<100352x16xf32, #tpu.memory_space<vmem_shared>>, %arg32: memref<!tpu.dma_semaphore, #tpu.memory_space<semaphore_mem>>, %arg33: memref<!tpu.dma_semaphore, #tpu.memory_space<semaphore_mem>>, %arg34: memref<!tpu.dma_semaphore, #tpu.memory_space<semaphore_mem>>, %arg35: memref<!tpu.dma_semaphore, #tpu.memory_space<semaphore_mem>>, %arg36: memref<!tpu.dma_semaphore, #tpu.memory_space<semaphore_mem>>, %arg37: memref<!tpu.dma_semaphore, #tpu.memory_space<semaphore_mem>>, %arg38: memref<!tpu.dma_semaphore, #tpu.memory_space<semaphore_mem>>, %arg39: memref<!tpu.dma_semaphore, #tpu.memory_space<semaphore_mem>>, %arg40: memref<!tpu.dma_semaphore, #tpu.memory_space<semaphore_mem>>, %arg41: memref<!tpu.dma_semaphore, #tpu.memory_space<semaphore_mem>>, %arg42: memref<!tpu.dma_semaphore, #tpu.memory_space<semaphore_mem>>, %arg43: memref<!tpu.dma_semaphore, #tpu.memory_space<semaphore_mem>>, %arg44: memref<!tpu.dma_semaphore, #tpu.memory_space<semaphore_mem>>, %arg45: memref<!tpu.dma_semaphore, #tpu.memory_space<semaphore_mem>>, %arg46: memref<!tpu.dma_semaphore, #tpu.memory_space<semaphore_mem>>, %arg47: memref<!tpu.dma_semaphore, #tpu.memory_space<semaphore_mem>>, %arg48: memref<!tpu.dma_semaphore, #tpu.memory_space<semaphore_mem>>, %arg49: memref<!tpu.dma_semaphore, #tpu.memory_space<semaphore_mem>>, %arg50: memref<!tpu.dma_semaphore, #tpu.memory_space<semaphore_mem>>, %arg51: memref<!tpu.dma_semaphore, #tpu.memory_space<semaphore_mem>>, %arg52: memref<!tpu.dma_semaphore, #tpu.memory_space<semaphore_mem>>, %arg53: memref<!tpu.dma_semaphore, #tpu.memory_space<semaphore_mem>>, %arg54: memref<!tpu.dma_semaphore, #tpu.memory_space<semaphore_mem>>, %arg55: memref<!tpu.dma_semaphore, #tpu.memory_space<semaphore_mem>>) attributes {dimension_semantics = [#tpu.dimension_semantics<core_parallel>, #tpu.dimension_semantics<subcore_parallel>], iteration_bounds = array<i64: 2, 16>, scalar_prefetch = 0 : i64, scratch_operands = 49 : i64, tpu.core_type = #tpu.core_type<sc_vector_subcore>, window_params = [{transform_indices = #map}, {transform_indices = #map1}, {transform_indices = #map1}, {transform_indices = #map}, {transform_indices = #map}]} {
    %mul3A = arith.constant 2 : i32
    %mul3A_0 = arith.muli %arg1, %mul3A : i32
    %add3A = arith.addi %mul3A_0, %arg0 : i32
    %mul3A_1 = arith.constant 6272 : i32
    %mul3A_2 = arith.muli %arg1, %mul3A_1 : i32
    "tpu.region"() ({
      %run_scoped3A = tpu.sem_alloc : memref<!tpu.dma_semaphore, #tpu.memory_space<semaphore_mem>>
      %dma_start3A_92 = arith.constant 0 : i32
      %dma_start3A_93 = tpu.memref_slice %arg31[%mul3A_2, %dma_start3A_92] : memref<100352x16xf32, #tpu.memory_space<vmem_shared>> -> memref<6272x16xf32, #tpu.memory_space<vmem_shared>>
      tpu.enqueue_dma source(%arg5 : memref<6272x16xf32, #tpu.memory_space<hbm>>) target(%dma_start3A_93 : memref<6272x16xf32, #tpu.memory_space<vmem_shared>>) target_semaphore(%run_scoped3A : memref<!tpu.dma_semaphore, #tpu.memory_space<semaphore_mem>>)
      %dma_wait3A_94 = arith.constant 0 : i32
      %dma_wait3A_95 = tpu.memref_slice %arg31[%mul3A_2, %dma_wait3A_94] : memref<100352x16xf32, #tpu.memory_space<vmem_shared>> -> memref<6272x16xf32, #tpu.memory_space<vmem_shared>>
      tpu.wait_dma2 semaphore(%run_scoped3A : memref<!tpu.dma_semaphore, #tpu.memory_space<semaphore_mem>>) src(%arg5 : memref<6272x16xf32, #tpu.memory_space<hbm>>) dst(%dma_wait3A_95 : memref<6272x16xf32, #tpu.memory_space<vmem_shared>>)
      tpu.yield
    }) : () -> ()
    %barrier3A = arith.constant 0 : index
    tpu.barrier barrier_id(%barrier3A)
    %mul3A_3 = arith.constant 100352 : i32
    %mul3A_4 = arith.muli %add3A, %mul3A_3 : i32
    %scan3A = arith.constant 0 : i32
    %scan3A_5 = arith.constant 0 : i32
    %scan3A_6 = arith.constant 98 : i32
    %scan3A_7 = arith.addi %scan3A_5, %scan3A_6 : i32
    %scan3A_8 = arith.constant 1 : i32
    scf.for %scan3A_92 = %scan3A_5 to %scan3A_7 step %scan3A_8  : i32 {
      %ge3A = arith.constant 1 : i32
      %ge3A_93 = arith.cmpi sge, %scan3A_92, %ge3A : i32
      %convert_element_type3A = arith.extui %ge3A_93 : i1 to i32
      %cond3A = arith.constant 0 : i32
      %cond3A_94 = arith.cmpi ne, %convert_element_type3A, %cond3A : i32
      scf.if %cond3A_94 {
        %dma_wait3A_361 = arith.constant 0 : i32
        %dma_wait3A_362 = arith.constant 0 : i32
        %dma_wait3A_363 = tpu.memref_slice %arg31[%dma_wait3A_361, %dma_wait3A_362] : memref<100352x16xf32, #tpu.memory_space<vmem_shared>> -> memref<100352x16xf32, #tpu.memory_space<vmem_shared>>
        tpu.wait_indirect_dma semaphore(%arg48 : memref<!tpu.dma_semaphore, #tpu.memory_space<semaphore_mem>>) src(%arg23 : memref<128x16xf32, #tpu.memory_space<vmem>>) dst(%dma_wait3A_363 : memref<100352x16xf32, #tpu.memory_space<vmem_shared>>)
      } else {
      }
      %mul3A_95 = arith.constant 8 : i32
      %mul3A_96 = arith.muli %mul3A_95, %scan3A_92 : i32
      %add3A_97 = arith.constant 0 : i32
      %add3A_98 = arith.addi %mul3A_96, %add3A_97 : i32
      %mul3A_99 = arith.constant 128 : i32
      %mul3A_100 = arith.muli %add3A_98, %mul3A_99 : i32
      %add3A_101 = arith.addi %mul3A_4, %mul3A_100 : i32
      %dma_start3A_102 = tpu.memref_slice %arg3[%add3A_101] : memref<3211264xi32, #tpu.memory_space<hbm>> -> memref<128xi32, #tpu.memory_space<hbm>>
      %dma_start3A_103 = tpu.memref_slice %arg3[%add3A_101] : memref<3211264xi32, #tpu.memory_space<hbm>> -> memref<128xi32, #tpu.memory_space<hbm>>
      tpu.enqueue_dma source(%dma_start3A_103 : memref<128xi32, #tpu.memory_space<hbm>>) target(%arg7 : memref<128xi32, #tpu.memory_space<vmem>>) target_semaphore(%arg32 : memref<!tpu.dma_semaphore, #tpu.memory_space<semaphore_mem>>)
      %mul3A_104 = arith.constant 128 : i32
      %mul3A_105 = arith.muli %add3A_98, %mul3A_104 : i32
      %add3A_106 = arith.addi %mul3A_4, %mul3A_105 : i32
      %dma_start3A_107 = tpu.memref_slice %arg4[%add3A_106] : memref<3211264xi32, #tpu.memory_space<hbm>> -> memref<128xi32, #tpu.memory_space<hbm>>
      %dma_start3A_108 = tpu.memref_slice %arg4[%add3A_106] : memref<3211264xi32, #tpu.memory_space<hbm>> -> memref<128xi32, #tpu.memory_space<hbm>>
      tpu.enqueue_dma source(%dma_start3A_108 : memref<128xi32, #tpu.memory_space<hbm>>) target(%arg15 : memref<128xi32, #tpu.memory_space<vmem>>) target_semaphore(%arg32 : memref<!tpu.dma_semaphore, #tpu.memory_space<semaphore_mem>>)
      %ge3A_109 = arith.constant 1 : i32
      %ge3A_110 = arith.cmpi sge, %scan3A_92, %ge3A_109 : i32
      %convert_element_type3A_111 = arith.extui %ge3A_110 : i1 to i32
      %cond3A_112 = arith.constant 0 : i32
      %cond3A_113 = arith.cmpi ne, %convert_element_type3A_111, %cond3A_112 : i32
      scf.if %cond3A_113 {
        %dma_wait3A_361 = arith.constant 0 : i32
        %dma_wait3A_362 = tpu.memref_slice %arg3[%dma_wait3A_361] : memref<3211264xi32, #tpu.memory_space<hbm>> -> memref<128xi32, #tpu.memory_space<hbm>>
        %dma_wait3A_363 = arith.constant 0 : i32
        %dma_wait3A_364 = tpu.memref_slice %arg3[%dma_wait3A_363] : memref<3211264xi32, #tpu.memory_space<hbm>> -> memref<128xi32, #tpu.memory_space<hbm>>
        tpu.wait_dma2 semaphore(%arg38 : memref<!tpu.dma_semaphore, #tpu.memory_space<semaphore_mem>>) src(%dma_wait3A_364 : memref<128xi32, #tpu.memory_space<hbm>>) dst(%arg13 : memref<128xi32, #tpu.memory_space<vmem>>)
        %dma_wait3A_365 = arith.constant 0 : i32
        %dma_wait3A_366 = tpu.memref_slice %arg4[%dma_wait3A_365] : memref<3211264xi32, #tpu.memory_space<hbm>> -> memref<128xi32, #tpu.memory_space<hbm>>
        %dma_wait3A_367 = arith.constant 0 : i32
        %dma_wait3A_368 = tpu.memref_slice %arg4[%dma_wait3A_367] : memref<3211264xi32, #tpu.memory_space<hbm>> -> memref<128xi32, #tpu.memory_space<hbm>>
        tpu.wait_dma2 semaphore(%arg38 : memref<!tpu.dma_semaphore, #tpu.memory_space<semaphore_mem>>) src(%dma_wait3A_368 : memref<128xi32, #tpu.memory_space<hbm>>) dst(%arg21 : memref<128xi32, #tpu.memory_space<vmem>>)
        %dma_start3A_369 = arith.constant 0 : i32
        %dma_start3A_370 = arith.constant 0 : i32
        %dma_start3A_371 = tpu.memref_slice %arg2[%dma_start3A_369, %dma_start3A_370] : memref<100352x16xf32, #tpu.memory_space<hbm>> -> memref<100352x16xf32, #tpu.memory_space<hbm>>
        tpu.enqueue_indirect_dma source(%dma_start3A_371 : memref<100352x16xf32, #tpu.memory_space<hbm>>) target(%arg29 : memref<128x16xf32, #tpu.memory_space<vmem>>) offsets(%arg13 : memref<128xi32, #tpu.memory_space<vmem>>) semaphore(%arg46 : memref<!tpu.dma_semaphore, #tpu.memory_space<semaphore_mem>>)
      } else {
      }
      %ge3A_114 = arith.constant 1 : i32
      %ge3A_115 = arith.cmpi sge, %scan3A_92, %ge3A_114 : i32
      %convert_element_type3A_116 = arith.extui %ge3A_115 : i1 to i32
      %cond3A_117 = arith.constant 0 : i32
      %cond3A_118 = arith.cmpi ne, %convert_element_type3A_116, %cond3A_117 : i32
      scf.if %cond3A_118 {
        %dma_wait3A_361 = arith.constant 0 : i32
        %dma_wait3A_362 = arith.constant 0 : i32
        %dma_wait3A_363 = tpu.memref_slice %arg2[%dma_wait3A_361, %dma_wait3A_362] : memref<100352x16xf32, #tpu.memory_space<hbm>> -> memref<100352x16xf32, #tpu.memory_space<hbm>>
        tpu.wait_indirect_dma semaphore(%arg43 : memref<!tpu.dma_semaphore, #tpu.memory_space<semaphore_mem>>) src(%dma_wait3A_363 : memref<100352x16xf32, #tpu.memory_space<hbm>>) dst(%arg26 : memref<128x16xf32, #tpu.memory_space<vmem>>)
        %dma_start3A_364 = arith.constant 0 : i32
        %dma_start3A_365 = arith.constant 0 : i32
        %dma_start3A_366 = tpu.memref_slice %arg31[%dma_start3A_364, %dma_start3A_365] : memref<100352x16xf32, #tpu.memory_space<vmem_shared>> -> memref<100352x16xf32, #tpu.memory_space<vmem_shared>>
        tpu.enqueue_indirect_dma source(%arg26 : memref<128x16xf32, #tpu.memory_space<vmem>>) target(%dma_start3A_366 : memref<100352x16xf32, #tpu.memory_space<vmem_shared>>) offsets(%arg18 : memref<128xi32, #tpu.memory_space<vmem>>) semaphore(%arg51 : memref<!tpu.dma_semaphore, #tpu.memory_space<semaphore_mem>>) {add = true}
      } else {
      }
      %ge3A_119 = arith.constant 1 : i32
      %ge3A_120 = arith.cmpi sge, %scan3A_92, %ge3A_119 : i32
      %convert_element_type3A_121 = arith.extui %ge3A_120 : i1 to i32
      %cond3A_122 = arith.constant 0 : i32
      %cond3A_123 = arith.cmpi ne, %convert_element_type3A_121, %cond3A_122 : i32
      scf.if %cond3A_123 {
        %dma_wait3A_361 = arith.constant 0 : i32
        %dma_wait3A_362 = arith.constant 0 : i32
        %dma_wait3A_363 = tpu.memref_slice %arg31[%dma_wait3A_361, %dma_wait3A_362] : memref<100352x16xf32, #tpu.memory_space<vmem_shared>> -> memref<100352x16xf32, #tpu.memory_space<vmem_shared>>
        tpu.wait_indirect_dma semaphore(%arg49 : memref<!tpu.dma_semaphore, #tpu.memory_space<semaphore_mem>>) src(%arg24 : memref<128x16xf32, #tpu.memory_space<vmem>>) dst(%dma_wait3A_363 : memref<100352x16xf32, #tpu.memory_space<vmem_shared>>)
      } else {
      }
      %mul3A_124 = arith.constant 8 : i32
      %mul3A_125 = arith.muli %mul3A_124, %scan3A_92 : i32
      %add3A_126 = arith.constant 1 : i32
      %add3A_127 = arith.addi %mul3A_125, %add3A_126 : i32
      %mul3A_128 = arith.constant 128 : i32
      %mul3A_129 = arith.muli %add3A_127, %mul3A_128 : i32
      %add3A_130 = arith.addi %mul3A_4, %mul3A_129 : i32
      %dma_start3A_131 = tpu.memref_slice %arg3[%add3A_130] : memref<3211264xi32, #tpu.memory_space<hbm>> -> memref<128xi32, #tpu.memory_space<hbm>>
      %dma_start3A_132 = tpu.memref_slice %arg3[%add3A_130] : memref<3211264xi32, #tpu.memory_space<hbm>> -> memref<128xi32, #tpu.memory_space<hbm>>
      tpu.enqueue_dma source(%dma_start3A_132 : memref<128xi32, #tpu.memory_space<hbm>>) target(%arg8 : memref<128xi32, #tpu.memory_space<vmem>>) target_semaphore(%arg33 : memref<!tpu.dma_semaphore, #tpu.memory_space<semaphore_mem>>)
      %mul3A_133 = arith.constant 128 : i32
      %mul3A_134 = arith.muli %add3A_127, %mul3A_133 : i32
      %add3A_135 = arith.addi %mul3A_4, %mul3A_134 : i32
      %dma_start3A_136 = tpu.memref_slice %arg4[%add3A_135] : memref<3211264xi32, #tpu.memory_space<hbm>> -> memref<128xi32, #tpu.memory_space<hbm>>
      %dma_start3A_137 = tpu.memref_slice %arg4[%add3A_135] : memref<3211264xi32, #tpu.memory_space<hbm>> -> memref<128xi32, #tpu.memory_space<hbm>>
      tpu.enqueue_dma source(%dma_start3A_137 : memref<128xi32, #tpu.memory_space<hbm>>) target(%arg16 : memref<128xi32, #tpu.memory_space<vmem>>) target_semaphore(%arg33 : memref<!tpu.dma_semaphore, #tpu.memory_space<semaphore_mem>>)
      %ge3A_138 = arith.constant 1 : i32
      %ge3A_139 = arith.cmpi sge, %scan3A_92, %ge3A_138 : i32
      %convert_element_type3A_140 = arith.extui %ge3A_139 : i1 to i32
      %cond3A_141 = arith.constant 0 : i32
      %cond3A_142 = arith.cmpi ne, %convert_element_type3A_140, %cond3A_141 : i32
      scf.if %cond3A_142 {
        %dma_wait3A_361 = arith.constant 0 : i32
        %dma_wait3A_362 = tpu.memref_slice %arg3[%dma_wait3A_361] : memref<3211264xi32, #tpu.memory_space<hbm>> -> memref<128xi32, #tpu.memory_space<hbm>>
        %dma_wait3A_363 = arith.constant 0 : i32
        %dma_wait3A_364 = tpu.memref_slice %arg3[%dma_wait3A_363] : memref<3211264xi32, #tpu.memory_space<hbm>> -> memref<128xi32, #tpu.memory_space<hbm>>
        tpu.wait_dma2 semaphore(%arg39 : memref<!tpu.dma_semaphore, #tpu.memory_space<semaphore_mem>>) src(%dma_wait3A_364 : memref<128xi32, #tpu.memory_space<hbm>>) dst(%arg14 : memref<128xi32, #tpu.memory_space<vmem>>)
        %dma_wait3A_365 = arith.constant 0 : i32
        %dma_wait3A_366 = tpu.memref_slice %arg4[%dma_wait3A_365] : memref<3211264xi32, #tpu.memory_space<hbm>> -> memref<128xi32, #tpu.memory_space<hbm>>
        %dma_wait3A_367 = arith.constant 0 : i32
        %dma_wait3A_368 = tpu.memref_slice %arg4[%dma_wait3A_367] : memref<3211264xi32, #tpu.memory_space<hbm>> -> memref<128xi32, #tpu.memory_space<hbm>>
        tpu.wait_dma2 semaphore(%arg39 : memref<!tpu.dma_semaphore, #tpu.memory_space<semaphore_mem>>) src(%dma_wait3A_368 : memref<128xi32, #tpu.memory_space<hbm>>) dst(%arg22 : memref<128xi32, #tpu.memory_space<vmem>>)
        %dma_start3A_369 = arith.constant 0 : i32
        %dma_start3A_370 = arith.constant 0 : i32
        %dma_start3A_371 = tpu.memref_slice %arg2[%dma_start3A_369, %dma_start3A_370] : memref<100352x16xf32, #tpu.memory_space<hbm>> -> memref<100352x16xf32, #tpu.memory_space<hbm>>
        tpu.enqueue_indirect_dma source(%dma_start3A_371 : memref<100352x16xf32, #tpu.memory_space<hbm>>) target(%arg30 : memref<128x16xf32, #tpu.memory_space<vmem>>) offsets(%arg14 : memref<128xi32, #tpu.memory_space<vmem>>) semaphore(%arg47 : memref<!tpu.dma_semaphore, #tpu.memory_space<semaphore_mem>>)
      } else {
      }
      %ge3A_143 = arith.constant 1 : i32
      %ge3A_144 = arith.cmpi sge, %scan3A_92, %ge3A_143 : i32
      %convert_element_type3A_145 = arith.extui %ge3A_144 : i1 to i32
      %cond3A_146 = arith.constant 0 : i32
      %cond3A_147 = arith.cmpi ne, %convert_element_type3A_145, %cond3A_146 : i32
      scf.if %cond3A_147 {
        %dma_wait3A_361 = arith.constant 0 : i32
        %dma_wait3A_362 = arith.constant 0 : i32
        %dma_wait3A_363 = tpu.memref_slice %arg2[%dma_wait3A_361, %dma_wait3A_362] : memref<100352x16xf32, #tpu.memory_space<hbm>> -> memref<100352x16xf32, #tpu.memory_space<hbm>>
        tpu.wait_indirect_dma semaphore(%arg44 : memref<!tpu.dma_semaphore, #tpu.memory_space<semaphore_mem>>) src(%dma_wait3A_363 : memref<100352x16xf32, #tpu.memory_space<hbm>>) dst(%arg27 : memref<128x16xf32, #tpu.memory_space<vmem>>)
        %dma_start3A_364 = arith.constant 0 : i32
        %dma_start3A_365 = arith.constant 0 : i32
        %dma_start3A_366 = tpu.memref_slice %arg31[%dma_start3A_364, %dma_start3A_365] : memref<100352x16xf32, #tpu.memory_space<vmem_shared>> -> memref<100352x16xf32, #tpu.memory_space<vmem_shared>>
        tpu.enqueue_indirect_dma source(%arg27 : memref<128x16xf32, #tpu.memory_space<vmem>>) target(%dma_start3A_366 : memref<100352x16xf32, #tpu.memory_space<vmem_shared>>) offsets(%arg19 : memref<128xi32, #tpu.memory_space<vmem>>) semaphore(%arg52 : memref<!tpu.dma_semaphore, #tpu.memory_space<semaphore_mem>>) {add = true}
      } else {
      }
      %ge3A_148 = arith.constant 1 : i32
      %ge3A_149 = arith.cmpi sge, %scan3A_92, %ge3A_148 : i32
      %convert_element_type3A_150 = arith.extui %ge3A_149 : i1 to i32
      %cond3A_151 = arith.constant 0 : i32
      %cond3A_152 = arith.cmpi ne, %convert_element_type3A_150, %cond3A_151 : i32
      scf.if %cond3A_152 {
        %dma_wait3A_361 = arith.constant 0 : i32
        %dma_wait3A_362 = arith.constant 0 : i32
        %dma_wait3A_363 = tpu.memref_slice %arg31[%dma_wait3A_361, %dma_wait3A_362] : memref<100352x16xf32, #tpu.memory_space<vmem_shared>> -> memref<100352x16xf32, #tpu.memory_space<vmem_shared>>
        tpu.wait_indirect_dma semaphore(%arg50 : memref<!tpu.dma_semaphore, #tpu.memory_space<semaphore_mem>>) src(%arg25 : memref<128x16xf32, #tpu.memory_space<vmem>>) dst(%dma_wait3A_363 : memref<100352x16xf32, #tpu.memory_space<vmem_shared>>)
      } else {
      }
      %mul3A_153 = arith.constant 8 : i32
      %mul3A_154 = arith.muli %mul3A_153, %scan3A_92 : i32
      %add3A_155 = arith.constant 2 : i32
      %add3A_156 = arith.addi %mul3A_154, %add3A_155 : i32
      %mul3A_157 = arith.constant 128 : i32
      %mul3A_158 = arith.muli %add3A_156, %mul3A_157 : i32
      %add3A_159 = arith.addi %mul3A_4, %mul3A_158 : i32
      %dma_start3A_160 = tpu.memref_slice %arg3[%add3A_159] : memref<3211264xi32, #tpu.memory_space<hbm>> -> memref<128xi32, #tpu.memory_space<hbm>>
      %dma_start3A_161 = tpu.memref_slice %arg3[%add3A_159] : memref<3211264xi32, #tpu.memory_space<hbm>> -> memref<128xi32, #tpu.memory_space<hbm>>
      tpu.enqueue_dma source(%dma_start3A_161 : memref<128xi32, #tpu.memory_space<hbm>>) target(%arg9 : memref<128xi32, #tpu.memory_space<vmem>>) target_semaphore(%arg34 : memref<!tpu.dma_semaphore, #tpu.memory_space<semaphore_mem>>)
      %mul3A_162 = arith.constant 128 : i32
      %mul3A_163 = arith.muli %add3A_156, %mul3A_162 : i32
      %add3A_164 = arith.addi %mul3A_4, %mul3A_163 : i32
      %dma_start3A_165 = tpu.memref_slice %arg4[%add3A_164] : memref<3211264xi32, #tpu.memory_space<hbm>> -> memref<128xi32, #tpu.memory_space<hbm>>
      %dma_start3A_166 = tpu.memref_slice %arg4[%add3A_164] : memref<3211264xi32, #tpu.memory_space<hbm>> -> memref<128xi32, #tpu.memory_space<hbm>>
      tpu.enqueue_dma source(%dma_start3A_166 : memref<128xi32, #tpu.memory_space<hbm>>) target(%arg17 : memref<128xi32, #tpu.memory_space<vmem>>) target_semaphore(%arg34 : memref<!tpu.dma_semaphore, #tpu.memory_space<semaphore_mem>>)
      %dma_wait3A_167 = arith.constant 0 : i32
      %dma_wait3A_168 = tpu.memref_slice %arg3[%dma_wait3A_167] : memref<3211264xi32, #tpu.memory_space<hbm>> -> memref<128xi32, #tpu.memory_space<hbm>>
      %dma_wait3A_169 = arith.constant 0 : i32
      %dma_wait3A_170 = tpu.memref_slice %arg3[%dma_wait3A_169] : memref<3211264xi32, #tpu.memory_space<hbm>> -> memref<128xi32, #tpu.memory_space<hbm>>
      tpu.wait_dma2 semaphore(%arg32 : memref<!tpu.dma_semaphore, #tpu.memory_space<semaphore_mem>>) src(%dma_wait3A_170 : memref<128xi32, #tpu.memory_space<hbm>>) dst(%arg7 : memref<128xi32, #tpu.memory_space<vmem>>)
      %dma_wait3A_171 = arith.constant 0 : i32
      %dma_wait3A_172 = tpu.memref_slice %arg4[%dma_wait3A_171] : memref<3211264xi32, #tpu.memory_space<hbm>> -> memref<128xi32, #tpu.memory_space<hbm>>
      %dma_wait3A_173 = arith.constant 0 : i32
      %dma_wait3A_174 = tpu.memref_slice %arg4[%dma_wait3A_173] : memref<3211264xi32, #tpu.memory_space<hbm>> -> memref<128xi32, #tpu.memory_space<hbm>>
      tpu.wait_dma2 semaphore(%arg32 : memref<!tpu.dma_semaphore, #tpu.memory_space<semaphore_mem>>) src(%dma_wait3A_174 : memref<128xi32, #tpu.memory_space<hbm>>) dst(%arg15 : memref<128xi32, #tpu.memory_space<vmem>>)
      %dma_start3A_175 = arith.constant 0 : i32
      %dma_start3A_176 = arith.constant 0 : i32
      %dma_start3A_177 = tpu.memref_slice %arg2[%dma_start3A_175, %dma_start3A_176] : memref<100352x16xf32, #tpu.memory_space<hbm>> -> memref<100352x16xf32, #tpu.memory_space<hbm>>
      tpu.enqueue_indirect_dma source(%dma_start3A_177 : memref<100352x16xf32, #tpu.memory_space<hbm>>) target(%arg23 : memref<128x16xf32, #tpu.memory_space<vmem>>) offsets(%arg7 : memref<128xi32, #tpu.memory_space<vmem>>) semaphore(%arg40 : memref<!tpu.dma_semaphore, #tpu.memory_space<semaphore_mem>>)
      %ge3A_178 = arith.constant 1 : i32
      %ge3A_179 = arith.cmpi sge, %scan3A_92, %ge3A_178 : i32
      %convert_element_type3A_180 = arith.extui %ge3A_179 : i1 to i32
      %cond3A_181 = arith.constant 0 : i32
      %cond3A_182 = arith.cmpi ne, %convert_element_type3A_180, %cond3A_181 : i32
      scf.if %cond3A_182 {
        %dma_wait3A_361 = arith.constant 0 : i32
        %dma_wait3A_362 = arith.constant 0 : i32
        %dma_wait3A_363 = tpu.memref_slice %arg2[%dma_wait3A_361, %dma_wait3A_362] : memref<100352x16xf32, #tpu.memory_space<hbm>> -> memref<100352x16xf32, #tpu.memory_space<hbm>>
        tpu.wait_indirect_dma semaphore(%arg45 : memref<!tpu.dma_semaphore, #tpu.memory_space<semaphore_mem>>) src(%dma_wait3A_363 : memref<100352x16xf32, #tpu.memory_space<hbm>>) dst(%arg28 : memref<128x16xf32, #tpu.memory_space<vmem>>)
        %dma_start3A_364 = arith.constant 0 : i32
        %dma_start3A_365 = arith.constant 0 : i32
        %dma_start3A_366 = tpu.memref_slice %arg31[%dma_start3A_364, %dma_start3A_365] : memref<100352x16xf32, #tpu.memory_space<vmem_shared>> -> memref<100352x16xf32, #tpu.memory_space<vmem_shared>>
        tpu.enqueue_indirect_dma source(%arg28 : memref<128x16xf32, #tpu.memory_space<vmem>>) target(%dma_start3A_366 : memref<100352x16xf32, #tpu.memory_space<vmem_shared>>) offsets(%arg20 : memref<128xi32, #tpu.memory_space<vmem>>) semaphore(%arg53 : memref<!tpu.dma_semaphore, #tpu.memory_space<semaphore_mem>>) {add = true}
      } else {
      }
      %ge3A_183 = arith.constant 1 : i32
      %ge3A_184 = arith.cmpi sge, %scan3A_92, %ge3A_183 : i32
      %convert_element_type3A_185 = arith.extui %ge3A_184 : i1 to i32
      %cond3A_186 = arith.constant 0 : i32
      %cond3A_187 = arith.cmpi ne, %convert_element_type3A_185, %cond3A_186 : i32
      scf.if %cond3A_187 {
        %dma_wait3A_361 = arith.constant 0 : i32
        %dma_wait3A_362 = arith.constant 0 : i32
        %dma_wait3A_363 = tpu.memref_slice %arg31[%dma_wait3A_361, %dma_wait3A_362] : memref<100352x16xf32, #tpu.memory_space<vmem_shared>> -> memref<100352x16xf32, #tpu.memory_space<vmem_shared>>
        tpu.wait_indirect_dma semaphore(%arg51 : memref<!tpu.dma_semaphore, #tpu.memory_space<semaphore_mem>>) src(%arg26 : memref<128x16xf32, #tpu.memory_space<vmem>>) dst(%dma_wait3A_363 : memref<100352x16xf32, #tpu.memory_space<vmem_shared>>)
      } else {
      }
      %mul3A_188 = arith.constant 8 : i32
      %mul3A_189 = arith.muli %mul3A_188, %scan3A_92 : i32
      %add3A_190 = arith.constant 3 : i32
      %add3A_191 = arith.addi %mul3A_189, %add3A_190 : i32
      %mul3A_192 = arith.constant 128 : i32
      %mul3A_193 = arith.muli %add3A_191, %mul3A_192 : i32
      %add3A_194 = arith.addi %mul3A_4, %mul3A_193 : i32
      %dma_start3A_195 = tpu.memref_slice %arg3[%add3A_194] : memref<3211264xi32, #tpu.memory_space<hbm>> -> memref<128xi32, #tpu.memory_space<hbm>>
      %dma_start3A_196 = tpu.memref_slice %arg3[%add3A_194] : memref<3211264xi32, #tpu.memory_space<hbm>> -> memref<128xi32, #tpu.memory_space<hbm>>
      tpu.enqueue_dma source(%dma_start3A_196 : memref<128xi32, #tpu.memory_space<hbm>>) target(%arg10 : memref<128xi32, #tpu.memory_space<vmem>>) target_semaphore(%arg35 : memref<!tpu.dma_semaphore, #tpu.memory_space<semaphore_mem>>)
      %mul3A_197 = arith.constant 128 : i32
      %mul3A_198 = arith.muli %add3A_191, %mul3A_197 : i32
      %add3A_199 = arith.addi %mul3A_4, %mul3A_198 : i32
      %dma_start3A_200 = tpu.memref_slice %arg4[%add3A_199] : memref<3211264xi32, #tpu.memory_space<hbm>> -> memref<128xi32, #tpu.memory_space<hbm>>
      %dma_start3A_201 = tpu.memref_slice %arg4[%add3A_199] : memref<3211264xi32, #tpu.memory_space<hbm>> -> memref<128xi32, #tpu.memory_space<hbm>>
      tpu.enqueue_dma source(%dma_start3A_201 : memref<128xi32, #tpu.memory_space<hbm>>) target(%arg18 : memref<128xi32, #tpu.memory_space<vmem>>) target_semaphore(%arg35 : memref<!tpu.dma_semaphore, #tpu.memory_space<semaphore_mem>>)
      %dma_wait3A_202 = arith.constant 0 : i32
      %dma_wait3A_203 = tpu.memref_slice %arg3[%dma_wait3A_202] : memref<3211264xi32, #tpu.memory_space<hbm>> -> memref<128xi32, #tpu.memory_space<hbm>>
      %dma_wait3A_204 = arith.constant 0 : i32
      %dma_wait3A_205 = tpu.memref_slice %arg3[%dma_wait3A_204] : memref<3211264xi32, #tpu.memory_space<hbm>> -> memref<128xi32, #tpu.memory_space<hbm>>
      tpu.wait_dma2 semaphore(%arg33 : memref<!tpu.dma_semaphore, #tpu.memory_space<semaphore_mem>>) src(%dma_wait3A_205 : memref<128xi32, #tpu.memory_space<hbm>>) dst(%arg8 : memref<128xi32, #tpu.memory_space<vmem>>)
      %dma_wait3A_206 = arith.constant 0 : i32
      %dma_wait3A_207 = tpu.memref_slice %arg4[%dma_wait3A_206] : memref<3211264xi32, #tpu.memory_space<hbm>> -> memref<128xi32, #tpu.memory_space<hbm>>
      %dma_wait3A_208 = arith.constant 0 : i32
      %dma_wait3A_209 = tpu.memref_slice %arg4[%dma_wait3A_208] : memref<3211264xi32, #tpu.memory_space<hbm>> -> memref<128xi32, #tpu.memory_space<hbm>>
      tpu.wait_dma2 semaphore(%arg33 : memref<!tpu.dma_semaphore, #tpu.memory_space<semaphore_mem>>) src(%dma_wait3A_209 : memref<128xi32, #tpu.memory_space<hbm>>) dst(%arg16 : memref<128xi32, #tpu.memory_space<vmem>>)
      %dma_start3A_210 = arith.constant 0 : i32
      %dma_start3A_211 = arith.constant 0 : i32
      %dma_start3A_212 = tpu.memref_slice %arg2[%dma_start3A_210, %dma_start3A_211] : memref<100352x16xf32, #tpu.memory_space<hbm>> -> memref<100352x16xf32, #tpu.memory_space<hbm>>
      tpu.enqueue_indirect_dma source(%dma_start3A_212 : memref<100352x16xf32, #tpu.memory_space<hbm>>) target(%arg24 : memref<128x16xf32, #tpu.memory_space<vmem>>) offsets(%arg8 : memref<128xi32, #tpu.memory_space<vmem>>) semaphore(%arg41 : memref<!tpu.dma_semaphore, #tpu.memory_space<semaphore_mem>>)
      %ge3A_213 = arith.constant 1 : i32
      %ge3A_214 = arith.cmpi sge, %scan3A_92, %ge3A_213 : i32
      %convert_element_type3A_215 = arith.extui %ge3A_214 : i1 to i32
      %cond3A_216 = arith.constant 0 : i32
      %cond3A_217 = arith.cmpi ne, %convert_element_type3A_215, %cond3A_216 : i32
      scf.if %cond3A_217 {
        %dma_wait3A_361 = arith.constant 0 : i32
        %dma_wait3A_362 = arith.constant 0 : i32
        %dma_wait3A_363 = tpu.memref_slice %arg2[%dma_wait3A_361, %dma_wait3A_362] : memref<100352x16xf32, #tpu.memory_space<hbm>> -> memref<100352x16xf32, #tpu.memory_space<hbm>>
        tpu.wait_indirect_dma semaphore(%arg46 : memref<!tpu.dma_semaphore, #tpu.memory_space<semaphore_mem>>) src(%dma_wait3A_363 : memref<100352x16xf32, #tpu.memory_space<hbm>>) dst(%arg29 : memref<128x16xf32, #tpu.memory_space<vmem>>)
        %dma_start3A_364 = arith.constant 0 : i32
        %dma_start3A_365 = arith.constant 0 : i32
        %dma_start3A_366 = tpu.memref_slice %arg31[%dma_start3A_364, %dma_start3A_365] : memref<100352x16xf32, #tpu.memory_space<vmem_shared>> -> memref<100352x16xf32, #tpu.memory_space<vmem_shared>>
        tpu.enqueue_indirect_dma source(%arg29 : memref<128x16xf32, #tpu.memory_space<vmem>>) target(%dma_start3A_366 : memref<100352x16xf32, #tpu.memory_space<vmem_shared>>) offsets(%arg21 : memref<128xi32, #tpu.memory_space<vmem>>) semaphore(%arg54 : memref<!tpu.dma_semaphore, #tpu.memory_space<semaphore_mem>>) {add = true}
      } else {
      }
      %ge3A_218 = arith.constant 1 : i32
      %ge3A_219 = arith.cmpi sge, %scan3A_92, %ge3A_218 : i32
      %convert_element_type3A_220 = arith.extui %ge3A_219 : i1 to i32
      %cond3A_221 = arith.constant 0 : i32
      %cond3A_222 = arith.cmpi ne, %convert_element_type3A_220, %cond3A_221 : i32
      scf.if %cond3A_222 {
        %dma_wait3A_361 = arith.constant 0 : i32
        %dma_wait3A_362 = arith.constant 0 : i32
        %dma_wait3A_363 = tpu.memref_slice %arg31[%dma_wait3A_361, %dma_wait3A_362] : memref<100352x16xf32, #tpu.memory_space<vmem_shared>> -> memref<100352x16xf32, #tpu.memory_space<vmem_shared>>
        tpu.wait_indirect_dma semaphore(%arg52 : memref<!tpu.dma_semaphore, #tpu.memory_space<semaphore_mem>>) src(%arg27 : memref<128x16xf32, #tpu.memory_space<vmem>>) dst(%dma_wait3A_363 : memref<100352x16xf32, #tpu.memory_space<vmem_shared>>)
      } else {
      }
      %mul3A_223 = arith.constant 8 : i32
      %mul3A_224 = arith.muli %mul3A_223, %scan3A_92 : i32
      %add3A_225 = arith.constant 4 : i32
      %add3A_226 = arith.addi %mul3A_224, %add3A_225 : i32
      %mul3A_227 = arith.constant 128 : i32
      %mul3A_228 = arith.muli %add3A_226, %mul3A_227 : i32
      %add3A_229 = arith.addi %mul3A_4, %mul3A_228 : i32
      %dma_start3A_230 = tpu.memref_slice %arg3[%add3A_229] : memref<3211264xi32, #tpu.memory_space<hbm>> -> memref<128xi32, #tpu.memory_space<hbm>>
      %dma_start3A_231 = tpu.memref_slice %arg3[%add3A_229] : memref<3211264xi32, #tpu.memory_space<hbm>> -> memref<128xi32, #tpu.memory_space<hbm>>
      tpu.enqueue_dma source(%dma_start3A_231 : memref<128xi32, #tpu.memory_space<hbm>>) target(%arg11 : memref<128xi32, #tpu.memory_space<vmem>>) target_semaphore(%arg36 : memref<!tpu.dma_semaphore, #tpu.memory_space<semaphore_mem>>)
      %mul3A_232 = arith.constant 128 : i32
      %mul3A_233 = arith.muli %add3A_226, %mul3A_232 : i32
      %add3A_234 = arith.addi %mul3A_4, %mul3A_233 : i32
      %dma_start3A_235 = tpu.memref_slice %arg4[%add3A_234] : memref<3211264xi32, #tpu.memory_space<hbm>> -> memref<128xi32, #tpu.memory_space<hbm>>
      %dma_start3A_236 = tpu.memref_slice %arg4[%add3A_234] : memref<3211264xi32, #tpu.memory_space<hbm>> -> memref<128xi32, #tpu.memory_space<hbm>>
      tpu.enqueue_dma source(%dma_start3A_236 : memref<128xi32, #tpu.memory_space<hbm>>) target(%arg19 : memref<128xi32, #tpu.memory_space<vmem>>) target_semaphore(%arg36 : memref<!tpu.dma_semaphore, #tpu.memory_space<semaphore_mem>>)
      %dma_wait3A_237 = arith.constant 0 : i32
      %dma_wait3A_238 = tpu.memref_slice %arg3[%dma_wait3A_237] : memref<3211264xi32, #tpu.memory_space<hbm>> -> memref<128xi32, #tpu.memory_space<hbm>>
      %dma_wait3A_239 = arith.constant 0 : i32
      %dma_wait3A_240 = tpu.memref_slice %arg3[%dma_wait3A_239] : memref<3211264xi32, #tpu.memory_space<hbm>> -> memref<128xi32, #tpu.memory_space<hbm>>
      tpu.wait_dma2 semaphore(%arg34 : memref<!tpu.dma_semaphore, #tpu.memory_space<semaphore_mem>>) src(%dma_wait3A_240 : memref<128xi32, #tpu.memory_space<hbm>>) dst(%arg9 : memref<128xi32, #tpu.memory_space<vmem>>)
      %dma_wait3A_241 = arith.constant 0 : i32
      %dma_wait3A_242 = tpu.memref_slice %arg4[%dma_wait3A_241] : memref<3211264xi32, #tpu.memory_space<hbm>> -> memref<128xi32, #tpu.memory_space<hbm>>
      %dma_wait3A_243 = arith.constant 0 : i32
      %dma_wait3A_244 = tpu.memref_slice %arg4[%dma_wait3A_243] : memref<3211264xi32, #tpu.memory_space<hbm>> -> memref<128xi32, #tpu.memory_space<hbm>>
      tpu.wait_dma2 semaphore(%arg34 : memref<!tpu.dma_semaphore, #tpu.memory_space<semaphore_mem>>) src(%dma_wait3A_244 : memref<128xi32, #tpu.memory_space<hbm>>) dst(%arg17 : memref<128xi32, #tpu.memory_space<vmem>>)
      %dma_start3A_245 = arith.constant 0 : i32
      %dma_start3A_246 = arith.constant 0 : i32
      %dma_start3A_247 = tpu.memref_slice %arg2[%dma_start3A_245, %dma_start3A_246] : memref<100352x16xf32, #tpu.memory_space<hbm>> -> memref<100352x16xf32, #tpu.memory_space<hbm>>
      tpu.enqueue_indirect_dma source(%dma_start3A_247 : memref<100352x16xf32, #tpu.memory_space<hbm>>) target(%arg25 : memref<128x16xf32, #tpu.memory_space<vmem>>) offsets(%arg9 : memref<128xi32, #tpu.memory_space<vmem>>) semaphore(%arg42 : memref<!tpu.dma_semaphore, #tpu.memory_space<semaphore_mem>>)
      %ge3A_248 = arith.constant 1 : i32
      %ge3A_249 = arith.cmpi sge, %scan3A_92, %ge3A_248 : i32
      %convert_element_type3A_250 = arith.extui %ge3A_249 : i1 to i32
      %cond3A_251 = arith.constant 0 : i32
      %cond3A_252 = arith.cmpi ne, %convert_element_type3A_250, %cond3A_251 : i32
      scf.if %cond3A_252 {
        %dma_wait3A_361 = arith.constant 0 : i32
        %dma_wait3A_362 = arith.constant 0 : i32
        %dma_wait3A_363 = tpu.memref_slice %arg2[%dma_wait3A_361, %dma_wait3A_362] : memref<100352x16xf32, #tpu.memory_space<hbm>> -> memref<100352x16xf32, #tpu.memory_space<hbm>>
        tpu.wait_indirect_dma semaphore(%arg47 : memref<!tpu.dma_semaphore, #tpu.memory_space<semaphore_mem>>) src(%dma_wait3A_363 : memref<100352x16xf32, #tpu.memory_space<hbm>>) dst(%arg30 : memref<128x16xf32, #tpu.memory_space<vmem>>)
        %dma_start3A_364 = arith.constant 0 : i32
        %dma_start3A_365 = arith.constant 0 : i32
        %dma_start3A_366 = tpu.memref_slice %arg31[%dma_start3A_364, %dma_start3A_365] : memref<100352x16xf32, #tpu.memory_space<vmem_shared>> -> memref<100352x16xf32, #tpu.memory_space<vmem_shared>>
        tpu.enqueue_indirect_dma source(%arg30 : memref<128x16xf32, #tpu.memory_space<vmem>>) target(%dma_start3A_366 : memref<100352x16xf32, #tpu.memory_space<vmem_shared>>) offsets(%arg22 : memref<128xi32, #tpu.memory_space<vmem>>) semaphore(%arg55 : memref<!tpu.dma_semaphore, #tpu.memory_space<semaphore_mem>>) {add = true}
      } else {
      }
      %ge3A_253 = arith.constant 1 : i32
      %ge3A_254 = arith.cmpi sge, %scan3A_92, %ge3A_253 : i32
      %convert_element_type3A_255 = arith.extui %ge3A_254 : i1 to i32
      %cond3A_256 = arith.constant 0 : i32
      %cond3A_257 = arith.cmpi ne, %convert_element_type3A_255, %cond3A_256 : i32
      scf.if %cond3A_257 {
        %dma_wait3A_361 = arith.constant 0 : i32
        %dma_wait3A_362 = arith.constant 0 : i32
        %dma_wait3A_363 = tpu.memref_slice %arg31[%dma_wait3A_361, %dma_wait3A_362] : memref<100352x16xf32, #tpu.memory_space<vmem_shared>> -> memref<100352x16xf32, #tpu.memory_space<vmem_shared>>
        tpu.wait_indirect_dma semaphore(%arg53 : memref<!tpu.dma_semaphore, #tpu.memory_space<semaphore_mem>>) src(%arg28 : memref<128x16xf32, #tpu.memory_space<vmem>>) dst(%dma_wait3A_363 : memref<100352x16xf32, #tpu.memory_space<vmem_shared>>)
      } else {
      }
      %mul3A_258 = arith.constant 8 : i32
      %mul3A_259 = arith.muli %mul3A_258, %scan3A_92 : i32
      %add3A_260 = arith.constant 5 : i32
      %add3A_261 = arith.addi %mul3A_259, %add3A_260 : i32
      %mul3A_262 = arith.constant 128 : i32
      %mul3A_263 = arith.muli %add3A_261, %mul3A_262 : i32
      %add3A_264 = arith.addi %mul3A_4, %mul3A_263 : i32
      %dma_start3A_265 = tpu.memref_slice %arg3[%add3A_264] : memref<3211264xi32, #tpu.memory_space<hbm>> -> memref<128xi32, #tpu.memory_space<hbm>>
      %dma_start3A_266 = tpu.memref_slice %arg3[%add3A_264] : memref<3211264xi32, #tpu.memory_space<hbm>> -> memref<128xi32, #tpu.memory_space<hbm>>
      tpu.enqueue_dma source(%dma_start3A_266 : memref<128xi32, #tpu.memory_space<hbm>>) target(%arg12 : memref<128xi32, #tpu.memory_space<vmem>>) target_semaphore(%arg37 : memref<!tpu.dma_semaphore, #tpu.memory_space<semaphore_mem>>)
      %mul3A_267 = arith.constant 128 : i32
      %mul3A_268 = arith.muli %add3A_261, %mul3A_267 : i32
      %add3A_269 = arith.addi %mul3A_4, %mul3A_268 : i32
      %dma_start3A_270 = tpu.memref_slice %arg4[%add3A_269] : memref<3211264xi32, #tpu.memory_space<hbm>> -> memref<128xi32, #tpu.memory_space<hbm>>
      %dma_start3A_271 = tpu.memref_slice %arg4[%add3A_269] : memref<3211264xi32, #tpu.memory_space<hbm>> -> memref<128xi32, #tpu.memory_space<hbm>>
      tpu.enqueue_dma source(%dma_start3A_271 : memref<128xi32, #tpu.memory_space<hbm>>) target(%arg20 : memref<128xi32, #tpu.memory_space<vmem>>) target_semaphore(%arg37 : memref<!tpu.dma_semaphore, #tpu.memory_space<semaphore_mem>>)
      %dma_wait3A_272 = arith.constant 0 : i32
      %dma_wait3A_273 = tpu.memref_slice %arg3[%dma_wait3A_272] : memref<3211264xi32, #tpu.memory_space<hbm>> -> memref<128xi32, #tpu.memory_space<hbm>>
      %dma_wait3A_274 = arith.constant 0 : i32
      %dma_wait3A_275 = tpu.memref_slice %arg3[%dma_wait3A_274] : memref<3211264xi32, #tpu.memory_space<hbm>> -> memref<128xi32, #tpu.memory_space<hbm>>
      tpu.wait_dma2 semaphore(%arg35 : memref<!tpu.dma_semaphore, #tpu.memory_space<semaphore_mem>>) src(%dma_wait3A_275 : memref<128xi32, #tpu.memory_space<hbm>>) dst(%arg10 : memref<128xi32, #tpu.memory_space<vmem>>)
      %dma_wait3A_276 = arith.constant 0 : i32
      %dma_wait3A_277 = tpu.memref_slice %arg4[%dma_wait3A_276] : memref<3211264xi32, #tpu.memory_space<hbm>> -> memref<128xi32, #tpu.memory_space<hbm>>
      %dma_wait3A_278 = arith.constant 0 : i32
      %dma_wait3A_279 = tpu.memref_slice %arg4[%dma_wait3A_278] : memref<3211264xi32, #tpu.memory_space<hbm>> -> memref<128xi32, #tpu.memory_space<hbm>>
      tpu.wait_dma2 semaphore(%arg35 : memref<!tpu.dma_semaphore, #tpu.memory_space<semaphore_mem>>) src(%dma_wait3A_279 : memref<128xi32, #tpu.memory_space<hbm>>) dst(%arg18 : memref<128xi32, #tpu.memory_space<vmem>>)
      %dma_start3A_280 = arith.constant 0 : i32
      %dma_start3A_281 = arith.constant 0 : i32
      %dma_start3A_282 = tpu.memref_slice %arg2[%dma_start3A_280, %dma_start3A_281] : memref<100352x16xf32, #tpu.memory_space<hbm>> -> memref<100352x16xf32, #tpu.memory_space<hbm>>
      tpu.enqueue_indirect_dma source(%dma_start3A_282 : memref<100352x16xf32, #tpu.memory_space<hbm>>) target(%arg26 : memref<128x16xf32, #tpu.memory_space<vmem>>) offsets(%arg10 : memref<128xi32, #tpu.memory_space<vmem>>) semaphore(%arg43 : memref<!tpu.dma_semaphore, #tpu.memory_space<semaphore_mem>>)
      %dma_wait3A_283 = arith.constant 0 : i32
      %dma_wait3A_284 = arith.constant 0 : i32
      %dma_wait3A_285 = tpu.memref_slice %arg2[%dma_wait3A_283, %dma_wait3A_284] : memref<100352x16xf32, #tpu.memory_space<hbm>> -> memref<100352x16xf32, #tpu.memory_space<hbm>>
      tpu.wait_indirect_dma semaphore(%arg40 : memref<!tpu.dma_semaphore, #tpu.memory_space<semaphore_mem>>) src(%dma_wait3A_285 : memref<100352x16xf32, #tpu.memory_space<hbm>>) dst(%arg23 : memref<128x16xf32, #tpu.memory_space<vmem>>)
      %dma_start3A_286 = arith.constant 0 : i32
      %dma_start3A_287 = arith.constant 0 : i32
      %dma_start3A_288 = tpu.memref_slice %arg31[%dma_start3A_286, %dma_start3A_287] : memref<100352x16xf32, #tpu.memory_space<vmem_shared>> -> memref<100352x16xf32, #tpu.memory_space<vmem_shared>>
      tpu.enqueue_indirect_dma source(%arg23 : memref<128x16xf32, #tpu.memory_space<vmem>>) target(%dma_start3A_288 : memref<100352x16xf32, #tpu.memory_space<vmem_shared>>) offsets(%arg15 : memref<128xi32, #tpu.memory_space<vmem>>) semaphore(%arg48 : memref<!tpu.dma_semaphore, #tpu.memory_space<semaphore_mem>>) {add = true}
      %ge3A_289 = arith.constant 1 : i32
      %ge3A_290 = arith.cmpi sge, %scan3A_92, %ge3A_289 : i32
      %convert_element_type3A_291 = arith.extui %ge3A_290 : i1 to i32
      %cond3A_292 = arith.constant 0 : i32
      %cond3A_293 = arith.cmpi ne, %convert_element_type3A_291, %cond3A_292 : i32
      scf.if %cond3A_293 {
        %dma_wait3A_361 = arith.constant 0 : i32
        %dma_wait3A_362 = arith.constant 0 : i32
        %dma_wait3A_363 = tpu.memref_slice %arg31[%dma_wait3A_361, %dma_wait3A_362] : memref<100352x16xf32, #tpu.memory_space<vmem_shared>> -> memref<100352x16xf32, #tpu.memory_space<vmem_shared>>
        tpu.wait_indirect_dma semaphore(%arg54 : memref<!tpu.dma_semaphore, #tpu.memory_space<semaphore_mem>>) src(%arg29 : memref<128x16xf32, #tpu.memory_space<vmem>>) dst(%dma_wait3A_363 : memref<100352x16xf32, #tpu.memory_space<vmem_shared>>)
      } else {
      }
      %mul3A_294 = arith.constant 8 : i32
      %mul3A_295 = arith.muli %mul3A_294, %scan3A_92 : i32
      %add3A_296 = arith.constant 6 : i32
      %add3A_297 = arith.addi %mul3A_295, %add3A_296 : i32
      %mul3A_298 = arith.constant 128 : i32
      %mul3A_299 = arith.muli %add3A_297, %mul3A_298 : i32
      %add3A_300 = arith.addi %mul3A_4, %mul3A_299 : i32
      %dma_start3A_301 = tpu.memref_slice %arg3[%add3A_300] : memref<3211264xi32, #tpu.memory_space<hbm>> -> memref<128xi32, #tpu.memory_space<hbm>>
      %dma_start3A_302 = tpu.memref_slice %arg3[%add3A_300] : memref<3211264xi32, #tpu.memory_space<hbm>> -> memref<128xi32, #tpu.memory_space<hbm>>
      tpu.enqueue_dma source(%dma_start3A_302 : memref<128xi32, #tpu.memory_space<hbm>>) target(%arg13 : memref<128xi32, #tpu.memory_space<vmem>>) target_semaphore(%arg38 : memref<!tpu.dma_semaphore, #tpu.memory_space<semaphore_mem>>)
      %mul3A_303 = arith.constant 128 : i32
      %mul3A_304 = arith.muli %add3A_297, %mul3A_303 : i32
      %add3A_305 = arith.addi %mul3A_4, %mul3A_304 : i32
      %dma_start3A_306 = tpu.memref_slice %arg4[%add3A_305] : memref<3211264xi32, #tpu.memory_space<hbm>> -> memref<128xi32, #tpu.memory_space<hbm>>
      %dma_start3A_307 = tpu.memref_slice %arg4[%add3A_305] : memref<3211264xi32, #tpu.memory_space<hbm>> -> memref<128xi32, #tpu.memory_space<hbm>>
      tpu.enqueue_dma source(%dma_start3A_307 : memref<128xi32, #tpu.memory_space<hbm>>) target(%arg21 : memref<128xi32, #tpu.memory_space<vmem>>) target_semaphore(%arg38 : memref<!tpu.dma_semaphore, #tpu.memory_space<semaphore_mem>>)
      %dma_wait3A_308 = arith.constant 0 : i32
      %dma_wait3A_309 = tpu.memref_slice %arg3[%dma_wait3A_308] : memref<3211264xi32, #tpu.memory_space<hbm>> -> memref<128xi32, #tpu.memory_space<hbm>>
      %dma_wait3A_310 = arith.constant 0 : i32
      %dma_wait3A_311 = tpu.memref_slice %arg3[%dma_wait3A_310] : memref<3211264xi32, #tpu.memory_space<hbm>> -> memref<128xi32, #tpu.memory_space<hbm>>
      tpu.wait_dma2 semaphore(%arg36 : memref<!tpu.dma_semaphore, #tpu.memory_space<semaphore_mem>>) src(%dma_wait3A_311 : memref<128xi32, #tpu.memory_space<hbm>>) dst(%arg11 : memref<128xi32, #tpu.memory_space<vmem>>)
      %dma_wait3A_312 = arith.constant 0 : i32
      %dma_wait3A_313 = tpu.memref_slice %arg4[%dma_wait3A_312] : memref<3211264xi32, #tpu.memory_space<hbm>> -> memref<128xi32, #tpu.memory_space<hbm>>
      %dma_wait3A_314 = arith.constant 0 : i32
      %dma_wait3A_315 = tpu.memref_slice %arg4[%dma_wait3A_314] : memref<3211264xi32, #tpu.memory_space<hbm>> -> memref<128xi32, #tpu.memory_space<hbm>>
      tpu.wait_dma2 semaphore(%arg36 : memref<!tpu.dma_semaphore, #tpu.memory_space<semaphore_mem>>) src(%dma_wait3A_315 : memref<128xi32, #tpu.memory_space<hbm>>) dst(%arg19 : memref<128xi32, #tpu.memory_space<vmem>>)
      %dma_start3A_316 = arith.constant 0 : i32
      %dma_start3A_317 = arith.constant 0 : i32
      %dma_start3A_318 = tpu.memref_slice %arg2[%dma_start3A_316, %dma_start3A_317] : memref<100352x16xf32, #tpu.memory_space<hbm>> -> memref<100352x16xf32, #tpu.memory_space<hbm>>
      tpu.enqueue_indirect_dma source(%dma_start3A_318 : memref<100352x16xf32, #tpu.memory_space<hbm>>) target(%arg27 : memref<128x16xf32, #tpu.memory_space<vmem>>) offsets(%arg11 : memref<128xi32, #tpu.memory_space<vmem>>) semaphore(%arg44 : memref<!tpu.dma_semaphore, #tpu.memory_space<semaphore_mem>>)
      %dma_wait3A_319 = arith.constant 0 : i32
      %dma_wait3A_320 = arith.constant 0 : i32
      %dma_wait3A_321 = tpu.memref_slice %arg2[%dma_wait3A_319, %dma_wait3A_320] : memref<100352x16xf32, #tpu.memory_space<hbm>> -> memref<100352x16xf32, #tpu.memory_space<hbm>>
      tpu.wait_indirect_dma semaphore(%arg41 : memref<!tpu.dma_semaphore, #tpu.memory_space<semaphore_mem>>) src(%dma_wait3A_321 : memref<100352x16xf32, #tpu.memory_space<hbm>>) dst(%arg24 : memref<128x16xf32, #tpu.memory_space<vmem>>)
      %dma_start3A_322 = arith.constant 0 : i32
      %dma_start3A_323 = arith.constant 0 : i32
      %dma_start3A_324 = tpu.memref_slice %arg31[%dma_start3A_322, %dma_start3A_323] : memref<100352x16xf32, #tpu.memory_space<vmem_shared>> -> memref<100352x16xf32, #tpu.memory_space<vmem_shared>>
      tpu.enqueue_indirect_dma source(%arg24 : memref<128x16xf32, #tpu.memory_space<vmem>>) target(%dma_start3A_324 : memref<100352x16xf32, #tpu.memory_space<vmem_shared>>) offsets(%arg16 : memref<128xi32, #tpu.memory_space<vmem>>) semaphore(%arg49 : memref<!tpu.dma_semaphore, #tpu.memory_space<semaphore_mem>>) {add = true}
      %ge3A_325 = arith.constant 1 : i32
      %ge3A_326 = arith.cmpi sge, %scan3A_92, %ge3A_325 : i32
      %convert_element_type3A_327 = arith.extui %ge3A_326 : i1 to i32
      %cond3A_328 = arith.constant 0 : i32
      %cond3A_329 = arith.cmpi ne, %convert_element_type3A_327, %cond3A_328 : i32
      scf.if %cond3A_329 {
        %dma_wait3A_361 = arith.constant 0 : i32
        %dma_wait3A_362 = arith.constant 0 : i32
        %dma_wait3A_363 = tpu.memref_slice %arg31[%dma_wait3A_361, %dma_wait3A_362] : memref<100352x16xf32, #tpu.memory_space<vmem_shared>> -> memref<100352x16xf32, #tpu.memory_space<vmem_shared>>
        tpu.wait_indirect_dma semaphore(%arg55 : memref<!tpu.dma_semaphore, #tpu.memory_space<semaphore_mem>>) src(%arg30 : memref<128x16xf32, #tpu.memory_space<vmem>>) dst(%dma_wait3A_363 : memref<100352x16xf32, #tpu.memory_space<vmem_shared>>)
      } else {
      }
      %mul3A_330 = arith.constant 8 : i32
      %mul3A_331 = arith.muli %mul3A_330, %scan3A_92 : i32
      %add3A_332 = arith.constant 7 : i32
      %add3A_333 = arith.addi %mul3A_331, %add3A_332 : i32
      %mul3A_334 = arith.constant 128 : i32
      %mul3A_335 = arith.muli %add3A_333, %mul3A_334 : i32
      %add3A_336 = arith.addi %mul3A_4, %mul3A_335 : i32
      %dma_start3A_337 = tpu.memref_slice %arg3[%add3A_336] : memref<3211264xi32, #tpu.memory_space<hbm>> -> memref<128xi32, #tpu.memory_space<hbm>>
      %dma_start3A_338 = tpu.memref_slice %arg3[%add3A_336] : memref<3211264xi32, #tpu.memory_space<hbm>> -> memref<128xi32, #tpu.memory_space<hbm>>
      tpu.enqueue_dma source(%dma_start3A_338 : memref<128xi32, #tpu.memory_space<hbm>>) target(%arg14 : memref<128xi32, #tpu.memory_space<vmem>>) target_semaphore(%arg39 : memref<!tpu.dma_semaphore, #tpu.memory_space<semaphore_mem>>)
      %mul3A_339 = arith.constant 128 : i32
      %mul3A_340 = arith.muli %add3A_333, %mul3A_339 : i32
      %add3A_341 = arith.addi %mul3A_4, %mul3A_340 : i32
      %dma_start3A_342 = tpu.memref_slice %arg4[%add3A_341] : memref<3211264xi32, #tpu.memory_space<hbm>> -> memref<128xi32, #tpu.memory_space<hbm>>
      %dma_start3A_343 = tpu.memref_slice %arg4[%add3A_341] : memref<3211264xi32, #tpu.memory_space<hbm>> -> memref<128xi32, #tpu.memory_space<hbm>>
      tpu.enqueue_dma source(%dma_start3A_343 : memref<128xi32, #tpu.memory_space<hbm>>) target(%arg22 : memref<128xi32, #tpu.memory_space<vmem>>) target_semaphore(%arg39 : memref<!tpu.dma_semaphore, #tpu.memory_space<semaphore_mem>>)
      %dma_wait3A_344 = arith.constant 0 : i32
      %dma_wait3A_345 = tpu.memref_slice %arg3[%dma_wait3A_344] : memref<3211264xi32, #tpu.memory_space<hbm>> -> memref<128xi32, #tpu.memory_space<hbm>>
      %dma_wait3A_346 = arith.constant 0 : i32
      %dma_wait3A_347 = tpu.memref_slice %arg3[%dma_wait3A_346] : memref<3211264xi32, #tpu.memory_space<hbm>> -> memref<128xi32, #tpu.memory_space<hbm>>
      tpu.wait_dma2 semaphore(%arg37 : memref<!tpu.dma_semaphore, #tpu.memory_space<semaphore_mem>>) src(%dma_wait3A_347 : memref<128xi32, #tpu.memory_space<hbm>>) dst(%arg12 : memref<128xi32, #tpu.memory_space<vmem>>)
      %dma_wait3A_348 = arith.constant 0 : i32
      %dma_wait3A_349 = tpu.memref_slice %arg4[%dma_wait3A_348] : memref<3211264xi32, #tpu.memory_space<hbm>> -> memref<128xi32, #tpu.memory_space<hbm>>
      %dma_wait3A_350 = arith.constant 0 : i32
      %dma_wait3A_351 = tpu.memref_slice %arg4[%dma_wait3A_350] : memref<3211264xi32, #tpu.memory_space<hbm>> -> memref<128xi32, #tpu.memory_space<hbm>>
      tpu.wait_dma2 semaphore(%arg37 : memref<!tpu.dma_semaphore, #tpu.memory_space<semaphore_mem>>) src(%dma_wait3A_351 : memref<128xi32, #tpu.memory_space<hbm>>) dst(%arg20 : memref<128xi32, #tpu.memory_space<vmem>>)
      %dma_start3A_352 = arith.constant 0 : i32
      %dma_start3A_353 = arith.constant 0 : i32
      %dma_start3A_354 = tpu.memref_slice %arg2[%dma_start3A_352, %dma_start3A_353] : memref<100352x16xf32, #tpu.memory_space<hbm>> -> memref<100352x16xf32, #tpu.memory_space<hbm>>
      tpu.enqueue_indirect_dma source(%dma_start3A_354 : memref<100352x16xf32, #tpu.memory_space<hbm>>) target(%arg28 : memref<128x16xf32, #tpu.memory_space<vmem>>) offsets(%arg12 : memref<128xi32, #tpu.memory_space<vmem>>) semaphore(%arg45 : memref<!tpu.dma_semaphore, #tpu.memory_space<semaphore_mem>>)
      %dma_wait3A_355 = arith.constant 0 : i32
      %dma_wait3A_356 = arith.constant 0 : i32
      %dma_wait3A_357 = tpu.memref_slice %arg2[%dma_wait3A_355, %dma_wait3A_356] : memref<100352x16xf32, #tpu.memory_space<hbm>> -> memref<100352x16xf32, #tpu.memory_space<hbm>>
      tpu.wait_indirect_dma semaphore(%arg42 : memref<!tpu.dma_semaphore, #tpu.memory_space<semaphore_mem>>) src(%dma_wait3A_357 : memref<100352x16xf32, #tpu.memory_space<hbm>>) dst(%arg25 : memref<128x16xf32, #tpu.memory_space<vmem>>)
      %dma_start3A_358 = arith.constant 0 : i32
      %dma_start3A_359 = arith.constant 0 : i32
      %dma_start3A_360 = tpu.memref_slice %arg31[%dma_start3A_358, %dma_start3A_359] : memref<100352x16xf32, #tpu.memory_space<vmem_shared>> -> memref<100352x16xf32, #tpu.memory_space<vmem_shared>>
      tpu.enqueue_indirect_dma source(%arg25 : memref<128x16xf32, #tpu.memory_space<vmem>>) target(%dma_start3A_360 : memref<100352x16xf32, #tpu.memory_space<vmem_shared>>) offsets(%arg17 : memref<128xi32, #tpu.memory_space<vmem>>) semaphore(%arg50 : memref<!tpu.dma_semaphore, #tpu.memory_space<semaphore_mem>>) {add = true}
    }
    %scan3A_9 = arith.constant 98 : i32
    %dma_wait3A = arith.constant 0 : i32
    %dma_wait3A_10 = tpu.memref_slice %arg3[%dma_wait3A] : memref<3211264xi32, #tpu.memory_space<hbm>> -> memref<128xi32, #tpu.memory_space<hbm>>
    %dma_wait3A_11 = arith.constant 0 : i32
    %dma_wait3A_12 = tpu.memref_slice %arg3[%dma_wait3A_11] : memref<3211264xi32, #tpu.memory_space<hbm>> -> memref<128xi32, #tpu.memory_space<hbm>>
    tpu.wait_dma2 semaphore(%arg38 : memref<!tpu.dma_semaphore, #tpu.memory_space<semaphore_mem>>) src(%dma_wait3A_12 : memref<128xi32, #tpu.memory_space<hbm>>) dst(%arg13 : memref<128xi32, #tpu.memory_space<vmem>>)
    %dma_wait3A_13 = arith.constant 0 : i32
    %dma_wait3A_14 = tpu.memref_slice %arg4[%dma_wait3A_13] : memref<3211264xi32, #tpu.memory_space<hbm>> -> memref<128xi32, #tpu.memory_space<hbm>>
    %dma_wait3A_15 = arith.constant 0 : i32
    %dma_wait3A_16 = tpu.memref_slice %arg4[%dma_wait3A_15] : memref<3211264xi32, #tpu.memory_space<hbm>> -> memref<128xi32, #tpu.memory_space<hbm>>
    tpu.wait_dma2 semaphore(%arg38 : memref<!tpu.dma_semaphore, #tpu.memory_space<semaphore_mem>>) src(%dma_wait3A_16 : memref<128xi32, #tpu.memory_space<hbm>>) dst(%arg21 : memref<128xi32, #tpu.memory_space<vmem>>)
    %dma_start3A = arith.constant 0 : i32
    %dma_start3A_17 = arith.constant 0 : i32
    %dma_start3A_18 = tpu.memref_slice %arg2[%dma_start3A, %dma_start3A_17] : memref<100352x16xf32, #tpu.memory_space<hbm>> -> memref<100352x16xf32, #tpu.memory_space<hbm>>
    tpu.enqueue_indirect_dma source(%dma_start3A_18 : memref<100352x16xf32, #tpu.memory_space<hbm>>) target(%arg29 : memref<128x16xf32, #tpu.memory_space<vmem>>) offsets(%arg13 : memref<128xi32, #tpu.memory_space<vmem>>) semaphore(%arg46 : memref<!tpu.dma_semaphore, #tpu.memory_space<semaphore_mem>>)
    %dma_wait3A_19 = arith.constant 0 : i32
    %dma_wait3A_20 = tpu.memref_slice %arg3[%dma_wait3A_19] : memref<3211264xi32, #tpu.memory_space<hbm>> -> memref<128xi32, #tpu.memory_space<hbm>>
    %dma_wait3A_21 = arith.constant 0 : i32
    %dma_wait3A_22 = tpu.memref_slice %arg3[%dma_wait3A_21] : memref<3211264xi32, #tpu.memory_space<hbm>> -> memref<128xi32, #tpu.memory_space<hbm>>
    tpu.wait_dma2 semaphore(%arg39 : memref<!tpu.dma_semaphore, #tpu.memory_space<semaphore_mem>>) src(%dma_wait3A_22 : memref<128xi32, #tpu.memory_space<hbm>>) dst(%arg14 : memref<128xi32, #tpu.memory_space<vmem>>)
    %dma_wait3A_23 = arith.constant 0 : i32
    %dma_wait3A_24 = tpu.memref_slice %arg4[%dma_wait3A_23] : memref<3211264xi32, #tpu.memory_space<hbm>> -> memref<128xi32, #tpu.memory_space<hbm>>
    %dma_wait3A_25 = arith.constant 0 : i32
    %dma_wait3A_26 = tpu.memref_slice %arg4[%dma_wait3A_25] : memref<3211264xi32, #tpu.memory_space<hbm>> -> memref<128xi32, #tpu.memory_space<hbm>>
    tpu.wait_dma2 semaphore(%arg39 : memref<!tpu.dma_semaphore, #tpu.memory_space<semaphore_mem>>) src(%dma_wait3A_26 : memref<128xi32, #tpu.memory_space<hbm>>) dst(%arg22 : memref<128xi32, #tpu.memory_space<vmem>>)
    %dma_start3A_27 = arith.constant 0 : i32
    %dma_start3A_28 = arith.constant 0 : i32
    %dma_start3A_29 = tpu.memref_slice %arg2[%dma_start3A_27, %dma_start3A_28] : memref<100352x16xf32, #tpu.memory_space<hbm>> -> memref<100352x16xf32, #tpu.memory_space<hbm>>
    tpu.enqueue_indirect_dma source(%dma_start3A_29 : memref<100352x16xf32, #tpu.memory_space<hbm>>) target(%arg30 : memref<128x16xf32, #tpu.memory_space<vmem>>) offsets(%arg14 : memref<128xi32, #tpu.memory_space<vmem>>) semaphore(%arg47 : memref<!tpu.dma_semaphore, #tpu.memory_space<semaphore_mem>>)
    %dma_wait3A_30 = arith.constant 0 : i32
    %dma_wait3A_31 = arith.constant 0 : i32
    %dma_wait3A_32 = tpu.memref_slice %arg2[%dma_wait3A_30, %dma_wait3A_31] : memref<100352x16xf32, #tpu.memory_space<hbm>> -> memref<100352x16xf32, #tpu.memory_space<hbm>>
    tpu.wait_indirect_dma semaphore(%arg43 : memref<!tpu.dma_semaphore, #tpu.memory_space<semaphore_mem>>) src(%dma_wait3A_32 : memref<100352x16xf32, #tpu.memory_space<hbm>>) dst(%arg26 : memref<128x16xf32, #tpu.memory_space<vmem>>)
    %dma_start3A_33 = arith.constant 0 : i32
    %dma_start3A_34 = arith.constant 0 : i32
    %dma_start3A_35 = tpu.memref_slice %arg31[%dma_start3A_33, %dma_start3A_34] : memref<100352x16xf32, #tpu.memory_space<vmem_shared>> -> memref<100352x16xf32, #tpu.memory_space<vmem_shared>>
    tpu.enqueue_indirect_dma source(%arg26 : memref<128x16xf32, #tpu.memory_space<vmem>>) target(%dma_start3A_35 : memref<100352x16xf32, #tpu.memory_space<vmem_shared>>) offsets(%arg18 : memref<128xi32, #tpu.memory_space<vmem>>) semaphore(%arg51 : memref<!tpu.dma_semaphore, #tpu.memory_space<semaphore_mem>>) {add = true}
    %dma_wait3A_36 = arith.constant 0 : i32
    %dma_wait3A_37 = arith.constant 0 : i32
    %dma_wait3A_38 = tpu.memref_slice %arg2[%dma_wait3A_36, %dma_wait3A_37] : memref<100352x16xf32, #tpu.memory_space<hbm>> -> memref<100352x16xf32, #tpu.memory_space<hbm>>
    tpu.wait_indirect_dma semaphore(%arg44 : memref<!tpu.dma_semaphore, #tpu.memory_space<semaphore_mem>>) src(%dma_wait3A_38 : memref<100352x16xf32, #tpu.memory_space<hbm>>) dst(%arg27 : memref<128x16xf32, #tpu.memory_space<vmem>>)
    %dma_start3A_39 = arith.constant 0 : i32
    %dma_start3A_40 = arith.constant 0 : i32
    %dma_start3A_41 = tpu.memref_slice %arg31[%dma_start3A_39, %dma_start3A_40] : memref<100352x16xf32, #tpu.memory_space<vmem_shared>> -> memref<100352x16xf32, #tpu.memory_space<vmem_shared>>
    tpu.enqueue_indirect_dma source(%arg27 : memref<128x16xf32, #tpu.memory_space<vmem>>) target(%dma_start3A_41 : memref<100352x16xf32, #tpu.memory_space<vmem_shared>>) offsets(%arg19 : memref<128xi32, #tpu.memory_space<vmem>>) semaphore(%arg52 : memref<!tpu.dma_semaphore, #tpu.memory_space<semaphore_mem>>) {add = true}
    %dma_wait3A_42 = arith.constant 0 : i32
    %dma_wait3A_43 = arith.constant 0 : i32
    %dma_wait3A_44 = tpu.memref_slice %arg2[%dma_wait3A_42, %dma_wait3A_43] : memref<100352x16xf32, #tpu.memory_space<hbm>> -> memref<100352x16xf32, #tpu.memory_space<hbm>>
    tpu.wait_indirect_dma semaphore(%arg45 : memref<!tpu.dma_semaphore, #tpu.memory_space<semaphore_mem>>) src(%dma_wait3A_44 : memref<100352x16xf32, #tpu.memory_space<hbm>>) dst(%arg28 : memref<128x16xf32, #tpu.memory_space<vmem>>)
    %dma_start3A_45 = arith.constant 0 : i32
    %dma_start3A_46 = arith.constant 0 : i32
    %dma_start3A_47 = tpu.memref_slice %arg31[%dma_start3A_45, %dma_start3A_46] : memref<100352x16xf32, #tpu.memory_space<vmem_shared>> -> memref<100352x16xf32, #tpu.memory_space<vmem_shared>>
    tpu.enqueue_indirect_dma source(%arg28 : memref<128x16xf32, #tpu.memory_space<vmem>>) target(%dma_start3A_47 : memref<100352x16xf32, #tpu.memory_space<vmem_shared>>) offsets(%arg20 : memref<128xi32, #tpu.memory_space<vmem>>) semaphore(%arg53 : memref<!tpu.dma_semaphore, #tpu.memory_space<semaphore_mem>>) {add = true}
    %dma_wait3A_48 = arith.constant 0 : i32
    %dma_wait3A_49 = arith.constant 0 : i32
    %dma_wait3A_50 = tpu.memref_slice %arg2[%dma_wait3A_48, %dma_wait3A_49] : memref<100352x16xf32, #tpu.memory_space<hbm>> -> memref<100352x16xf32, #tpu.memory_space<hbm>>
    tpu.wait_indirect_dma semaphore(%arg46 : memref<!tpu.dma_semaphore, #tpu.memory_space<semaphore_mem>>) src(%dma_wait3A_50 : memref<100352x16xf32, #tpu.memory_space<hbm>>) dst(%arg29 : memref<128x16xf32, #tpu.memory_space<vmem>>)
    %dma_start3A_51 = arith.constant 0 : i32
    %dma_start3A_52 = arith.constant 0 : i32
    %dma_start3A_53 = tpu.memref_slice %arg31[%dma_start3A_51, %dma_start3A_52] : memref<100352x16xf32, #tpu.memory_space<vmem_shared>> -> memref<100352x16xf32, #tpu.memory_space<vmem_shared>>
    tpu.enqueue_indirect_dma source(%arg29 : memref<128x16xf32, #tpu.memory_space<vmem>>) target(%dma_start3A_53 : memref<100352x16xf32, #tpu.memory_space<vmem_shared>>) offsets(%arg21 : memref<128xi32, #tpu.memory_space<vmem>>) semaphore(%arg54 : memref<!tpu.dma_semaphore, #tpu.memory_space<semaphore_mem>>) {add = true}
    %dma_wait3A_54 = arith.constant 0 : i32
    %dma_wait3A_55 = arith.constant 0 : i32
    %dma_wait3A_56 = tpu.memref_slice %arg2[%dma_wait3A_54, %dma_wait3A_55] : memref<100352x16xf32, #tpu.memory_space<hbm>> -> memref<100352x16xf32, #tpu.memory_space<hbm>>
    tpu.wait_indirect_dma semaphore(%arg47 : memref<!tpu.dma_semaphore, #tpu.memory_space<semaphore_mem>>) src(%dma_wait3A_56 : memref<100352x16xf32, #tpu.memory_space<hbm>>) dst(%arg30 : memref<128x16xf32, #tpu.memory_space<vmem>>)
    %dma_start3A_57 = arith.constant 0 : i32
    %dma_start3A_58 = arith.constant 0 : i32
    %dma_start3A_59 = tpu.memref_slice %arg31[%dma_start3A_57, %dma_start3A_58] : memref<100352x16xf32, #tpu.memory_space<vmem_shared>> -> memref<100352x16xf32, #tpu.memory_space<vmem_shared>>
    tpu.enqueue_indirect_dma source(%arg30 : memref<128x16xf32, #tpu.memory_space<vmem>>) target(%dma_start3A_59 : memref<100352x16xf32, #tpu.memory_space<vmem_shared>>) offsets(%arg22 : memref<128xi32, #tpu.memory_space<vmem>>) semaphore(%arg55 : memref<!tpu.dma_semaphore, #tpu.memory_space<semaphore_mem>>) {add = true}
    %dma_wait3A_60 = arith.constant 0 : i32
    %dma_wait3A_61 = arith.constant 0 : i32
    %dma_wait3A_62 = tpu.memref_slice %arg31[%dma_wait3A_60, %dma_wait3A_61] : memref<100352x16xf32, #tpu.memory_space<vmem_shared>> -> memref<100352x16xf32, #tpu.memory_space<vmem_shared>>
    tpu.wait_indirect_dma semaphore(%arg48 : memref<!tpu.dma_semaphore, #tpu.memory_space<semaphore_mem>>) src(%arg23 : memref<128x16xf32, #tpu.memory_space<vmem>>) dst(%dma_wait3A_62 : memref<100352x16xf32, #tpu.memory_space<vmem_shared>>)
    %dma_wait3A_63 = arith.constant 0 : i32
    %dma_wait3A_64 = arith.constant 0 : i32
    %dma_wait3A_65 = tpu.memref_slice %arg31[%dma_wait3A_63, %dma_wait3A_64] : memref<100352x16xf32, #tpu.memory_space<vmem_shared>> -> memref<100352x16xf32, #tpu.memory_space<vmem_shared>>
    tpu.wait_indirect_dma semaphore(%arg49 : memref<!tpu.dma_semaphore, #tpu.memory_space<semaphore_mem>>) src(%arg24 : memref<128x16xf32, #tpu.memory_space<vmem>>) dst(%dma_wait3A_65 : memref<100352x16xf32, #tpu.memory_space<vmem_shared>>)
    %dma_wait3A_66 = arith.constant 0 : i32
    %dma_wait3A_67 = arith.constant 0 : i32
    %dma_wait3A_68 = tpu.memref_slice %arg31[%dma_wait3A_66, %dma_wait3A_67] : memref<100352x16xf32, #tpu.memory_space<vmem_shared>> -> memref<100352x16xf32, #tpu.memory_space<vmem_shared>>
    tpu.wait_indirect_dma semaphore(%arg50 : memref<!tpu.dma_semaphore, #tpu.memory_space<semaphore_mem>>) src(%arg25 : memref<128x16xf32, #tpu.memory_space<vmem>>) dst(%dma_wait3A_68 : memref<100352x16xf32, #tpu.memory_space<vmem_shared>>)
    %dma_wait3A_69 = arith.constant 0 : i32
    %dma_wait3A_70 = arith.constant 0 : i32
    %dma_wait3A_71 = tpu.memref_slice %arg31[%dma_wait3A_69, %dma_wait3A_70] : memref<100352x16xf32, #tpu.memory_space<vmem_shared>> -> memref<100352x16xf32, #tpu.memory_space<vmem_shared>>
    tpu.wait_indirect_dma semaphore(%arg51 : memref<!tpu.dma_semaphore, #tpu.memory_space<semaphore_mem>>) src(%arg26 : memref<128x16xf32, #tpu.memory_space<vmem>>) dst(%dma_wait3A_71 : memref<100352x16xf32, #tpu.memory_space<vmem_shared>>)
    %dma_wait3A_72 = arith.constant 0 : i32
    %dma_wait3A_73 = arith.constant 0 : i32
    %dma_wait3A_74 = tpu.memref_slice %arg31[%dma_wait3A_72, %dma_wait3A_73] : memref<100352x16xf32, #tpu.memory_space<vmem_shared>> -> memref<100352x16xf32, #tpu.memory_space<vmem_shared>>
    tpu.wait_indirect_dma semaphore(%arg52 : memref<!tpu.dma_semaphore, #tpu.memory_space<semaphore_mem>>) src(%arg27 : memref<128x16xf32, #tpu.memory_space<vmem>>) dst(%dma_wait3A_74 : memref<100352x16xf32, #tpu.memory_space<vmem_shared>>)
    %dma_wait3A_75 = arith.constant 0 : i32
    %dma_wait3A_76 = arith.constant 0 : i32
    %dma_wait3A_77 = tpu.memref_slice %arg31[%dma_wait3A_75, %dma_wait3A_76] : memref<100352x16xf32, #tpu.memory_space<vmem_shared>> -> memref<100352x16xf32, #tpu.memory_space<vmem_shared>>
    tpu.wait_indirect_dma semaphore(%arg53 : memref<!tpu.dma_semaphore, #tpu.memory_space<semaphore_mem>>) src(%arg28 : memref<128x16xf32, #tpu.memory_space<vmem>>) dst(%dma_wait3A_77 : memref<100352x16xf32, #tpu.memory_space<vmem_shared>>)
    %dma_wait3A_78 = arith.constant 0 : i32
    %dma_wait3A_79 = arith.constant 0 : i32
    %dma_wait3A_80 = tpu.memref_slice %arg31[%dma_wait3A_78, %dma_wait3A_79] : memref<100352x16xf32, #tpu.memory_space<vmem_shared>> -> memref<100352x16xf32, #tpu.memory_space<vmem_shared>>
    tpu.wait_indirect_dma semaphore(%arg54 : memref<!tpu.dma_semaphore, #tpu.memory_space<semaphore_mem>>) src(%arg29 : memref<128x16xf32, #tpu.memory_space<vmem>>) dst(%dma_wait3A_80 : memref<100352x16xf32, #tpu.memory_space<vmem_shared>>)
    %dma_wait3A_81 = arith.constant 0 : i32
    %dma_wait3A_82 = arith.constant 0 : i32
    %dma_wait3A_83 = tpu.memref_slice %arg31[%dma_wait3A_81, %dma_wait3A_82] : memref<100352x16xf32, #tpu.memory_space<vmem_shared>> -> memref<100352x16xf32, #tpu.memory_space<vmem_shared>>
    tpu.wait_indirect_dma semaphore(%arg55 : memref<!tpu.dma_semaphore, #tpu.memory_space<semaphore_mem>>) src(%arg30 : memref<128x16xf32, #tpu.memory_space<vmem>>) dst(%dma_wait3A_83 : memref<100352x16xf32, #tpu.memory_space<vmem_shared>>)
    %barrier3A_84 = arith.constant 0 : index
    tpu.barrier barrier_id(%barrier3A_84)
    %mul3A_85 = arith.constant 6272 : i32
    %mul3A_86 = arith.muli %arg1, %mul3A_85 : i32
    %mul3A_87 = arith.constant 100352 : i32
    %mul3A_88 = arith.muli %arg0, %mul3A_87 : i32
    %mul3A_89 = arith.constant 6272 : i32
    %mul3A_90 = arith.muli %arg1, %mul3A_89 : i32
    %add3A_91 = arith.addi %mul3A_88, %mul3A_90 : i32
    "tpu.region"() ({
      %run_scoped3A = tpu.sem_alloc : memref<!tpu.dma_semaphore, #tpu.memory_space<semaphore_mem>>
      %dma_start3A_92 = arith.constant 0 : i32
      %dma_start3A_93 = tpu.memref_slice %arg6[%add3A_91, %dma_start3A_92] : memref<200704x16xf32, #tpu.memory_space<hbm>> -> memref<6272x16xf32, #tpu.memory_space<hbm>>
      %dma_start3A_94 = arith.constant 0 : i32
      %dma_start3A_95 = tpu.memref_slice %arg31[%mul3A_86, %dma_start3A_94] : memref<100352x16xf32, #tpu.memory_space<vmem_shared>> -> memref<6272x16xf32, #tpu.memory_space<vmem_shared>>
      tpu.enqueue_dma source(%dma_start3A_95 : memref<6272x16xf32, #tpu.memory_space<vmem_shared>>) target(%dma_start3A_93 : memref<6272x16xf32, #tpu.memory_space<hbm>>) target_semaphore(%run_scoped3A : memref<!tpu.dma_semaphore, #tpu.memory_space<semaphore_mem>>)
      %dma_wait3A_96 = arith.constant 0 : i32
      %dma_wait3A_97 = tpu.memref_slice %arg6[%add3A_91, %dma_wait3A_96] : memref<200704x16xf32, #tpu.memory_space<hbm>> -> memref<6272x16xf32, #tpu.memory_space<hbm>>
      %dma_wait3A_98 = arith.constant 0 : i32
      %dma_wait3A_99 = tpu.memref_slice %arg31[%mul3A_86, %dma_wait3A_98] : memref<100352x16xf32, #tpu.memory_space<vmem_shared>> -> memref<6272x16xf32, #tpu.memory_space<vmem_shared>>
      tpu.wait_dma2 semaphore(%run_scoped3A : memref<!tpu.dma_semaphore, #tpu.memory_space<semaphore_mem>>) src(%dma_wait3A_99 : memref<6272x16xf32, #tpu.memory_space<vmem_shared>>) dst(%dma_wait3A_97 : memref<6272x16xf32, #tpu.memory_space<hbm>>)
      tpu.yield
    }) : () -> ()
    return
  }
}

module attributes {stable_mosaic.version = 14 : i64} {
  func.func @_tc_dinv_body(%arg0: i32, %arg1: memref<3136x128xf32, #tpu.memory_space<vmem>>, %arg2: memref<3136x128xf32, #tpu.memory_space<vmem>>, %arg3: memref<3136x128xf32, #tpu.memory_space<vmem>>) attributes {dimension_semantics = [#tpu.dimension_semantics<arbitrary>], iteration_bounds = array<i64: 4>, scalar_prefetch = 0 : i64, scratch_operands = 0 : i64, tpu.core_type = #tpu.core_type<tc>, window_params = [{transform_indices = @transform_0, window_bounds = array<i64: 3136, 128>}, {transform_indices = @transform_1, window_bounds = array<i64: 3136, 128>}, {transform_indices = @transform_2, window_bounds = array<i64: 3136, 128>}]} {
    %get3A = arith.constant 0 : index
    %get3A_0 = arith.constant 0 : index
    %get3A_1 = vector.load %arg1[%get3A, %get3A_0] : memref<3136x128xf32, #tpu.memory_space<vmem>>, vector<3136x128xf32>
    %get3A_2 = arith.constant 0 : index
    %get3A_3 = arith.constant 0 : index
    %get3A_4 = vector.load %arg2[%get3A_2, %get3A_3] : memref<3136x128xf32, #tpu.memory_space<vmem>>, vector<3136x128xf32>
    %add3A = arith.addf %get3A_1, %get3A_4 : vector<3136x128xf32>
    %add3A_5 = arith.constant 1.000000e+00 : f32
    %add3A_6 = vector.broadcast %add3A_5 : f32 to vector<3136x128xf32>
    %add3A_7 = arith.addf %add3A, %add3A_6 : vector<3136x128xf32>
    %rsqrt3A = math.rsqrt %add3A_7 : vector<3136x128xf32>
    %swap3A = arith.constant 0 : index
    %swap3A_8 = arith.constant 0 : index
    %swap3A_9 = vector.load %arg3[%swap3A, %swap3A_8] : memref<3136x128xf32, #tpu.memory_space<vmem>>, vector<3136x128xf32>
    tpu.vector_store %arg3[%swap3A, %swap3A_8], %rsqrt3A {strides = array<i32>} : memref<3136x128xf32, #tpu.memory_space<vmem>>, vector<3136x128xf32>,
    return
  }
  func.func @transform_0(%arg0: i32) -> (i32, i32) {
    %c0_i32 = arith.constant 0 : i32
    %c0_i32_0 = arith.constant 0 : i32
    return %arg0, %c0_i32 : i32, i32
  }
  func.func @transform_1(%arg0: i32) -> (i32, i32) {
    %add3A = arith.constant 4 : i32
    %add3A_0 = arith.addi %arg0, %add3A : i32
    %c0_i32 = arith.constant 0 : i32
    %c0_i32_1 = arith.constant 0 : i32
    return %add3A_0, %c0_i32 : i32, i32
  }
  func.func @transform_2(%arg0: i32) -> (i32, i32) {
    %c0_i32 = arith.constant 0 : i32
    %c0_i32_0 = arith.constant 0 : i32
    return %arg0, %c0_i32 : i32, i32
  }
}

module attributes {stable_mosaic.version = 14 : i64} {
  func.func @_tc_u2_body(%arg0: i32, %arg1: memref<3136x128xf32, #tpu.memory_space<vmem>>, %arg2: memref<3136x128xf32, #tpu.memory_space<vmem>>, %arg3: memref<3136x128xf32, #tpu.memory_space<vmem>>, %arg4: memref<3136x128xf32, #tpu.memory_space<vmem>>, %arg5: memref<128x128xf32, #tpu.memory_space<vmem>>, %arg6: memref<1x128xf32, #tpu.memory_space<vmem>>, %arg7: memref<3136x128xf32, #tpu.memory_space<vmem>>) attributes {dimension_semantics = [#tpu.dimension_semantics<arbitrary>], iteration_bounds = array<i64: 4>, scalar_prefetch = 0 : i64, scratch_operands = 0 : i64, tpu.core_type = #tpu.core_type<tc>, window_params = [{transform_indices = @transform_0, window_bounds = array<i64: 3136, 128>}, {transform_indices = @transform_1, window_bounds = array<i64: 3136, 128>}, {transform_indices = @transform_2, window_bounds = array<i64: 3136, 128>}, {transform_indices = @transform_3, window_bounds = array<i64: 3136, 128>}, {pipeline_mode = #tpu.pipeline_mode<synchronous>, transform_indices = @transform_4, window_bounds = array<i64: 128, 128>}, {pipeline_mode = #tpu.pipeline_mode<synchronous>, transform_indices = @transform_5, window_bounds = array<i64: 1, 128>}, {transform_indices = @transform_6, window_bounds = array<i64: 3136, 128>}]} {
    %get3A = arith.constant 0 : index
    %get3A_0 = arith.constant 0 : index
    %get3A_1 = vector.load %arg1[%get3A, %get3A_0] : memref<3136x128xf32, #tpu.memory_space<vmem>>, vector<3136x128xf32>
    %get3A_2 = arith.constant 0 : index
    %get3A_3 = arith.constant 0 : index
    %get3A_4 = vector.load %arg2[%get3A_2, %get3A_3] : memref<3136x128xf32, #tpu.memory_space<vmem>>, vector<3136x128xf32>
    %get3A_5 = arith.constant 0 : index
    %get3A_6 = arith.constant 0 : index
    %get3A_7 = vector.load %arg3[%get3A_5, %get3A_6] : memref<3136x128xf32, #tpu.memory_space<vmem>>, vector<3136x128xf32>
    %add3A = arith.addf %get3A_4, %get3A_7 : vector<3136x128xf32>
    %get3A_8 = arith.constant 0 : index
    %get3A_9 = arith.constant 0 : index
    %get3A_10 = vector.load %arg4[%get3A_8, %get3A_9] : memref<3136x128xf32, #tpu.memory_space<vmem>>, vector<3136x128xf32>
    %add3A_11 = arith.addf %add3A, %get3A_10 : vector<3136x128xf32>
    %mul3A = arith.mulf %get3A_1, %add3A_11 : vector<3136x128xf32>
    %get3A_12 = arith.constant 0 : index
    %get3A_13 = arith.constant 0 : index
    %get3A_14 = vector.load %arg6[%get3A_12, %get3A_13] : memref<1x128xf32, #tpu.memory_space<vmem>>, vector<1x128xf32>
    %add3A_15 = vector.broadcast %get3A_14 : vector<1x128xf32> to vector<3136x128xf32>
    %add3A_16 = arith.addf %mul3A, %add3A_15 : vector<3136x128xf32>
    %max3A = arith.constant 0.000000e+00 : f32
    %max3A_17 = vector.broadcast %max3A : f32 to vector<3136x128xf32>
    %max3A_18 = arith.maximumf %add3A_16, %max3A_17 : vector<3136x128xf32>
    %get3A_19 = arith.constant 0 : index
    %get3A_20 = arith.constant 0 : index
    %get3A_21 = vector.load %arg5[%get3A_19, %get3A_20] : memref<128x128xf32, #tpu.memory_space<vmem>>, vector<128x128xf32>
    %dot_general3A = arith.constant dense<0.000000e+00> : vector<3136x128xf32>
    %dot_general3A_22 = tpu.matmul %max3A_18, %get3A_21, %dot_general3A {dimension_numbers = #tpu.dot_dimension_numbers<[1], [0], [0], [1], [0, 0, 1, 1], [], []>, transpose_lhs_hint = false} : vector<3136x128xf32>, vector<128x128xf32>, vector<3136x128xf32> -> vector<3136x128xf32>
    %get3A_23 = arith.constant 0 : index
    %get3A_24 = arith.constant 0 : index
    %get3A_25 = vector.load %arg1[%get3A_23, %get3A_24] : memref<3136x128xf32, #tpu.memory_space<vmem>>, vector<3136x128xf32>
    %mul3A_26 = arith.mulf %dot_general3A_22, %get3A_25 : vector<3136x128xf32>
    %swap3A = arith.constant 0 : index
    %swap3A_27 = arith.constant 0 : index
    %swap3A_28 = vector.load %arg7[%swap3A, %swap3A_27] : memref<3136x128xf32, #tpu.memory_space<vmem>>, vector<3136x128xf32>
    tpu.vector_store %arg7[%swap3A, %swap3A_27], %mul3A_26 {strides = array<i32>} : memref<3136x128xf32, #tpu.memory_space<vmem>>, vector<3136x128xf32>,
    return
  }
  func.func @transform_0(%arg0: i32) -> (i32, i32) {
    %c0_i32 = arith.constant 0 : i32
    %c0_i32_0 = arith.constant 0 : i32
    return %arg0, %c0_i32 : i32, i32
  }
  func.func @transform_1(%arg0: i32) -> (i32, i32) {
    %c0_i32 = arith.constant 0 : i32
    %c0_i32_0 = arith.constant 0 : i32
    return %arg0, %c0_i32 : i32, i32
  }
  func.func @transform_2(%arg0: i32) -> (i32, i32) {
    %add3A = arith.constant 4 : i32
    %add3A_0 = arith.addi %arg0, %add3A : i32
    %c0_i32 = arith.constant 0 : i32
    %c0_i32_1 = arith.constant 0 : i32
    return %add3A_0, %c0_i32 : i32, i32
  }
  func.func @transform_3(%arg0: i32) -> (i32, i32) {
    %c0_i32 = arith.constant 0 : i32
    %c0_i32_0 = arith.constant 0 : i32
    return %arg0, %c0_i32 : i32, i32
  }
  func.func @transform_4(%arg0: i32) -> (i32, i32) {
    %c0_i32 = arith.constant 0 : i32
    %c0_i32_0 = arith.constant 0 : i32
    %c0_i32_1 = arith.constant 0 : i32
    return %c0_i32, %c0_i32_0 : i32, i32
  }
  func.func @transform_5(%arg0: i32) -> (i32, i32) {
    %c0_i32 = arith.constant 0 : i32
    %c0_i32_0 = arith.constant 0 : i32
    %c0_i32_1 = arith.constant 0 : i32
    return %c0_i32, %c0_i32_0 : i32, i32
  }
  func.func @transform_6(%arg0: i32) -> (i32, i32) {
    %c0_i32 = arith.constant 0 : i32
    %c0_i32_0 = arith.constant 0 : i32
    return %arg0, %c0_i32 : i32, i32
  }
}

module attributes {stable_mosaic.version = 14 : i64} {
  func.func @_tc_u1_body(%arg0: i32, %arg1: memref<3136x128xf32, #tpu.memory_space<vmem>>, %arg2: memref<3136x128xf32, #tpu.memory_space<vmem>>, %arg3: memref<128x128xf32, #tpu.memory_space<vmem>>, %arg4: memref<3136x128xf32, #tpu.memory_space<vmem>>) attributes {dimension_semantics = [#tpu.dimension_semantics<arbitrary>], iteration_bounds = array<i64: 4>, scalar_prefetch = 0 : i64, scratch_operands = 0 : i64, tpu.core_type = #tpu.core_type<tc>, window_params = [{transform_indices = @transform_0, window_bounds = array<i64: 3136, 128>}, {transform_indices = @transform_1, window_bounds = array<i64: 3136, 128>}, {pipeline_mode = #tpu.pipeline_mode<synchronous>, transform_indices = @transform_2, window_bounds = array<i64: 128, 128>}, {transform_indices = @transform_3, window_bounds = array<i64: 3136, 128>}]} {
    %get3A = arith.constant 0 : index
    %get3A_0 = arith.constant 0 : index
    %get3A_1 = vector.load %arg2[%get3A, %get3A_0] : memref<3136x128xf32, #tpu.memory_space<vmem>>, vector<3136x128xf32>
    %get3A_2 = arith.constant 0 : index
    %get3A_3 = arith.constant 0 : index
    %get3A_4 = vector.load %arg3[%get3A_2, %get3A_3] : memref<128x128xf32, #tpu.memory_space<vmem>>, vector<128x128xf32>
    %dot_general3A = arith.constant dense<0.000000e+00> : vector<3136x128xf32>
    %dot_general3A_5 = tpu.matmul %get3A_1, %get3A_4, %dot_general3A {dimension_numbers = #tpu.dot_dimension_numbers<[1], [0], [0], [1], [0, 0, 1, 1], [], []>, transpose_lhs_hint = false} : vector<3136x128xf32>, vector<128x128xf32>, vector<3136x128xf32> -> vector<3136x128xf32>
    %get3A_6 = arith.constant 0 : index
    %get3A_7 = arith.constant 0 : index
    %get3A_8 = vector.load %arg1[%get3A_6, %get3A_7] : memref<3136x128xf32, #tpu.memory_space<vmem>>, vector<3136x128xf32>
    %mul3A = arith.mulf %dot_general3A_5, %get3A_8 : vector<3136x128xf32>
    %swap3A = arith.constant 0 : index
    %swap3A_9 = arith.constant 0 : index
    %swap3A_10 = vector.load %arg4[%swap3A, %swap3A_9] : memref<3136x128xf32, #tpu.memory_space<vmem>>, vector<3136x128xf32>
    tpu.vector_store %arg4[%swap3A, %swap3A_9], %mul3A {strides = array<i32>} : memref<3136x128xf32, #tpu.memory_space<vmem>>, vector<3136x128xf32>,
    return
  }
  func.func @transform_0(%arg0: i32) -> (i32, i32) {
    %c0_i32 = arith.constant 0 : i32
    %c0_i32_0 = arith.constant 0 : i32
    return %arg0, %c0_i32 : i32, i32
  }
  func.func @transform_1(%arg0: i32) -> (i32, i32) {
    %c0_i32 = arith.constant 0 : i32
    %c0_i32_0 = arith.constant 0 : i32
    return %arg0, %c0_i32 : i32, i32
  }
  func.func @transform_2(%arg0: i32) -> (i32, i32) {
    %c0_i32 = arith.constant 0 : i32
    %c0_i32_0 = arith.constant 0 : i32
    %c0_i32_1 = arith.constant 0 : i32
    return %c0_i32, %c0_i32_0 : i32, i32
  }
  func.func @transform_3(%arg0: i32) -> (i32, i32) {
    %c0_i32 = arith.constant 0 : i32
    %c0_i32_0 = arith.constant 0 : i32
    return %arg0, %c0_i32 : i32, i32
  }
}

module attributes {stable_mosaic.version = 14 : i64} {
  func.func @_tc_pool_body(%arg0: i32, %arg1: memref<3136x128xf32, #tpu.memory_space<vmem>>, %arg2: memref<3136x128xf32, #tpu.memory_space<vmem>>, %arg3: memref<3136x128xf32, #tpu.memory_space<vmem>>, %arg4: memref<3136x128xf32, #tpu.memory_space<vmem>>, %arg5: memref<1x128xf32, #tpu.memory_space<vmem>>, %arg6: memref<3136x128xf32, #tpu.memory_space<vmem>>, %arg7: memref<128x16xf32, #tpu.memory_space<vmem>>) attributes {dimension_semantics = [#tpu.dimension_semantics<arbitrary>], iteration_bounds = array<i64: 4>, scalar_prefetch = 0 : i64, scratch_operands = 0 : i64, tpu.core_type = #tpu.core_type<tc>, window_params = [{transform_indices = @transform_0, window_bounds = array<i64: 3136, 128>}, {transform_indices = @transform_1, window_bounds = array<i64: 3136, 128>}, {transform_indices = @transform_2, window_bounds = array<i64: 3136, 128>}, {transform_indices = @transform_3, window_bounds = array<i64: 3136, 128>}, {pipeline_mode = #tpu.pipeline_mode<synchronous>, transform_indices = @transform_4, window_bounds = array<i64: 1, 128>}, {transform_indices = @transform_5, window_bounds = array<i64: 3136, 128>}, {pipeline_mode = #tpu.pipeline_mode<synchronous>, transform_indices = @transform_6, window_bounds = array<i64: 128, 16>}]} {
    %get3A = arith.constant 0 : index
    %get3A_0 = arith.constant 0 : index
    %get3A_1 = vector.load %arg1[%get3A, %get3A_0] : memref<3136x128xf32, #tpu.memory_space<vmem>>, vector<3136x128xf32>
    %get3A_2 = arith.constant 0 : index
    %get3A_3 = arith.constant 0 : index
    %get3A_4 = vector.load %arg2[%get3A_2, %get3A_3] : memref<3136x128xf32, #tpu.memory_space<vmem>>, vector<3136x128xf32>
    %get3A_5 = arith.constant 0 : index
    %get3A_6 = arith.constant 0 : index
    %get3A_7 = vector.load %arg3[%get3A_5, %get3A_6] : memref<3136x128xf32, #tpu.memory_space<vmem>>, vector<3136x128xf32>
    %add3A = arith.addf %get3A_4, %get3A_7 : vector<3136x128xf32>
    %get3A_8 = arith.constant 0 : index
    %get3A_9 = arith.constant 0 : index
    %get3A_10 = vector.load %arg4[%get3A_8, %get3A_9] : memref<3136x128xf32, #tpu.memory_space<vmem>>, vector<3136x128xf32>
    %add3A_11 = arith.addf %add3A, %get3A_10 : vector<3136x128xf32>
    %mul3A = arith.mulf %get3A_1, %add3A_11 : vector<3136x128xf32>
    %get3A_12 = arith.constant 0 : index
    %get3A_13 = arith.constant 0 : index
    %get3A_14 = vector.load %arg5[%get3A_12, %get3A_13] : memref<1x128xf32, #tpu.memory_space<vmem>>, vector<1x128xf32>
    %add3A_15 = vector.broadcast %get3A_14 : vector<1x128xf32> to vector<3136x128xf32>
    %add3A_16 = arith.addf %mul3A, %add3A_15 : vector<3136x128xf32>
    %iota3A = tpu.iota {dimensions = array<i32: 1>} : vector<3136x128xi32>
    %convert_element_type3A = arith.sitofp %iota3A : vector<3136x128xi32> to vector<3136x128xf32>
    %broadcast_in_dim3A = arith.constant 0.000000e+00 : f32
    %broadcast_in_dim3A_17 = vector.broadcast %broadcast_in_dim3A : f32 to vector<128x16xf32>
    %get3A_18 = arith.constant 0 : index
    %get3A_19 = arith.constant 0 : index
    %get3A_20 = vector.load %arg6[%get3A_18, %get3A_19] : memref<3136x128xf32, #tpu.memory_space<vmem>>, vector<3136x1xf32>
    %eq3A = vector.broadcast %get3A_20 : vector<3136x1xf32> to vector<3136x128xf32>
    %eq3A_21 = arith.cmpf oeq, %eq3A, %convert_element_type3A : vector<3136x128xf32>
    %jit3A = arith.constant 1.000000e+00 : f32
    %jit3A_22 = arith.constant 0.000000e+00 : f32
    %broadcast_in_dim3A_23 = vector.broadcast %jit3A : f32 to vector<3136x128xf32>
    %broadcast_in_dim3A_24 = vector.broadcast %jit3A_22 : f32 to vector<3136x128xf32>
    %select_n3A = arith.select %eq3A_21, %broadcast_in_dim3A_23, %broadcast_in_dim3A_24 : vector<3136x128xi1>, vector<3136x128xf32>
    %slice3A = vector.extract_strided_slice %add3A_16 {offsets = [0, 0], sizes = [3136, 16], strides = [1, 1]} : vector<3136x128xf32> to vector<3136x16xf32>
    %dot_general3A = arith.constant dense<0.000000e+00> : vector<128x16xf32>
    %dot_general3A_25 = tpu.matmul %select_n3A, %slice3A, %dot_general3A {dimension_numbers = #tpu.dot_dimension_numbers<[0], [0], [1], [1], [0, 1, 1, 1], [], []>, transpose_lhs_hint = false} : vector<3136x128xf32>, vector<3136x16xf32>, vector<128x16xf32> -> vector<128x16xf32>
    %add3A_26 = arith.addf %broadcast_in_dim3A_17, %dot_general3A_25 : vector<128x16xf32>
    %get3A_27 = arith.constant 0 : index
    %get3A_28 = arith.constant 16 : index
    %get3A_29 = vector.load %arg6[%get3A_27, %get3A_28] : memref<3136x128xf32, #tpu.memory_space<vmem>>, vector<3136x1xf32>
    %eq3A_30 = vector.broadcast %get3A_29 : vector<3136x1xf32> to vector<3136x128xf32>
    %eq3A_31 = arith.cmpf oeq, %eq3A_30, %convert_element_type3A : vector<3136x128xf32>
    %jit3A_32 = arith.constant 1.000000e+00 : f32
    %jit3A_33 = arith.constant 0.000000e+00 : f32
    %broadcast_in_dim3A_34 = vector.broadcast %jit3A_32 : f32 to vector<3136x128xf32>
    %broadcast_in_dim3A_35 = vector.broadcast %jit3A_33 : f32 to vector<3136x128xf32>
    %select_n3A_36 = arith.select %eq3A_31, %broadcast_in_dim3A_34, %broadcast_in_dim3A_35 : vector<3136x128xi1>, vector<3136x128xf32>
    %slice3A_37 = vector.extract_strided_slice %add3A_16 {offsets = [0, 16], sizes = [3136, 16], strides = [1, 1]} : vector<3136x128xf32> to vector<3136x16xf32>
    %dot_general3A_38 = arith.constant dense<0.000000e+00> : vector<128x16xf32>
    %dot_general3A_39 = tpu.matmul %select_n3A_36, %slice3A_37, %dot_general3A_38 {dimension_numbers = #tpu.dot_dimension_numbers<[0], [0], [1], [1], [0, 1, 1, 1], [], []>, transpose_lhs_hint = false} : vector<3136x128xf32>, vector<3136x16xf32>, vector<128x16xf32> -> vector<128x16xf32>
    %add3A_40 = arith.addf %add3A_26, %dot_general3A_39 : vector<128x16xf32>
    %get3A_41 = arith.constant 0 : index
    %get3A_42 = arith.constant 32 : index
    %get3A_43 = vector.load %arg6[%get3A_41, %get3A_42] : memref<3136x128xf32, #tpu.memory_space<vmem>>, vector<3136x1xf32>
    %eq3A_44 = vector.broadcast %get3A_43 : vector<3136x1xf32> to vector<3136x128xf32>
    %eq3A_45 = arith.cmpf oeq, %eq3A_44, %convert_element_type3A : vector<3136x128xf32>
    %jit3A_46 = arith.constant 1.000000e+00 : f32
    %jit3A_47 = arith.constant 0.000000e+00 : f32
    %broadcast_in_dim3A_48 = vector.broadcast %jit3A_46 : f32 to vector<3136x128xf32>
    %broadcast_in_dim3A_49 = vector.broadcast %jit3A_47 : f32 to vector<3136x128xf32>
    %select_n3A_50 = arith.select %eq3A_45, %broadcast_in_dim3A_48, %broadcast_in_dim3A_49 : vector<3136x128xi1>, vector<3136x128xf32>
    %slice3A_51 = vector.extract_strided_slice %add3A_16 {offsets = [0, 32], sizes = [3136, 16], strides = [1, 1]} : vector<3136x128xf32> to vector<3136x16xf32>
    %dot_general3A_52 = arith.constant dense<0.000000e+00> : vector<128x16xf32>
    %dot_general3A_53 = tpu.matmul %select_n3A_50, %slice3A_51, %dot_general3A_52 {dimension_numbers = #tpu.dot_dimension_numbers<[0], [0], [1], [1], [0, 1, 1, 1], [], []>, transpose_lhs_hint = false} : vector<3136x128xf32>, vector<3136x16xf32>, vector<128x16xf32> -> vector<128x16xf32>
    %add3A_54 = arith.addf %add3A_40, %dot_general3A_53 : vector<128x16xf32>
    %get3A_55 = arith.constant 0 : index
    %get3A_56 = arith.constant 48 : index
    %get3A_57 = vector.load %arg6[%get3A_55, %get3A_56] : memref<3136x128xf32, #tpu.memory_space<vmem>>, vector<3136x1xf32>
    %eq3A_58 = vector.broadcast %get3A_57 : vector<3136x1xf32> to vector<3136x128xf32>
    %eq3A_59 = arith.cmpf oeq, %eq3A_58, %convert_element_type3A : vector<3136x128xf32>
    %jit3A_60 = arith.constant 1.000000e+00 : f32
    %jit3A_61 = arith.constant 0.000000e+00 : f32
    %broadcast_in_dim3A_62 = vector.broadcast %jit3A_60 : f32 to vector<3136x128xf32>
    %broadcast_in_dim3A_63 = vector.broadcast %jit3A_61 : f32 to vector<3136x128xf32>
    %select_n3A_64 = arith.select %eq3A_59, %broadcast_in_dim3A_62, %broadcast_in_dim3A_63 : vector<3136x128xi1>, vector<3136x128xf32>
    %slice3A_65 = vector.extract_strided_slice %add3A_16 {offsets = [0, 48], sizes = [3136, 16], strides = [1, 1]} : vector<3136x128xf32> to vector<3136x16xf32>
    %dot_general3A_66 = arith.constant dense<0.000000e+00> : vector<128x16xf32>
    %dot_general3A_67 = tpu.matmul %select_n3A_64, %slice3A_65, %dot_general3A_66 {dimension_numbers = #tpu.dot_dimension_numbers<[0], [0], [1], [1], [0, 1, 1, 1], [], []>, transpose_lhs_hint = false} : vector<3136x128xf32>, vector<3136x16xf32>, vector<128x16xf32> -> vector<128x16xf32>
    %add3A_68 = arith.addf %add3A_54, %dot_general3A_67 : vector<128x16xf32>
    %get3A_69 = arith.constant 0 : index
    %get3A_70 = arith.constant 64 : index
    %get3A_71 = vector.load %arg6[%get3A_69, %get3A_70] : memref<3136x128xf32, #tpu.memory_space<vmem>>, vector<3136x1xf32>
    %eq3A_72 = vector.broadcast %get3A_71 : vector<3136x1xf32> to vector<3136x128xf32>
    %eq3A_73 = arith.cmpf oeq, %eq3A_72, %convert_element_type3A : vector<3136x128xf32>
    %jit3A_74 = arith.constant 1.000000e+00 : f32
    %jit3A_75 = arith.constant 0.000000e+00 : f32
    %broadcast_in_dim3A_76 = vector.broadcast %jit3A_74 : f32 to vector<3136x128xf32>
    %broadcast_in_dim3A_77 = vector.broadcast %jit3A_75 : f32 to vector<3136x128xf32>
    %select_n3A_78 = arith.select %eq3A_73, %broadcast_in_dim3A_76, %broadcast_in_dim3A_77 : vector<3136x128xi1>, vector<3136x128xf32>
    %slice3A_79 = vector.extract_strided_slice %add3A_16 {offsets = [0, 64], sizes = [3136, 16], strides = [1, 1]} : vector<3136x128xf32> to vector<3136x16xf32>
    %dot_general3A_80 = arith.constant dense<0.000000e+00> : vector<128x16xf32>
    %dot_general3A_81 = tpu.matmul %select_n3A_78, %slice3A_79, %dot_general3A_80 {dimension_numbers = #tpu.dot_dimension_numbers<[0], [0], [1], [1], [0, 1, 1, 1], [], []>, transpose_lhs_hint = false} : vector<3136x128xf32>, vector<3136x16xf32>, vector<128x16xf32> -> vector<128x16xf32>
    %add3A_82 = arith.addf %add3A_68, %dot_general3A_81 : vector<128x16xf32>
    %get3A_83 = arith.constant 0 : index
    %get3A_84 = arith.constant 80 : index
    %get3A_85 = vector.load %arg6[%get3A_83, %get3A_84] : memref<3136x128xf32, #tpu.memory_space<vmem>>, vector<3136x1xf32>
    %eq3A_86 = vector.broadcast %get3A_85 : vector<3136x1xf32> to vector<3136x128xf32>
    %eq3A_87 = arith.cmpf oeq, %eq3A_86, %convert_element_type3A : vector<3136x128xf32>
    %jit3A_88 = arith.constant 1.000000e+00 : f32
    %jit3A_89 = arith.constant 0.000000e+00 : f32
    %broadcast_in_dim3A_90 = vector.broadcast %jit3A_88 : f32 to vector<3136x128xf32>
    %broadcast_in_dim3A_91 = vector.broadcast %jit3A_89 : f32 to vector<3136x128xf32>
    %select_n3A_92 = arith.select %eq3A_87, %broadcast_in_dim3A_90, %broadcast_in_dim3A_91 : vector<3136x128xi1>, vector<3136x128xf32>
    %slice3A_93 = vector.extract_strided_slice %add3A_16 {offsets = [0, 80], sizes = [3136, 16], strides = [1, 1]} : vector<3136x128xf32> to vector<3136x16xf32>
    %dot_general3A_94 = arith.constant dense<0.000000e+00> : vector<128x16xf32>
    %dot_general3A_95 = tpu.matmul %select_n3A_92, %slice3A_93, %dot_general3A_94 {dimension_numbers = #tpu.dot_dimension_numbers<[0], [0], [1], [1], [0, 1, 1, 1], [], []>, transpose_lhs_hint = false} : vector<3136x128xf32>, vector<3136x16xf32>, vector<128x16xf32> -> vector<128x16xf32>
    %add3A_96 = arith.addf %add3A_82, %dot_general3A_95 : vector<128x16xf32>
    %get3A_97 = arith.constant 0 : index
    %get3A_98 = arith.constant 96 : index
    %get3A_99 = vector.load %arg6[%get3A_97, %get3A_98] : memref<3136x128xf32, #tpu.memory_space<vmem>>, vector<3136x1xf32>
    %eq3A_100 = vector.broadcast %get3A_99 : vector<3136x1xf32> to vector<3136x128xf32>
    %eq3A_101 = arith.cmpf oeq, %eq3A_100, %convert_element_type3A : vector<3136x128xf32>
    %jit3A_102 = arith.constant 1.000000e+00 : f32
    %jit3A_103 = arith.constant 0.000000e+00 : f32
    %broadcast_in_dim3A_104 = vector.broadcast %jit3A_102 : f32 to vector<3136x128xf32>
    %broadcast_in_dim3A_105 = vector.broadcast %jit3A_103 : f32 to vector<3136x128xf32>
    %select_n3A_106 = arith.select %eq3A_101, %broadcast_in_dim3A_104, %broadcast_in_dim3A_105 : vector<3136x128xi1>, vector<3136x128xf32>
    %slice3A_107 = vector.extract_strided_slice %add3A_16 {offsets = [0, 96], sizes = [3136, 16], strides = [1, 1]} : vector<3136x128xf32> to vector<3136x16xf32>
    %dot_general3A_108 = arith.constant dense<0.000000e+00> : vector<128x16xf32>
    %dot_general3A_109 = tpu.matmul %select_n3A_106, %slice3A_107, %dot_general3A_108 {dimension_numbers = #tpu.dot_dimension_numbers<[0], [0], [1], [1], [0, 1, 1, 1], [], []>, transpose_lhs_hint = false} : vector<3136x128xf32>, vector<3136x16xf32>, vector<128x16xf32> -> vector<128x16xf32>
    %add3A_110 = arith.addf %add3A_96, %dot_general3A_109 : vector<128x16xf32>
    %get3A_111 = arith.constant 0 : index
    %get3A_112 = arith.constant 112 : index
    %get3A_113 = vector.load %arg6[%get3A_111, %get3A_112] : memref<3136x128xf32, #tpu.memory_space<vmem>>, vector<3136x1xf32>
    %eq3A_114 = vector.broadcast %get3A_113 : vector<3136x1xf32> to vector<3136x128xf32>
    %eq3A_115 = arith.cmpf oeq, %eq3A_114, %convert_element_type3A : vector<3136x128xf32>
    %jit3A_116 = arith.constant 1.000000e+00 : f32
    %jit3A_117 = arith.constant 0.000000e+00 : f32
    %broadcast_in_dim3A_118 = vector.broadcast %jit3A_116 : f32 to vector<3136x128xf32>
    %broadcast_in_dim3A_119 = vector.broadcast %jit3A_117 : f32 to vector<3136x128xf32>
    %select_n3A_120 = arith.select %eq3A_115, %broadcast_in_dim3A_118, %broadcast_in_dim3A_119 : vector<3136x128xi1>, vector<3136x128xf32>
    %slice3A_121 = vector.extract_strided_slice %add3A_16 {offsets = [0, 112], sizes = [3136, 16], strides = [1, 1]} : vector<3136x128xf32> to vector<3136x16xf32>
    %dot_general3A_122 = arith.constant dense<0.000000e+00> : vector<128x16xf32>
    %dot_general3A_123 = tpu.matmul %select_n3A_120, %slice3A_121, %dot_general3A_122 {dimension_numbers = #tpu.dot_dimension_numbers<[0], [0], [1], [1], [0, 1, 1, 1], [], []>, transpose_lhs_hint = false} : vector<3136x128xf32>, vector<3136x16xf32>, vector<128x16xf32> -> vector<128x16xf32>
    %add3A_124 = arith.addf %add3A_110, %dot_general3A_123 : vector<128x16xf32>
    %eq3A_125 = arith.constant 0 : i32
    %eq3A_126 = arith.cmpi eq, %arg0, %eq3A_125 : i32
    %convert_element_type3A_127 = arith.extui %eq3A_126 : i1 to i32
    %cond3A = arith.constant 0 : i32
    %cond3A_128 = arith.cmpi ne, %convert_element_type3A_127, %cond3A : i32
    scf.if %cond3A_128 {
      %broadcast_in_dim3A_135 = arith.constant 0.000000e+00 : f32
      %broadcast_in_dim3A_136 = vector.broadcast %broadcast_in_dim3A_135 : f32 to vector<128x16xf32>
      %swap3A_137 = arith.constant 0 : index
      %swap3A_138 = arith.constant 0 : index
      %swap3A_139 = vector.load %arg7[%swap3A_137, %swap3A_138] : memref<128x16xf32, #tpu.memory_space<vmem>>, vector<128x16xf32>
      tpu.vector_store %arg7[%swap3A_137, %swap3A_138], %broadcast_in_dim3A_136 {strides = array<i32>} : memref<128x16xf32, #tpu.memory_space<vmem>>, vector<128x16xf32>,
    } else {
    }
    %get3A_129 = arith.constant 0 : index
    %get3A_130 = arith.constant 0 : index
    %get3A_131 = vector.load %arg7[%get3A_129, %get3A_130] : memref<128x16xf32, #tpu.memory_space<vmem>>, vector<128x16xf32>
    %add3A_132 = arith.addf %get3A_131, %add3A_124 : vector<128x16xf32>
    %swap3A = arith.constant 0 : index
    %swap3A_133 = arith.constant 0 : index
    %swap3A_134 = vector.load %arg7[%swap3A, %swap3A_133] : memref<128x16xf32, #tpu.memory_space<vmem>>, vector<128x16xf32>
    tpu.vector_store %arg7[%swap3A, %swap3A_133], %add3A_132 {strides = array<i32>} : memref<128x16xf32, #tpu.memory_space<vmem>>, vector<128x16xf32>,
    return
  }
  func.func @transform_0(%arg0: i32) -> (i32, i32) {
    %c0_i32 = arith.constant 0 : i32
    %c0_i32_0 = arith.constant 0 : i32
    return %arg0, %c0_i32 : i32, i32
  }
  func.func @transform_1(%arg0: i32) -> (i32, i32) {
    %c0_i32 = arith.constant 0 : i32
    %c0_i32_0 = arith.constant 0 : i32
    return %arg0, %c0_i32 : i32, i32
  }
  func.func @transform_2(%arg0: i32) -> (i32, i32) {
    %add3A = arith.constant 4 : i32
    %add3A_0 = arith.addi %arg0, %add3A : i32
    %c0_i32 = arith.constant 0 : i32
    %c0_i32_1 = arith.constant 0 : i32
    return %add3A_0, %c0_i32 : i32, i32
  }
  func.func @transform_3(%arg0: i32) -> (i32, i32) {
    %c0_i32 = arith.constant 0 : i32
    %c0_i32_0 = arith.constant 0 : i32
    return %arg0, %c0_i32 : i32, i32
  }
  func.func @transform_4(%arg0: i32) -> (i32, i32) {
    %c0_i32 = arith.constant 0 : i32
    %c0_i32_0 = arith.constant 0 : i32
    %c0_i32_1 = arith.constant 0 : i32
    return %c0_i32, %c0_i32_0 : i32, i32
  }
  func.func @transform_5(%arg0: i32) -> (i32, i32) {
    %c0_i32 = arith.constant 0 : i32
    %c0_i32_0 = arith.constant 0 : i32
    return %arg0, %c0_i32 : i32, i32
  }
  func.func @transform_6(%arg0: i32) -> (i32, i32) {
    %c0_i32 = arith.constant 0 : i32
    %c0_i32_0 = arith.constant 0 : i32
    %c0_i32_1 = arith.constant 0 : i32
    return %c0_i32, %c0_i32_0 : i32, i32
  }
}

module attributes {stable_mosaic.version = 14 : i64} {
  func.func @_tc_head_body(%arg0: memref<128x16xf32, #tpu.memory_space<vmem>>, %arg1: memref<16x8xf32, #tpu.memory_space<vmem>>, %arg2: memref<1x8xf32, #tpu.memory_space<vmem>>, %arg3: memref<128x8xf32, #tpu.memory_space<vmem>>) attributes {dimension_semantics = [], scalar_prefetch = 0 : i64, scratch_operands = 0 : i64, tpu.core_type = #tpu.core_type<tc>} {
    %get3A = arith.constant 0 : index
    %get3A_0 = arith.constant 0 : index
    %get3A_1 = vector.load %arg0[%get3A, %get3A_0] : memref<128x16xf32, #tpu.memory_space<vmem>>, vector<128x16xf32>
    %get3A_2 = arith.constant 0 : index
    %get3A_3 = arith.constant 0 : index
    %get3A_4 = vector.load %arg1[%get3A_2, %get3A_3] : memref<16x8xf32, #tpu.memory_space<vmem>>, vector<16x8xf32>
    %dot_general3A = arith.constant dense<0.000000e+00> : vector<128x8xf32>
    %dot_general3A_5 = tpu.matmul %get3A_1, %get3A_4, %dot_general3A {dimension_numbers = #tpu.dot_dimension_numbers<[1], [0], [0], [1], [0, 0, 1, 1], [], []>, transpose_lhs_hint = false} : vector<128x16xf32>, vector<16x8xf32>, vector<128x8xf32> -> vector<128x8xf32>
    %get3A_6 = arith.constant 0 : index
    %get3A_7 = arith.constant 0 : index
    %get3A_8 = vector.load %arg2[%get3A_6, %get3A_7] : memref<1x8xf32, #tpu.memory_space<vmem>>, vector<1x8xf32>
    %add3A = vector.broadcast %get3A_8 : vector<1x8xf32> to vector<128x8xf32>
    %add3A_9 = arith.addf %dot_general3A_5, %add3A : vector<128x8xf32>
    %iota3A = tpu.iota {dimensions = array<i32: 1>} : vector<128x8xi32>
    %lt3A = arith.constant 7 : i32
    %lt3A_10 = vector.broadcast %lt3A : i32 to vector<128x8xi32>
    %lt3A_11 = arith.cmpi slt, %iota3A, %lt3A_10 : vector<128x8xi32>
    %jit3A = arith.constant 0xFF800000 : f32
    %broadcast_in_dim3A = vector.broadcast %jit3A : f32 to vector<128x8xf32>
    %select_n3A = arith.select %lt3A_11, %add3A_9, %broadcast_in_dim3A : vector<128x8xi1>, vector<128x8xf32>
    %reduce_max3A = arith.constant dense<0xFF800000> : vector<128xf32>
    %reduce_max3A_12 = vector.multi_reduction <maximumf>, %select_n3A, %reduce_max3A [1] : vector<128x8xf32> to vector<128xf32>
    %broadcast_in_dim3A_13 = vector.shape_cast %reduce_max3A_12 : vector<128xf32> to vector<128x1xf32>
    %sub3A = vector.broadcast %broadcast_in_dim3A_13 : vector<128x1xf32> to vector<128x8xf32>
    %sub3A_14 = arith.subf %add3A_9, %sub3A : vector<128x8xf32>
    %exp3A = math.exp %sub3A_14 : vector<128x8xf32>
    %jit3A_15 = arith.constant 0.000000e+00 : f32
    %broadcast_in_dim3A_16 = vector.broadcast %jit3A_15 : f32 to vector<128x8xf32>
    %select_n3A_17 = arith.select %lt3A_11, %exp3A, %broadcast_in_dim3A_16 : vector<128x8xi1>, vector<128x8xf32>
    %reduce_sum3A = arith.constant dense<0.000000e+00> : vector<128xf32>
    %reduce_sum3A_18 = vector.multi_reduction <add>, %select_n3A_17, %reduce_sum3A [1] : vector<128x8xf32> to vector<128xf32>
    %broadcast_in_dim3A_19 = vector.shape_cast %reduce_sum3A_18 : vector<128xf32> to vector<128x1xf32>
    %log3A = math.log %broadcast_in_dim3A_19 : vector<128x1xf32>
    %sub3A_20 = vector.broadcast %broadcast_in_dim3A_13 : vector<128x1xf32> to vector<128x8xf32>
    %sub3A_21 = arith.subf %add3A_9, %sub3A_20 : vector<128x8xf32>
    %sub3A_22 = vector.broadcast %log3A : vector<128x1xf32> to vector<128x8xf32>
    %sub3A_23 = arith.subf %sub3A_21, %sub3A_22 : vector<128x8xf32>
    %swap3A = arith.constant 0 : index
    %swap3A_24 = arith.constant 0 : index
    %swap3A_25 = vector.load %arg3[%swap3A, %swap3A_24] : memref<128x8xf32, #tpu.memory_space<vmem>>, vector<128x8xf32>
    tpu.vector_store %arg3[%swap3A, %swap3A_24], %sub3A_23 {strides = array<i32>} : memref<128x8xf32, #tpu.memory_space<vmem>>, vector<128x8xf32>,
    return
  }
}

</mosaic_0001>

<sc_bundles>
// kernel: kernel.10.cloned.1.call-start
scs
__scs_entry_jumppad:
0x0: {  	(pc) =	sbr.rel $0x88, $3  }
0x1: {  	(tag) =	ssettag $0x0;
	lr =	simm.s32 $0x1  }
0x2: {  	[smem:$0x3F98] =	sst lr;
	_ =	strace $0xD0000000  }
0x3: {  	_ = 	snop  }
0x4: {  	_ = 	snop  }
0x5: {  	_ = 	snop  }
0x6: {  	_ = 	snop  }
0x7: {  	_ = 	snop  }
__scs_overlays_trampoline_lowered:
0x8: {  	[smem:$0x3FA7] =	sst s0  }
0x9: {  	[smem:$0x3FA8] =	sst s1  }
0xa: {  	[smem:$0x3FA9] =	sst s2  }
0xb: {  	[smem:$0x3FAA] =	sst s3  }
0xc: {  	[smem:$0x3FAB] =	sst s4  }
0xd: {  	[smem:$0x3FAC] =	sst s5  }
0xe: {  	[smem:$0x3FAD] =	sst s6  }
0xf: {  	[smem:$0x3FAE] =	sst s7  }
0x10: {  	[smem:$0x3FAF] =	sst s8  }
0x11: {  	[smem:$0x3FB0] =	sst s9;
	s0 =	simm.s32 @!p0 $0x0  }
0x12: {  	s1 =	sld [smem:$0x3F96];
	s0 =	simm.s32 @p0 $0x1  }
0x13: {  	[smem:$0x3FB1] =	sst s0;
	s0 =	simm.s32 @!p1 $0x0  }
0x14: {  	s2 =	sld [smem:$0x3F95];
	s0 =	simm.s32 @p1 $0x1  }
0x15: {  	[smem:$0x3FB2] =	sst s0;
	s0 =	simm.s32 @!p2 $0x0  }
0x16: {  	s3 =	sld [smem:$0x3FDB];
	s0 =	simm.s32 @p2 $0x1  }
0x17: {  	s4 =	simm.s32 $0x1BF5;
	[smem:$0x3FB4] =	sst s0  }
0x18: {  	s0 =	sld [smem:$0x3F97];
	_ =	swait.ge [sflag:s4], $0x0  }
0x19: {  	s7 =	sld [smem:$0x3F98]  }
0x1a: {  	s8 =	sadd.s32 $0xFFFFE003, lr  }
0x1b: {  	s9 =	sadd.s32 $0xFFFFFEF7, lr;
	s5 =	simm.s32 $0xFFFFFFFF;
	p2 =	slt.u32 s8, $0xFFFFF086  }
0x1c: {  	p1 =	slt.u32 s9, $0xF7A;
	s5 =	simm.s32 @!p2 $0x0  }
0x1d: {  	s5 =	simm.s32 @p1 $0x1;
	p0 =	seq.s32 s7, s2  }
0x1e: {  	s7 =	smul.u32 @!p0 $0xF7A, s2;
	p2 =	seq.s32 @!p0 s5, $0x0  }
0x1f: {  	s9 =	smul.u32 $0xF7A, s1;
	s8 =	simm.s32 @!p0 $0x1BF5;
	p2 =	por !p2, p0  }
0x20: {  	[sflag:s8] =	ssyncset.s32 @!p0 $0xFFFFF086;
	s6 =	sadd.s32 @!p0 s3, s7;
	s7 =	simm.s32 @!p0 $0x108  }
0x21: {  	s3 =	sadd.s32 s3, s9;
	s6 =	sadd.s32 @!p0 $0x88, s6;
	s7 =	simm.s32 @p2 $0x1082  }
0x22: {  	[simem:s7], [sflag:s8] =	dma.local @!p0 [hbm:s6], $0xF7A  }
0x23: {  	s9 =	sor.u32 $0xD0000000, s2;
	s6 =	simm.s32 $0x108;
	_ =	swait.ge @!p0 [sflag:s8], $0x0  }
0x24: {  	s3 =	sadd.s32 $0x88, s3;
	s6 =	simm.s32 @!p1 $0x1082;
	[sflag:s4] =	ssyncset.s32 $0xFFFFF086  }
0x25: {  	[simem:s6], [sflag:s4] =	dma.local [hbm:s3], $0xF7A  }
0x26: {  	[smem:$0x3F98] =	sst s1;
	(tag) =	ssettag s2;
	_ =	strace s9  }
0x27: {  	s1 =	sld [smem:$0x3FA8]  }
0x28: {  	s2 =	sld [smem:$0x3FA9]  }
0x29: {  	s4 =	sld [smem:$0x3FAB]  }
0x2a: {  	p0 =	seq.s32 s5, $0x0;
	s5 =	sld [smem:$0x3FAC]  }
0x2b: {  	s6 =	sld [smem:$0x3FAD]  }
0x2c: {  	s7 =	sld [smem:$0x3FAE]  }
0x2d: {  	s3 =	simm.s32 $0x108;
	s8 =	sld [smem:$0x3FAF]  }
0x2e: {  	s3 =	simm.s32 @!p0 $0x1082;
	s9 =	sld [smem:$0x3FB0]  }
0x2f: {  	lr =	sadd.s32 s0, s3;
	s0 =	sld [smem:$0x3FA7]  }
0x30: {  	s3 =	sld [smem:$0x3FAA]  }
0x31: {  	[smem:$0x3FB3] =	sst s10  }
0x32: {  	s10 =	sld [smem:$0x3FB1];
	_ =	sdelay $0x3  }
0x33: {  	p0 =	seq.s32 s10, $0x1;
	s10 =	sld [smem:$0x3FB3];
	_ =	sdelay $0x3  }
0x34: {  	[smem:$0x3FB3] =	sst s10  }
0x35: {  	s10 =	sld [smem:$0x3FB2];
	_ =	sdelay $0x3  }
0x36: {  	p1 =	seq.s32 s10, $0x1;
	s10 =	sld [smem:$0x3FB3];
	_ =	sdelay $0x3  }
0x37: {  	[smem:$0x3FB3] =	sst s10  }
0x38: {  	s10 =	sld [smem:$0x3FB4]  }
0x39: {  	_ = 	snop;
	(pc) =	sbr.ind lr, $3  }
0x3a: {  	_ = 	snop  }
0x3b: {  	_ = 	snop  }
0x3c: {  	p2 =	seq.s32 s10, $0x1;
	s10 =	sld [smem:$0x3FB3]  }
0x3d: {  	_ =	shalt  }
0x3e: {  	_ =	shalt  }
0x3f: {  	_ =	shalt  }
0x40: {  	_ =	shalt  }
0x41: {  	_ =	shalt  }
0x42: {  	_ =	shalt  }
0x43: {  	_ =	shalt  }
0x44: {  	_ =	shalt  }
0x45: {  	_ =	shalt  }
0x46: {  	_ =	shalt  }
0x47: {  	_ =	shalt  }
0x48: {  	_ =	shalt  }
0x49: {  	_ =	shalt  }
0x4a: {  	_ =	shalt  }
0x4b: {  	_ =	shalt  }
0x4c: {  	_ =	shalt  }
0x4d: {  	_ =	shalt  }
0x4e: {  	_ =	shalt  }
0x4f: {  	_ =	shalt  }
0x50: {  	_ =	shalt  }
0x51: {  	_ =	shalt  }
0x52: {  	_ =	shalt  }
0x53: {  	_ =	shalt  }
0x54: {  	_ =	shalt  }
0x55: {  	_ =	shalt  }
0x56: {  	_ =	shalt  }
0x57: {  	_ =	shalt  }
0x58: {  	_ =	shalt  }
0x59: {  	_ =	shalt  }
0x5a: {  	_ =	shalt  }
0x5b: {  	_ =	shalt  }
0x5c: {  	_ =	shalt  }
0x5d: {  	_ =	shalt  }
0x5e: {  	_ =	shalt  }
0x5f: {  	_ =	shalt  }
0x60: {  	_ =	shalt  }
0x61: {  	_ =	shalt  }
0x62: {  	_ =	shalt  }
0x63: {  	_ =	shalt  }
0x64: {  	_ =	shalt  }
0x65: {  	_ =	shalt  }
0x66: {  	_ =	shalt  }
0x67: {  	_ =	shalt  }
0x68: {  	_ =	shalt  }
0x69: {  	_ =	shalt  }
0x6a: {  	_ =	shalt  }
0x6b: {  	_ =	shalt  }
0x6c: {  	_ =	shalt  }
0x6d: {  	_ =	shalt  }
0x6e: {  	_ =	shalt  }
0x6f: {  	_ =	shalt  }
0x70: {  	_ =	shalt  }
0x71: {  	_ =	shalt  }
0x72: {  	_ =	shalt  }
0x73: {  	_ =	shalt  }
0x74: {  	_ =	shalt  }
0x75: {  	_ =	shalt  }
0x76: {  	_ =	shalt  }
0x77: {  	_ =	shalt  }
0x78: {  	_ =	shalt  }
0x79: {  	_ =	shalt  }
0x7a: {  	_ =	shalt  }
0x7b: {  	_ =	shalt  }
0x7c: {  	_ =	shalt  }
0x7d: {  	_ =	shalt  }
0x7e: {  	_ =	shalt  }
0x7f: {  	_ =	shalt  }
0x80: {  	_ =	shalt  }
0x81: {  	_ =	shalt  }
0x82: {  	_ =	shalt  }
0x83: {  	_ =	shalt  }
0x84: {  	_ =	shalt  }
0x85: {  	_ =	shalt  }
0x86: {  	_ =	shalt  }
0x87: {  	_ =	shalt  }
.Lfunc_end0:
.L_simem_size_0:
called_computation_lowered:
.L_overlay_start_0:
0x88: {  	s2 =	sld [smem:$0x3FD9]  }
0x89: {  	s3 =	sld [smem:$0x3FFE];
	_ =	sdelay $0x1  }
0x8a: {  	s1 =	srdreg.scid  }
0x8b: {  	s0 =	sand.u32 $0x1, s1  }
0x8c: {  	s16 =	sshll.u32 s0, $0xA;
	s2 =	sadd.s32 s3, s2  }
0x8d: {  	s2 =	sadd.s32 s2, s16  }
0x8e: {  	[smem:$0x3FBF] =	sst s2  }
0x8f: {  	_ = 	snop  }
0x90: {  	(tm) =	ssettm $0x1  }
0x91: {  	s17 =	sld [smem:$0x3FFB];
	_ =	sdelay $0x3  }
0x92: {  	_ =	strace s17  }
0x93: {  	s2 =	sld [smem:$0x3FFC];
	_ =	sdelay $0x3  }
0x94: {  	_ =	strace s2  }
0x95: {  	s2 =	sld [smem:$0x3FFD];
	_ =	sdelay $0x3  }
0x96: {  	_ =	strace s2  }
0x97: {  	_ =	strace $0x8FFFFFFF  }
0x98: {  	s18 =	sld [smem:$0x3FDB];
	_ =	sdelay $0x1  }
0x99: {  	s19 =	simm.s32 $_scs_section_size  }
0x9a: {  	s4 =	simm.s32 $_size__tile_overlayer_lowered;
	s5 =	simm.s32 $_tile_overlayer_lowered  }
0x9b: {  	s22 =	simm.s32 $0x1BFF;
	s21 =	sshll.u32 s5, $0x1;
	s2 =	sadd.s32 s19, s18  }
0x9c: {  	s6 =	simm.s32 $0x0;
	s20 =	sshll.u32 s4, $0x1;
	s4 =	sadd.s32 s21, s2  }
0x9d: {  	[timem:s6], [sflag:s22] =	dma.local [hbm:s4], s20  }
0x9e: {  	_ =	swait.ge [sflag:s22], s20  }
0x9f: {  	s3 =	ssub.s32 $0x0, s20;
	[sflag:s22] =	ssyncset.done $0x0  }
0xa0: {  	[sflag:s22] =	ssyncadd.s32 s3;
	_ =	sdelay $0x1  }
0xa1: {  	s23 =	simm.s32 $0x1B8B  }
0xa2: {  	_ =	swait.ge [sflag:s23], $0x1  }
0xa3: {  	[sflag:s23] =	ssyncset.done $0x0  }
0xa4: {  	s25 =	simm.s32 $0x1B8E;
	s24 =	sld [smem:$0x3FFE];
	[sflag:s23] =	ssyncadd.s32 $0xFFFFFFFF  }
0xa5: {  	s26 =	simm.s32 $execute0_lowered;
	[smem:$0x3FD2] =	sst s25  }
0xa6: {  	s4 =	sshll.u32 s26, $0x1;
	_ =	strace $0x80000046;
	[dreg:$0x1] =	wrdreg $0xFFFFFFFF  }
0xa7: {  	s28 =	simm.s32 $_size_execute0_lowered;
	s2 =	sadd.s32 s2, s4;
	[dreg:$0x0] =	wrdreg $0x0  }
0xa8: {  	s4 =	sshll.u32 s28, $0x1;
	[dreg:$0x2] =	wrdreg s2  }
0xa9: {  	[dreg:$0x3] =	wrdreg s4  }
0xaa: {  	[dreg:$0x4] =	wrdreg $0xC0  }
0xab: {  	_ =	task [dreg:s6], $0x5FFFF  }
0xac: {  	[dreg:$0x1] =	wrdreg $0xFFFFFFFF  }
0xad: {  	[dreg:$0x0] =	wrdreg $0x60  }
0xae: {  	[dreg:$0x2] =	wrdreg s24  }
0xaf: {  	[dreg:$0x3] =	wrdreg $0xC000  }
0xb0: {  	[dreg:$0x4] =	wrdreg $0x9  }
0xb1: {  	_ =	task.clear_ibuf [dreg:s6], $0x5FFFF;
	_ =	strace $0x90000046  }
0xb2: {  	s29 =	simm.s32 $0x9;
	_ =	strace $0x80000048  }
0xb3: {  	_ =	swait.ge [sflag:s29], $0x1  }
0xb4: {  	[sflag:s29] =	ssyncadd.s32 $0xFFFFFFFF  }
0xb5: {  	_ =	strace $0x90000048  }
0xb6: {  	_ =	sfence  }
0xb7: {  	s30 =	sld [smem:$0x0];
	_ =	sdelay $0x2  }
0xb8: {  	s31 =	sshll.u32 s1, $0xD;
	s1 =	sshrl.u32 s1, $0x2  }
0xb9: {  	s3 =	sand.u32 $0x4000, s31;
	s1 =	sadd.s32 s1, s30  }
0xba: {  	s0 =	sor.u32 s3, s0;
	s1 =	sshll.u32 s1, $0x11  }
0xbb: {  	s0 =	sor.u32 s1, s0  }
0xbc: {  	s0 =	sadd.s32 $0x8F2B, s0  }
0xbd: {  	[sflag:s0] =	ssyncadd.remote.s32 $0x1  }
0xbe: {  	_ =	sfence.sel $0xFFFF  }
0xbf: {  	[dreg:$0x0] =	wrdreg $0xFFFFFFFF;
	(pc) =	sbr.abs _section_cstart, $3  }
0xc0: {  	[dreg:$0x1] =	wrdreg $0xFFFFFFFF  }
0xc1: {  	_ =	task.clear_ibuf [dreg:s6], $0x2FFFF;
	_ =	strace $0x9FFFFFFF  }
0xc2: {  	(tm) =	ssettm $0x7FFFFFFF  }
0xc3: {  	_ =	shalt  }
tec
execute0_lowered:
.L_overlay_start_1:
0x0: {  	(tag) =	ssettag $0x1  }
0x1: {  	s0 =	rddreg [dreg:$0x0]  }
0x2: {  	s1 =	rddreg [dreg:$0x1];
	s3 =	simm.s32 $0x0;
	s2 =	srdreg.scid  }
0x3: {  	s10 =	stileid.u32;
	[smem:$0x7FF] =	sst s3  }
0x4: {  	s2 =	sand.u32 $0x1, s2;
	s4 =	smul.u32 $0x3100, s10;
	s5 =	sshll.u32 s10, $0x1  }
0x5: {  	s7 =	sadd.s32 $0x65200, s0;
	s8 =	sadd.s32 $0xC7200, s0;
	s29 =	smul.u32 $0x31000, s10  }
0x6: {  	s28 =	sadd.s32 $0xCA400, s0;
	s9 =	smul.u32 $0x62000, s10;
	_ =	strace $0x80000047  }
0x7: {  	s6 =	smul.u32 $0x31000, s2;
	s5 =	sor.u32 s2, s5;
	[dreg:$0xc] =	wrdreg s8  }
0x8: {  	[dreg:$0xd] =	wrdreg s28;
	s30 =	ssub.s32 $0x2, s2;
	s2 =	smul.u32 $0x18800, s2  }
0x9: {  	s8 =	simm.s32 $0x400;
	s5 =	smul.u32 $0x18800, s5;
	s31 =	sshrl.u32 s30, $0x1  }
0xa: {  	s11 =	sshrl.u32 s9, $0x2;
	s9 =	simm.s32 $0x11;
	s4 =	sadd.s32 s4, s6  }
0xb: {  	s2 =	sadd.s32 s2, s29;
	s6 =	sadd.s32 s11, s1;
	s0 =	sadd.s32 s4, s0  }
0xc: {  	s5 =	sshrl.u32 s5, $0x3;
	s4 =	ssub.s32 s30, s31;
	s12 =	sor.u32 $0x380, s2  }
0xd: {  	s15 =	sor.u32 $0x300, s2;
	s17 =	sor.u32 $0x280, s2;
	s18 =	sor.u32 $0x200, s2  }
0xe: {  	s22 =	sor.u32 $0x180, s2;
	s24 =	sor.u32 $0x100, s2;
	s25 =	sor.u32 $0x80, s2  }
0xf: {  	s2 =	sshrl.u32 s2, $0x3;
	s31 =	sshll.u32 s10, $0x6;
	s11 =	sshrl.u32 s6, $0x3  }
0x10: {  	s6 =	simm.s32 $0x0;
	s5 =	sadd.s32 s5, s7;
	s13 =	sshrl.u32 s12, $0x3  }
0x11: {  	s0 =	sadd.s32 $0xCA600, s0;
	s16 =	sshrl.u32 s15, $0x3;
	s20 =	sshrl.u32 s18, $0x3  }
0x12: {  	s23 =	sshrl.u32 s22, $0x3;
	s28 =	sshrl.u32 s25, $0x3;
	s4 =	smax.u32 s4, $0x1  }
0x13: {  	s30 =	sadd.s32 s2, s7;
	s10 =	sor.u32 $0x1C11, s31;
	s12 =	simm.s32 $0x100  }
0x14: {  	s15 =	simm.s32 $0x180;
	s18 =	simm.s32 $0x3;
	[dreg:$0xe] =	wrdreg s0  }
0x15: {  	s22 =	simm.s32 $0x5;
	s2 =	simm.s32 $0xE;
	[dreg:$0xf] =	wrdreg s4  }
0x16: {  	s5 =	sadd.s32 $0x10, s5;
	s14 =	sadd.s32 s13, s7;
	[dreg:$0xb] =	wrdreg s30  }
0x17: {  	s0 =	sadd.s32 s16, s7;
	s21 =	sadd.s32 s20, s7;
	[dreg:$0x3] =	wrdreg s5  }
0x18: {  	s29 =	sadd.s32 s28, s7;
	s13 =	simm.s32 $0x1;
	[dreg:$0x4] =	wrdreg s14  }
0x19: {  	s16 =	simm.s32 $0x2;
	s20 =	simm.s32 $0x4;
	[dreg:$0x5] =	wrdreg s0  }
0x1a: {  	s4 =	simm.s32 $0xF;
	s5 =	sshrl.u32 s17, $0x3;
	[dreg:$0x7] =	wrdreg s21  }
0x1b: {  	s0 =	sadd.s32 s23, s7;
	[dreg:$0xa] =	wrdreg s29;
	s14 =	simm.s32 $0x80  }
0x1c: {  	s17 =	simm.s32 $0x200;
	s21 =	simm.s32 $0x300;
	s23 =	simm.s32 $0x380  }
0x1d: {  	s19 =	sadd.s32 s5, s7;
	s5 =	sshrl.u32 s24, $0x3;
	[dreg:$0x8] =	wrdreg s0  }
0x1e: {  	s24 =	simm.s32 $0x6;
	[dreg:$0x6] =	wrdreg s19;
	s26 =	sadd.s32 s5, s7  }
0x1f: {  	s19 =	simm.s32 $0x280;
	s5 =	simm.s32 $0x10;
	[dreg:$0x9] =	wrdreg s26  }
.LBB2_1:
0x20: {  	s0 =	rddreg [dreg:$0xd]  }
0x21: {  	[tilespmem:s8], [sflag:$0x11] =	stream.linear.gather [hbm4b:s0+s3], $0x800, $0x38;
	[tilespmem:$0x19400] =	vst v63  }
0x22: {  	_ =	swait.ge [sflag:s9], $0x800  }
0x23: {  	[sflag:s9] =	ssyncset.done $0x0  }
0x24: {  	s30 =	rddreg [dreg:$0xc];
	[sflag:s9] =	ssyncadd.s32 $0xFFFFF800  }
0x25: {  	[spmem:s11], [sflag:s10] =	dma.local [hbm:s30], $0x3100  }
0x26: {  	_ =	swait.ge [sflag:s9], $0x3100  }
0x27: {  	[sflag:s9] =	ssyncset.done $0x0  }
0x28: {  	p0 =	por $0x1, $0x1;
	[sflag:s9] =	ssyncadd.s32 $0xFFFFCF00  }
0x29: {  	s7 =	simm.s32 @!p0 $0x9;
	[bflag:$0x0] =	sbarrier.arrive $0xFFFF  }
0x2a: {  	_ =	swait.ge @!p0 [sflag:s7], $0x800  }
0x2b: {  	s25 =	rddreg [dreg:$0xb];
	[sflag:s7] =	ssyncset.done @!p0 $0x0  }
0x2c: {  	s26 =	simm.s32 @p0 $0x80;
	[sflag:s7] =	ssyncadd.s32 @!p0 $0xFFFFF800;
	s31 =	sadd.s32 $0x0, s25  }
0x2d: {  	[tilespmem:s3], [sflag:$0x1] =	stream.linear.gather [hbm4b:s31+s3], $0x80, $0x38;
	[tilespmem:$0x19400] =	vst v63  }
0x2e: {  	s28 =	simm.s32 @!p0 $0x7;
	s25 =	rddreg [dreg:$0x3];
	s7 =	simm.s32 @p0 $0x0  }
0x2f: {  	[tilespmem:s26], [sflag:$0x2] =	stream.linear.gather @p0 [hbm4b:s25+s7], $0x80, $0x38;
	[tilespmem:$0x19400] =	vst v63  }
0x30: {  	_ =	swait.ge @!p0 [sflag:s28], $0x80  }
0x31: {  	s7 =	simm.s32 @!p0 $0x400;
	s25 =	simm.s32 @!p0 $0xA;
	[sflag:s28] =	ssyncset.done @!p0 $0x0  }
0x32: {  	s26 =	simm.s32 @!p0 $0x80;
	[sflag:s28] =	ssyncadd.s32 @!p0 $0xFFFFFF80;
	s28 =	simm.s32 @!p0 $0x300  }
0x33: {  	[spmem:s1] =	stream.indirect.scatter.add.f32 @!p0 [tilespmem:s7], [sflag:$0xF], $0x10, s28, s26, $0xb8;
	[tilespmem:$0x19400] =	vst v63  }
0x34: {  	_ =	swait.ge @!p0 [sflag:s25], $0x800  }
0x35: {  	s28 =	rddreg [dreg:$0xa];
	[sflag:s25] =	ssyncset.done @!p0 $0x0  }
0x36: {  	[sflag:s25] =	ssyncadd.s32 @!p0 $0xFFFFF800;
	s25 =	sadd.s32 @!p0 $0x0, s28;
	s28 =	simm.s32 @!p0 $0x0  }
0x37: {  	[tilespmem:s26], [sflag:$0x2] =	stream.linear.gather @!p0 [hbm4b:s25+s28], $0x80, $0x38;
	[tilespmem:$0x19400] =	vst v63  }
0x38: {  	s25 =	simm.s32 @!p0 $0x8  }
0x39: {  	_ =	swait.ge @!p0 [sflag:s25], $0x80  }
0x3a: {  	[sflag:s25] =	ssyncset.done @!p0 $0x0  }
0x3b: {  	[sflag:s25] =	ssyncadd.s32 @!p0 $0xFFFFFF80;
	s25 =	simm.s32 @!p0 $0x380  }
0x3c: {  	[spmem:s1] =	stream.indirect.scatter.add.f32 @!p0 [tilespmem:s7], [sflag:$0x10], $0x10, s25, s26, $0xb8;
	[tilespmem:$0x19400] =	vst v63  }
0x3d: {  	s7 =	simm.s32 @!p0 $0xB  }
0x3e: {  	_ =	swait.ge @!p0 [sflag:s7], $0x800  }
0x3f: {  	s0 =	rddreg [dreg:$0x9];
	[sflag:s7] =	ssyncset.done @!p0 $0x0  }
0x40: {  	[sflag:s7] =	ssyncadd.s32 @!p0 $0xFFFFF800;
	s26 =	sadd.s32 $0x0, s0  }
0x41: {  	[tilespmem:s12], [sflag:$0x3] =	stream.linear.gather [hbm4b:s26+s3], $0x80, $0x38;
	[tilespmem:$0x19400] =	vst v63  }
0x42: {  	_ =	swait.ge [sflag:s13], $0x80  }
0x43: {  	[sflag:s13] =	ssyncset.done $0x0  }
0x44: {  	s7 =	simm.s32 @!p0 $0xC;
	[sflag:s13] =	ssyncadd.s32 $0xFFFFFF80  }
0x45: {  	[spmem:s1] =	stream.indirect.scatter.add.f32 [tilespmem:s8], [sflag:$0x9], $0x10, s3, s14, $0xb8;
	[tilespmem:$0x19400] =	vst v63  }
0x46: {  	_ =	swait.ge @!p0 [sflag:s7], $0x800  }
0x47: {  	s28 =	rddreg [dreg:$0x8];
	[sflag:s7] =	ssyncset.done @!p0 $0x0  }
0x48: {  	[sflag:s7] =	ssyncadd.s32 @!p0 $0xFFFFF800;
	s29 =	sadd.s32 $0x0, s28  }
0x49: {  	[tilespmem:s15], [sflag:$0x4] =	stream.linear.gather [hbm4b:s29+s3], $0x80, $0x38;
	[tilespmem:$0x19400] =	vst v63  }
0x4a: {  	_ =	swait.ge [sflag:s16], $0x80  }
0x4b: {  	[sflag:s16] =	ssyncset.done $0x0  }
0x4c: {  	s7 =	simm.s32 @!p0 $0xD;
	[sflag:s16] =	ssyncadd.s32 $0xFFFFFF80  }
0x4d: {  	[spmem:s1] =	stream.indirect.scatter.add.f32 [tilespmem:s8], [sflag:$0xA], $0x10, s14, s14, $0xb8;
	[tilespmem:$0x19400] =	vst v63  }
0x4e: {  	_ =	swait.ge @!p0 [sflag:s7], $0x800  }
0x4f: {  	s30 =	rddreg [dreg:$0x7];
	[sflag:s7] =	ssyncset.done @!p0 $0x0  }
0x50: {  	[sflag:s7] =	ssyncadd.s32 @!p0 $0xFFFFF800;
	s31 =	sadd.s32 $0x0, s30  }
0x51: {  	[tilespmem:s17], [sflag:$0x5] =	stream.linear.gather [hbm4b:s31+s3], $0x80, $0x38;
	[tilespmem:$0x19400] =	vst v63  }
0x52: {  	_ =	swait.ge [sflag:s18], $0x80  }
0x53: {  	[sflag:s18] =	ssyncset.done $0x0  }
0x54: {  	s7 =	simm.s32 @!p0 $0xE;
	[sflag:s18] =	ssyncadd.s32 $0xFFFFFF80  }
0x55: {  	[spmem:s1] =	stream.indirect.scatter.add.f32 [tilespmem:s8], [sflag:$0xB], $0x10, s12, s14, $0xb8;
	[tilespmem:$0x19400] =	vst v63  }
0x56: {  	_ =	swait.ge @!p0 [sflag:s7], $0x800  }
0x57: {  	s0 =	rddreg [dreg:$0x6];
	[sflag:s7] =	ssyncset.done @!p0 $0x0  }
0x58: {  	[sflag:s7] =	ssyncadd.s32 @!p0 $0xFFFFF800;
	s26 =	sadd.s32 $0x0, s0  }
0x59: {  	[tilespmem:s19], [sflag:$0x6] =	stream.linear.gather [hbm4b:s26+s3], $0x80, $0x38;
	[tilespmem:$0x19400] =	vst v63  }
0x5a: {  	_ =	swait.ge [sflag:s20], $0x80  }
0x5b: {  	[sflag:s20] =	ssyncset.done $0x0  }
0x5c: {  	s7 =	simm.s32 @!p0 $0xF;
	[sflag:s20] =	ssyncadd.s32 $0xFFFFFF80  }
0x5d: {  	[spmem:s1] =	stream.indirect.scatter.add.f32 [tilespmem:s8], [sflag:$0xC], $0x10, s15, s14, $0xb8;
	[tilespmem:$0x19400] =	vst v63  }
0x5e: {  	_ =	swait.ge @!p0 [sflag:s7], $0x800  }
0x5f: {  	s28 =	rddreg [dreg:$0x5];
	[sflag:s7] =	ssyncset.done @!p0 $0x0  }
0x60: {  	[sflag:s7] =	ssyncadd.s32 @!p0 $0xFFFFF800;
	s29 =	sadd.s32 $0x0, s28  }
0x61: {  	[tilespmem:s21], [sflag:$0x7] =	stream.linear.gather [hbm4b:s29+s3], $0x80, $0x38;
	[tilespmem:$0x19400] =	vst v63  }
0x62: {  	_ =	swait.ge [sflag:s22], $0x80  }
0x63: {  	[sflag:s22] =	ssyncset.done $0x0  }
0x64: {  	s7 =	simm.s32 @!p0 $0x10;
	[sflag:s22] =	ssyncadd.s32 $0xFFFFFF80  }
0x65: {  	[spmem:s1] =	stream.indirect.scatter.add.f32 [tilespmem:s8], [sflag:$0xD], $0x10, s17, s14, $0xb8;
	[tilespmem:$0x19400] =	vst v63  }
0x66: {  	_ =	swait.ge @!p0 [sflag:s7], $0x800  }
0x67: {  	s30 =	rddreg [dreg:$0x4];
	[sflag:s7] =	ssyncset.done @!p0 $0x0  }
0x68: {  	[sflag:s7] =	ssyncadd.s32 @!p0 $0xFFFFF800;
	s31 =	sadd.s32 $0x0, s30  }
0x69: {  	[tilespmem:s23], [sflag:$0x8] =	stream.linear.gather [hbm4b:s31+s3], $0x80, $0x38;
	[tilespmem:$0x19400] =	vst v63  }
0x6a: {  	s25 =	simm.s32 $0x100;
	_ =	swait.ge [sflag:s24], $0x80  }
0x6b: {  	s7 =	simm.s32 $0x80;
	p0 =	por $0x0, $0x0;
	[sflag:s24] =	ssyncset.done $0x0  }
.LBB2_2:
0x6c: {  	s28 =	simm.s32 @!p0 $0x9;
	[sflag:s24] =	ssyncadd.s32 $0xFFFFFF80  }
0x6d: {  	[spmem:s1] =	stream.indirect.scatter.add.f32 [tilespmem:s8], [sflag:$0xE], $0x10, s19, s14, $0xb8;
	[tilespmem:$0x19400] =	vst v63  }
0x6e: {  	_ =	swait.ge @!p0 [sflag:s28], $0x800  }
0x6f: {  	[sflag:s28] =	ssyncset.done @!p0 $0x0;
	s29 =	rddreg [dreg:$0xb]  }
0x70: {  	s30 =	simm.s32 @p0 $0x80;
	[sflag:s28] =	ssyncadd.s32 @!p0 $0xFFFFF800;
	s0 =	sadd.s32 s7, s29  }
0x71: {  	[tilespmem:s3], [sflag:$0x1] =	stream.linear.gather [hbm4b:s0+s3], $0x80, $0x38;
	[tilespmem:$0x19400] =	vst v63  }
0x72: {  	s31 =	simm.s32 @!p0 $0x7;
	s29 =	rddreg [dreg:$0x3];
	s28 =	simm.s32 @p0 $0x0  }
0x73: {  	[tilespmem:s30], [sflag:$0x2] =	stream.linear.gather @p0 [hbm4b:s29+s28], $0x80, $0x38;
	[tilespmem:$0x19400] =	vst v63  }
0x74: {  	_ =	swait.ge @!p0 [sflag:s31], $0x80  }
0x75: {  	s28 =	simm.s32 @!p0 $0x400;
	s29 =	simm.s32 @!p0 $0xA;
	[sflag:s31] =	ssyncset.done @!p0 $0x0  }
0x76: {  	s30 =	simm.s32 @!p0 $0x80;
	[sflag:s31] =	ssyncadd.s32 @!p0 $0xFFFFFF80;
	s31 =	simm.s32 @!p0 $0x300  }
0x77: {  	[spmem:s1] =	stream.indirect.scatter.add.f32 @!p0 [tilespmem:s28], [sflag:$0xF], $0x10, s31, s30, $0xb8;
	[tilespmem:$0x19400] =	vst v63  }
0x78: {  	_ =	swait.ge @!p0 [sflag:s29], $0x800  }
0x79: {  	s0 =	simm.s32 @!p0 $0x8;
	[sflag:s29] =	ssyncset.done @!p0 $0x0;
	s31 =	rddreg [dreg:$0xa]  }
0x7a: {  	[sflag:s29] =	ssyncadd.s32 @!p0 $0xFFFFF800;
	s29 =	sadd.s32 @!p0 s7, s31;
	s31 =	simm.s32 @!p0 $0x0  }
0x7b: {  	[tilespmem:s30], [sflag:$0x2] =	stream.linear.gather @!p0 [hbm4b:s29+s31], $0x80, $0x38;
	[tilespmem:$0x19400] =	vst v63  }
0x7c: {  	_ =	swait.ge @!p0 [sflag:s0], $0x80  }
0x7d: {  	[sflag:s0] =	ssyncset.done @!p0 $0x0  }
0x7e: {  	s29 =	simm.s32 @!p0 $0xB;
	[sflag:s0] =	ssyncadd.s32 @!p0 $0xFFFFFF80;
	s0 =	simm.s32 @!p0 $0x380  }
0x7f: {  	[spmem:s1] =	stream.indirect.scatter.add.f32 @!p0 [tilespmem:s28], [sflag:$0x10], $0x10, s0, s30, $0xb8;
	[tilespmem:$0x19400] =	vst v63  }
0x80: {  	_ =	swait.ge @!p0 [sflag:s29], $0x800  }
0x81: {  	[sflag:s29] =	ssyncset.done @!p0 $0x0;
	s28 =	rddreg [dreg:$0x9]  }
0x82: {  	[sflag:s29] =	ssyncadd.s32 @!p0 $0xFFFFF800;
	s0 =	sadd.s32 s7, s28  }
0x83: {  	[tilespmem:s12], [sflag:$0x3] =	stream.linear.gather [hbm4b:s0+s3], $0x80, $0x38;
	[tilespmem:$0x19400] =	vst v63  }
0x84: {  	_ =	swait.ge [sflag:s13], $0x80  }
0x85: {  	[sflag:s13] =	ssyncset.done $0x0  }
0x86: {  	s0 =	simm.s32 @!p0 $0xC;
	[sflag:s13] =	ssyncadd.s32 $0xFFFFFF80  }
0x87: {  	[spmem:s1] =	stream.indirect.scatter.add.f32 [tilespmem:s8], [sflag:$0x9], $0x10, s3, s14, $0xb8;
	[tilespmem:$0x19400] =	vst v63  }
0x88: {  	_ =	swait.ge @!p0 [sflag:s0], $0x800  }
0x89: {  	[sflag:s0] =	ssyncset.done @!p0 $0x0;
	s29 =	rddreg [dreg:$0x8]  }
0x8a: {  	[sflag:s0] =	ssyncadd.s32 @!p0 $0xFFFFF800;
	s30 =	sadd.s32 s7, s29  }
0x8b: {  	[tilespmem:s15], [sflag:$0x4] =	stream.linear.gather [hbm4b:s30+s3], $0x80, $0x38;
	[tilespmem:$0x19400] =	vst v63  }
0x8c: {  	_ =	swait.ge [sflag:s16], $0x80  }
0x8d: {  	[sflag:s16] =	ssyncset.done $0x0  }
0x8e: {  	s0 =	simm.s32 @!p0 $0xD;
	[sflag:s16] =	ssyncadd.s32 $0xFFFFFF80  }
0x8f: {  	[spmem:s1] =	stream.indirect.scatter.add.f32 [tilespmem:s8], [sflag:$0xA], $0x10, s14, s14, $0xb8;
	[tilespmem:$0x19400] =	vst v63  }
0x90: {  	_ =	swait.ge @!p0 [sflag:s0], $0x800  }
0x91: {  	[sflag:s0] =	ssyncset.done @!p0 $0x0;
	s31 =	rddreg [dreg:$0x7]  }
0x92: {  	[sflag:s0] =	ssyncadd.s32 @!p0 $0xFFFFF800;
	s28 =	sadd.s32 s7, s31  }
0x93: {  	[tilespmem:s17], [sflag:$0x5] =	stream.linear.gather [hbm4b:s28+s3], $0x80, $0x38;
	[tilespmem:$0x19400] =	vst v63  }
0x94: {  	_ =	swait.ge [sflag:s18], $0x80  }
0x95: {  	[sflag:s18] =	ssyncset.done $0x0  }
0x96: {  	s0 =	simm.s32 @!p0 $0xE;
	[sflag:s18] =	ssyncadd.s32 $0xFFFFFF80  }
0x97: {  	[spmem:s1] =	stream.indirect.scatter.add.f32 [tilespmem:s8], [sflag:$0xB], $0x10, s12, s14, $0xb8;
	[tilespmem:$0x19400] =	vst v63  }
0x98: {  	_ =	swait.ge @!p0 [sflag:s0], $0x800  }
0x99: {  	[sflag:s0] =	ssyncset.done @!p0 $0x0;
	s29 =	rddreg [dreg:$0x6]  }
0x9a: {  	[sflag:s0] =	ssyncadd.s32 @!p0 $0xFFFFF800;
	s30 =	sadd.s32 s7, s29  }
0x9b: {  	[tilespmem:s19], [sflag:$0x6] =	stream.linear.gather [hbm4b:s30+s3], $0x80, $0x38;
	[tilespmem:$0x19400] =	vst v63  }
0x9c: {  	_ =	swait.ge [sflag:s20], $0x80  }
0x9d: {  	[sflag:s20] =	ssyncset.done $0x0  }
0x9e: {  	s0 =	simm.s32 @!p0 $0xF;
	[sflag:s20] =	ssyncadd.s32 $0xFFFFFF80  }
0x9f: {  	[spmem:s1] =	stream.indirect.scatter.add.f32 [tilespmem:s8], [sflag:$0xC], $0x10, s15, s14, $0xb8;
	[tilespmem:$0x19400] =	vst v63  }
0xa0: {  	_ =	swait.ge @!p0 [sflag:s0], $0x800  }
0xa1: {  	[sflag:s0] =	ssyncset.done @!p0 $0x0;
	s31 =	rddreg [dreg:$0x5]  }
0xa2: {  	[sflag:s0] =	ssyncadd.s32 @!p0 $0xFFFFF800;
	s29 =	sadd.s32 s7, s31  }
0xa3: {  	[tilespmem:s21], [sflag:$0x7] =	stream.linear.gather [hbm4b:s29+s3], $0x80, $0x38;
	[tilespmem:$0x19400] =	vst v63  }
0xa4: {  	_ =	swait.ge [sflag:s22], $0x80  }
0xa5: {  	s26 =	smov.u32 s25;
	[sflag:s22] =	ssyncset.done $0x0  }
0xa6: {  	s25 =	sadd.s32 $0x80, s25;
	s0 =	simm.s32 @!p0 $0x10;
	[sflag:s22] =	ssyncadd.s32 $0xFFFFFF80  }
0xa7: {  	[spmem:s1] =	stream.indirect.scatter.add.f32 [tilespmem:s8], [sflag:$0xD], $0x10, s17, s14, $0xb8;
	[tilespmem:$0x19400] =	vst v63  }
0xa8: {  	p1 =	sne.s32 s25, $0x3100;
	_ =	swait.ge @!p0 [sflag:s0], $0x800  }
.Ltmp0:
0xa9: {  	[sflag:s0] =	ssyncset.done @!p0 $0x0;
	s30 =	rddreg [dreg:$0x4];
	(pc) =	sbr.rel @p1 .LBB2_2-.Ltmp0, $4  }
0xaa: {  	[sflag:s0] =	ssyncadd.s32 @!p0 $0xFFFFF800;
	s31 =	sadd.s32 s7, s30  }
0xab: {  	[tilespmem:s23], [sflag:$0x8] =	stream.linear.gather [hbm4b:s31+s3], $0x80, $0x38;
	[tilespmem:$0x19400] =	vst v63  }
0xac: {  	s7 =	smov.u32 s26;
	_ =	swait.ge [sflag:s24], $0x80  }
0xad: {  	p0 =	seq.s32 s7, $0x0;
	[sflag:s24] =	ssyncset.done $0x0  }
0xae: {  	s0 =	simm.s32 @!p0 $0x9;
	[sflag:s24] =	ssyncadd.s32 $0xFFFFFF80  }
0xaf: {  	[spmem:s1] =	stream.indirect.scatter.add.f32 [tilespmem:s8], [sflag:$0xE], $0x10, s19, s14, $0xb8;
	[tilespmem:$0x19400] =	vst v63  }
0xb0: {  	_ =	swait.ge @!p0 [sflag:s0], $0x800  }
0xb1: {  	s25 =	rddreg [dreg:$0xb];
	[sflag:s0] =	ssyncset.done @!p0 $0x0  }
0xb2: {  	s26 =	simm.s32 @p0 $0x80;
	[sflag:s0] =	ssyncadd.s32 @!p0 $0xFFFFF800;
	s28 =	sadd.s32 s7, s25  }
0xb3: {  	[tilespmem:s3], [sflag:$0x1] =	stream.linear.gather [hbm4b:s28+s3], $0x80, $0x38;
	[tilespmem:$0x19400] =	vst v63  }
0xb4: {  	s25 =	rddreg [dreg:$0x3];
	s0 =	simm.s32 @p0 $0x0;
	s28 =	simm.s32 @!p0 $0x7  }
0xb5: {  	[tilespmem:s26], [sflag:$0x2] =	stream.linear.gather @p0 [hbm4b:s25+s0], $0x80, $0x38;
	[tilespmem:$0x19400] =	vst v63  }
0xb6: {  	_ =	swait.ge @!p0 [sflag:s28], $0x80  }
0xb7: {  	s0 =	simm.s32 @!p0 $0x400;
	s25 =	simm.s32 @!p0 $0xA;
	[sflag:s28] =	ssyncset.done @!p0 $0x0  }
0xb8: {  	s26 =	simm.s32 @!p0 $0x80;
	[sflag:s28] =	ssyncadd.s32 @!p0 $0xFFFFFF80;
	s28 =	simm.s32 @!p0 $0x300  }
0xb9: {  	[spmem:s1] =	stream.indirect.scatter.add.f32 @!p0 [tilespmem:s0], [sflag:$0xF], $0x10, s28, s26, $0xb8;
	[tilespmem:$0x19400] =	vst v63  }
0xba: {  	_ =	swait.ge @!p0 [sflag:s25], $0x800  }
0xbb: {  	s28 =	rddreg [dreg:$0xa];
	[sflag:s25] =	ssyncset.done @!p0 $0x0  }
0xbc: {  	[sflag:s25] =	ssyncadd.s32 @!p0 $0xFFFFF800;
	s25 =	sadd.s32 @!p0 s7, s28;
	s28 =	simm.s32 @!p0 $0x0  }
0xbd: {  	[tilespmem:s26], [sflag:$0x2] =	stream.linear.gather @!p0 [hbm4b:s25+s28], $0x80, $0x38;
	[tilespmem:$0x19400] =	vst v63  }
0xbe: {  	s25 =	simm.s32 @!p0 $0x8  }
0xbf: {  	_ =	swait.ge @!p0 [sflag:s25], $0x80  }
0xc0: {  	[sflag:s25] =	ssyncset.done @!p0 $0x0  }
0xc1: {  	[sflag:s25] =	ssyncadd.s32 @!p0 $0xFFFFFF80;
	s25 =	simm.s32 @!p0 $0x380  }
0xc2: {  	[spmem:s1] =	stream.indirect.scatter.add.f32 @!p0 [tilespmem:s0], [sflag:$0x10], $0x10, s25, s26, $0xb8;
	[tilespmem:$0x19400] =	vst v63  }
0xc3: {  	s0 =	simm.s32 @!p0 $0xB  }
0xc4: {  	_ =	swait.ge @!p0 [sflag:s0], $0x800  }
0xc5: {  	s29 =	rddreg [dreg:$0x9];
	[sflag:s0] =	ssyncset.done @!p0 $0x0  }
0xc6: {  	[sflag:s0] =	ssyncadd.s32 @!p0 $0xFFFFF800;
	s30 =	sadd.s32 s7, s29  }
0xc7: {  	[tilespmem:s12], [sflag:$0x3] =	stream.linear.gather [hbm4b:s30+s3], $0x80, $0x38;
	[tilespmem:$0x19400] =	vst v63  }
0xc8: {  	_ =	swait.ge [sflag:s13], $0x80  }
0xc9: {  	[sflag:s13] =	ssyncset.done $0x0  }
0xca: {  	s0 =	simm.s32 @!p0 $0xC;
	[sflag:s13] =	ssyncadd.s32 $0xFFFFFF80  }
0xcb: {  	[spmem:s1] =	stream.indirect.scatter.add.f32 [tilespmem:s8], [sflag:$0x9], $0x10, s3, s14, $0xb8;
	[tilespmem:$0x19400] =	vst v63  }
0xcc: {  	_ =	swait.ge @!p0 [sflag:s0], $0x800  }
0xcd: {  	s31 =	rddreg [dreg:$0x8];
	[sflag:s0] =	ssyncset.done @!p0 $0x0  }
0xce: {  	[sflag:s0] =	ssyncadd.s32 @!p0 $0xFFFFF800;
	s25 =	sadd.s32 s7, s31  }
0xcf: {  	[tilespmem:s15], [sflag:$0x4] =	stream.linear.gather [hbm4b:s25+s3], $0x80, $0x38;
	[tilespmem:$0x19400] =	vst v63  }
0xd0: {  	_ =	swait.ge [sflag:s16], $0x80  }
0xd1: {  	[sflag:s16] =	ssyncset.done $0x0  }
0xd2: {  	s0 =	simm.s32 @!p0 $0xD;
	[sflag:s16] =	ssyncadd.s32 $0xFFFFFF80  }
0xd3: {  	[spmem:s1] =	stream.indirect.scatter.add.f32 [tilespmem:s8], [sflag:$0xA], $0x10, s14, s14, $0xb8;
	[tilespmem:$0x19400] =	vst v63  }
0xd4: {  	_ =	swait.ge @!p0 [sflag:s0], $0x800  }
0xd5: {  	s26 =	rddreg [dreg:$0x7];
	[sflag:s0] =	ssyncset.done @!p0 $0x0  }
0xd6: {  	[sflag:s0] =	ssyncadd.s32 @!p0 $0xFFFFF800;
	s28 =	sadd.s32 s7, s26  }
0xd7: {  	[tilespmem:s17], [sflag:$0x5] =	stream.linear.gather [hbm4b:s28+s3], $0x80, $0x38;
	[tilespmem:$0x19400] =	vst v63  }
0xd8: {  	_ =	swait.ge [sflag:s18], $0x80  }
0xd9: {  	[sflag:s18] =	ssyncset.done $0x0  }
0xda: {  	s0 =	simm.s32 @!p0 $0xE;
	[sflag:s18] =	ssyncadd.s32 $0xFFFFFF80  }
0xdb: {  	[spmem:s1] =	stream.indirect.scatter.add.f32 [tilespmem:s8], [sflag:$0xB], $0x10, s12, s14, $0xb8;
	[tilespmem:$0x19400] =	vst v63  }
0xdc: {  	_ =	swait.ge @!p0 [sflag:s0], $0x800  }
0xdd: {  	s29 =	rddreg [dreg:$0x6];
	[sflag:s0] =	ssyncset.done @!p0 $0x0  }
0xde: {  	[sflag:s0] =	ssyncadd.s32 @!p0 $0xFFFFF800;
	s30 =	sadd.s32 s7, s29  }
0xdf: {  	[tilespmem:s19], [sflag:$0x6] =	stream.linear.gather [hbm4b:s30+s3], $0x80, $0x38;
	[tilespmem:$0x19400] =	vst v63  }
0xe0: {  	_ =	swait.ge [sflag:s20], $0x80  }
0xe1: {  	[sflag:s20] =	ssyncset.done $0x0  }
0xe2: {  	s0 =	simm.s32 @!p0 $0xF;
	[sflag:s20] =	ssyncadd.s32 $0xFFFFFF80  }
0xe3: {  	[spmem:s1] =	stream.indirect.scatter.add.f32 [tilespmem:s8], [sflag:$0xC], $0x10, s15, s14, $0xb8;
	[tilespmem:$0x19400] =	vst v63  }
0xe4: {  	_ =	swait.ge @!p0 [sflag:s0], $0x800  }
0xe5: {  	s31 =	rddreg [dreg:$0x5];
	[sflag:s0] =	ssyncset.done @!p0 $0x0  }
0xe6: {  	[sflag:s0] =	ssyncadd.s32 @!p0 $0xFFFFF800;
	s26 =	sadd.s32 s7, s31  }
0xe7: {  	[tilespmem:s21], [sflag:$0x7] =	stream.linear.gather [hbm4b:s26+s3], $0x80, $0x38;
	[tilespmem:$0x19400] =	vst v63  }
0xe8: {  	_ =	swait.ge [sflag:s22], $0x80  }
0xe9: {  	[sflag:s22] =	ssyncset.done $0x0  }
0xea: {  	s0 =	simm.s32 @!p0 $0x10;
	[sflag:s22] =	ssyncadd.s32 $0xFFFFFF80  }
0xeb: {  	[spmem:s1] =	stream.indirect.scatter.add.f32 [tilespmem:s8], [sflag:$0xD], $0x10, s17, s14, $0xb8;
	[tilespmem:$0x19400] =	vst v63  }
0xec: {  	_ =	swait.ge @!p0 [sflag:s0], $0x800  }
0xed: {  	s28 =	rddreg [dreg:$0x4];
	[sflag:s0] =	ssyncset.done @!p0 $0x0  }
0xee: {  	[sflag:s0] =	ssyncadd.s32 @!p0 $0xFFFFF800;
	s29 =	sadd.s32 s7, s28  }
0xef: {  	[tilespmem:s23], [sflag:$0x8] =	stream.linear.gather [hbm4b:s29+s3], $0x80, $0x38;
	[tilespmem:$0x19400] =	vst v63  }
0xf0: {  	_ =	swait.ge [sflag:s24], $0x80  }
0xf1: {  	[sflag:s24] =	ssyncset.done $0x0  }
0xf2: {  	s30 =	simm.s32 $0x7;
	[sflag:s24] =	ssyncadd.s32 $0xFFFFFF80  }
0xf3: {  	[spmem:s1] =	stream.indirect.scatter.add.f32 [tilespmem:s8], [sflag:$0xE], $0x10, s19, s14, $0xb8;
	[tilespmem:$0x19400] =	vst v63  }
0xf4: {  	_ =	swait.ge [sflag:s30], $0x80  }
0xf5: {  	[sflag:s30] =	ssyncset.done $0x0  }
0xf6: {  	s31 =	simm.s32 $0x8;
	[sflag:s30] =	ssyncadd.s32 $0xFFFFFF80  }
0xf7: {  	[spmem:s1] =	stream.indirect.scatter.add.f32 [tilespmem:s8], [sflag:$0xF], $0x10, s21, s14, $0xb8;
	[tilespmem:$0x19400] =	vst v63  }
0xf8: {  	_ =	swait.ge [sflag:s31], $0x80  }
0xf9: {  	[sflag:s31] =	ssyncset.done $0x0  }
0xfa: {  	s7 =	simm.s32 $0x9;
	[sflag:s31] =	ssyncadd.s32 $0xFFFFFF80  }
0xfb: {  	[spmem:s1] =	stream.indirect.scatter.add.f32 [tilespmem:s8], [sflag:$0x10], $0x10, s23, s14, $0xb8;
	[tilespmem:$0x19400] =	vst v63  }
0xfc: {  	_ =	swait.ge [sflag:s7], $0x800  }
0xfd: {  	[sflag:s7] =	ssyncset.done $0x0  }
0xfe: {  	s25 =	simm.s32 $0xA;
	[sflag:s7] =	ssyncadd.s32 $0xFFFFF800  }
0xff: {  	_ =	swait.ge [sflag:s25], $0x800  }
0x100: {  	[sflag:s25] =	ssyncset.done $0x0  }
0x101: {  	s26 =	simm.s32 $0xB;
	[sflag:s25] =	ssyncadd.s32 $0xFFFFF800  }
0x102: {  	_ =	swait.ge [sflag:s26], $0x800  }
0x103: {  	[sflag:s26] =	ssyncset.done $0x0  }
0x104: {  	s28 =	simm.s32 $0xC;
	[sflag:s26] =	ssyncadd.s32 $0xFFFFF800  }
0x105: {  	_ =	swait.ge [sflag:s28], $0x800  }
0x106: {  	[sflag:s28] =	ssyncset.done $0x0  }
0x107: {  	s29 =	simm.s32 $0xD;
	[sflag:s28] =	ssyncadd.s32 $0xFFFFF800  }
0x108: {  	_ =	swait.ge [sflag:s29], $0x800  }
0x109: {  	[sflag:s29] =	ssyncset.done $0x0  }
0x10a: {  	[sflag:s29] =	ssyncadd.s32 $0xFFFFF800  }
0x10b: {  	_ =	swait.ge [sflag:s2], $0x800  }
0x10c: {  	[sflag:s2] =	ssyncset.done $0x0  }
0x10d: {  	[sflag:s2] =	ssyncadd.s32 $0xFFFFF800  }
0x10e: {  	_ =	swait.ge [sflag:s4], $0x800  }
0x10f: {  	[sflag:s4] =	ssyncset.done $0x0  }
0x110: {  	[sflag:s4] =	ssyncadd.s32 $0xFFFFF800  }
0x111: {  	_ =	swait.ge [sflag:s5], $0x800  }
0x112: {  	[sflag:s5] =	ssyncset.done $0x0  }
0x113: {  	[sflag:s5] =	ssyncadd.s32 $0xFFFFF800  }
0x114: {  	[bflag:$0x0] =	sbarrier.arrive $0xFFFF  }
0x115: {  	s30 =	rddreg [dreg:$0xe]  }
0x116: {  	[hbm:s30], [sflag:s10] =	dma.local [spmem:s11], $0x3100  }
0x117: {  	_ =	swait.ge [sflag:s9], $0x3100  }
0x118: {  	s6 =	sadd.s32 $0x1, s6;
	s31 =	rddreg [dreg:$0xf]  }
0x119: {  	p0 =	sne.s32 s6, s31  }
.Ltmp1:
0x11a: {  	_ = 	snop;
	(pc) =	sbr.rel @p0 .LBB2_1-.Ltmp1, $3  }
0x11b: {  	_ =	sdelay $0x1  }
0x11c: {  	[sflag:s9] =	ssyncset.done $0x0  }
0x11d: {  	[sflag:s9] =	ssyncadd.s32 $0xFFFFCF00  }
0x11e: {  	_ =	sfence.sel $0x180000  }
0x11f: {  	[bflag:$0x0] =	sbarrier.arrive $0xFFFF  }
0x120: {  	_ =	strace $0x90000047  }
0x121: {  	s0 =	stileid.u32;
	[bflag:$0x2] =	sbarrier.arrive $0xFFFF  }
0x122: {  	p0 =	sne.s32 s0, $0x0;
	s0 =	rddreg [dreg:$0x2]  }
0x123: {  	s0 =	sadd.s32 @!p0 $0x100000, s0  }
0x124: {  	[sflag:s0] =	ssyncadd.tile.s32 @!p0 $0x1;
	_ =	shalt  }
.Lfunc_end2:
_tile_overlayer_lowered:
.L_overlay_start_2:
0x125: {  	(tag) =	ssettag $0x2  }
0x126: {  	s0 =	rddreg [dreg:$0x0];
	s2 =	stileid.u32  }
0x127: {  	s1 =	rddreg [dreg:$0x1];
	p0 =	sne.s32 s2, $0x0  }
0x128: {  	s3 =	rddreg [dreg:$0x2];
	[bflag:$0x3] =	sbarrier.arrive $0xFFFF;
	s2 =	simm.s32 @!p0 $0x1C11  }
0x129: {  	[timem:s3], [sflag:s2] =	dma.local @!p0 [hbm:s0], s1  }
0x12a: {  	s0 =	simm.s32 @!p0 $0x11  }
0x12b: {  	_ =	swait.ge @!p0 [sflag:s0], s1  }
0x12c: {  	s1 =	ssub.s32 @!p0 $0x0, s1;
	[sflag:s0] =	ssyncset.done @!p0 $0x0  }
0x12d: {  	[sflag:s0] =	ssyncadd.s32 @!p0 s1  }
0x12e: {  	[bflag:$0x3] =	sbarrier.arrive $0xFFFF  }
0x12f: {  	_ =	shalt  }

// kernel: kernel.13.cloned.1.call-start
scs
__scs_entry_jumppad:
0x0: {  	(pc) =	sbr.rel $0x88, $3  }
0x1: {  	(tag) =	ssettag $0x0;
	lr =	simm.s32 $0x1  }
0x2: {  	[smem:$0x3F98] =	sst lr;
	_ =	strace $0xD0000000  }
0x3: {  	_ = 	snop  }
0x4: {  	_ = 	snop  }
0x5: {  	_ = 	snop  }
0x6: {  	_ = 	snop  }
0x7: {  	_ = 	snop  }
__scs_overlays_trampoline_lowered:
0x8: {  	[smem:$0x3FA7] =	sst s0  }
0x9: {  	[smem:$0x3FA8] =	sst s1  }
0xa: {  	[smem:$0x3FA9] =	sst s2  }
0xb: {  	[smem:$0x3FAA] =	sst s3  }
0xc: {  	[smem:$0x3FAB] =	sst s4  }
0xd: {  	[smem:$0x3FAC] =	sst s5  }
0xe: {  	[smem:$0x3FAD] =	sst s6  }
0xf: {  	[smem:$0x3FAE] =	sst s7  }
0x10: {  	[smem:$0x3FAF] =	sst s8  }
0x11: {  	[smem:$0x3FB0] =	sst s9;
	s0 =	simm.s32 @!p0 $0x0  }
0x12: {  	s1 =	sld [smem:$0x3F96];
	s0 =	simm.s32 @p0 $0x1  }
0x13: {  	[smem:$0x3FB1] =	sst s0;
	s0 =	simm.s32 @!p1 $0x0  }
0x14: {  	s2 =	sld [smem:$0x3F95];
	s0 =	simm.s32 @p1 $0x1  }
0x15: {  	[smem:$0x3FB2] =	sst s0;
	s0 =	simm.s32 @!p2 $0x0  }
0x16: {  	s3 =	sld [smem:$0x3FDB];
	s0 =	simm.s32 @p2 $0x1  }
0x17: {  	s4 =	simm.s32 $0x1BF5;
	[smem:$0x3FB4] =	sst s0  }
0x18: {  	s0 =	sld [smem:$0x3F97];
	_ =	swait.ge [sflag:s4], $0x0  }
0x19: {  	s7 =	sld [smem:$0x3F98]  }
0x1a: {  	s8 =	sadd.s32 $0xFFFFE003, lr  }
0x1b: {  	s9 =	sadd.s32 $0xFFFFFEF7, lr;
	s5 =	simm.s32 $0xFFFFFFFF;
	p2 =	slt.u32 s8, $0xFFFFF086  }
0x1c: {  	p1 =	slt.u32 s9, $0xF7A;
	s5 =	simm.s32 @!p2 $0x0  }
0x1d: {  	s5 =	simm.s32 @p1 $0x1;
	p0 =	seq.s32 s7, s2  }
0x1e: {  	s7 =	smul.u32 @!p0 $0xF7A, s2;
	p2 =	seq.s32 @!p0 s5, $0x0  }
0x1f: {  	s9 =	smul.u32 $0xF7A, s1;
	s8 =	simm.s32 @!p0 $0x1BF5;
	p2 =	por !p2, p0  }
0x20: {  	[sflag:s8] =	ssyncset.s32 @!p0 $0xFFFFF086;
	s6 =	sadd.s32 @!p0 s3, s7;
	s7 =	simm.s32 @!p0 $0x108  }
0x21: {  	s3 =	sadd.s32 s3, s9;
	s6 =	sadd.s32 @!p0 $0x88, s6;
	s7 =	simm.s32 @p2 $0x1082  }
0x22: {  	[simem:s7], [sflag:s8] =	dma.local @!p0 [hbm:s6], $0xF7A  }
0x23: {  	s9 =	sor.u32 $0xD0000000, s2;
	s6 =	simm.s32 $0x108;
	_ =	swait.ge @!p0 [sflag:s8], $0x0  }
0x24: {  	s3 =	sadd.s32 $0x88, s3;
	s6 =	simm.s32 @!p1 $0x1082;
	[sflag:s4] =	ssyncset.s32 $0xFFFFF086  }
0x25: {  	[simem:s6], [sflag:s4] =	dma.local [hbm:s3], $0xF7A  }
0x26: {  	[smem:$0x3F98] =	sst s1;
	(tag) =	ssettag s2;
	_ =	strace s9  }
0x27: {  	s1 =	sld [smem:$0x3FA8]  }
0x28: {  	s2 =	sld [smem:$0x3FA9]  }
0x29: {  	s4 =	sld [smem:$0x3FAB]  }
0x2a: {  	p0 =	seq.s32 s5, $0x0;
	s5 =	sld [smem:$0x3FAC]  }
0x2b: {  	s6 =	sld [smem:$0x3FAD]  }
0x2c: {  	s7 =	sld [smem:$0x3FAE]  }
0x2d: {  	s3 =	simm.s32 $0x108;
	s8 =	sld [smem:$0x3FAF]  }
0x2e: {  	s3 =	simm.s32 @!p0 $0x1082;
	s9 =	sld [smem:$0x3FB0]  }
0x2f: {  	lr =	sadd.s32 s0, s3;
	s0 =	sld [smem:$0x3FA7]  }
0x30: {  	s3 =	sld [smem:$0x3FAA]  }
0x31: {  	[smem:$0x3FB3] =	sst s10  }
0x32: {  	s10 =	sld [smem:$0x3FB1];
	_ =	sdelay $0x3  }
0x33: {  	p0 =	seq.s32 s10, $0x1;
	s10 =	sld [smem:$0x3FB3];
	_ =	sdelay $0x3  }
0x34: {  	[smem:$0x3FB3] =	sst s10  }
0x35: {  	s10 =	sld [smem:$0x3FB2];
	_ =	sdelay $0x3  }
0x36: {  	p1 =	seq.s32 s10, $0x1;
	s10 =	sld [smem:$0x3FB3];
	_ =	sdelay $0x3  }
0x37: {  	[smem:$0x3FB3] =	sst s10  }
0x38: {  	s10 =	sld [smem:$0x3FB4]  }
0x39: {  	_ = 	snop;
	(pc) =	sbr.ind lr, $3  }
0x3a: {  	_ = 	snop  }
0x3b: {  	_ = 	snop  }
0x3c: {  	p2 =	seq.s32 s10, $0x1;
	s10 =	sld [smem:$0x3FB3]  }
0x3d: {  	_ =	shalt  }
0x3e: {  	_ =	shalt  }
0x3f: {  	_ =	shalt  }
0x40: {  	_ =	shalt  }
0x41: {  	_ =	shalt  }
0x42: {  	_ =	shalt  }
0x43: {  	_ =	shalt  }
0x44: {  	_ =	shalt  }
0x45: {  	_ =	shalt  }
0x46: {  	_ =	shalt  }
0x47: {  	_ =	shalt  }
0x48: {  	_ =	shalt  }
0x49: {  	_ =	shalt  }
0x4a: {  	_ =	shalt  }
0x4b: {  	_ =	shalt  }
0x4c: {  	_ =	shalt  }
0x4d: {  	_ =	shalt  }
0x4e: {  	_ =	shalt  }
0x4f: {  	_ =	shalt  }
0x50: {  	_ =	shalt  }
0x51: {  	_ =	shalt  }
0x52: {  	_ =	shalt  }
0x53: {  	_ =	shalt  }
0x54: {  	_ =	shalt  }
0x55: {  	_ =	shalt  }
0x56: {  	_ =	shalt  }
0x57: {  	_ =	shalt  }
0x58: {  	_ =	shalt  }
0x59: {  	_ =	shalt  }
0x5a: {  	_ =	shalt  }
0x5b: {  	_ =	shalt  }
0x5c: {  	_ =	shalt  }
0x5d: {  	_ =	shalt  }
0x5e: {  	_ =	shalt  }
0x5f: {  	_ =	shalt  }
0x60: {  	_ =	shalt  }
0x61: {  	_ =	shalt  }
0x62: {  	_ =	shalt  }
0x63: {  	_ =	shalt  }
0x64: {  	_ =	shalt  }
0x65: {  	_ =	shalt  }
0x66: {  	_ =	shalt  }
0x67: {  	_ =	shalt  }
0x68: {  	_ =	shalt  }
0x69: {  	_ =	shalt  }
0x6a: {  	_ =	shalt  }
0x6b: {  	_ =	shalt  }
0x6c: {  	_ =	shalt  }
0x6d: {  	_ =	shalt  }
0x6e: {  	_ =	shalt  }
0x6f: {  	_ =	shalt  }
0x70: {  	_ =	shalt  }
0x71: {  	_ =	shalt  }
0x72: {  	_ =	shalt  }
0x73: {  	_ =	shalt  }
0x74: {  	_ =	shalt  }
0x75: {  	_ =	shalt  }
0x76: {  	_ =	shalt  }
0x77: {  	_ =	shalt  }
0x78: {  	_ =	shalt  }
0x79: {  	_ =	shalt  }
0x7a: {  	_ =	shalt  }
0x7b: {  	_ =	shalt  }
0x7c: {  	_ =	shalt  }
0x7d: {  	_ =	shalt  }
0x7e: {  	_ =	shalt  }
0x7f: {  	_ =	shalt  }
0x80: {  	_ =	shalt  }
0x81: {  	_ =	shalt  }
0x82: {  	_ =	shalt  }
0x83: {  	_ =	shalt  }
0x84: {  	_ =	shalt  }
0x85: {  	_ =	shalt  }
0x86: {  	_ =	shalt  }
0x87: {  	_ =	shalt  }
.Lfunc_end0:
.L_simem_size_0:
called_computation.1_lowered:
.L_overlay_start_0:
0x88: {  	s2 =	sld [smem:$0x3FD9]  }
0x89: {  	s3 =	sld [smem:$0x3FFE];
	_ =	sdelay $0x1  }
0x8a: {  	s1 =	srdreg.scid  }
0x8b: {  	s0 =	sand.u32 $0x1, s1  }
0x8c: {  	s16 =	sshll.u32 s0, $0xA;
	s2 =	sadd.s32 s3, s2  }
0x8d: {  	s2 =	sadd.s32 s2, s16  }
0x8e: {  	[smem:$0x3FBF] =	sst s2  }
0x8f: {  	_ = 	snop  }
0x90: {  	(tm) =	ssettm $0x1  }
0x91: {  	s17 =	sld [smem:$0x3FFB];
	_ =	sdelay $0x3  }
0x92: {  	_ =	strace s17  }
0x93: {  	s2 =	sld [smem:$0x3FFC];
	_ =	sdelay $0x3  }
0x94: {  	_ =	strace s2  }
0x95: {  	s2 =	sld [smem:$0x3FFD];
	_ =	sdelay $0x3  }
0x96: {  	_ =	strace s2  }
0x97: {  	_ =	strace $0x8FFFFFFF  }
0x98: {  	s18 =	sld [smem:$0x3FDB];
	_ =	sdelay $0x1  }
0x99: {  	s19 =	simm.s32 $_scs_section_size  }
0x9a: {  	s4 =	simm.s32 $_size__tile_overlayer_lowered;
	s5 =	simm.s32 $_tile_overlayer_lowered  }
0x9b: {  	s22 =	simm.s32 $0x1BFF;
	s21 =	sshll.u32 s5, $0x1;
	s2 =	sadd.s32 s19, s18  }
0x9c: {  	s6 =	simm.s32 $0x0;
	s20 =	sshll.u32 s4, $0x1;
	s4 =	sadd.s32 s21, s2  }
0x9d: {  	[timem:s6], [sflag:s22] =	dma.local [hbm:s4], s20  }
0x9e: {  	_ =	swait.ge [sflag:s22], s20  }
0x9f: {  	s3 =	ssub.s32 $0x0, s20;
	[sflag:s22] =	ssyncset.done $0x0  }
0xa0: {  	[sflag:s22] =	ssyncadd.s32 s3;
	_ =	sdelay $0x1  }
0xa1: {  	s23 =	simm.s32 $0x1B8B  }
0xa2: {  	_ =	swait.ge [sflag:s23], $0x1  }
0xa3: {  	[sflag:s23] =	ssyncset.done $0x0  }
0xa4: {  	s25 =	simm.s32 $0x1B8E;
	s24 =	sld [smem:$0x3FFE];
	[sflag:s23] =	ssyncadd.s32 $0xFFFFFFFF  }
0xa5: {  	s26 =	simm.s32 $execute0_lowered;
	[smem:$0x3FD2] =	sst s25  }
0xa6: {  	s4 =	sshll.u32 s26, $0x1;
	_ =	strace $0x80000049;
	[dreg:$0x1] =	wrdreg $0xFFFFFFFF  }
0xa7: {  	s28 =	simm.s32 $_size_execute0_lowered;
	s2 =	sadd.s32 s2, s4;
	[dreg:$0x0] =	wrdreg $0x0  }
0xa8: {  	s4 =	sshll.u32 s28, $0x1;
	[dreg:$0x2] =	wrdreg s2  }
0xa9: {  	[dreg:$0x3] =	wrdreg s4  }
0xaa: {  	[dreg:$0x4] =	wrdreg $0xC0  }
0xab: {  	_ =	task [dreg:s6], $0x5FFFF  }
0xac: {  	[dreg:$0x1] =	wrdreg $0xFFFFFFFF  }
0xad: {  	[dreg:$0x0] =	wrdreg $0x60  }
0xae: {  	[dreg:$0x2] =	wrdreg s24  }
0xaf: {  	[dreg:$0x3] =	wrdreg $0x48000  }
0xb0: {  	[dreg:$0x4] =	wrdreg $0x9  }
0xb1: {  	_ =	task.clear_ibuf [dreg:s6], $0x5FFFF;
	_ =	strace $0x90000049  }
0xb2: {  	s29 =	simm.s32 $0x9;
	_ =	strace $0x8000004B  }
0xb3: {  	_ =	swait.ge [sflag:s29], $0x1  }
0xb4: {  	[sflag:s29] =	ssyncadd.s32 $0xFFFFFFFF  }
0xb5: {  	_ =	strace $0x9000004B  }
0xb6: {  	_ =	sfence  }
0xb7: {  	s30 =	sld [smem:$0x0];
	_ =	sdelay $0x2  }
0xb8: {  	s31 =	sshll.u32 s1, $0xD;
	s1 =	sshrl.u32 s1, $0x2  }
0xb9: {  	s3 =	sand.u32 $0x4000, s31;
	s1 =	sadd.s32 s1, s30  }
0xba: {  	s0 =	sor.u32 s3, s0;
	s1 =	sshll.u32 s1, $0x11  }
0xbb: {  	s0 =	sor.u32 s1, s0  }
0xbc: {  	s0 =	sadd.s32 $0x8F2B, s0  }
0xbd: {  	[sflag:s0] =	ssyncadd.remote.s32 $0x1  }
0xbe: {  	_ =	sfence.sel $0xFFFF  }
0xbf: {  	[dreg:$0x0] =	wrdreg $0xFFFFFFFF;
	(pc) =	sbr.abs _section_cstart, $3  }
0xc0: {  	[dreg:$0x1] =	wrdreg $0xFFFFFFFF  }
0xc1: {  	_ =	task.clear_ibuf [dreg:s6], $0x2FFFF;
	_ =	strace $0x9FFFFFFF  }
0xc2: {  	(tm) =	ssettm $0x7FFFFFFF  }
0xc3: {  	_ =	shalt  }
tec
execute0_lowered:
.L_overlay_start_1:
0x0: {  	(tag) =	ssettag $0x1  }
0x1: {  	s0 =	rddreg [dreg:$0x0]  }
0x2: {  	s2 =	rddreg [dreg:$0x1]  }
0x3: {  	s1 =	srdreg.scid;
	s11 =	stileid.u32;
	s3 =	simm.s32 $0x0  }
0x4: {  	s29 =	simm.s32 $0x4;
	s31 =	simm.s32 $0x9;
	s5 =	smul.u32 $0x3100, s11  }
0x5: {  	s1 =	sand.u32 $0x1, s1;
	[smem:$0x7FF] =	sst s3;
	s7 =	smul.u32 $0x31000, s11  }
0x6: {  	s4 =	sadd.s32 $0xCA400, s0;
	s8 =	sadd.s32 $0x3200, s0;
	s13 =	smul.u32 $0x62000, s11  }
0x7: {  	s10 =	sadd.s32 $0x65200, s0;
	s12 =	sadd.s32 $0xC7200, s0;
	s6 =	smul.u32 $0x31000, s1  }
0x8: {  	_ =	strace $0x8000004A;
	s9 =	smul.u32 $0x18800, s1;
	s1 =	ssub.s32 $0x2, s1  }
0x9: {  	[dreg:$0x13] =	wrdreg s12;
	s14 =	sshrl.u32 s1, $0x1;
	s15 =	sshrl.u32 s13, $0x2  }
0xa: {  	s5 =	sadd.s32 s5, s6;
	s7 =	sadd.s32 s9, s7;
	s1 =	ssub.s32 s1, s14  }
0xb: {  	s6 =	simm.s32 $0x0;
	s0 =	sadd.s32 s5, s0;
	s9 =	sor.u32 $0x380, s7  }
0xc: {  	s5 =	sadd.s32 s15, s2;
	s18 =	sor.u32 $0x300, s7;
	s22 =	sor.u32 $0x280, s7  }
0xd: {  	s26 =	sor.u32 $0x200, s7;
	s12 =	sor.u32 $0x180, s7;
	s1 =	smax.u32 s1, $0x1  }
0xe: {  	s16 =	sshrl.u32 s9, $0x3;
	[dreg:$0x14] =	wrdreg s5;
	s20 =	sshrl.u32 s18, $0x3  }
0xf: {  	s24 =	sshrl.u32 s22, $0x3;
	s0 =	sadd.s32 $0xFB400, s0;
	[dreg:$0x17] =	wrdreg s1  }
0x10: {  	s30 =	sshrl.u32 s26, $0x3;
	s17 =	sadd.s32 s16, s10;
	[dreg:$0x16] =	wrdreg s0  }
0x11: {  	s14 =	sshrl.u32 s12, $0x3;
	s19 =	sadd.s32 s16, s8;
	[dreg:$0x3] =	wrdreg s17  }
0x12: {  	s26 =	sshrl.u32 s7, $0x3;
	s21 =	sadd.s32 s20, s10;
	[dreg:$0x4] =	wrdreg s19  }
0x13: {  	s1 =	simm.s32 $0x19;
	s23 =	sadd.s32 s20, s8;
	[dreg:$0x5] =	wrdreg s21  }
0x14: {  	s12 =	simm.s32 $0x80;
	s25 =	sadd.s32 s24, s10;
	[dreg:$0x6] =	wrdreg s23  }
0x15: {  	s5 =	simm.s32 $0x5;
	s28 =	sadd.s32 s24, s8;
	[dreg:$0x7] =	wrdreg s25  }
0x16: {  	s9 =	sadd.s32 s30, s10;
	s13 =	sadd.s32 s30, s8;
	[dreg:$0x8] =	wrdreg s28  }
0x17: {  	s15 =	sadd.s32 s14, s10;
	s16 =	sor.u32 $0x100, s7;
	[dreg:$0x9] =	wrdreg s9  }
0x18: {  	s20 =	sor.u32 $0x80, s7;
	s30 =	sadd.s32 s26, s8;
	[dreg:$0xa] =	wrdreg s13  }
0x19: {  	[dreg:$0xb] =	wrdreg s15;
	s17 =	sadd.s32 s14, s8;
	s18 =	sshrl.u32 s16, $0x3  }
0x1a: {  	s22 =	sshrl.u32 s20, $0x3;
	s23 =	sshll.u32 s11, $0x6;
	s28 =	sadd.s32 s26, s10  }
0x1b: {  	[dreg:$0x12] =	wrdreg s30;
	s14 =	simm.s32 $0x500;
	s16 =	simm.s32 $0x1  }
0x1c: {  	s20 =	simm.s32 $0x2;
	[dreg:$0xc] =	wrdreg s17;
	s19 =	sadd.s32 s18, s10  }
0x1d: {  	s21 =	sadd.s32 s18, s8;
	s24 =	sadd.s32 s22, s10;
	[dreg:$0x11] =	wrdreg s28  }
0x1e: {  	s25 =	sadd.s32 s22, s8;
	s7 =	sor.u32 $0x1C19, s23;
	[dreg:$0xd] =	wrdreg s19  }
0x1f: {  	s22 =	simm.s32 $0x700;
	s8 =	simm.s32 $0xA;
	[dreg:$0xe] =	wrdreg s21  }
0x20: {  	s10 =	simm.s32 $0x6;
	s18 =	simm.s32 $0x3000;
	[dreg:$0xf] =	wrdreg s24  }
0x21: {  	s23 =	simm.s32 $0xB;
	[dreg:$0x10] =	wrdreg s25;
	s24 =	simm.s32 $0x3  }
0x22: {  	s21 =	simm.s32 $0x1800;
	s25 =	simm.s32 $0x780;
	[dreg:$0x15] =	wrdreg s7  }
.LBB2_1:
0x23: {  	[dreg:$0x18] =	wrdreg s6  }
0x24: {  	s0 =	rddreg [dreg:$0x14]  }
0x25: {  	s11 =	rddreg [dreg:$0x13];
	s9 =	sshrl.u32 s0, $0x3  }
0x26: {  	[dreg:$0x19] =	wrdreg s9  }
0x27: {  	[spmem:s9], [sflag:s7] =	dma.local [hbm:s11], $0x3100  }
0x28: {  	_ =	swait.ge [sflag:s1], $0x3100  }
0x29: {  	[sflag:s1] =	ssyncset.done $0x0  }
0x2a: {  	p0 =	por $0x1, $0x1;
	[sflag:s1] =	ssyncadd.s32 $0xFFFFCF00  }
0x2b: {  	s0 =	simm.s32 @!p0 $0x11;
	[bflag:$0x0] =	sbarrier.arrive $0xFFFF  }
0x2c: {  	_ =	swait.ge @!p0 [sflag:s0], $0x800  }
0x2d: {  	s13 =	rddreg [dreg:$0x12];
	[sflag:s0] =	ssyncset.done @!p0 $0x0  }
0x2e: {  	s15 =	rddreg [dreg:$0x11];
	[sflag:s0] =	ssyncadd.s32 @!p0 $0xFFFFF800;
	s17 =	sadd.s32 $0x0, s13  }
0x2f: {  	[tilespmem:s3], [sflag:$0x1] =	stream.linear.gather [hbm4b:s17+s3], $0x80, $0x38;
	[tilespmem:$0x1D000] =	vst v63  }
0x30: {  	s6 =	simm.s32 @!p0 $0x7;
	s7 =	simm.s32 $0x400;
	s19 =	sadd.s32 $0x0, s15  }
0x31: {  	[tilespmem:s7], [sflag:$0x1] =	stream.linear.gather [hbm4b:s19+s3], $0x80, $0x38;
	[tilespmem:$0x1D000] =	vst v63  }
0x32: {  	_ =	swait.ge @!p0 [sflag:s6], $0x80  }
0x33: {  	[sflag:s6] =	ssyncset.done @!p0 $0x0  }
0x34: {  	[sflag:s6] =	ssyncadd.s32 @!p0 $0xFFFFFF80  }
0x35: {  	_ =	swait.ge @!p0 [sflag:s6], $0x80  }
0x36: {  	s9 =	simm.s32 @!p0 $0xC;
	s1 =	simm.s32 @!p0 $0x3800;
	[sflag:s6] =	ssyncset.done @!p0 $0x0  }
0x37: {  	s0 =	simm.s32 @!p0 $0x80;
	[sflag:s6] =	ssyncadd.s32 @!p0 $0xFFFFFF80;
	s6 =	simm.s32 @!p0 $0x300  }
0x38: {  	[tilespmem:s1], [sflag:$0xF] =	stream.indirect.gather @!p0 [hbm4b:s4+s0], $0x10, s6, s0, $0xb8;
	[tilespmem:$0x1D000] =	vst v63  }
0x39: {  	_ =	swait.ge @!p0 [sflag:s9], $0x800  }
0x3a: {  	s28 =	simm.s32 @!p0 $0x2000;
	[sflag:s9] =	ssyncset.done @!p0 $0x0  }
0x3b: {  	s6 =	simm.s32 @!p0 $0x12;
	[sflag:s9] =	ssyncadd.s32 @!p0 $0xFFFFF800;
	s9 =	simm.s32 @!p0 $0x580  }
0x3c: {  	[spmem:s2] =	stream.indirect.scatter.add.f32 @!p0 [tilespmem:s28], [sflag:$0x14], $0x10, s9, s0, $0xb8;
	[tilespmem:$0x1D000] =	vst v63  }
0x3d: {  	_ =	swait.ge @!p0 [sflag:s6], $0x800  }
0x3e: {  	s26 =	rddreg [dreg:$0x10];
	[sflag:s6] =	ssyncset.done @!p0 $0x0  }
0x3f: {  	s28 =	rddreg [dreg:$0xf];
	[sflag:s6] =	ssyncadd.s32 @!p0 $0xFFFFF800;
	s11 =	sadd.s32 $0x0, s26  }
0x40: {  	[tilespmem:s12], [sflag:$0x2] =	stream.linear.gather [hbm4b:s11+s3], $0x80, $0x38;
	[tilespmem:$0x1D000] =	vst v63  }
0x41: {  	s9 =	simm.s32 @!p0 $0x8;
	s13 =	sadd.s32 $0x0, s28;
	s11 =	simm.s32 $0x480  }
0x42: {  	[tilespmem:s11], [sflag:$0x2] =	stream.linear.gather [hbm4b:s13+s3], $0x80, $0x38;
	[tilespmem:$0x1D000] =	vst v63  }
0x43: {  	_ =	swait.ge @!p0 [sflag:s9], $0x80  }
0x44: {  	[sflag:s9] =	ssyncset.done @!p0 $0x0  }
0x45: {  	[sflag:s9] =	ssyncadd.s32 @!p0 $0xFFFFFF80  }
0x46: {  	_ =	swait.ge @!p0 [sflag:s9], $0x80  }
0x47: {  	s28 =	simm.s32 @!p0 $0xD;
	[sflag:s9] =	ssyncset.done @!p0 $0x0  }
0x48: {  	s6 =	simm.s32 @!p0 $0x4000;
	[sflag:s9] =	ssyncadd.s32 @!p0 $0xFFFFFF80;
	s9 =	simm.s32 @!p0 $0x380  }
0x49: {  	[tilespmem:s6], [sflag:$0x10] =	stream.indirect.gather @!p0 [hbm4b:s4+s0], $0x10, s9, s0, $0xb8;
	[tilespmem:$0x1D000] =	vst v63  }
0x4a: {  	_ =	swait.ge @!p0 [sflag:s28], $0x800  }
0x4b: {  	s30 =	simm.s32 @!p0 $0x2800;
	[sflag:s28] =	ssyncset.done @!p0 $0x0  }
0x4c: {  	s9 =	simm.s32 @!p0 $0x13;
	[sflag:s28] =	ssyncadd.s32 @!p0 $0xFFFFF800;
	s28 =	simm.s32 @!p0 $0x600  }
0x4d: {  	[spmem:s2] =	stream.indirect.scatter.add.f32 @!p0 [tilespmem:s30], [sflag:$0x15], $0x10, s28, s0, $0xb8;
	[tilespmem:$0x1D000] =	vst v63  }
0x4e: {  	_ =	swait.ge @!p0 [sflag:s9], $0x800  }
0x4f: {  	s13 =	simm.s32 $0x100;
	s28 =	rddreg [dreg:$0xe];
	[sflag:s9] =	ssyncset.done @!p0 $0x0  }
0x50: {  	s30 =	rddreg [dreg:$0xd];
	[sflag:s9] =	ssyncadd.s32 @!p0 $0xFFFFF800;
	s15 =	sadd.s32 $0x0, s28  }
0x51: {  	[tilespmem:s13], [sflag:$0x3] =	stream.linear.gather [hbm4b:s15+s3], $0x80, $0x38;
	[tilespmem:$0x1D000] =	vst v63  }
0x52: {  	s17 =	sadd.s32 $0x0, s30  }
0x53: {  	[tilespmem:s14], [sflag:$0x3] =	stream.linear.gather [hbm4b:s17+s3], $0x80, $0x38;
	[tilespmem:$0x1D000] =	vst v63  }
0x54: {  	_ =	swait.ge [sflag:s16], $0x80  }
0x55: {  	[sflag:s16] =	ssyncset.done $0x0  }
0x56: {  	[sflag:s16] =	ssyncadd.s32 $0xFFFFFF80  }
0x57: {  	_ =	swait.ge [sflag:s16], $0x80  }
0x58: {  	[sflag:s16] =	ssyncset.done $0x0  }
0x59: {  	s9 =	simm.s32 @!p0 $0xE;
	s14 =	simm.s32 $0x800;
	[sflag:s16] =	ssyncadd.s32 $0xFFFFFF80  }
0x5a: {  	[tilespmem:s14], [sflag:$0x9] =	stream.indirect.gather [hbm4b:s4+s12], $0x10, s3, s12, $0xb8;
	[tilespmem:$0x1D000] =	vst v63  }
0x5b: {  	_ =	swait.ge @!p0 [sflag:s9], $0x800  }
0x5c: {  	s28 =	simm.s32 @!p0 $0x14;
	[sflag:s9] =	ssyncset.done @!p0 $0x0  }
0x5d: {  	s30 =	simm.s32 @!p0 $0x3000;
	[sflag:s9] =	ssyncadd.s32 @!p0 $0xFFFFF800;
	s9 =	simm.s32 @!p0 $0x680  }
0x5e: {  	[spmem:s2] =	stream.indirect.scatter.add.f32 @!p0 [tilespmem:s30], [sflag:$0x16], $0x10, s9, s0, $0xb8;
	[tilespmem:$0x1D000] =	vst v63  }
0x5f: {  	_ =	swait.ge @!p0 [sflag:s28], $0x800  }
0x60: {  	s15 =	simm.s32 $0x180;
	s19 =	rddreg [dreg:$0xc];
	[sflag:s28] =	ssyncset.done @!p0 $0x0  }
0x61: {  	s30 =	rddreg [dreg:$0xb];
	[sflag:s28] =	ssyncadd.s32 @!p0 $0xFFFFF800;
	s9 =	sadd.s32 $0x0, s19  }
0x62: {  	[tilespmem:s15], [sflag:$0x4] =	stream.linear.gather [hbm4b:s9+s3], $0x80, $0x38;
	[tilespmem:$0x1D000] =	vst v63  }
0x63: {  	s17 =	simm.s32 $0x580;
	s26 =	sadd.s32 $0x0, s30  }
0x64: {  	[tilespmem:s17], [sflag:$0x4] =	stream.linear.gather [hbm4b:s26+s3], $0x80, $0x38;
	[tilespmem:$0x1D000] =	vst v63  }
0x65: {  	_ =	swait.ge [sflag:s20], $0x80  }
0x66: {  	[sflag:s20] =	ssyncset.done $0x0  }
0x67: {  	[sflag:s20] =	ssyncadd.s32 $0xFFFFFF80  }
0x68: {  	_ =	swait.ge [sflag:s20], $0x80  }
0x69: {  	[sflag:s20] =	ssyncset.done $0x0  }
0x6a: {  	s9 =	simm.s32 @!p0 $0xF;
	s17 =	simm.s32 $0x1000;
	[sflag:s20] =	ssyncadd.s32 $0xFFFFFF80  }
0x6b: {  	[tilespmem:s17], [sflag:$0xA] =	stream.indirect.gather [hbm4b:s4+s12], $0x10, s12, s12, $0xb8;
	[tilespmem:$0x1D000] =	vst v63  }
0x6c: {  	_ =	swait.ge @!p0 [sflag:s9], $0x800  }
0x6d: {  	[sflag:s9] =	ssyncset.done @!p0 $0x0  }
0x6e: {  	s28 =	simm.s32 @!p0 $0x15;
	[sflag:s9] =	ssyncadd.s32 @!p0 $0xFFFFF800;
	s9 =	simm.s32 @!p0 $0x700  }
0x6f: {  	[spmem:s2] =	stream.indirect.scatter.add.f32 @!p0 [tilespmem:s1], [sflag:$0x17], $0x10, s9, s0, $0xb8;
	[tilespmem:$0x1D000] =	vst v63  }
0x70: {  	_ =	swait.ge @!p0 [sflag:s28], $0x800  }
0x71: {  	s19 =	rddreg [dreg:$0xa]  }
0x72: {  	[sflag:s28] =	ssyncset.done @!p0 $0x0;
	s26 =	rddreg [dreg:$0x9]  }
0x73: {  	[sflag:s28] =	ssyncadd.s32 @!p0 $0xFFFFF800;
	s1 =	sadd.s32 $0x0, s19;
	s19 =	simm.s32 $0x200  }
0x74: {  	[tilespmem:s19], [sflag:$0x5] =	stream.linear.gather [hbm4b:s1+s3], $0x80, $0x38;
	[tilespmem:$0x1D000] =	vst v63  }
0x75: {  	s9 =	sadd.s32 $0x0, s26;
	s26 =	simm.s32 $0x600  }
0x76: {  	[tilespmem:s26], [sflag:$0x5] =	stream.linear.gather [hbm4b:s9+s3], $0x80, $0x38;
	[tilespmem:$0x1D000] =	vst v63  }
0x77: {  	_ =	swait.ge [sflag:s24], $0x80  }
0x78: {  	[sflag:s24] =	ssyncset.done $0x0  }
0x79: {  	[sflag:s24] =	ssyncadd.s32 $0xFFFFFF80  }
0x7a: {  	_ =	swait.ge [sflag:s24], $0x80  }
0x7b: {  	[sflag:s24] =	ssyncset.done $0x0  }
0x7c: {  	s1 =	simm.s32 @!p0 $0x10;
	[sflag:s24] =	ssyncadd.s32 $0xFFFFFF80  }
0x7d: {  	[tilespmem:s21], [sflag:$0xB] =	stream.indirect.gather [hbm4b:s4+s12], $0x10, s13, s12, $0xb8;
	[tilespmem:$0x1D000] =	vst v63  }
0x7e: {  	_ =	swait.ge @!p0 [sflag:s1], $0x800  }
0x7f: {  	[sflag:s1] =	ssyncset.done @!p0 $0x0  }
0x80: {  	[sflag:s1] =	ssyncadd.s32 @!p0 $0xFFFFF800;
	s1 =	simm.s32 @!p0 $0x780  }
0x81: {  	[spmem:s2] =	stream.indirect.scatter.add.f32 @!p0 [tilespmem:s6], [sflag:$0x18], $0x10, s1, s0, $0xb8;
	[tilespmem:$0x1D000] =	vst v63  }
0x82: {  	s0 =	simm.s32 @!p0 $0x16  }
0x83: {  	_ =	swait.ge @!p0 [sflag:s0], $0x800  }
0x84: {  	s9 =	simm.s32 $0x280;
	s13 =	rddreg [dreg:$0x8];
	[sflag:s0] =	ssyncset.done @!p0 $0x0  }
0x85: {  	s21 =	rddreg [dreg:$0x7];
	[sflag:s0] =	ssyncadd.s32 @!p0 $0xFFFFF800;
	s26 =	sadd.s32 $0x0, s13  }
0x86: {  	[tilespmem:s9], [sflag:$0x6] =	stream.linear.gather [hbm4b:s26+s3], $0x80, $0x38;
	[tilespmem:$0x1D000] =	vst v63  }
0x87: {  	s6 =	simm.s32 $0x680;
	s1 =	sadd.s32 $0x0, s21  }
0x88: {  	[tilespmem:s6], [sflag:$0x6] =	stream.linear.gather [hbm4b:s1+s3], $0x80, $0x38;
	[tilespmem:$0x1D000] =	vst v63  }
0x89: {  	_ =	swait.ge [sflag:s29], $0x80  }
0x8a: {  	[sflag:s29] =	ssyncset.done $0x0  }
0x8b: {  	[sflag:s29] =	ssyncadd.s32 $0xFFFFFF80  }
0x8c: {  	_ =	swait.ge [sflag:s29], $0x80  }
0x8d: {  	[sflag:s29] =	ssyncset.done $0x0  }
0x8e: {  	s13 =	simm.s32 $0x2000;
	[sflag:s29] =	ssyncadd.s32 $0xFFFFFF80  }
0x8f: {  	[tilespmem:s13], [sflag:$0xC] =	stream.indirect.gather [hbm4b:s4+s12], $0x10, s15, s12, $0xb8;
	[tilespmem:$0x1D000] =	vst v63  }
0x90: {  	_ =	swait.ge [sflag:s31], $0x800  }
0x91: {  	[sflag:s31] =	ssyncset.done $0x0  }
0x92: {  	s0 =	simm.s32 @!p0 $0x17;
	[sflag:s31] =	ssyncadd.s32 $0xFFFFF800  }
0x93: {  	[spmem:s2] =	stream.indirect.scatter.add.f32 [tilespmem:s14], [sflag:$0x11], $0x10, s7, s12, $0xb8;
	[tilespmem:$0x1D000] =	vst v63  }
0x94: {  	_ =	swait.ge @!p0 [sflag:s0], $0x800  }
0x95: {  	s7 =	simm.s32 $0x300;
	s21 =	rddreg [dreg:$0x6];
	[sflag:s0] =	ssyncset.done @!p0 $0x0  }
0x96: {  	s26 =	rddreg [dreg:$0x5];
	[sflag:s0] =	ssyncadd.s32 @!p0 $0xFFFFF800;
	s1 =	sadd.s32 $0x0, s21  }
0x97: {  	[tilespmem:s7], [sflag:$0x7] =	stream.linear.gather [hbm4b:s1+s3], $0x80, $0x38;
	[tilespmem:$0x1D000] =	vst v63  }
0x98: {  	s13 =	sadd.s32 $0x0, s26  }
0x99: {  	[tilespmem:s22], [sflag:$0x7] =	stream.linear.gather [hbm4b:s13+s3], $0x80, $0x38;
	[tilespmem:$0x1D000] =	vst v63  }
0x9a: {  	_ =	swait.ge [sflag:s5], $0x80  }
0x9b: {  	[sflag:s5] =	ssyncset.done $0x0  }
0x9c: {  	[sflag:s5] =	ssyncadd.s32 $0xFFFFFF80  }
0x9d: {  	_ =	swait.ge [sflag:s5], $0x80  }
0x9e: {  	[sflag:s5] =	ssyncset.done $0x0  }
0x9f: {  	s14 =	simm.s32 $0x2800;
	[sflag:s5] =	ssyncadd.s32 $0xFFFFFF80  }
0xa0: {  	[tilespmem:s14], [sflag:$0xD] =	stream.indirect.gather [hbm4b:s4+s12], $0x10, s19, s12, $0xb8;
	[tilespmem:$0x1D000] =	vst v63  }
0xa1: {  	_ =	swait.ge [sflag:s8], $0x800  }
0xa2: {  	[sflag:s8] =	ssyncset.done $0x0  }
0xa3: {  	s0 =	simm.s32 @!p0 $0x18;
	[sflag:s8] =	ssyncadd.s32 $0xFFFFF800  }
0xa4: {  	[spmem:s2] =	stream.indirect.scatter.add.f32 [tilespmem:s17], [sflag:$0x12], $0x10, s11, s12, $0xb8;
	[tilespmem:$0x1D000] =	vst v63  }
0xa5: {  	_ =	swait.ge @!p0 [sflag:s0], $0x800  }
0xa6: {  	s21 =	simm.s32 $0x380;
	s15 =	rddreg [dreg:$0x4];
	[sflag:s0] =	ssyncset.done @!p0 $0x0  }
0xa7: {  	s17 =	rddreg [dreg:$0x3];
	[sflag:s0] =	ssyncadd.s32 @!p0 $0xFFFFF800;
	s19 =	sadd.s32 $0x0, s15  }
0xa8: {  	[tilespmem:s21], [sflag:$0x8] =	stream.linear.gather [hbm4b:s19+s3], $0x80, $0x38;
	[tilespmem:$0x1D000] =	vst v63  }
0xa9: {  	s26 =	sadd.s32 $0x0, s17  }
0xaa: {  	[tilespmem:s25], [sflag:$0x8] =	stream.linear.gather [hbm4b:s26+s3], $0x80, $0x38;
	[tilespmem:$0x1D000] =	vst v63  }
0xab: {  	_ =	swait.ge [sflag:s10], $0x80  }
0xac: {  	[sflag:s10] =	ssyncset.done $0x0  }
0xad: {  	[sflag:s10] =	ssyncadd.s32 $0xFFFFFF80  }
0xae: {  	_ =	swait.ge [sflag:s10], $0x80  }
0xaf: {  	[sflag:s10] =	ssyncset.done $0x0  }
0xb0: {  	[sflag:s10] =	ssyncadd.s32 $0xFFFFFF80  }
0xb1: {  	[tilespmem:s18], [sflag:$0xE] =	stream.indirect.gather [hbm4b:s4+s12], $0x10, s9, s12, $0xb8;
	[tilespmem:$0x1D000] =	vst v63  }
0xb2: {  	s30 =	simm.s32 $0x100;
	_ =	swait.ge [sflag:s23], $0x800  }
0xb3: {  	s28 =	simm.s32 $0x80;
	p0 =	por $0x0, $0x0;
	[sflag:s23] =	ssyncset.done $0x0  }
.LBB2_2:
0xb4: {  	s1 =	simm.s32 @!p0 $0x11  }
0xb5: {  	[sflag:s23] =	ssyncadd.s32 $0xFFFFF800;
	s17 =	simm.s32 $0x500;
	s26 =	simm.s32 $0x1800  }
0xb6: {  	[spmem:s2] =	stream.indirect.scatter.add.f32 [tilespmem:s26], [sflag:$0x13], $0x10, s17, s12, $0xb8;
	[tilespmem:$0x1D000] =	vst v63  }
0xb7: {  	_ =	swait.ge @!p0 [sflag:s1], $0x800  }
0xb8: {  	[sflag:s1] =	ssyncset.done @!p0 $0x0;
	s6 =	rddreg [dreg:$0x12]  }
0xb9: {  	s15 =	rddreg [dreg:$0x11];
	[sflag:s1] =	ssyncadd.s32 @!p0 $0xFFFFF800;
	s6 =	sadd.s32 s28, s6  }
0xba: {  	[tilespmem:s3], [sflag:$0x1] =	stream.linear.gather [hbm4b:s6+s3], $0x80, $0x38;
	[tilespmem:$0x1D000] =	vst v63  }
0xbb: {  	s9 =	simm.s32 @!p0 $0x7;
	s13 =	simm.s32 $0x400;
	s1 =	sadd.s32 s28, s15  }
0xbc: {  	[tilespmem:s13], [sflag:$0x1] =	stream.linear.gather [hbm4b:s1+s3], $0x80, $0x38;
	[tilespmem:$0x1D000] =	vst v63  }
0xbd: {  	_ =	swait.ge @!p0 [sflag:s9], $0x80  }
0xbe: {  	[sflag:s9] =	ssyncset.done @!p0 $0x0  }
0xbf: {  	[sflag:s9] =	ssyncadd.s32 @!p0 $0xFFFFFF80  }
0xc0: {  	_ =	swait.ge @!p0 [sflag:s9], $0x80  }
0xc1: {  	s7 =	simm.s32 @!p0 $0xC;
	s6 =	simm.s32 @!p0 $0x3800;
	[sflag:s9] =	ssyncset.done @!p0 $0x0  }
0xc2: {  	s1 =	simm.s32 @!p0 $0x80;
	[sflag:s9] =	ssyncadd.s32 @!p0 $0xFFFFFF80;
	s9 =	simm.s32 @!p0 $0x300  }
0xc3: {  	[tilespmem:s6], [sflag:$0xF] =	stream.indirect.gather @!p0 [hbm4b:s4+s1], $0x10, s9, s1, $0xb8;
	[tilespmem:$0x1D000] =	vst v63  }
0xc4: {  	_ =	swait.ge @!p0 [sflag:s7], $0x800  }
0xc5: {  	s19 =	simm.s32 @!p0 $0x2000;
	[sflag:s7] =	ssyncset.done @!p0 $0x0  }
0xc6: {  	s9 =	simm.s32 @!p0 $0x12;
	[sflag:s7] =	ssyncadd.s32 @!p0 $0xFFFFF800;
	s7 =	simm.s32 @!p0 $0x580  }
0xc7: {  	[spmem:s2] =	stream.indirect.scatter.add.f32 @!p0 [tilespmem:s19], [sflag:$0x14], $0x10, s7, s1, $0xb8;
	[tilespmem:$0x1D000] =	vst v63  }
0xc8: {  	_ =	swait.ge @!p0 [sflag:s9], $0x800  }
0xc9: {  	s19 =	rddreg [dreg:$0x10];
	[sflag:s9] =	ssyncset.done @!p0 $0x0  }
0xca: {  	s21 =	rddreg [dreg:$0xf];
	[sflag:s9] =	ssyncadd.s32 @!p0 $0xFFFFF800;
	s7 =	sadd.s32 s28, s19  }
0xcb: {  	[tilespmem:s12], [sflag:$0x2] =	stream.linear.gather [hbm4b:s7+s3], $0x80, $0x38;
	[tilespmem:$0x1D000] =	vst v63  }
0xcc: {  	s14 =	simm.s32 $0x480;
	s11 =	sadd.s32 s28, s21;
	s9 =	simm.s32 @!p0 $0x8  }
0xcd: {  	[tilespmem:s14], [sflag:$0x2] =	stream.linear.gather [hbm4b:s11+s3], $0x80, $0x38;
	[tilespmem:$0x1D000] =	vst v63  }
0xce: {  	_ =	swait.ge @!p0 [sflag:s9], $0x80  }
0xcf: {  	[sflag:s9] =	ssyncset.done @!p0 $0x0  }
0xd0: {  	[sflag:s9] =	ssyncadd.s32 @!p0 $0xFFFFFF80  }
0xd1: {  	_ =	swait.ge @!p0 [sflag:s9], $0x80  }
0xd2: {  	s19 =	simm.s32 @!p0 $0x380;
	[sflag:s9] =	ssyncset.done @!p0 $0x0  }
0xd3: {  	s7 =	simm.s32 @!p0 $0xD;
	[sflag:s9] =	ssyncadd.s32 @!p0 $0xFFFFFF80;
	s9 =	simm.s32 @!p0 $0x4000  }
0xd4: {  	[tilespmem:s9], [sflag:$0x10] =	stream.indirect.gather @!p0 [hbm4b:s4+s1], $0x10, s19, s1, $0xb8;
	[tilespmem:$0x1D000] =	vst v63  }
0xd5: {  	_ =	swait.ge @!p0 [sflag:s7], $0x800  }
0xd6: {  	s11 =	simm.s32 @!p0 $0x2800;
	[sflag:s7] =	ssyncset.done @!p0 $0x0  }
0xd7: {  	s19 =	simm.s32 @!p0 $0x13;
	[sflag:s7] =	ssyncadd.s32 @!p0 $0xFFFFF800;
	s7 =	simm.s32 @!p0 $0x600  }
0xd8: {  	[spmem:s2] =	stream.indirect.scatter.add.f32 @!p0 [tilespmem:s11], [sflag:$0x15], $0x10, s7, s1, $0xb8;
	[tilespmem:$0x1D000] =	vst v63  }
0xd9: {  	_ =	swait.ge @!p0 [sflag:s19], $0x800  }
0xda: {  	s15 =	rddreg [dreg:$0xe]  }
0xdb: {  	[sflag:s19] =	ssyncset.done @!p0 $0x0;
	s21 =	rddreg [dreg:$0xd]  }
0xdc: {  	[sflag:s19] =	ssyncadd.s32 @!p0 $0xFFFFF800;
	s7 =	sadd.s32 s28, s15;
	s15 =	simm.s32 $0x100  }
0xdd: {  	[tilespmem:s15], [sflag:$0x3] =	stream.linear.gather [hbm4b:s7+s3], $0x80, $0x38;
	[tilespmem:$0x1D000] =	vst v63  }
0xde: {  	s19 =	sadd.s32 s28, s21  }
0xdf: {  	[tilespmem:s17], [sflag:$0x3] =	stream.linear.gather [hbm4b:s19+s3], $0x80, $0x38;
	[tilespmem:$0x1D000] =	vst v63  }
0xe0: {  	_ =	swait.ge [sflag:s16], $0x80  }
0xe1: {  	[sflag:s16] =	ssyncset.done $0x0  }
0xe2: {  	[sflag:s16] =	ssyncadd.s32 $0xFFFFFF80  }
0xe3: {  	_ =	swait.ge [sflag:s16], $0x80  }
0xe4: {  	[sflag:s16] =	ssyncset.done $0x0  }
0xe5: {  	s7 =	simm.s32 @!p0 $0xE;
	s17 =	simm.s32 $0x800;
	[sflag:s16] =	ssyncadd.s32 $0xFFFFFF80  }
0xe6: {  	[tilespmem:s17], [sflag:$0x9] =	stream.indirect.gather [hbm4b:s4+s12], $0x10, s3, s12, $0xb8;
	[tilespmem:$0x1D000] =	vst v63  }
0xe7: {  	_ =	swait.ge @!p0 [sflag:s7], $0x800  }
0xe8: {  	s11 =	simm.s32 @!p0 $0x14;
	[sflag:s7] =	ssyncset.done @!p0 $0x0  }
0xe9: {  	s19 =	simm.s32 @!p0 $0x3000;
	[sflag:s7] =	ssyncadd.s32 @!p0 $0xFFFFF800;
	s7 =	simm.s32 @!p0 $0x680  }
0xea: {  	[spmem:s2] =	stream.indirect.scatter.add.f32 @!p0 [tilespmem:s19], [sflag:$0x16], $0x10, s7, s1, $0xb8;
	[tilespmem:$0x1D000] =	vst v63  }
0xeb: {  	_ =	swait.ge @!p0 [sflag:s11], $0x800  }
0xec: {  	s21 =	rddreg [dreg:$0xc]  }
0xed: {  	[sflag:s11] =	ssyncset.done @!p0 $0x0;
	s19 =	rddreg [dreg:$0xb]  }
0xee: {  	[sflag:s11] =	ssyncadd.s32 @!p0 $0xFFFFF800;
	s7 =	sadd.s32 s28, s21;
	s21 =	simm.s32 $0x180  }
0xef: {  	[tilespmem:s21], [sflag:$0x4] =	stream.linear.gather [hbm4b:s7+s3], $0x80, $0x38;
	[tilespmem:$0x1D000] =	vst v63  }
0xf0: {  	s11 =	sadd.s32 s28, s19;
	s19 =	simm.s32 $0x580  }
0xf1: {  	[tilespmem:s19], [sflag:$0x4] =	stream.linear.gather [hbm4b:s11+s3], $0x80, $0x38;
	[tilespmem:$0x1D000] =	vst v63  }
0xf2: {  	_ =	swait.ge [sflag:s20], $0x80  }
0xf3: {  	[sflag:s20] =	ssyncset.done $0x0  }
0xf4: {  	[sflag:s20] =	ssyncadd.s32 $0xFFFFFF80  }
0xf5: {  	_ =	swait.ge [sflag:s20], $0x80  }
0xf6: {  	[sflag:s20] =	ssyncset.done $0x0  }
0xf7: {  	s7 =	simm.s32 @!p0 $0xF;
	s19 =	simm.s32 $0x1000;
	[sflag:s20] =	ssyncadd.s32 $0xFFFFFF80  }
0xf8: {  	[tilespmem:s19], [sflag:$0xA] =	stream.indirect.gather [hbm4b:s4+s12], $0x10, s12, s12, $0xb8;
	[tilespmem:$0x1D000] =	vst v63  }
0xf9: {  	_ =	swait.ge @!p0 [sflag:s7], $0x800  }
0xfa: {  	[sflag:s7] =	ssyncset.done @!p0 $0x0  }
0xfb: {  	s11 =	simm.s32 @!p0 $0x15;
	[sflag:s7] =	ssyncadd.s32 @!p0 $0xFFFFF800;
	s7 =	simm.s32 @!p0 $0x700  }
0xfc: {  	[spmem:s2] =	stream.indirect.scatter.add.f32 @!p0 [tilespmem:s6], [sflag:$0x17], $0x10, s7, s1, $0xb8;
	[tilespmem:$0x1D000] =	vst v63  }
0xfd: {  	_ =	swait.ge @!p0 [sflag:s11], $0x800  }
0xfe: {  	s6 =	rddreg [dreg:$0xa]  }
0xff: {  	[sflag:s11] =	ssyncset.done @!p0 $0x0;
	s7 =	rddreg [dreg:$0x9]  }
0x100: {  	[sflag:s11] =	ssyncadd.s32 @!p0 $0xFFFFF800;
	s6 =	sadd.s32 s28, s6;
	s11 =	simm.s32 $0x200  }
0x101: {  	[tilespmem:s11], [sflag:$0x5] =	stream.linear.gather [hbm4b:s6+s3], $0x80, $0x38;
	[tilespmem:$0x1D000] =	vst v63  }
0x102: {  	s6 =	sadd.s32 s28, s7;
	s7 =	simm.s32 $0x600  }
0x103: {  	[tilespmem:s7], [sflag:$0x5] =	stream.linear.gather [hbm4b:s6+s3], $0x80, $0x38;
	[tilespmem:$0x1D000] =	vst v63  }
0x104: {  	_ =	swait.ge [sflag:s24], $0x80  }
0x105: {  	[sflag:s24] =	ssyncset.done $0x0  }
0x106: {  	[sflag:s24] =	ssyncadd.s32 $0xFFFFFF80  }
0x107: {  	_ =	swait.ge [sflag:s24], $0x80  }
0x108: {  	[sflag:s24] =	ssyncset.done $0x0  }
0x109: {  	s6 =	simm.s32 @!p0 $0x10;
	[sflag:s24] =	ssyncadd.s32 $0xFFFFFF80  }
0x10a: {  	[tilespmem:s26], [sflag:$0xB] =	stream.indirect.gather [hbm4b:s4+s12], $0x10, s15, s12, $0xb8;
	[tilespmem:$0x1D000] =	vst v63  }
0x10b: {  	_ =	swait.ge @!p0 [sflag:s6], $0x800  }
0x10c: {  	[sflag:s6] =	ssyncset.done @!p0 $0x0  }
0x10d: {  	s7 =	simm.s32 @!p0 $0x16;
	[sflag:s6] =	ssyncadd.s32 @!p0 $0xFFFFF800;
	s6 =	simm.s32 @!p0 $0x780  }
0x10e: {  	[spmem:s2] =	stream.indirect.scatter.add.f32 @!p0 [tilespmem:s9], [sflag:$0x18], $0x10, s6, s1, $0xb8;
	[tilespmem:$0x1D000] =	vst v63  }
0x10f: {  	_ =	swait.ge @!p0 [sflag:s7], $0x800  }
0x110: {  	s9 =	simm.s32 $0x280;
	s15 =	rddreg [dreg:$0x8];
	[sflag:s7] =	ssyncset.done @!p0 $0x0  }
0x111: {  	s26 =	rddreg [dreg:$0x7];
	[sflag:s7] =	ssyncadd.s32 @!p0 $0xFFFFF800;
	s1 =	sadd.s32 s28, s15  }
0x112: {  	[tilespmem:s9], [sflag:$0x6] =	stream.linear.gather [hbm4b:s1+s3], $0x80, $0x38;
	[tilespmem:$0x1D000] =	vst v63  }
0x113: {  	s15 =	sadd.s32 s28, s26;
	s26 =	simm.s32 $0x680  }
0x114: {  	[tilespmem:s26], [sflag:$0x6] =	stream.linear.gather [hbm4b:s15+s3], $0x80, $0x38;
	[tilespmem:$0x1D000] =	vst v63  }
0x115: {  	_ =	swait.ge [sflag:s29], $0x80  }
0x116: {  	[sflag:s29] =	ssyncset.done $0x0  }
0x117: {  	[sflag:s29] =	ssyncadd.s32 $0xFFFFFF80  }
0x118: {  	_ =	swait.ge [sflag:s29], $0x80  }
0x119: {  	[sflag:s29] =	ssyncset.done $0x0  }
0x11a: {  	s7 =	simm.s32 $0x2000;
	[sflag:s29] =	ssyncadd.s32 $0xFFFFFF80  }
0x11b: {  	[tilespmem:s7], [sflag:$0xC] =	stream.indirect.gather [hbm4b:s4+s12], $0x10, s21, s12, $0xb8;
	[tilespmem:$0x1D000] =	vst v63  }
0x11c: {  	_ =	swait.ge [sflag:s31], $0x800  }
0x11d: {  	[sflag:s31] =	ssyncset.done $0x0  }
0x11e: {  	s1 =	simm.s32 @!p0 $0x17;
	[sflag:s31] =	ssyncadd.s32 $0xFFFFF800  }
0x11f: {  	[spmem:s2] =	stream.indirect.scatter.add.f32 [tilespmem:s17], [sflag:$0x11], $0x10, s13, s12, $0xb8;
	[tilespmem:$0x1D000] =	vst v63  }
0x120: {  	_ =	swait.ge @!p0 [sflag:s1], $0x800  }
0x121: {  	s26 =	simm.s32 $0x300;
	s15 =	rddreg [dreg:$0x6];
	[sflag:s1] =	ssyncset.done @!p0 $0x0  }
0x122: {  	s17 =	rddreg [dreg:$0x5];
	[sflag:s1] =	ssyncadd.s32 @!p0 $0xFFFFF800;
	s21 =	sadd.s32 s28, s15  }
0x123: {  	[tilespmem:s26], [sflag:$0x7] =	stream.linear.gather [hbm4b:s21+s3], $0x80, $0x38;
	[tilespmem:$0x1D000] =	vst v63  }
0x124: {  	s7 =	sadd.s32 s28, s17  }
0x125: {  	[tilespmem:s22], [sflag:$0x7] =	stream.linear.gather [hbm4b:s7+s3], $0x80, $0x38;
	[tilespmem:$0x1D000] =	vst v63  }
0x126: {  	_ =	swait.ge [sflag:s5], $0x80  }
0x127: {  	[sflag:s5] =	ssyncset.done $0x0  }
0x128: {  	[sflag:s5] =	ssyncadd.s32 $0xFFFFFF80  }
0x129: {  	_ =	swait.ge [sflag:s5], $0x80  }
0x12a: {  	[sflag:s5] =	ssyncset.done $0x0  }
0x12b: {  	s13 =	simm.s32 $0x2800;
	[sflag:s5] =	ssyncadd.s32 $0xFFFFFF80  }
0x12c: {  	[tilespmem:s13], [sflag:$0xD] =	stream.indirect.gather [hbm4b:s4+s12], $0x10, s11, s12, $0xb8;
	[tilespmem:$0x1D000] =	vst v63  }
0x12d: {  	_ =	swait.ge [sflag:s8], $0x800  }
0x12e: {  	[sflag:s8] =	ssyncset.done $0x0  }
0x12f: {  	s1 =	simm.s32 @!p0 $0x18;
	[sflag:s8] =	ssyncadd.s32 $0xFFFFF800  }
0x130: {  	[spmem:s2] =	stream.indirect.scatter.add.f32 [tilespmem:s19], [sflag:$0x12], $0x10, s14, s12, $0xb8;
	[tilespmem:$0x1D000] =	vst v63  }
0x131: {  	_ =	swait.ge @!p0 [sflag:s1], $0x800  }
0x132: {  	s21 =	simm.s32 $0x380;
	s15 =	rddreg [dreg:$0x4];
	[sflag:s1] =	ssyncset.done @!p0 $0x0  }
0x133: {  	s17 =	rddreg [dreg:$0x3];
	[sflag:s1] =	ssyncadd.s32 @!p0 $0xFFFFF800;
	s19 =	sadd.s32 s28, s15  }
0x134: {  	[tilespmem:s21], [sflag:$0x8] =	stream.linear.gather [hbm4b:s19+s3], $0x80, $0x38;
	[tilespmem:$0x1D000] =	vst v63  }
0x135: {  	s26 =	sadd.s32 s28, s17  }
0x136: {  	[tilespmem:s25], [sflag:$0x8] =	stream.linear.gather [hbm4b:s26+s3], $0x80, $0x38;
	[tilespmem:$0x1D000] =	vst v63  }
0x137: {  	_ =	swait.ge [sflag:s10], $0x80  }
0x138: {  	[sflag:s10] =	ssyncset.done $0x0  }
0x139: {  	s0 =	smov.u32 s30;
	s30 =	sadd.s32 $0x80, s30;
	[sflag:s10] =	ssyncadd.s32 $0xFFFFFF80  }
0x13a: {  	p1 =	sne.s32 s30, $0x3100;
	_ =	swait.ge [sflag:s10], $0x80  }
.Ltmp0:
0x13b: {  	[sflag:s10] =	ssyncset.done $0x0;
	(pc) =	sbr.rel @p1 .LBB2_2-.Ltmp0, $4  }
0x13c: {  	[sflag:s10] =	ssyncadd.s32 $0xFFFFFF80  }
0x13d: {  	[tilespmem:s18], [sflag:$0xE] =	stream.indirect.gather [hbm4b:s4+s12], $0x10, s9, s12, $0xb8;
	[tilespmem:$0x1D000] =	vst v63  }
0x13e: {  	s28 =	smov.u32 s0;
	_ =	swait.ge [sflag:s23], $0x800  }
0x13f: {  	p0 =	seq.s32 s28, $0x0;
	[sflag:s23] =	ssyncset.done $0x0  }
0x140: {  	s0 =	simm.s32 @!p0 $0x11  }
0x141: {  	[sflag:s23] =	ssyncadd.s32 $0xFFFFF800;
	s19 =	simm.s32 $0x500;
	s22 =	simm.s32 $0x1800  }
0x142: {  	[spmem:s2] =	stream.indirect.scatter.add.f32 [tilespmem:s22], [sflag:$0x13], $0x10, s19, s12, $0xb8;
	[tilespmem:$0x1D000] =	vst v63  }
0x143: {  	_ =	swait.ge @!p0 [sflag:s0], $0x800  }
0x144: {  	s1 =	rddreg [dreg:$0x12];
	[sflag:s0] =	ssyncset.done @!p0 $0x0  }
0x145: {  	s6 =	rddreg [dreg:$0x11];
	[sflag:s0] =	ssyncadd.s32 @!p0 $0xFFFFF800;
	s14 =	sadd.s32 s28, s1  }
0x146: {  	[tilespmem:s3], [sflag:$0x1] =	stream.linear.gather [hbm4b:s14+s3], $0x80, $0x38;
	[tilespmem:$0x1D000] =	vst v63  }
0x147: {  	s13 =	simm.s32 $0x400;
	s15 =	sadd.s32 s28, s6;
	s6 =	simm.s32 @!p0 $0x7  }
0x148: {  	[tilespmem:s13], [sflag:$0x1] =	stream.linear.gather [hbm4b:s15+s3], $0x80, $0x38;
	[tilespmem:$0x1D000] =	vst v63  }
0x149: {  	_ =	swait.ge @!p0 [sflag:s6], $0x80  }
0x14a: {  	[sflag:s6] =	ssyncset.done @!p0 $0x0  }
0x14b: {  	[sflag:s6] =	ssyncadd.s32 @!p0 $0xFFFFFF80  }
0x14c: {  	_ =	swait.ge @!p0 [sflag:s6], $0x80  }
0x14d: {  	s7 =	simm.s32 @!p0 $0xC;
	s1 =	simm.s32 @!p0 $0x3800;
	[sflag:s6] =	ssyncset.done @!p0 $0x0  }
0x14e: {  	s0 =	simm.s32 @!p0 $0x80;
	[sflag:s6] =	ssyncadd.s32 @!p0 $0xFFFFFF80;
	s6 =	simm.s32 @!p0 $0x300  }
0x14f: {  	[tilespmem:s1], [sflag:$0xF] =	stream.indirect.gather @!p0 [hbm4b:s4+s0], $0x10, s6, s0, $0xb8;
	[tilespmem:$0x1D000] =	vst v63  }
0x150: {  	_ =	swait.ge @!p0 [sflag:s7], $0x800  }
0x151: {  	s9 =	simm.s32 @!p0 $0x2000;
	[sflag:s7] =	ssyncset.done @!p0 $0x0  }
0x152: {  	s6 =	simm.s32 @!p0 $0x12;
	[sflag:s7] =	ssyncadd.s32 @!p0 $0xFFFFF800;
	s7 =	simm.s32 @!p0 $0x580  }
0x153: {  	[spmem:s2] =	stream.indirect.scatter.add.f32 @!p0 [tilespmem:s9], [sflag:$0x14], $0x10, s7, s0, $0xb8;
	[tilespmem:$0x1D000] =	vst v63  }
0x154: {  	_ =	swait.ge @!p0 [sflag:s6], $0x800  }
0x155: {  	s17 =	rddreg [dreg:$0x10];
	[sflag:s6] =	ssyncset.done @!p0 $0x0  }
0x156: {  	s18 =	rddreg [dreg:$0xf];
	[sflag:s6] =	ssyncadd.s32 @!p0 $0xFFFFF800;
	s21 =	sadd.s32 s28, s17  }
0x157: {  	[tilespmem:s12], [sflag:$0x2] =	stream.linear.gather [hbm4b:s21+s3], $0x80, $0x38;
	[tilespmem:$0x1D000] =	vst v63  }
0x158: {  	s14 =	simm.s32 $0x480;
	s7 =	simm.s32 @!p0 $0x8;
	s25 =	sadd.s32 s28, s18  }
0x159: {  	[tilespmem:s14], [sflag:$0x2] =	stream.linear.gather [hbm4b:s25+s3], $0x80, $0x38;
	[tilespmem:$0x1D000] =	vst v63  }
0x15a: {  	_ =	swait.ge @!p0 [sflag:s7], $0x80  }
0x15b: {  	[sflag:s7] =	ssyncset.done @!p0 $0x0  }
0x15c: {  	[sflag:s7] =	ssyncadd.s32 @!p0 $0xFFFFFF80  }
0x15d: {  	_ =	swait.ge @!p0 [sflag:s7], $0x80  }
0x15e: {  	s9 =	simm.s32 @!p0 $0xD;
	[sflag:s7] =	ssyncset.done @!p0 $0x0  }
0x15f: {  	s6 =	simm.s32 @!p0 $0x4000;
	[sflag:s7] =	ssyncadd.s32 @!p0 $0xFFFFFF80;
	s7 =	simm.s32 @!p0 $0x380  }
0x160: {  	[tilespmem:s6], [sflag:$0x10] =	stream.indirect.gather @!p0 [hbm4b:s4+s0], $0x10, s7, s0, $0xb8;
	[tilespmem:$0x1D000] =	vst v63  }
0x161: {  	_ =	swait.ge @!p0 [sflag:s9], $0x800  }
0x162: {  	s11 =	simm.s32 @!p0 $0x2800;
	[sflag:s9] =	ssyncset.done @!p0 $0x0  }
0x163: {  	s7 =	simm.s32 @!p0 $0x13;
	[sflag:s9] =	ssyncadd.s32 @!p0 $0xFFFFF800;
	s9 =	simm.s32 @!p0 $0x600  }
0x164: {  	[spmem:s2] =	stream.indirect.scatter.add.f32 @!p0 [tilespmem:s11], [sflag:$0x15], $0x10, s9, s0, $0xb8;
	[tilespmem:$0x1D000] =	vst v63  }
0x165: {  	_ =	swait.ge @!p0 [sflag:s7], $0x800  }
0x166: {  	s15 =	simm.s32 $0x100;
	s26 =	rddreg [dreg:$0xe];
	[sflag:s7] =	ssyncset.done @!p0 $0x0  }
0x167: {  	s30 =	rddreg [dreg:$0xd];
	[sflag:s7] =	ssyncadd.s32 @!p0 $0xFFFFF800;
	s9 =	sadd.s32 s28, s26  }
0x168: {  	[tilespmem:s15], [sflag:$0x3] =	stream.linear.gather [hbm4b:s9+s3], $0x80, $0x38;
	[tilespmem:$0x1D000] =	vst v63  }
0x169: {  	s17 =	sadd.s32 s28, s30  }
0x16a: {  	[tilespmem:s19], [sflag:$0x3] =	stream.linear.gather [hbm4b:s17+s3], $0x80, $0x38;
	[tilespmem:$0x1D000] =	vst v63  }
0x16b: {  	_ =	swait.ge [sflag:s16], $0x80  }
0x16c: {  	[sflag:s16] =	ssyncset.done $0x0  }
0x16d: {  	[sflag:s16] =	ssyncadd.s32 $0xFFFFFF80  }
0x16e: {  	_ =	swait.ge [sflag:s16], $0x80  }
0x16f: {  	[sflag:s16] =	ssyncset.done $0x0  }
0x170: {  	s7 =	simm.s32 @!p0 $0xE;
	s17 =	simm.s32 $0x800;
	[sflag:s16] =	ssyncadd.s32 $0xFFFFFF80  }
0x171: {  	[tilespmem:s17], [sflag:$0x9] =	stream.indirect.gather [hbm4b:s4+s12], $0x10, s3, s12, $0xb8;
	[tilespmem:$0x1D000] =	vst v63  }
0x172: {  	_ =	swait.ge @!p0 [sflag:s7], $0x800  }
0x173: {  	s11 =	simm.s32 @!p0 $0x3000;
	[sflag:s7] =	ssyncset.done @!p0 $0x0  }
0x174: {  	s9 =	simm.s32 @!p0 $0x14;
	[sflag:s7] =	ssyncadd.s32 @!p0 $0xFFFFF800;
	s7 =	simm.s32 @!p0 $0x680  }
0x175: {  	[spmem:s2] =	stream.indirect.scatter.add.f32 @!p0 [tilespmem:s11], [sflag:$0x16], $0x10, s7, s0, $0xb8;
	[tilespmem:$0x1D000] =	vst v63  }
0x176: {  	_ =	swait.ge @!p0 [sflag:s9], $0x800  }
0x177: {  	s18 =	rddreg [dreg:$0xc]  }
0x178: {  	[sflag:s9] =	ssyncset.done @!p0 $0x0;
	s21 =	rddreg [dreg:$0xb]  }
0x179: {  	[sflag:s9] =	ssyncadd.s32 @!p0 $0xFFFFF800;
	s7 =	sadd.s32 s28, s18;
	s18 =	simm.s32 $0x180  }
0x17a: {  	[tilespmem:s18], [sflag:$0x4] =	stream.linear.gather [hbm4b:s7+s3], $0x80, $0x38;
	[tilespmem:$0x1D000] =	vst v63  }
0x17b: {  	s11 =	simm.s32 $0x580;
	s25 =	sadd.s32 s28, s21  }
0x17c: {  	[tilespmem:s11], [sflag:$0x4] =	stream.linear.gather [hbm4b:s25+s3], $0x80, $0x38;
	[tilespmem:$0x1D000] =	vst v63  }
0x17d: {  	_ =	swait.ge [sflag:s20], $0x80  }
0x17e: {  	[sflag:s20] =	ssyncset.done $0x0  }
0x17f: {  	[sflag:s20] =	ssyncadd.s32 $0xFFFFFF80  }
0x180: {  	_ =	swait.ge [sflag:s20], $0x80  }
0x181: {  	[sflag:s20] =	ssyncset.done $0x0  }
0x182: {  	s21 =	simm.s32 $0x1000;
	s7 =	simm.s32 @!p0 $0xF;
	[sflag:s20] =	ssyncadd.s32 $0xFFFFFF80  }
0x183: {  	[tilespmem:s21], [sflag:$0xA] =	stream.indirect.gather [hbm4b:s4+s12], $0x10, s12, s12, $0xb8;
	[tilespmem:$0x1D000] =	vst v63  }
0x184: {  	_ =	swait.ge @!p0 [sflag:s7], $0x800  }
0x185: {  	[sflag:s7] =	ssyncset.done @!p0 $0x0  }
0x186: {  	s9 =	simm.s32 @!p0 $0x15;
	[sflag:s7] =	ssyncadd.s32 @!p0 $0xFFFFF800;
	s7 =	simm.s32 @!p0 $0x700  }
0x187: {  	[spmem:s2] =	stream.indirect.scatter.add.f32 @!p0 [tilespmem:s1], [sflag:$0x17], $0x10, s7, s0, $0xb8;
	[tilespmem:$0x1D000] =	vst v63  }
0x188: {  	_ =	swait.ge @!p0 [sflag:s9], $0x800  }
0x189: {  	s26 =	rddreg [dreg:$0xa]  }
0x18a: {  	[sflag:s9] =	ssyncset.done @!p0 $0x0;
	s30 =	rddreg [dreg:$0x9]  }
0x18b: {  	[sflag:s9] =	ssyncadd.s32 @!p0 $0xFFFFF800;
	s1 =	sadd.s32 s28, s26;
	s9 =	simm.s32 $0x200  }
0x18c: {  	[tilespmem:s9], [sflag:$0x5] =	stream.linear.gather [hbm4b:s1+s3], $0x80, $0x38;
	[tilespmem:$0x1D000] =	vst v63  }
0x18d: {  	s7 =	simm.s32 $0x600;
	s25 =	sadd.s32 s28, s30  }
0x18e: {  	[tilespmem:s7], [sflag:$0x5] =	stream.linear.gather [hbm4b:s25+s3], $0x80, $0x38;
	[tilespmem:$0x1D000] =	vst v63  }
0x18f: {  	_ =	swait.ge [sflag:s24], $0x80  }
0x190: {  	[sflag:s24] =	ssyncset.done $0x0  }
0x191: {  	[sflag:s24] =	ssyncadd.s32 $0xFFFFFF80  }
0x192: {  	_ =	swait.ge [sflag:s24], $0x80  }
0x193: {  	[sflag:s24] =	ssyncset.done $0x0  }
0x194: {  	s1 =	simm.s32 @!p0 $0x10;
	[sflag:s24] =	ssyncadd.s32 $0xFFFFFF80  }
0x195: {  	[tilespmem:s22], [sflag:$0xB] =	stream.indirect.gather [hbm4b:s4+s12], $0x10, s15, s12, $0xb8;
	[tilespmem:$0x1D000] =	vst v63  }
0x196: {  	_ =	swait.ge @!p0 [sflag:s1], $0x800  }
0x197: {  	[sflag:s1] =	ssyncset.done @!p0 $0x0  }
0x198: {  	[sflag:s1] =	ssyncadd.s32 @!p0 $0xFFFFF800;
	s1 =	simm.s32 @!p0 $0x780  }
0x199: {  	[spmem:s2] =	stream.indirect.scatter.add.f32 @!p0 [tilespmem:s6], [sflag:$0x18], $0x10, s1, s0, $0xb8;
	[tilespmem:$0x1D000] =	vst v63  }
0x19a: {  	s0 =	simm.s32 @!p0 $0x16  }
0x19b: {  	_ =	swait.ge @!p0 [sflag:s0], $0x800  }
0x19c: {  	s25 =	simm.s32 $0x280;
	s26 =	rddreg [dreg:$0x8];
	[sflag:s0] =	ssyncset.done @!p0 $0x0  }
0x19d: {  	s30 =	rddreg [dreg:$0x7];
	[sflag:s0] =	ssyncadd.s32 @!p0 $0xFFFFF800;
	s1 =	sadd.s32 s28, s26  }
0x19e: {  	[tilespmem:s25], [sflag:$0x6] =	stream.linear.gather [hbm4b:s1+s3], $0x80, $0x38;
	[tilespmem:$0x1D000] =	vst v63  }
0x19f: {  	s15 =	simm.s32 $0x680;
	s6 =	sadd.s32 s28, s30  }
0x1a0: {  	[tilespmem:s15], [sflag:$0x6] =	stream.linear.gather [hbm4b:s6+s3], $0x80, $0x38;
	[tilespmem:$0x1D000] =	vst v63  }
0x1a1: {  	_ =	swait.ge [sflag:s29], $0x80  }
0x1a2: {  	[sflag:s29] =	ssyncset.done $0x0  }
0x1a3: {  	[sflag:s29] =	ssyncadd.s32 $0xFFFFFF80  }
0x1a4: {  	_ =	swait.ge [sflag:s29], $0x80  }
0x1a5: {  	[sflag:s29] =	ssyncset.done $0x0  }
0x1a6: {  	s26 =	simm.s32 $0x2000;
	[sflag:s29] =	ssyncadd.s32 $0xFFFFFF80  }
0x1a7: {  	[tilespmem:s26], [sflag:$0xC] =	stream.indirect.gather [hbm4b:s4+s12], $0x10, s18, s12, $0xb8;
	[tilespmem:$0x1D000] =	vst v63  }
0x1a8: {  	_ =	swait.ge [sflag:s31], $0x800  }
0x1a9: {  	[sflag:s31] =	ssyncset.done $0x0  }
0x1aa: {  	s0 =	simm.s32 @!p0 $0x17;
	[sflag:s31] =	ssyncadd.s32 $0xFFFFF800  }
0x1ab: {  	[spmem:s2] =	stream.indirect.scatter.add.f32 [tilespmem:s17], [sflag:$0x11], $0x10, s13, s12, $0xb8;
	[tilespmem:$0x1D000] =	vst v63  }
0x1ac: {  	_ =	swait.ge @!p0 [sflag:s0], $0x800  }
0x1ad: {  	s13 =	simm.s32 $0x300;
	s18 =	rddreg [dreg:$0x6];
	[sflag:s0] =	ssyncset.done @!p0 $0x0  }
0x1ae: {  	s30 =	rddreg [dreg:$0x5];
	[sflag:s0] =	ssyncadd.s32 @!p0 $0xFFFFF800;
	s1 =	sadd.s32 s28, s18  }
0x1af: {  	[tilespmem:s13], [sflag:$0x7] =	stream.linear.gather [hbm4b:s1+s3], $0x80, $0x38;
	[tilespmem:$0x1D000] =	vst v63  }
0x1b0: {  	s17 =	simm.s32 $0x700;
	s6 =	sadd.s32 s28, s30  }
0x1b1: {  	[tilespmem:s17], [sflag:$0x7] =	stream.linear.gather [hbm4b:s6+s3], $0x80, $0x38;
	[tilespmem:$0x1D000] =	vst v63  }
0x1b2: {  	_ =	swait.ge [sflag:s5], $0x80  }
0x1b3: {  	[sflag:s5] =	ssyncset.done $0x0  }
0x1b4: {  	[sflag:s5] =	ssyncadd.s32 $0xFFFFFF80  }
0x1b5: {  	_ =	swait.ge [sflag:s5], $0x80  }
0x1b6: {  	[sflag:s5] =	ssyncset.done $0x0  }
0x1b7: {  	s30 =	simm.s32 $0x2800;
	[sflag:s5] =	ssyncadd.s32 $0xFFFFFF80  }
0x1b8: {  	[tilespmem:s30], [sflag:$0xD] =	stream.indirect.gather [hbm4b:s4+s12], $0x10, s9, s12, $0xb8;
	[tilespmem:$0x1D000] =	vst v63  }
0x1b9: {  	_ =	swait.ge [sflag:s8], $0x800  }
0x1ba: {  	[sflag:s8] =	ssyncset.done $0x0  }
0x1bb: {  	s0 =	simm.s32 @!p0 $0x18;
	[sflag:s8] =	ssyncadd.s32 $0xFFFFF800  }
0x1bc: {  	[spmem:s2] =	stream.indirect.scatter.add.f32 [tilespmem:s21], [sflag:$0x12], $0x10, s14, s12, $0xb8;
	[tilespmem:$0x1D000] =	vst v63  }
0x1bd: {  	_ =	swait.ge @!p0 [sflag:s0], $0x800  }
0x1be: {  	s1 =	simm.s32 $0x380;
	s9 =	rddreg [dreg:$0x4];
	[sflag:s0] =	ssyncset.done @!p0 $0x0  }
0x1bf: {  	s14 =	rddreg [dreg:$0x3];
	[sflag:s0] =	ssyncadd.s32 @!p0 $0xFFFFF800;
	s18 =	sadd.s32 s28, s9  }
0x1c0: {  	[tilespmem:s1], [sflag:$0x8] =	stream.linear.gather [hbm4b:s18+s3], $0x80, $0x38;
	[tilespmem:$0x1D000] =	vst v63  }
0x1c1: {  	s6 =	simm.s32 $0x780;
	s21 =	sadd.s32 s28, s14  }
0x1c2: {  	[tilespmem:s6], [sflag:$0x8] =	stream.linear.gather [hbm4b:s21+s3], $0x80, $0x38;
	[tilespmem:$0x1D000] =	vst v63  }
0x1c3: {  	_ =	swait.ge [sflag:s10], $0x80  }
0x1c4: {  	[sflag:s10] =	ssyncset.done $0x0  }
0x1c5: {  	[sflag:s10] =	ssyncadd.s32 $0xFFFFFF80  }
0x1c6: {  	_ =	swait.ge [sflag:s10], $0x80  }
0x1c7: {  	[sflag:s10] =	ssyncset.done $0x0  }
0x1c8: {  	s0 =	simm.s32 $0x3000;
	[sflag:s10] =	ssyncadd.s32 $0xFFFFFF80  }
0x1c9: {  	[tilespmem:s0], [sflag:$0xE] =	stream.indirect.gather [hbm4b:s4+s12], $0x10, s25, s12, $0xb8;
	[tilespmem:$0x1D000] =	vst v63  }
0x1ca: {  	_ =	swait.ge [sflag:s23], $0x800  }
0x1cb: {  	[sflag:s23] =	ssyncset.done $0x0  }
0x1cc: {  	s28 =	simm.s32 $0x7;
	[sflag:s23] =	ssyncadd.s32 $0xFFFFF800  }
0x1cd: {  	[spmem:s2] =	stream.indirect.scatter.add.f32 [tilespmem:s22], [sflag:$0x13], $0x10, s19, s12, $0xb8;
	[tilespmem:$0x1D000] =	vst v63  }
0x1ce: {  	_ =	swait.ge [sflag:s28], $0x80  }
0x1cf: {  	[sflag:s28] =	ssyncset.done $0x0  }
0x1d0: {  	[sflag:s28] =	ssyncadd.s32 $0xFFFFFF80  }
0x1d1: {  	_ =	swait.ge [sflag:s28], $0x80  }
0x1d2: {  	[sflag:s28] =	ssyncset.done $0x0  }
0x1d3: {  	s9 =	simm.s32 $0x3800;
	s18 =	simm.s32 $0x8;
	[sflag:s28] =	ssyncadd.s32 $0xFFFFFF80  }
0x1d4: {  	[tilespmem:s9], [sflag:$0xF] =	stream.indirect.gather [hbm4b:s4+s12], $0x10, s13, s12, $0xb8;
	[tilespmem:$0x1D000] =	vst v63  }
0x1d5: {  	_ =	swait.ge [sflag:s18], $0x80  }
0x1d6: {  	[sflag:s18] =	ssyncset.done $0x0  }
0x1d7: {  	[sflag:s18] =	ssyncadd.s32 $0xFFFFFF80  }
0x1d8: {  	_ =	swait.ge [sflag:s18], $0x80  }
0x1d9: {  	[sflag:s18] =	ssyncset.done $0x0  }
0x1da: {  	s19 =	simm.s32 $0x4000;
	s22 =	simm.s32 $0xC;
	[sflag:s18] =	ssyncadd.s32 $0xFFFFFF80  }
0x1db: {  	[tilespmem:s19], [sflag:$0x10] =	stream.indirect.gather [hbm4b:s4+s12], $0x10, s1, s12, $0xb8;
	[tilespmem:$0x1D000] =	vst v63  }
0x1dc: {  	_ =	swait.ge [sflag:s22], $0x800  }
0x1dd: {  	[sflag:s22] =	ssyncset.done $0x0  }
0x1de: {  	s25 =	simm.s32 $0xD;
	[sflag:s22] =	ssyncadd.s32 $0xFFFFF800  }
0x1df: {  	[spmem:s2] =	stream.indirect.scatter.add.f32 [tilespmem:s26], [sflag:$0x14], $0x10, s11, s12, $0xb8;
	[tilespmem:$0x1D000] =	vst v63  }
0x1e0: {  	_ =	swait.ge [sflag:s25], $0x800  }
0x1e1: {  	[sflag:s25] =	ssyncset.done $0x0  }
0x1e2: {  	s26 =	simm.s32 $0xE;
	[sflag:s25] =	ssyncadd.s32 $0xFFFFF800  }
0x1e3: {  	[spmem:s2] =	stream.indirect.scatter.add.f32 [tilespmem:s30], [sflag:$0x15], $0x10, s7, s12, $0xb8;
	[tilespmem:$0x1D000] =	vst v63  }
0x1e4: {  	_ =	swait.ge [sflag:s26], $0x800  }
0x1e5: {  	[sflag:s26] =	ssyncset.done $0x0  }
0x1e6: {  	s28 =	simm.s32 $0xF;
	[sflag:s26] =	ssyncadd.s32 $0xFFFFF800  }
0x1e7: {  	[spmem:s2] =	stream.indirect.scatter.add.f32 [tilespmem:s0], [sflag:$0x16], $0x10, s15, s12, $0xb8;
	[tilespmem:$0x1D000] =	vst v63  }
0x1e8: {  	_ =	swait.ge [sflag:s28], $0x800  }
0x1e9: {  	[sflag:s28] =	ssyncset.done $0x0  }
0x1ea: {  	s30 =	simm.s32 $0x10;
	[sflag:s28] =	ssyncadd.s32 $0xFFFFF800  }
0x1eb: {  	[spmem:s2] =	stream.indirect.scatter.add.f32 [tilespmem:s9], [sflag:$0x17], $0x10, s17, s12, $0xb8;
	[tilespmem:$0x1D000] =	vst v63  }
0x1ec: {  	_ =	swait.ge [sflag:s30], $0x800  }
0x1ed: {  	[sflag:s30] =	ssyncset.done $0x0  }
0x1ee: {  	s1 =	simm.s32 $0x11;
	[sflag:s30] =	ssyncadd.s32 $0xFFFFF800  }
0x1ef: {  	[spmem:s2] =	stream.indirect.scatter.add.f32 [tilespmem:s19], [sflag:$0x18], $0x10, s6, s12, $0xb8;
	[tilespmem:$0x1D000] =	vst v63  }
0x1f0: {  	_ =	swait.ge [sflag:s1], $0x800  }
0x1f1: {  	[sflag:s1] =	ssyncset.done $0x0  }
0x1f2: {  	s6 =	simm.s32 $0x12;
	[sflag:s1] =	ssyncadd.s32 $0xFFFFF800  }
0x1f3: {  	_ =	swait.ge [sflag:s6], $0x800  }
0x1f4: {  	[sflag:s6] =	ssyncset.done $0x0  }
0x1f5: {  	s7 =	simm.s32 $0x13;
	[sflag:s6] =	ssyncadd.s32 $0xFFFFF800  }
0x1f6: {  	_ =	swait.ge [sflag:s7], $0x800  }
0x1f7: {  	[sflag:s7] =	ssyncset.done $0x0  }
0x1f8: {  	s9 =	simm.s32 $0x14;
	[sflag:s7] =	ssyncadd.s32 $0xFFFFF800  }
0x1f9: {  	_ =	swait.ge [sflag:s9], $0x800  }
0x1fa: {  	[sflag:s9] =	ssyncset.done $0x0  }
0x1fb: {  	s11 =	simm.s32 $0x15;
	[sflag:s9] =	ssyncadd.s32 $0xFFFFF800  }
0x1fc: {  	_ =	swait.ge [sflag:s11], $0x800  }
0x1fd: {  	[sflag:s11] =	ssyncset.done $0x0  }
0x1fe: {  	s13 =	simm.s32 $0x16;
	[sflag:s11] =	ssyncadd.s32 $0xFFFFF800  }
0x1ff: {  	_ =	swait.ge [sflag:s13], $0x800  }
0x200: {  	[sflag:s13] =	ssyncset.done $0x0  }
0x201: {  	s15 =	simm.s32 $0x17;
	[sflag:s13] =	ssyncadd.s32 $0xFFFFF800  }
0x202: {  	_ =	swait.ge [sflag:s15], $0x800  }
0x203: {  	[sflag:s15] =	ssyncset.done $0x0  }
0x204: {  	s17 =	simm.s32 $0x18;
	[sflag:s15] =	ssyncadd.s32 $0xFFFFF800  }
0x205: {  	_ =	swait.ge [sflag:s17], $0x800  }
0x206: {  	[sflag:s17] =	ssyncset.done $0x0  }
0x207: {  	[sflag:s17] =	ssyncadd.s32 $0xFFFFF800  }
0x208: {  	[bflag:$0x0] =	sbarrier.arrive $0xFFFF  }
0x209: {  	s7 =	rddreg [dreg:$0x15]  }
0x20a: {  	s19 =	rddreg [dreg:$0x16]  }
0x20b: {  	s1 =	simm.s32 $0x19;
	s26 =	rddreg [dreg:$0x19]  }
0x20c: {  	[hbm:s19], [sflag:s7] =	dma.local [spmem:s26], $0x3100  }
0x20d: {  	_ =	swait.ge [sflag:s1], $0x3100  }
0x20e: {  	s28 =	rddreg [dreg:$0x18]  }
0x20f: {  	s30 =	rddreg [dreg:$0x17];
	s6 =	sadd.s32 $0x1, s28  }
0x210: {  	p0 =	sne.s32 s6, s30  }
.Ltmp1:
0x211: {  	_ = 	snop;
	(pc) =	sbr.rel @p0 .LBB2_1-.Ltmp1, $4  }
0x212: {  	_ = 	snop  }
0x213: {  	s14 =	simm.s32 $0x500  }
0x214: {  	s21 =	simm.s32 $0x1800;
	s18 =	simm.s32 $0x3000;
	[sflag:s1] =	ssyncset.done $0x0  }
0x215: {  	s22 =	simm.s32 $0x700;
	s25 =	simm.s32 $0x780;
	[sflag:s1] =	ssyncadd.s32 $0xFFFFCF00  }
0x216: {  	_ =	sfence.sel $0x180000  }
0x217: {  	[bflag:$0x0] =	sbarrier.arrive $0xFFFF  }
0x218: {  	_ =	strace $0x9000004A  }
0x219: {  	s0 =	stileid.u32;
	[bflag:$0x2] =	sbarrier.arrive $0xFFFF  }
0x21a: {  	p0 =	sne.s32 s0, $0x0;
	s0 =	rddreg [dreg:$0x2]  }
0x21b: {  	s0 =	sadd.s32 @!p0 $0x100000, s0  }
0x21c: {  	[sflag:s0] =	ssyncadd.tile.s32 @!p0 $0x1;
	_ =	shalt  }
.Lfunc_end2:
_tile_overlayer_lowered:
.L_overlay_start_2:
0x21d: {  	(tag) =	ssettag $0x2  }
0x21e: {  	s0 =	rddreg [dreg:$0x0];
	s2 =	stileid.u32  }
0x21f: {  	s1 =	rddreg [dreg:$0x1];
	p0 =	sne.s32 s2, $0x0  }
0x220: {  	s3 =	rddreg [dreg:$0x2];
	[bflag:$0x3] =	sbarrier.arrive $0xFFFF;
	s2 =	simm.s32 @!p0 $0x1C19  }
0x221: {  	[timem:s3], [sflag:s2] =	dma.local @!p0 [hbm:s0], s1  }
0x222: {  	s0 =	simm.s32 @!p0 $0x19  }
0x223: {  	_ =	swait.ge @!p0 [sflag:s0], s1  }
0x224: {  	s1 =	ssub.s32 @!p0 $0x0, s1;
	[sflag:s0] =	ssyncset.done @!p0 $0x0  }
0x225: {  	[sflag:s0] =	ssyncadd.s32 @!p0 s1  }
0x226: {  	[bflag:$0x3] =	sbarrier.arrive $0xFFFF  }
0x227: {  	_ =	shalt  }

// kernel: kernel.16.cloned.1.call-start
scs
__scs_entry_jumppad:
0x0: {  	(pc) =	sbr.rel $0x88, $3  }
0x1: {  	(tag) =	ssettag $0x0;
	lr =	simm.s32 $0x1  }
0x2: {  	[smem:$0x3F98] =	sst lr;
	_ =	strace $0xD0000000  }
0x3: {  	_ = 	snop  }
0x4: {  	_ = 	snop  }
0x5: {  	_ = 	snop  }
0x6: {  	_ = 	snop  }
0x7: {  	_ = 	snop  }
__scs_overlays_trampoline_lowered:
0x8: {  	[smem:$0x3FA7] =	sst s0  }
0x9: {  	[smem:$0x3FA8] =	sst s1  }
0xa: {  	[smem:$0x3FA9] =	sst s2  }
0xb: {  	[smem:$0x3FAA] =	sst s3  }
0xc: {  	[smem:$0x3FAB] =	sst s4  }
0xd: {  	[smem:$0x3FAC] =	sst s5  }
0xe: {  	[smem:$0x3FAD] =	sst s6  }
0xf: {  	[smem:$0x3FAE] =	sst s7  }
0x10: {  	[smem:$0x3FAF] =	sst s8  }
0x11: {  	[smem:$0x3FB0] =	sst s9;
	s0 =	simm.s32 @!p0 $0x0  }
0x12: {  	s1 =	sld [smem:$0x3F96];
	s0 =	simm.s32 @p0 $0x1  }
0x13: {  	[smem:$0x3FB1] =	sst s0;
	s0 =	simm.s32 @!p1 $0x0  }
0x14: {  	s2 =	sld [smem:$0x3F95];
	s0 =	simm.s32 @p1 $0x1  }
0x15: {  	[smem:$0x3FB2] =	sst s0;
	s0 =	simm.s32 @!p2 $0x0  }
0x16: {  	s3 =	sld [smem:$0x3FDB];
	s0 =	simm.s32 @p2 $0x1  }
0x17: {  	s4 =	simm.s32 $0x1BF5;
	[smem:$0x3FB4] =	sst s0  }
0x18: {  	s0 =	sld [smem:$0x3F97];
	_ =	swait.ge [sflag:s4], $0x0  }
0x19: {  	s7 =	sld [smem:$0x3F98]  }
0x1a: {  	s8 =	sadd.s32 $0xFFFFE003, lr  }
0x1b: {  	s9 =	sadd.s32 $0xFFFFFEF7, lr;
	s5 =	simm.s32 $0xFFFFFFFF;
	p2 =	slt.u32 s8, $0xFFFFF086  }
0x1c: {  	p1 =	slt.u32 s9, $0xF7A;
	s5 =	simm.s32 @!p2 $0x0  }
0x1d: {  	s5 =	simm.s32 @p1 $0x1;
	p0 =	seq.s32 s7, s2  }
0x1e: {  	s7 =	smul.u32 @!p0 $0xF7A, s2;
	p2 =	seq.s32 @!p0 s5, $0x0  }
0x1f: {  	s9 =	smul.u32 $0xF7A, s1;
	s8 =	simm.s32 @!p0 $0x1BF5;
	p2 =	por !p2, p0  }
0x20: {  	[sflag:s8] =	ssyncset.s32 @!p0 $0xFFFFF086;
	s6 =	sadd.s32 @!p0 s3, s7;
	s7 =	simm.s32 @!p0 $0x108  }
0x21: {  	s3 =	sadd.s32 s3, s9;
	s6 =	sadd.s32 @!p0 $0x88, s6;
	s7 =	simm.s32 @p2 $0x1082  }
0x22: {  	[simem:s7], [sflag:s8] =	dma.local @!p0 [hbm:s6], $0xF7A  }
0x23: {  	s9 =	sor.u32 $0xD0000000, s2;
	s6 =	simm.s32 $0x108;
	_ =	swait.ge @!p0 [sflag:s8], $0x0  }
0x24: {  	s3 =	sadd.s32 $0x88, s3;
	s6 =	simm.s32 @!p1 $0x1082;
	[sflag:s4] =	ssyncset.s32 $0xFFFFF086  }
0x25: {  	[simem:s6], [sflag:s4] =	dma.local [hbm:s3], $0xF7A  }
0x26: {  	[smem:$0x3F98] =	sst s1;
	(tag) =	ssettag s2;
	_ =	strace s9  }
0x27: {  	s1 =	sld [smem:$0x3FA8]  }
0x28: {  	s2 =	sld [smem:$0x3FA9]  }
0x29: {  	s4 =	sld [smem:$0x3FAB]  }
0x2a: {  	p0 =	seq.s32 s5, $0x0;
	s5 =	sld [smem:$0x3FAC]  }
0x2b: {  	s6 =	sld [smem:$0x3FAD]  }
0x2c: {  	s7 =	sld [smem:$0x3FAE]  }
0x2d: {  	s3 =	simm.s32 $0x108;
	s8 =	sld [smem:$0x3FAF]  }
0x2e: {  	s3 =	simm.s32 @!p0 $0x1082;
	s9 =	sld [smem:$0x3FB0]  }
0x2f: {  	lr =	sadd.s32 s0, s3;
	s0 =	sld [smem:$0x3FA7]  }
0x30: {  	s3 =	sld [smem:$0x3FAA]  }
0x31: {  	[smem:$0x3FB3] =	sst s10  }
0x32: {  	s10 =	sld [smem:$0x3FB1];
	_ =	sdelay $0x3  }
0x33: {  	p0 =	seq.s32 s10, $0x1;
	s10 =	sld [smem:$0x3FB3];
	_ =	sdelay $0x3  }
0x34: {  	[smem:$0x3FB3] =	sst s10  }
0x35: {  	s10 =	sld [smem:$0x3FB2];
	_ =	sdelay $0x3  }
0x36: {  	p1 =	seq.s32 s10, $0x1;
	s10 =	sld [smem:$0x3FB3];
	_ =	sdelay $0x3  }
0x37: {  	[smem:$0x3FB3] =	sst s10  }
0x38: {  	s10 =	sld [smem:$0x3FB4]  }
0x39: {  	_ = 	snop;
	(pc) =	sbr.ind lr, $3  }
0x3a: {  	_ = 	snop  }
0x3b: {  	_ = 	snop  }
0x3c: {  	p2 =	seq.s32 s10, $0x1;
	s10 =	sld [smem:$0x3FB3]  }
0x3d: {  	_ =	shalt  }
0x3e: {  	_ =	shalt  }
0x3f: {  	_ =	shalt  }
0x40: {  	_ =	shalt  }
0x41: {  	_ =	shalt  }
0x42: {  	_ =	shalt  }
0x43: {  	_ =	shalt  }
0x44: {  	_ =	shalt  }
0x45: {  	_ =	shalt  }
0x46: {  	_ =	shalt  }
0x47: {  	_ =	shalt  }
0x48: {  	_ =	shalt  }
0x49: {  	_ =	shalt  }
0x4a: {  	_ =	shalt  }
0x4b: {  	_ =	shalt  }
0x4c: {  	_ =	shalt  }
0x4d: {  	_ =	shalt  }
0x4e: {  	_ =	shalt  }
0x4f: {  	_ =	shalt  }
0x50: {  	_ =	shalt  }
0x51: {  	_ =	shalt  }
0x52: {  	_ =	shalt  }
0x53: {  	_ =	shalt  }
0x54: {  	_ =	shalt  }
0x55: {  	_ =	shalt  }
0x56: {  	_ =	shalt  }
0x57: {  	_ =	shalt  }
0x58: {  	_ =	shalt  }
0x59: {  	_ =	shalt  }
0x5a: {  	_ =	shalt  }
0x5b: {  	_ =	shalt  }
0x5c: {  	_ =	shalt  }
0x5d: {  	_ =	shalt  }
0x5e: {  	_ =	shalt  }
0x5f: {  	_ =	shalt  }
0x60: {  	_ =	shalt  }
0x61: {  	_ =	shalt  }
0x62: {  	_ =	shalt  }
0x63: {  	_ =	shalt  }
0x64: {  	_ =	shalt  }
0x65: {  	_ =	shalt  }
0x66: {  	_ =	shalt  }
0x67: {  	_ =	shalt  }
0x68: {  	_ =	shalt  }
0x69: {  	_ =	shalt  }
0x6a: {  	_ =	shalt  }
0x6b: {  	_ =	shalt  }
0x6c: {  	_ =	shalt  }
0x6d: {  	_ =	shalt  }
0x6e: {  	_ =	shalt  }
0x6f: {  	_ =	shalt  }
0x70: {  	_ =	shalt  }
0x71: {  	_ =	shalt  }
0x72: {  	_ =	shalt  }
0x73: {  	_ =	shalt  }
0x74: {  	_ =	shalt  }
0x75: {  	_ =	shalt  }
0x76: {  	_ =	shalt  }
0x77: {  	_ =	shalt  }
0x78: {  	_ =	shalt  }
0x79: {  	_ =	shalt  }
0x7a: {  	_ =	shalt  }
0x7b: {  	_ =	shalt  }
0x7c: {  	_ =	shalt  }
0x7d: {  	_ =	shalt  }
0x7e: {  	_ =	shalt  }
0x7f: {  	_ =	shalt  }
0x80: {  	_ =	shalt  }
0x81: {  	_ =	shalt  }
0x82: {  	_ =	shalt  }
0x83: {  	_ =	shalt  }
0x84: {  	_ =	shalt  }
0x85: {  	_ =	shalt  }
0x86: {  	_ =	shalt  }
0x87: {  	_ =	shalt  }
.Lfunc_end0:
.L_simem_size_0:
called_computation.2_lowered:
.L_overlay_start_0:
0x88: {  	s2 =	sld [smem:$0x3FD9]  }
0x89: {  	s3 =	sld [smem:$0x3FFE];
	_ =	sdelay $0x1  }
0x8a: {  	s1 =	srdreg.scid  }
0x8b: {  	s0 =	sand.u32 $0x1, s1  }
0x8c: {  	s16 =	sshll.u32 s0, $0xA;
	s2 =	sadd.s32 s3, s2  }
0x8d: {  	s2 =	sadd.s32 s2, s16  }
0x8e: {  	[smem:$0x3FBF] =	sst s2  }
0x8f: {  	_ = 	snop  }
0x90: {  	(tm) =	ssettm $0x1  }
0x91: {  	s17 =	sld [smem:$0x3FFB];
	_ =	sdelay $0x3  }
0x92: {  	_ =	strace s17  }
0x93: {  	s2 =	sld [smem:$0x3FFC];
	_ =	sdelay $0x3  }
0x94: {  	_ =	strace s2  }
0x95: {  	s2 =	sld [smem:$0x3FFD];
	_ =	sdelay $0x3  }
0x96: {  	_ =	strace s2  }
0x97: {  	_ =	strace $0x8FFFFFFF  }
0x98: {  	s18 =	sld [smem:$0x3FDB];
	_ =	sdelay $0x1  }
0x99: {  	s19 =	simm.s32 $_scs_section_size  }
0x9a: {  	s4 =	simm.s32 $_size__tile_overlayer_lowered;
	s5 =	simm.s32 $_tile_overlayer_lowered  }
0x9b: {  	s22 =	simm.s32 $0x1BFF;
	s21 =	sshll.u32 s5, $0x1;
	s2 =	sadd.s32 s19, s18  }
0x9c: {  	s6 =	simm.s32 $0x0;
	s20 =	sshll.u32 s4, $0x1;
	s4 =	sadd.s32 s21, s2  }
0x9d: {  	[timem:s6], [sflag:s22] =	dma.local [hbm:s4], s20  }
0x9e: {  	_ =	swait.ge [sflag:s22], s20  }
0x9f: {  	s3 =	ssub.s32 $0x0, s20;
	[sflag:s22] =	ssyncset.done $0x0  }
0xa0: {  	[sflag:s22] =	ssyncadd.s32 s3;
	_ =	sdelay $0x1  }
0xa1: {  	s23 =	simm.s32 $0x1B8B  }
0xa2: {  	_ =	swait.ge [sflag:s23], $0x1  }
0xa3: {  	[sflag:s23] =	ssyncset.done $0x0  }
0xa4: {  	s25 =	simm.s32 $0x1B8E;
	s24 =	sld [smem:$0x3FFE];
	[sflag:s23] =	ssyncadd.s32 $0xFFFFFFFF  }
0xa5: {  	s26 =	simm.s32 $execute0_lowered;
	[smem:$0x3FD2] =	sst s25  }
0xa6: {  	s4 =	sshll.u32 s26, $0x1;
	_ =	strace $0x8000004C;
	[dreg:$0x1] =	wrdreg $0xFFFFFFFF  }
0xa7: {  	s28 =	simm.s32 $_size_execute0_lowered;
	s2 =	sadd.s32 s2, s4;
	[dreg:$0x0] =	wrdreg $0x0  }
0xa8: {  	s4 =	sshll.u32 s28, $0x1;
	[dreg:$0x2] =	wrdreg s2  }
0xa9: {  	[dreg:$0x3] =	wrdreg s4  }
0xaa: {  	[dreg:$0x4] =	wrdreg $0xC0  }
0xab: {  	_ =	task [dreg:s6], $0x5FFFF  }
0xac: {  	[dreg:$0x1] =	wrdreg $0xFFFFFFFF  }
0xad: {  	[dreg:$0x0] =	wrdreg $0x60  }
0xae: {  	[dreg:$0x2] =	wrdreg s24  }
0xaf: {  	[dreg:$0x3] =	wrdreg $0x48000  }
0xb0: {  	[dreg:$0x4] =	wrdreg $0x9  }
0xb1: {  	_ =	task.clear_ibuf [dreg:s6], $0x5FFFF;
	_ =	strace $0x9000004C  }
0xb2: {  	s29 =	simm.s32 $0x9;
	_ =	strace $0x8000004E  }
0xb3: {  	_ =	swait.ge [sflag:s29], $0x1  }
0xb4: {  	[sflag:s29] =	ssyncadd.s32 $0xFFFFFFFF  }
0xb5: {  	_ =	strace $0x9000004E  }
0xb6: {  	_ =	sfence  }
0xb7: {  	s30 =	sld [smem:$0x0];
	_ =	sdelay $0x2  }
0xb8: {  	s31 =	sshll.u32 s1, $0xD;
	s1 =	sshrl.u32 s1, $0x2  }
0xb9: {  	s3 =	sand.u32 $0x4000, s31;
	s1 =	sadd.s32 s1, s30  }
0xba: {  	s0 =	sor.u32 s3, s0;
	s1 =	sshll.u32 s1, $0x11  }
0xbb: {  	s0 =	sor.u32 s1, s0  }
0xbc: {  	s0 =	sadd.s32 $0x8F2B, s0  }
0xbd: {  	[sflag:s0] =	ssyncadd.remote.s32 $0x1  }
0xbe: {  	_ =	sfence.sel $0xFFFF  }
0xbf: {  	[dreg:$0x0] =	wrdreg $0xFFFFFFFF;
	(pc) =	sbr.abs _section_cstart, $3  }
0xc0: {  	[dreg:$0x1] =	wrdreg $0xFFFFFFFF  }
0xc1: {  	_ =	task.clear_ibuf [dreg:s6], $0x2FFFF;
	_ =	strace $0x9FFFFFFF  }
0xc2: {  	(tm) =	ssettm $0x7FFFFFFF  }
0xc3: {  	_ =	shalt  }
tec
execute0_lowered:
.L_overlay_start_1:
0x0: {  	(tag) =	ssettag $0x1  }
0x1: {  	s0 =	rddreg [dreg:$0x0]  }
0x2: {  	s2 =	rddreg [dreg:$0x1]  }
0x3: {  	s1 =	srdreg.scid;
	s11 =	stileid.u32;
	s3 =	simm.s32 $0x0  }
0x4: {  	s29 =	simm.s32 $0x4;
	s31 =	simm.s32 $0x9;
	s5 =	smul.u32 $0x3100, s11  }
0x5: {  	s1 =	sand.u32 $0x1, s1;
	[smem:$0x7FF] =	sst s3;
	s7 =	smul.u32 $0x31000, s11  }
0x6: {  	s4 =	sadd.s32 $0xCA400, s0;
	s8 =	sadd.s32 $0x3200, s0;
	s13 =	smul.u32 $0x62000, s11  }
0x7: {  	s10 =	sadd.s32 $0x65200, s0;
	s12 =	sadd.s32 $0xC7200, s0;
	s6 =	smul.u32 $0x31000, s1  }
0x8: {  	_ =	strace $0x8000004D;
	s9 =	smul.u32 $0x18800, s1;
	s1 =	ssub.s32 $0x2, s1  }
0x9: {  	[dreg:$0x13] =	wrdreg s12;
	s14 =	sshrl.u32 s1, $0x1;
	s15 =	sshrl.u32 s13, $0x2  }
0xa: {  	s5 =	sadd.s32 s5, s6;
	s7 =	sadd.s32 s9, s7;
	s1 =	ssub.s32 s1, s14  }
0xb: {  	s6 =	simm.s32 $0x0;
	s0 =	sadd.s32 s5, s0;
	s9 =	sor.u32 $0x380, s7  }
0xc: {  	s5 =	sadd.s32 s15, s2;
	s18 =	sor.u32 $0x300, s7;
	s22 =	sor.u32 $0x280, s7  }
0xd: {  	s26 =	sor.u32 $0x200, s7;
	s12 =	sor.u32 $0x180, s7;
	s1 =	smax.u32 s1, $0x1  }
0xe: {  	s16 =	sshrl.u32 s9, $0x3;
	[dreg:$0x14] =	wrdreg s5;
	s20 =	sshrl.u32 s18, $0x3  }
0xf: {  	s24 =	sshrl.u32 s22, $0x3;
	s0 =	sadd.s32 $0xFB400, s0;
	[dreg:$0x17] =	wrdreg s1  }
0x10: {  	s30 =	sshrl.u32 s26, $0x3;
	s17 =	sadd.s32 s16, s10;
	[dreg:$0x16] =	wrdreg s0  }
0x11: {  	s14 =	sshrl.u32 s12, $0x3;
	s19 =	sadd.s32 s16, s8;
	[dreg:$0x3] =	wrdreg s17  }
0x12: {  	s26 =	sshrl.u32 s7, $0x3;
	s21 =	sadd.s32 s20, s10;
	[dreg:$0x4] =	wrdreg s19  }
0x13: {  	s1 =	simm.s32 $0x19;
	s23 =	sadd.s32 s20, s8;
	[dreg:$0x5] =	wrdreg s21  }
0x14: {  	s12 =	simm.s32 $0x80;
	s25 =	sadd.s32 s24, s10;
	[dreg:$0x6] =	wrdreg s23  }
0x15: {  	s5 =	simm.s32 $0x5;
	s28 =	sadd.s32 s24, s8;
	[dreg:$0x7] =	wrdreg s25  }
0x16: {  	s9 =	sadd.s32 s30, s10;
	s13 =	sadd.s32 s30, s8;
	[dreg:$0x8] =	wrdreg s28  }
0x17: {  	s15 =	sadd.s32 s14, s10;
	s16 =	sor.u32 $0x100, s7;
	[dreg:$0x9] =	wrdreg s9  }
0x18: {  	s20 =	sor.u32 $0x80, s7;
	s30 =	sadd.s32 s26, s8;
	[dreg:$0xa] =	wrdreg s13  }
0x19: {  	[dreg:$0xb] =	wrdreg s15;
	s17 =	sadd.s32 s14, s8;
	s18 =	sshrl.u32 s16, $0x3  }
0x1a: {  	s22 =	sshrl.u32 s20, $0x3;
	s23 =	sshll.u32 s11, $0x6;
	s28 =	sadd.s32 s26, s10  }
0x1b: {  	[dreg:$0x12] =	wrdreg s30;
	s14 =	simm.s32 $0x500;
	s16 =	simm.s32 $0x1  }
0x1c: {  	s20 =	simm.s32 $0x2;
	[dreg:$0xc] =	wrdreg s17;
	s19 =	sadd.s32 s18, s10  }
0x1d: {  	s21 =	sadd.s32 s18, s8;
	s24 =	sadd.s32 s22, s10;
	[dreg:$0x11] =	wrdreg s28  }
0x1e: {  	s25 =	sadd.s32 s22, s8;
	s7 =	sor.u32 $0x1C19, s23;
	[dreg:$0xd] =	wrdreg s19  }
0x1f: {  	s22 =	simm.s32 $0x700;
	s8 =	simm.s32 $0xA;
	[dreg:$0xe] =	wrdreg s21  }
0x20: {  	s10 =	simm.s32 $0x6;
	s18 =	simm.s32 $0x3000;
	[dreg:$0xf] =	wrdreg s24  }
0x21: {  	s23 =	simm.s32 $0xB;
	[dreg:$0x10] =	wrdreg s25;
	s24 =	simm.s32 $0x3  }
0x22: {  	s21 =	simm.s32 $0x1800;
	s25 =	simm.s32 $0x780;
	[dreg:$0x15] =	wrdreg s7  }
.LBB2_1:
0x23: {  	[dreg:$0x18] =	wrdreg s6  }
0x24: {  	s0 =	rddreg [dreg:$0x14]  }
0x25: {  	s11 =	rddreg [dreg:$0x13];
	s9 =	sshrl.u32 s0, $0x3  }
0x26: {  	[dreg:$0x19] =	wrdreg s9  }
0x27: {  	[spmem:s9], [sflag:s7] =	dma.local [hbm:s11], $0x3100  }
0x28: {  	_ =	swait.ge [sflag:s1], $0x3100  }
0x29: {  	[sflag:s1] =	ssyncset.done $0x0  }
0x2a: {  	p0 =	por $0x1, $0x1;
	[sflag:s1] =	ssyncadd.s32 $0xFFFFCF00  }
0x2b: {  	s0 =	simm.s32 @!p0 $0x11;
	[bflag:$0x0] =	sbarrier.arrive $0xFFFF  }
0x2c: {  	_ =	swait.ge @!p0 [sflag:s0], $0x800  }
0x2d: {  	s13 =	rddreg [dreg:$0x12];
	[sflag:s0] =	ssyncset.done @!p0 $0x0  }
0x2e: {  	s15 =	rddreg [dreg:$0x11];
	[sflag:s0] =	ssyncadd.s32 @!p0 $0xFFFFF800;
	s17 =	sadd.s32 $0x0, s13  }
0x2f: {  	[tilespmem:s3], [sflag:$0x1] =	stream.linear.gather [hbm4b:s17+s3], $0x80, $0x38;
	[tilespmem:$0x1D000] =	vst v63  }
0x30: {  	s6 =	simm.s32 @!p0 $0x7;
	s7 =	simm.s32 $0x400;
	s19 =	sadd.s32 $0x0, s15  }
0x31: {  	[tilespmem:s7], [sflag:$0x1] =	stream.linear.gather [hbm4b:s19+s3], $0x80, $0x38;
	[tilespmem:$0x1D000] =	vst v63  }
0x32: {  	_ =	swait.ge @!p0 [sflag:s6], $0x80  }
0x33: {  	[sflag:s6] =	ssyncset.done @!p0 $0x0  }
0x34: {  	[sflag:s6] =	ssyncadd.s32 @!p0 $0xFFFFFF80  }
0x35: {  	_ =	swait.ge @!p0 [sflag:s6], $0x80  }
0x36: {  	s9 =	simm.s32 @!p0 $0xC;
	s1 =	simm.s32 @!p0 $0x3800;
	[sflag:s6] =	ssyncset.done @!p0 $0x0  }
0x37: {  	s0 =	simm.s32 @!p0 $0x80;
	[sflag:s6] =	ssyncadd.s32 @!p0 $0xFFFFFF80;
	s6 =	simm.s32 @!p0 $0x300  }
0x38: {  	[tilespmem:s1], [sflag:$0xF] =	stream.indirect.gather @!p0 [hbm4b:s4+s0], $0x10, s6, s0, $0xb8;
	[tilespmem:$0x1D000] =	vst v63  }
0x39: {  	_ =	swait.ge @!p0 [sflag:s9], $0x800  }
0x3a: {  	s28 =	simm.s32 @!p0 $0x2000;
	[sflag:s9] =	ssyncset.done @!p0 $0x0  }
0x3b: {  	s6 =	simm.s32 @!p0 $0x12;
	[sflag:s9] =	ssyncadd.s32 @!p0 $0xFFFFF800;
	s9 =	simm.s32 @!p0 $0x580  }
0x3c: {  	[spmem:s2] =	stream.indirect.scatter.add.f32 @!p0 [tilespmem:s28], [sflag:$0x14], $0x10, s9, s0, $0xb8;
	[tilespmem:$0x1D000] =	vst v63  }
0x3d: {  	_ =	swait.ge @!p0 [sflag:s6], $0x800  }
0x3e: {  	s26 =	rddreg [dreg:$0x10];
	[sflag:s6] =	ssyncset.done @!p0 $0x0  }
0x3f: {  	s28 =	rddreg [dreg:$0xf];
	[sflag:s6] =	ssyncadd.s32 @!p0 $0xFFFFF800;
	s11 =	sadd.s32 $0x0, s26  }
0x40: {  	[tilespmem:s12], [sflag:$0x2] =	stream.linear.gather [hbm4b:s11+s3], $0x80, $0x38;
	[tilespmem:$0x1D000] =	vst v63  }
0x41: {  	s9 =	simm.s32 @!p0 $0x8;
	s13 =	sadd.s32 $0x0, s28;
	s11 =	simm.s32 $0x480  }
0x42: {  	[tilespmem:s11], [sflag:$0x2] =	stream.linear.gather [hbm4b:s13+s3], $0x80, $0x38;
	[tilespmem:$0x1D000] =	vst v63  }
0x43: {  	_ =	swait.ge @!p0 [sflag:s9], $0x80  }
0x44: {  	[sflag:s9] =	ssyncset.done @!p0 $0x0  }
0x45: {  	[sflag:s9] =	ssyncadd.s32 @!p0 $0xFFFFFF80  }
0x46: {  	_ =	swait.ge @!p0 [sflag:s9], $0x80  }
0x47: {  	s28 =	simm.s32 @!p0 $0xD;
	[sflag:s9] =	ssyncset.done @!p0 $0x0  }
0x48: {  	s6 =	simm.s32 @!p0 $0x4000;
	[sflag:s9] =	ssyncadd.s32 @!p0 $0xFFFFFF80;
	s9 =	simm.s32 @!p0 $0x380  }
0x49: {  	[tilespmem:s6], [sflag:$0x10] =	stream.indirect.gather @!p0 [hbm4b:s4+s0], $0x10, s9, s0, $0xb8;
	[tilespmem:$0x1D000] =	vst v63  }
0x4a: {  	_ =	swait.ge @!p0 [sflag:s28], $0x800  }
0x4b: {  	s30 =	simm.s32 @!p0 $0x2800;
	[sflag:s28] =	ssyncset.done @!p0 $0x0  }
0x4c: {  	s9 =	simm.s32 @!p0 $0x13;
	[sflag:s28] =	ssyncadd.s32 @!p0 $0xFFFFF800;
	s28 =	simm.s32 @!p0 $0x600  }
0x4d: {  	[spmem:s2] =	stream.indirect.scatter.add.f32 @!p0 [tilespmem:s30], [sflag:$0x15], $0x10, s28, s0, $0xb8;
	[tilespmem:$0x1D000] =	vst v63  }
0x4e: {  	_ =	swait.ge @!p0 [sflag:s9], $0x800  }
0x4f: {  	s13 =	simm.s32 $0x100;
	s28 =	rddreg [dreg:$0xe];
	[sflag:s9] =	ssyncset.done @!p0 $0x0  }
0x50: {  	s30 =	rddreg [dreg:$0xd];
	[sflag:s9] =	ssyncadd.s32 @!p0 $0xFFFFF800;
	s15 =	sadd.s32 $0x0, s28  }
0x51: {  	[tilespmem:s13], [sflag:$0x3] =	stream.linear.gather [hbm4b:s15+s3], $0x80, $0x38;
	[tilespmem:$0x1D000] =	vst v63  }
0x52: {  	s17 =	sadd.s32 $0x0, s30  }
0x53: {  	[tilespmem:s14], [sflag:$0x3] =	stream.linear.gather [hbm4b:s17+s3], $0x80, $0x38;
	[tilespmem:$0x1D000] =	vst v63  }
0x54: {  	_ =	swait.ge [sflag:s16], $0x80  }
0x55: {  	[sflag:s16] =	ssyncset.done $0x0  }
0x56: {  	[sflag:s16] =	ssyncadd.s32 $0xFFFFFF80  }
0x57: {  	_ =	swait.ge [sflag:s16], $0x80  }
0x58: {  	[sflag:s16] =	ssyncset.done $0x0  }
0x59: {  	s9 =	simm.s32 @!p0 $0xE;
	s14 =	simm.s32 $0x800;
	[sflag:s16] =	ssyncadd.s32 $0xFFFFFF80  }
0x5a: {  	[tilespmem:s14], [sflag:$0x9] =	stream.indirect.gather [hbm4b:s4+s12], $0x10, s3, s12, $0xb8;
	[tilespmem:$0x1D000] =	vst v63  }
0x5b: {  	_ =	swait.ge @!p0 [sflag:s9], $0x800  }
0x5c: {  	s28 =	simm.s32 @!p0 $0x14;
	[sflag:s9] =	ssyncset.done @!p0 $0x0  }
0x5d: {  	s30 =	simm.s32 @!p0 $0x3000;
	[sflag:s9] =	ssyncadd.s32 @!p0 $0xFFFFF800;
	s9 =	simm.s32 @!p0 $0x680  }
0x5e: {  	[spmem:s2] =	stream.indirect.scatter.add.f32 @!p0 [tilespmem:s30], [sflag:$0x16], $0x10, s9, s0, $0xb8;
	[tilespmem:$0x1D000] =	vst v63  }
0x5f: {  	_ =	swait.ge @!p0 [sflag:s28], $0x800  }
0x60: {  	s15 =	simm.s32 $0x180;
	s19 =	rddreg [dreg:$0xc];
	[sflag:s28] =	ssyncset.done @!p0 $0x0  }
0x61: {  	s30 =	rddreg [dreg:$0xb];
	[sflag:s28] =	ssyncadd.s32 @!p0 $0xFFFFF800;
	s9 =	sadd.s32 $0x0, s19  }
0x62: {  	[tilespmem:s15], [sflag:$0x4] =	stream.linear.gather [hbm4b:s9+s3], $0x80, $0x38;
	[tilespmem:$0x1D000] =	vst v63  }
0x63: {  	s17 =	simm.s32 $0x580;
	s26 =	sadd.s32 $0x0, s30  }
0x64: {  	[tilespmem:s17], [sflag:$0x4] =	stream.linear.gather [hbm4b:s26+s3], $0x80, $0x38;
	[tilespmem:$0x1D000] =	vst v63  }
0x65: {  	_ =	swait.ge [sflag:s20], $0x80  }
0x66: {  	[sflag:s20] =	ssyncset.done $0x0  }
0x67: {  	[sflag:s20] =	ssyncadd.s32 $0xFFFFFF80  }
0x68: {  	_ =	swait.ge [sflag:s20], $0x80  }
0x69: {  	[sflag:s20] =	ssyncset.done $0x0  }
0x6a: {  	s9 =	simm.s32 @!p0 $0xF;
	s17 =	simm.s32 $0x1000;
	[sflag:s20] =	ssyncadd.s32 $0xFFFFFF80  }
0x6b: {  	[tilespmem:s17], [sflag:$0xA] =	stream.indirect.gather [hbm4b:s4+s12], $0x10, s12, s12, $0xb8;
	[tilespmem:$0x1D000] =	vst v63  }
0x6c: {  	_ =	swait.ge @!p0 [sflag:s9], $0x800  }
0x6d: {  	[sflag:s9] =	ssyncset.done @!p0 $0x0  }
0x6e: {  	s28 =	simm.s32 @!p0 $0x15;
	[sflag:s9] =	ssyncadd.s32 @!p0 $0xFFFFF800;
	s9 =	simm.s32 @!p0 $0x700  }
0x6f: {  	[spmem:s2] =	stream.indirect.scatter.add.f32 @!p0 [tilespmem:s1], [sflag:$0x17], $0x10, s9, s0, $0xb8;
	[tilespmem:$0x1D000] =	vst v63  }
0x70: {  	_ =	swait.ge @!p0 [sflag:s28], $0x800  }
0x71: {  	s19 =	rddreg [dreg:$0xa]  }
0x72: {  	[sflag:s28] =	ssyncset.done @!p0 $0x0;
	s26 =	rddreg [dreg:$0x9]  }
0x73: {  	[sflag:s28] =	ssyncadd.s32 @!p0 $0xFFFFF800;
	s1 =	sadd.s32 $0x0, s19;
	s19 =	simm.s32 $0x200  }
0x74: {  	[tilespmem:s19], [sflag:$0x5] =	stream.linear.gather [hbm4b:s1+s3], $0x80, $0x38;
	[tilespmem:$0x1D000] =	vst v63  }
0x75: {  	s9 =	sadd.s32 $0x0, s26;
	s26 =	simm.s32 $0x600  }
0x76: {  	[tilespmem:s26], [sflag:$0x5] =	stream.linear.gather [hbm4b:s9+s3], $0x80, $0x38;
	[tilespmem:$0x1D000] =	vst v63  }
0x77: {  	_ =	swait.ge [sflag:s24], $0x80  }
0x78: {  	[sflag:s24] =	ssyncset.done $0x0  }
0x79: {  	[sflag:s24] =	ssyncadd.s32 $0xFFFFFF80  }
0x7a: {  	_ =	swait.ge [sflag:s24], $0x80  }
0x7b: {  	[sflag:s24] =	ssyncset.done $0x0  }
0x7c: {  	s1 =	simm.s32 @!p0 $0x10;
	[sflag:s24] =	ssyncadd.s32 $0xFFFFFF80  }
0x7d: {  	[tilespmem:s21], [sflag:$0xB] =	stream.indirect.gather [hbm4b:s4+s12], $0x10, s13, s12, $0xb8;
	[tilespmem:$0x1D000] =	vst v63  }
0x7e: {  	_ =	swait.ge @!p0 [sflag:s1], $0x800  }
0x7f: {  	[sflag:s1] =	ssyncset.done @!p0 $0x0  }
0x80: {  	[sflag:s1] =	ssyncadd.s32 @!p0 $0xFFFFF800;
	s1 =	simm.s32 @!p0 $0x780  }
0x81: {  	[spmem:s2] =	stream.indirect.scatter.add.f32 @!p0 [tilespmem:s6], [sflag:$0x18], $0x10, s1, s0, $0xb8;
	[tilespmem:$0x1D000] =	vst v63  }
0x82: {  	s0 =	simm.s32 @!p0 $0x16  }
0x83: {  	_ =	swait.ge @!p0 [sflag:s0], $0x800  }
0x84: {  	s9 =	simm.s32 $0x280;
	s13 =	rddreg [dreg:$0x8];
	[sflag:s0] =	ssyncset.done @!p0 $0x0  }
0x85: {  	s21 =	rddreg [dreg:$0x7];
	[sflag:s0] =	ssyncadd.s32 @!p0 $0xFFFFF800;
	s26 =	sadd.s32 $0x0, s13  }
0x86: {  	[tilespmem:s9], [sflag:$0x6] =	stream.linear.gather [hbm4b:s26+s3], $0x80, $0x38;
	[tilespmem:$0x1D000] =	vst v63  }
0x87: {  	s6 =	simm.s32 $0x680;
	s1 =	sadd.s32 $0x0, s21  }
0x88: {  	[tilespmem:s6], [sflag:$0x6] =	stream.linear.gather [hbm4b:s1+s3], $0x80, $0x38;
	[tilespmem:$0x1D000] =	vst v63  }
0x89: {  	_ =	swait.ge [sflag:s29], $0x80  }
0x8a: {  	[sflag:s29] =	ssyncset.done $0x0  }
0x8b: {  	[sflag:s29] =	ssyncadd.s32 $0xFFFFFF80  }
0x8c: {  	_ =	swait.ge [sflag:s29], $0x80  }
0x8d: {  	[sflag:s29] =	ssyncset.done $0x0  }
0x8e: {  	s13 =	simm.s32 $0x2000;
	[sflag:s29] =	ssyncadd.s32 $0xFFFFFF80  }
0x8f: {  	[tilespmem:s13], [sflag:$0xC] =	stream.indirect.gather [hbm4b:s4+s12], $0x10, s15, s12, $0xb8;
	[tilespmem:$0x1D000] =	vst v63  }
0x90: {  	_ =	swait.ge [sflag:s31], $0x800  }
0x91: {  	[sflag:s31] =	ssyncset.done $0x0  }
0x92: {  	s0 =	simm.s32 @!p0 $0x17;
	[sflag:s31] =	ssyncadd.s32 $0xFFFFF800  }
0x93: {  	[spmem:s2] =	stream.indirect.scatter.add.f32 [tilespmem:s14], [sflag:$0x11], $0x10, s7, s12, $0xb8;
	[tilespmem:$0x1D000] =	vst v63  }
0x94: {  	_ =	swait.ge @!p0 [sflag:s0], $0x800  }
0x95: {  	s7 =	simm.s32 $0x300;
	s21 =	rddreg [dreg:$0x6];
	[sflag:s0] =	ssyncset.done @!p0 $0x0  }
0x96: {  	s26 =	rddreg [dreg:$0x5];
	[sflag:s0] =	ssyncadd.s32 @!p0 $0xFFFFF800;
	s1 =	sadd.s32 $0x0, s21  }
0x97: {  	[tilespmem:s7], [sflag:$0x7] =	stream.linear.gather [hbm4b:s1+s3], $0x80, $0x38;
	[tilespmem:$0x1D000] =	vst v63  }
0x98: {  	s13 =	sadd.s32 $0x0, s26  }
0x99: {  	[tilespmem:s22], [sflag:$0x7] =	stream.linear.gather [hbm4b:s13+s3], $0x80, $0x38;
	[tilespmem:$0x1D000] =	vst v63  }
0x9a: {  	_ =	swait.ge [sflag:s5], $0x80  }
0x9b: {  	[sflag:s5] =	ssyncset.done $0x0  }
0x9c: {  	[sflag:s5] =	ssyncadd.s32 $0xFFFFFF80  }
0x9d: {  	_ =	swait.ge [sflag:s5], $0x80  }
0x9e: {  	[sflag:s5] =	ssyncset.done $0x0  }
0x9f: {  	s14 =	simm.s32 $0x2800;
	[sflag:s5] =	ssyncadd.s32 $0xFFFFFF80  }
0xa0: {  	[tilespmem:s14], [sflag:$0xD] =	stream.indirect.gather [hbm4b:s4+s12], $0x10, s19, s12, $0xb8;
	[tilespmem:$0x1D000] =	vst v63  }
0xa1: {  	_ =	swait.ge [sflag:s8], $0x800  }
0xa2: {  	[sflag:s8] =	ssyncset.done $0x0  }
0xa3: {  	s0 =	simm.s32 @!p0 $0x18;
	[sflag:s8] =	ssyncadd.s32 $0xFFFFF800  }
0xa4: {  	[spmem:s2] =	stream.indirect.scatter.add.f32 [tilespmem:s17], [sflag:$0x12], $0x10, s11, s12, $0xb8;
	[tilespmem:$0x1D000] =	vst v63  }
0xa5: {  	_ =	swait.ge @!p0 [sflag:s0], $0x800  }
0xa6: {  	s21 =	simm.s32 $0x380;
	s15 =	rddreg [dreg:$0x4];
	[sflag:s0] =	ssyncset.done @!p0 $0x0  }
0xa7: {  	s17 =	rddreg [dreg:$0x3];
	[sflag:s0] =	ssyncadd.s32 @!p0 $0xFFFFF800;
	s19 =	sadd.s32 $0x0, s15  }
0xa8: {  	[tilespmem:s21], [sflag:$0x8] =	stream.linear.gather [hbm4b:s19+s3], $0x80, $0x38;
	[tilespmem:$0x1D000] =	vst v63  }
0xa9: {  	s26 =	sadd.s32 $0x0, s17  }
0xaa: {  	[tilespmem:s25], [sflag:$0x8] =	stream.linear.gather [hbm4b:s26+s3], $0x80, $0x38;
	[tilespmem:$0x1D000] =	vst v63  }
0xab: {  	_ =	swait.ge [sflag:s10], $0x80  }
0xac: {  	[sflag:s10] =	ssyncset.done $0x0  }
0xad: {  	[sflag:s10] =	ssyncadd.s32 $0xFFFFFF80  }
0xae: {  	_ =	swait.ge [sflag:s10], $0x80  }
0xaf: {  	[sflag:s10] =	ssyncset.done $0x0  }
0xb0: {  	[sflag:s10] =	ssyncadd.s32 $0xFFFFFF80  }
0xb1: {  	[tilespmem:s18], [sflag:$0xE] =	stream.indirect.gather [hbm4b:s4+s12], $0x10, s9, s12, $0xb8;
	[tilespmem:$0x1D000] =	vst v63  }
0xb2: {  	s30 =	simm.s32 $0x100;
	_ =	swait.ge [sflag:s23], $0x800  }
0xb3: {  	s28 =	simm.s32 $0x80;
	p0 =	por $0x0, $0x0;
	[sflag:s23] =	ssyncset.done $0x0  }
.LBB2_2:
0xb4: {  	s1 =	simm.s32 @!p0 $0x11  }
0xb5: {  	[sflag:s23] =	ssyncadd.s32 $0xFFFFF800;
	s17 =	simm.s32 $0x500;
	s26 =	simm.s32 $0x1800  }
0xb6: {  	[spmem:s2] =	stream.indirect.scatter.add.f32 [tilespmem:s26], [sflag:$0x13], $0x10, s17, s12, $0xb8;
	[tilespmem:$0x1D000] =	vst v63  }
0xb7: {  	_ =	swait.ge @!p0 [sflag:s1], $0x800  }
0xb8: {  	[sflag:s1] =	ssyncset.done @!p0 $0x0;
	s6 =	rddreg [dreg:$0x12]  }
0xb9: {  	s15 =	rddreg [dreg:$0x11];
	[sflag:s1] =	ssyncadd.s32 @!p0 $0xFFFFF800;
	s6 =	sadd.s32 s28, s6  }
0xba: {  	[tilespmem:s3], [sflag:$0x1] =	stream.linear.gather [hbm4b:s6+s3], $0x80, $0x38;
	[tilespmem:$0x1D000] =	vst v63  }
0xbb: {  	s9 =	simm.s32 @!p0 $0x7;
	s13 =	simm.s32 $0x400;
	s1 =	sadd.s32 s28, s15  }
0xbc: {  	[tilespmem:s13], [sflag:$0x1] =	stream.linear.gather [hbm4b:s1+s3], $0x80, $0x38;
	[tilespmem:$0x1D000] =	vst v63  }
0xbd: {  	_ =	swait.ge @!p0 [sflag:s9], $0x80  }
0xbe: {  	[sflag:s9] =	ssyncset.done @!p0 $0x0  }
0xbf: {  	[sflag:s9] =	ssyncadd.s32 @!p0 $0xFFFFFF80  }
0xc0: {  	_ =	swait.ge @!p0 [sflag:s9], $0x80  }
0xc1: {  	s7 =	simm.s32 @!p0 $0xC;
	s6 =	simm.s32 @!p0 $0x3800;
	[sflag:s9] =	ssyncset.done @!p0 $0x0  }
0xc2: {  	s1 =	simm.s32 @!p0 $0x80;
	[sflag:s9] =	ssyncadd.s32 @!p0 $0xFFFFFF80;
	s9 =	simm.s32 @!p0 $0x300  }
0xc3: {  	[tilespmem:s6], [sflag:$0xF] =	stream.indirect.gather @!p0 [hbm4b:s4+s1], $0x10, s9, s1, $0xb8;
	[tilespmem:$0x1D000] =	vst v63  }
0xc4: {  	_ =	swait.ge @!p0 [sflag:s7], $0x800  }
0xc5: {  	s19 =	simm.s32 @!p0 $0x2000;
	[sflag:s7] =	ssyncset.done @!p0 $0x0  }
0xc6: {  	s9 =	simm.s32 @!p0 $0x12;
	[sflag:s7] =	ssyncadd.s32 @!p0 $0xFFFFF800;
	s7 =	simm.s32 @!p0 $0x580  }
0xc7: {  	[spmem:s2] =	stream.indirect.scatter.add.f32 @!p0 [tilespmem:s19], [sflag:$0x14], $0x10, s7, s1, $0xb8;
	[tilespmem:$0x1D000] =	vst v63  }
0xc8: {  	_ =	swait.ge @!p0 [sflag:s9], $0x800  }
0xc9: {  	s19 =	rddreg [dreg:$0x10];
	[sflag:s9] =	ssyncset.done @!p0 $0x0  }
0xca: {  	s21 =	rddreg [dreg:$0xf];
	[sflag:s9] =	ssyncadd.s32 @!p0 $0xFFFFF800;
	s7 =	sadd.s32 s28, s19  }
0xcb: {  	[tilespmem:s12], [sflag:$0x2] =	stream.linear.gather [hbm4b:s7+s3], $0x80, $0x38;
	[tilespmem:$0x1D000] =	vst v63  }
0xcc: {  	s14 =	simm.s32 $0x480;
	s11 =	sadd.s32 s28, s21;
	s9 =	simm.s32 @!p0 $0x8  }
0xcd: {  	[tilespmem:s14], [sflag:$0x2] =	stream.linear.gather [hbm4b:s11+s3], $0x80, $0x38;
	[tilespmem:$0x1D000] =	vst v63  }
0xce: {  	_ =	swait.ge @!p0 [sflag:s9], $0x80  }
0xcf: {  	[sflag:s9] =	ssyncset.done @!p0 $0x0  }
0xd0: {  	[sflag:s9] =	ssyncadd.s32 @!p0 $0xFFFFFF80  }
0xd1: {  	_ =	swait.ge @!p0 [sflag:s9], $0x80  }
0xd2: {  	s19 =	simm.s32 @!p0 $0x380;
	[sflag:s9] =	ssyncset.done @!p0 $0x0  }
0xd3: {  	s7 =	simm.s32 @!p0 $0xD;
	[sflag:s9] =	ssyncadd.s32 @!p0 $0xFFFFFF80;
	s9 =	simm.s32 @!p0 $0x4000  }
0xd4: {  	[tilespmem:s9], [sflag:$0x10] =	stream.indirect.gather @!p0 [hbm4b:s4+s1], $0x10, s19, s1, $0xb8;
	[tilespmem:$0x1D000] =	vst v63  }
0xd5: {  	_ =	swait.ge @!p0 [sflag:s7], $0x800  }
0xd6: {  	s11 =	simm.s32 @!p0 $0x2800;
	[sflag:s7] =	ssyncset.done @!p0 $0x0  }
0xd7: {  	s19 =	simm.s32 @!p0 $0x13;
	[sflag:s7] =	ssyncadd.s32 @!p0 $0xFFFFF800;
	s7 =	simm.s32 @!p0 $0x600  }
0xd8: {  	[spmem:s2] =	stream.indirect.scatter.add.f32 @!p0 [tilespmem:s11], [sflag:$0x15], $0x10, s7, s1, $0xb8;
	[tilespmem:$0x1D000] =	vst v63  }
0xd9: {  	_ =	swait.ge @!p0 [sflag:s19], $0x800  }
0xda: {  	s15 =	rddreg [dreg:$0xe]  }
0xdb: {  	[sflag:s19] =	ssyncset.done @!p0 $0x0;
	s21 =	rddreg [dreg:$0xd]  }
0xdc: {  	[sflag:s19] =	ssyncadd.s32 @!p0 $0xFFFFF800;
	s7 =	sadd.s32 s28, s15;
	s15 =	simm.s32 $0x100  }
0xdd: {  	[tilespmem:s15], [sflag:$0x3] =	stream.linear.gather [hbm4b:s7+s3], $0x80, $0x38;
	[tilespmem:$0x1D000] =	vst v63  }
0xde: {  	s19 =	sadd.s32 s28, s21  }
0xdf: {  	[tilespmem:s17], [sflag:$0x3] =	stream.linear.gather [hbm4b:s19+s3], $0x80, $0x38;
	[tilespmem:$0x1D000] =	vst v63  }
0xe0: {  	_ =	swait.ge [sflag:s16], $0x80  }
0xe1: {  	[sflag:s16] =	ssyncset.done $0x0  }
0xe2: {  	[sflag:s16] =	ssyncadd.s32 $0xFFFFFF80  }
0xe3: {  	_ =	swait.ge [sflag:s16], $0x80  }
0xe4: {  	[sflag:s16] =	ssyncset.done $0x0  }
0xe5: {  	s7 =	simm.s32 @!p0 $0xE;
	s17 =	simm.s32 $0x800;
	[sflag:s16] =	ssyncadd.s32 $0xFFFFFF80  }
0xe6: {  	[tilespmem:s17], [sflag:$0x9] =	stream.indirect.gather [hbm4b:s4+s12], $0x10, s3, s12, $0xb8;
	[tilespmem:$0x1D000] =	vst v63  }
0xe7: {  	_ =	swait.ge @!p0 [sflag:s7], $0x800  }
0xe8: {  	s11 =	simm.s32 @!p0 $0x14;
	[sflag:s7] =	ssyncset.done @!p0 $0x0  }
0xe9: {  	s19 =	simm.s32 @!p0 $0x3000;
	[sflag:s7] =	ssyncadd.s32 @!p0 $0xFFFFF800;
	s7 =	simm.s32 @!p0 $0x680  }
0xea: {  	[spmem:s2] =	stream.indirect.scatter.add.f32 @!p0 [tilespmem:s19], [sflag:$0x16], $0x10, s7, s1, $0xb8;
	[tilespmem:$0x1D000] =	vst v63  }
0xeb: {  	_ =	swait.ge @!p0 [sflag:s11], $0x800  }
0xec: {  	s21 =	rddreg [dreg:$0xc]  }
0xed: {  	[sflag:s11] =	ssyncset.done @!p0 $0x0;
	s19 =	rddreg [dreg:$0xb]  }
0xee: {  	[sflag:s11] =	ssyncadd.s32 @!p0 $0xFFFFF800;
	s7 =	sadd.s32 s28, s21;
	s21 =	simm.s32 $0x180  }
0xef: {  	[tilespmem:s21], [sflag:$0x4] =	stream.linear.gather [hbm4b:s7+s3], $0x80, $0x38;
	[tilespmem:$0x1D000] =	vst v63  }
0xf0: {  	s11 =	sadd.s32 s28, s19;
	s19 =	simm.s32 $0x580  }
0xf1: {  	[tilespmem:s19], [sflag:$0x4] =	stream.linear.gather [hbm4b:s11+s3], $0x80, $0x38;
	[tilespmem:$0x1D000] =	vst v63  }
0xf2: {  	_ =	swait.ge [sflag:s20], $0x80  }
0xf3: {  	[sflag:s20] =	ssyncset.done $0x0  }
0xf4: {  	[sflag:s20] =	ssyncadd.s32 $0xFFFFFF80  }
0xf5: {  	_ =	swait.ge [sflag:s20], $0x80  }
0xf6: {  	[sflag:s20] =	ssyncset.done $0x0  }
0xf7: {  	s7 =	simm.s32 @!p0 $0xF;
	s19 =	simm.s32 $0x1000;
	[sflag:s20] =	ssyncadd.s32 $0xFFFFFF80  }
0xf8: {  	[tilespmem:s19], [sflag:$0xA] =	stream.indirect.gather [hbm4b:s4+s12], $0x10, s12, s12, $0xb8;
	[tilespmem:$0x1D000] =	vst v63  }
0xf9: {  	_ =	swait.ge @!p0 [sflag:s7], $0x800  }
0xfa: {  	[sflag:s7] =	ssyncset.done @!p0 $0x0  }
0xfb: {  	s11 =	simm.s32 @!p0 $0x15;
	[sflag:s7] =	ssyncadd.s32 @!p0 $0xFFFFF800;
	s7 =	simm.s32 @!p0 $0x700  }
0xfc: {  	[spmem:s2] =	stream.indirect.scatter.add.f32 @!p0 [tilespmem:s6], [sflag:$0x17], $0x10, s7, s1, $0xb8;
	[tilespmem:$0x1D000] =	vst v63  }
0xfd: {  	_ =	swait.ge @!p0 [sflag:s11], $0x800  }
0xfe: {  	s6 =	rddreg [dreg:$0xa]  }
0xff: {  	[sflag:s11] =	ssyncset.done @!p0 $0x0;
	s7 =	rddreg [dreg:$0x9]  }
0x100: {  	[sflag:s11] =	ssyncadd.s32 @!p0 $0xFFFFF800;
	s6 =	sadd.s32 s28, s6;
	s11 =	simm.s32 $0x200  }
0x101: {  	[tilespmem:s11], [sflag:$0x5] =	stream.linear.gather [hbm4b:s6+s3], $0x80, $0x38;
	[tilespmem:$0x1D000] =	vst v63  }
0x102: {  	s6 =	sadd.s32 s28, s7;
	s7 =	simm.s32 $0x600  }
0x103: {  	[tilespmem:s7], [sflag:$0x5] =	stream.linear.gather [hbm4b:s6+s3], $0x80, $0x38;
	[tilespmem:$0x1D000] =	vst v63  }
0x104: {  	_ =	swait.ge [sflag:s24], $0x80  }
0x105: {  	[sflag:s24] =	ssyncset.done $0x0  }
0x106: {  	[sflag:s24] =	ssyncadd.s32 $0xFFFFFF80  }
0x107: {  	_ =	swait.ge [sflag:s24], $0x80  }
0x108: {  	[sflag:s24] =	ssyncset.done $0x0  }
0x109: {  	s6 =	simm.s32 @!p0 $0x10;
	[sflag:s24] =	ssyncadd.s32 $0xFFFFFF80  }
0x10a: {  	[tilespmem:s26], [sflag:$0xB] =	stream.indirect.gather [hbm4b:s4+s12], $0x10, s15, s12, $0xb8;
	[tilespmem:$0x1D000] =	vst v63  }
0x10b: {  	_ =	swait.ge @!p0 [sflag:s6], $0x800  }
0x10c: {  	[sflag:s6] =	ssyncset.done @!p0 $0x0  }
0x10d: {  	s7 =	simm.s32 @!p0 $0x16;
	[sflag:s6] =	ssyncadd.s32 @!p0 $0xFFFFF800;
	s6 =	simm.s32 @!p0 $0x780  }
0x10e: {  	[spmem:s2] =	stream.indirect.scatter.add.f32 @!p0 [tilespmem:s9], [sflag:$0x18], $0x10, s6, s1, $0xb8;
	[tilespmem:$0x1D000] =	vst v63  }
0x10f: {  	_ =	swait.ge @!p0 [sflag:s7], $0x800  }
0x110: {  	s9 =	simm.s32 $0x280;
	s15 =	rddreg [dreg:$0x8];
	[sflag:s7] =	ssyncset.done @!p0 $0x0  }
0x111: {  	s26 =	rddreg [dreg:$0x7];
	[sflag:s7] =	ssyncadd.s32 @!p0 $0xFFFFF800;
	s1 =	sadd.s32 s28, s15  }
0x112: {  	[tilespmem:s9], [sflag:$0x6] =	stream.linear.gather [hbm4b:s1+s3], $0x80, $0x38;
	[tilespmem:$0x1D000] =	vst v63  }
0x113: {  	s15 =	sadd.s32 s28, s26;
	s26 =	simm.s32 $0x680  }
0x114: {  	[tilespmem:s26], [sflag:$0x6] =	stream.linear.gather [hbm4b:s15+s3], $0x80, $0x38;
	[tilespmem:$0x1D000] =	vst v63  }
0x115: {  	_ =	swait.ge [sflag:s29], $0x80  }
0x116: {  	[sflag:s29] =	ssyncset.done $0x0  }
0x117: {  	[sflag:s29] =	ssyncadd.s32 $0xFFFFFF80  }
0x118: {  	_ =	swait.ge [sflag:s29], $0x80  }
0x119: {  	[sflag:s29] =	ssyncset.done $0x0  }
0x11a: {  	s7 =	simm.s32 $0x2000;
	[sflag:s29] =	ssyncadd.s32 $0xFFFFFF80  }
0x11b: {  	[tilespmem:s7], [sflag:$0xC] =	stream.indirect.gather [hbm4b:s4+s12], $0x10, s21, s12, $0xb8;
	[tilespmem:$0x1D000] =	vst v63  }
0x11c: {  	_ =	swait.ge [sflag:s31], $0x800  }
0x11d: {  	[sflag:s31] =	ssyncset.done $0x0  }
0x11e: {  	s1 =	simm.s32 @!p0 $0x17;
	[sflag:s31] =	ssyncadd.s32 $0xFFFFF800  }
0x11f: {  	[spmem:s2] =	stream.indirect.scatter.add.f32 [tilespmem:s17], [sflag:$0x11], $0x10, s13, s12, $0xb8;
	[tilespmem:$0x1D000] =	vst v63  }
0x120: {  	_ =	swait.ge @!p0 [sflag:s1], $0x800  }
0x121: {  	s26 =	simm.s32 $0x300;
	s15 =	rddreg [dreg:$0x6];
	[sflag:s1] =	ssyncset.done @!p0 $0x0  }
0x122: {  	s17 =	rddreg [dreg:$0x5];
	[sflag:s1] =	ssyncadd.s32 @!p0 $0xFFFFF800;
	s21 =	sadd.s32 s28, s15  }
0x123: {  	[tilespmem:s26], [sflag:$0x7] =	stream.linear.gather [hbm4b:s21+s3], $0x80, $0x38;
	[tilespmem:$0x1D000] =	vst v63  }
0x124: {  	s7 =	sadd.s32 s28, s17  }
0x125: {  	[tilespmem:s22], [sflag:$0x7] =	stream.linear.gather [hbm4b:s7+s3], $0x80, $0x38;
	[tilespmem:$0x1D000] =	vst v63  }
0x126: {  	_ =	swait.ge [sflag:s5], $0x80  }
0x127: {  	[sflag:s5] =	ssyncset.done $0x0  }
0x128: {  	[sflag:s5] =	ssyncadd.s32 $0xFFFFFF80  }
0x129: {  	_ =	swait.ge [sflag:s5], $0x80  }
0x12a: {  	[sflag:s5] =	ssyncset.done $0x0  }
0x12b: {  	s13 =	simm.s32 $0x2800;
	[sflag:s5] =	ssyncadd.s32 $0xFFFFFF80  }
0x12c: {  	[tilespmem:s13], [sflag:$0xD] =	stream.indirect.gather [hbm4b:s4+s12], $0x10, s11, s12, $0xb8;
	[tilespmem:$0x1D000] =	vst v63  }
0x12d: {  	_ =	swait.ge [sflag:s8], $0x800  }
0x12e: {  	[sflag:s8] =	ssyncset.done $0x0  }
0x12f: {  	s1 =	simm.s32 @!p0 $0x18;
	[sflag:s8] =	ssyncadd.s32 $0xFFFFF800  }
0x130: {  	[spmem:s2] =	stream.indirect.scatter.add.f32 [tilespmem:s19], [sflag:$0x12], $0x10, s14, s12, $0xb8;
	[tilespmem:$0x1D000] =	vst v63  }
0x131: {  	_ =	swait.ge @!p0 [sflag:s1], $0x800  }
0x132: {  	s21 =	simm.s32 $0x380;
	s15 =	rddreg [dreg:$0x4];
	[sflag:s1] =	ssyncset.done @!p0 $0x0  }
0x133: {  	s17 =	rddreg [dreg:$0x3];
	[sflag:s1] =	ssyncadd.s32 @!p0 $0xFFFFF800;
	s19 =	sadd.s32 s28, s15  }
0x134: {  	[tilespmem:s21], [sflag:$0x8] =	stream.linear.gather [hbm4b:s19+s3], $0x80, $0x38;
	[tilespmem:$0x1D000] =	vst v63  }
0x135: {  	s26 =	sadd.s32 s28, s17  }
0x136: {  	[tilespmem:s25], [sflag:$0x8] =	stream.linear.gather [hbm4b:s26+s3], $0x80, $0x38;
	[tilespmem:$0x1D000] =	vst v63  }
0x137: {  	_ =	swait.ge [sflag:s10], $0x80  }
0x138: {  	[sflag:s10] =	ssyncset.done $0x0  }
0x139: {  	s0 =	smov.u32 s30;
	s30 =	sadd.s32 $0x80, s30;
	[sflag:s10] =	ssyncadd.s32 $0xFFFFFF80  }
0x13a: {  	p1 =	sne.s32 s30, $0x3100;
	_ =	swait.ge [sflag:s10], $0x80  }
.Ltmp0:
0x13b: {  	[sflag:s10] =	ssyncset.done $0x0;
	(pc) =	sbr.rel @p1 .LBB2_2-.Ltmp0, $4  }
0x13c: {  	[sflag:s10] =	ssyncadd.s32 $0xFFFFFF80  }
0x13d: {  	[tilespmem:s18], [sflag:$0xE] =	stream.indirect.gather [hbm4b:s4+s12], $0x10, s9, s12, $0xb8;
	[tilespmem:$0x1D000] =	vst v63  }
0x13e: {  	s28 =	smov.u32 s0;
	_ =	swait.ge [sflag:s23], $0x800  }
0x13f: {  	p0 =	seq.s32 s28, $0x0;
	[sflag:s23] =	ssyncset.done $0x0  }
0x140: {  	s0 =	simm.s32 @!p0 $0x11  }
0x141: {  	[sflag:s23] =	ssyncadd.s32 $0xFFFFF800;
	s19 =	simm.s32 $0x500;
	s22 =	simm.s32 $0x1800  }
0x142: {  	[spmem:s2] =	stream.indirect.scatter.add.f32 [tilespmem:s22], [sflag:$0x13], $0x10, s19, s12, $0xb8;
	[tilespmem:$0x1D000] =	vst v63  }
0x143: {  	_ =	swait.ge @!p0 [sflag:s0], $0x800  }
0x144: {  	s1 =	rddreg [dreg:$0x12];
	[sflag:s0] =	ssyncset.done @!p0 $0x0  }
0x145: {  	s6 =	rddreg [dreg:$0x11];
	[sflag:s0] =	ssyncadd.s32 @!p0 $0xFFFFF800;
	s14 =	sadd.s32 s28, s1  }
0x146: {  	[tilespmem:s3], [sflag:$0x1] =	stream.linear.gather [hbm4b:s14+s3], $0x80, $0x38;
	[tilespmem:$0x1D000] =	vst v63  }
0x147: {  	s13 =	simm.s32 $0x400;
	s15 =	sadd.s32 s28, s6;
	s6 =	simm.s32 @!p0 $0x7  }
0x148: {  	[tilespmem:s13], [sflag:$0x1] =	stream.linear.gather [hbm4b:s15+s3], $0x80, $0x38;
	[tilespmem:$0x1D000] =	vst v63  }
0x149: {  	_ =	swait.ge @!p0 [sflag:s6], $0x80  }
0x14a: {  	[sflag:s6] =	ssyncset.done @!p0 $0x0  }
0x14b: {  	[sflag:s6] =	ssyncadd.s32 @!p0 $0xFFFFFF80  }
0x14c: {  	_ =	swait.ge @!p0 [sflag:s6], $0x80  }
0x14d: {  	s7 =	simm.s32 @!p0 $0xC;
	s1 =	simm.s32 @!p0 $0x3800;
	[sflag:s6] =	ssyncset.done @!p0 $0x0  }
0x14e: {  	s0 =	simm.s32 @!p0 $0x80;
	[sflag:s6] =	ssyncadd.s32 @!p0 $0xFFFFFF80;
	s6 =	simm.s32 @!p0 $0x300  }
0x14f: {  	[tilespmem:s1], [sflag:$0xF] =	stream.indirect.gather @!p0 [hbm4b:s4+s0], $0x10, s6, s0, $0xb8;
	[tilespmem:$0x1D000] =	vst v63  }
0x150: {  	_ =	swait.ge @!p0 [sflag:s7], $0x800  }
0x151: {  	s9 =	simm.s32 @!p0 $0x2000;
	[sflag:s7] =	ssyncset.done @!p0 $0x0  }
0x152: {  	s6 =	simm.s32 @!p0 $0x12;
	[sflag:s7] =	ssyncadd.s32 @!p0 $0xFFFFF800;
	s7 =	simm.s32 @!p0 $0x580  }
0x153: {  	[spmem:s2] =	stream.indirect.scatter.add.f32 @!p0 [tilespmem:s9], [sflag:$0x14], $0x10, s7, s0, $0xb8;
	[tilespmem:$0x1D000] =	vst v63  }
0x154: {  	_ =	swait.ge @!p0 [sflag:s6], $0x800  }
0x155: {  	s17 =	rddreg [dreg:$0x10];
	[sflag:s6] =	ssyncset.done @!p0 $0x0  }
0x156: {  	s18 =	rddreg [dreg:$0xf];
	[sflag:s6] =	ssyncadd.s32 @!p0 $0xFFFFF800;
	s21 =	sadd.s32 s28, s17  }
0x157: {  	[tilespmem:s12], [sflag:$0x2] =	stream.linear.gather [hbm4b:s21+s3], $0x80, $0x38;
	[tilespmem:$0x1D000] =	vst v63  }
0x158: {  	s14 =	simm.s32 $0x480;
	s7 =	simm.s32 @!p0 $0x8;
	s25 =	sadd.s32 s28, s18  }
0x159: {  	[tilespmem:s14], [sflag:$0x2] =	stream.linear.gather [hbm4b:s25+s3], $0x80, $0x38;
	[tilespmem:$0x1D000] =	vst v63  }
0x15a: {  	_ =	swait.ge @!p0 [sflag:s7], $0x80  }
0x15b: {  	[sflag:s7] =	ssyncset.done @!p0 $0x0  }
0x15c: {  	[sflag:s7] =	ssyncadd.s32 @!p0 $0xFFFFFF80  }
0x15d: {  	_ =	swait.ge @!p0 [sflag:s7], $0x80  }
0x15e: {  	s9 =	simm.s32 @!p0 $0xD;
	[sflag:s7] =	ssyncset.done @!p0 $0x0  }
0x15f: {  	s6 =	simm.s32 @!p0 $0x4000;
	[sflag:s7] =	ssyncadd.s32 @!p0 $0xFFFFFF80;
	s7 =	simm.s32 @!p0 $0x380  }
0x160: {  	[tilespmem:s6], [sflag:$0x10] =	stream.indirect.gather @!p0 [hbm4b:s4+s0], $0x10, s7, s0, $0xb8;
	[tilespmem:$0x1D000] =	vst v63  }
0x161: {  	_ =	swait.ge @!p0 [sflag:s9], $0x800  }
0x162: {  	s11 =	simm.s32 @!p0 $0x2800;
	[sflag:s9] =	ssyncset.done @!p0 $0x0  }
0x163: {  	s7 =	simm.s32 @!p0 $0x13;
	[sflag:s9] =	ssyncadd.s32 @!p0 $0xFFFFF800;
	s9 =	simm.s32 @!p0 $0x600  }
0x164: {  	[spmem:s2] =	stream.indirect.scatter.add.f32 @!p0 [tilespmem:s11], [sflag:$0x15], $0x10, s9, s0, $0xb8;
	[tilespmem:$0x1D000] =	vst v63  }
0x165: {  	_ =	swait.ge @!p0 [sflag:s7], $0x800  }
0x166: {  	s15 =	simm.s32 $0x100;
	s26 =	rddreg [dreg:$0xe];
	[sflag:s7] =	ssyncset.done @!p0 $0x0  }
0x167: {  	s30 =	rddreg [dreg:$0xd];
	[sflag:s7] =	ssyncadd.s32 @!p0 $0xFFFFF800;
	s9 =	sadd.s32 s28, s26  }
0x168: {  	[tilespmem:s15], [sflag:$0x3] =	stream.linear.gather [hbm4b:s9+s3], $0x80, $0x38;
	[tilespmem:$0x1D000] =	vst v63  }
0x169: {  	s17 =	sadd.s32 s28, s30  }
0x16a: {  	[tilespmem:s19], [sflag:$0x3] =	stream.linear.gather [hbm4b:s17+s3], $0x80, $0x38;
	[tilespmem:$0x1D000] =	vst v63  }
0x16b: {  	_ =	swait.ge [sflag:s16], $0x80  }
0x16c: {  	[sflag:s16] =	ssyncset.done $0x0  }
0x16d: {  	[sflag:s16] =	ssyncadd.s32 $0xFFFFFF80  }
0x16e: {  	_ =	swait.ge [sflag:s16], $0x80  }
0x16f: {  	[sflag:s16] =	ssyncset.done $0x0  }
0x170: {  	s7 =	simm.s32 @!p0 $0xE;
	s17 =	simm.s32 $0x800;
	[sflag:s16] =	ssyncadd.s32 $0xFFFFFF80  }
0x171: {  	[tilespmem:s17], [sflag:$0x9] =	stream.indirect.gather [hbm4b:s4+s12], $0x10, s3, s12, $0xb8;
	[tilespmem:$0x1D000] =	vst v63  }
0x172: {  	_ =	swait.ge @!p0 [sflag:s7], $0x800  }
0x173: {  	s11 =	simm.s32 @!p0 $0x3000;
	[sflag:s7] =	ssyncset.done @!p0 $0x0  }
0x174: {  	s9 =	simm.s32 @!p0 $0x14;
	[sflag:s7] =	ssyncadd.s32 @!p0 $0xFFFFF800;
	s7 =	simm.s32 @!p0 $0x680  }
0x175: {  	[spmem:s2] =	stream.indirect.scatter.add.f32 @!p0 [tilespmem:s11], [sflag:$0x16], $0x10, s7, s0, $0xb8;
	[tilespmem:$0x1D000] =	vst v63  }
0x176: {  	_ =	swait.ge @!p0 [sflag:s9], $0x800  }
0x177: {  	s18 =	rddreg [dreg:$0xc]  }
0x178: {  	[sflag:s9] =	ssyncset.done @!p0 $0x0;
	s21 =	rddreg [dreg:$0xb]  }
0x179: {  	[sflag:s9] =	ssyncadd.s32 @!p0 $0xFFFFF800;
	s7 =	sadd.s32 s28, s18;
	s18 =	simm.s32 $0x180  }
0x17a: {  	[tilespmem:s18], [sflag:$0x4] =	stream.linear.gather [hbm4b:s7+s3], $0x80, $0x38;
	[tilespmem:$0x1D000] =	vst v63  }
0x17b: {  	s11 =	simm.s32 $0x580;
	s25 =	sadd.s32 s28, s21  }
0x17c: {  	[tilespmem:s11], [sflag:$0x4] =	stream.linear.gather [hbm4b:s25+s3], $0x80, $0x38;
	[tilespmem:$0x1D000] =	vst v63  }
0x17d: {  	_ =	swait.ge [sflag:s20], $0x80  }
0x17e: {  	[sflag:s20] =	ssyncset.done $0x0  }
0x17f: {  	[sflag:s20] =	ssyncadd.s32 $0xFFFFFF80  }
0x180: {  	_ =	swait.ge [sflag:s20], $0x80  }
0x181: {  	[sflag:s20] =	ssyncset.done $0x0  }
0x182: {  	s21 =	simm.s32 $0x1000;
	s7 =	simm.s32 @!p0 $0xF;
	[sflag:s20] =	ssyncadd.s32 $0xFFFFFF80  }
0x183: {  	[tilespmem:s21], [sflag:$0xA] =	stream.indirect.gather [hbm4b:s4+s12], $0x10, s12, s12, $0xb8;
	[tilespmem:$0x1D000] =	vst v63  }
0x184: {  	_ =	swait.ge @!p0 [sflag:s7], $0x800  }
0x185: {  	[sflag:s7] =	ssyncset.done @!p0 $0x0  }
0x186: {  	s9 =	simm.s32 @!p0 $0x15;
	[sflag:s7] =	ssyncadd.s32 @!p0 $0xFFFFF800;
	s7 =	simm.s32 @!p0 $0x700  }
0x187: {  	[spmem:s2] =	stream.indirect.scatter.add.f32 @!p0 [tilespmem:s1], [sflag:$0x17], $0x10, s7, s0, $0xb8;
	[tilespmem:$0x1D000] =	vst v63  }
0x188: {  	_ =	swait.ge @!p0 [sflag:s9], $0x800  }
0x189: {  	s26 =	rddreg [dreg:$0xa]  }
0x18a: {  	[sflag:s9] =	ssyncset.done @!p0 $0x0;
	s30 =	rddreg [dreg:$0x9]  }
0x18b: {  	[sflag:s9] =	ssyncadd.s32 @!p0 $0xFFFFF800;
	s1 =	sadd.s32 s28, s26;
	s9 =	simm.s32 $0x200  }
0x18c: {  	[tilespmem:s9], [sflag:$0x5] =	stream.linear.gather [hbm4b:s1+s3], $0x80, $0x38;
	[tilespmem:$0x1D000] =	vst v63  }
0x18d: {  	s7 =	simm.s32 $0x600;
	s25 =	sadd.s32 s28, s30  }
0x18e: {  	[tilespmem:s7], [sflag:$0x5] =	stream.linear.gather [hbm4b:s25+s3], $0x80, $0x38;
	[tilespmem:$0x1D000] =	vst v63  }
0x18f: {  	_ =	swait.ge [sflag:s24], $0x80  }
0x190: {  	[sflag:s24] =	ssyncset.done $0x0  }
0x191: {  	[sflag:s24] =	ssyncadd.s32 $0xFFFFFF80  }
0x192: {  	_ =	swait.ge [sflag:s24], $0x80  }
0x193: {  	[sflag:s24] =	ssyncset.done $0x0  }
0x194: {  	s1 =	simm.s32 @!p0 $0x10;
	[sflag:s24] =	ssyncadd.s32 $0xFFFFFF80  }
0x195: {  	[tilespmem:s22], [sflag:$0xB] =	stream.indirect.gather [hbm4b:s4+s12], $0x10, s15, s12, $0xb8;
	[tilespmem:$0x1D000] =	vst v63  }
0x196: {  	_ =	swait.ge @!p0 [sflag:s1], $0x800  }
0x197: {  	[sflag:s1] =	ssyncset.done @!p0 $0x0  }
0x198: {  	[sflag:s1] =	ssyncadd.s32 @!p0 $0xFFFFF800;
	s1 =	simm.s32 @!p0 $0x780  }
0x199: {  	[spmem:s2] =	stream.indirect.scatter.add.f32 @!p0 [tilespmem:s6], [sflag:$0x18], $0x10, s1, s0, $0xb8;
	[tilespmem:$0x1D000] =	vst v63  }
0x19a: {  	s0 =	simm.s32 @!p0 $0x16  }
0x19b: {  	_ =	swait.ge @!p0 [sflag:s0], $0x800  }
0x19c: {  	s25 =	simm.s32 $0x280;
	s26 =	rddreg [dreg:$0x8];
	[sflag:s0] =	ssyncset.done @!p0 $0x0  }
0x19d: {  	s30 =	rddreg [dreg:$0x7];
	[sflag:s0] =	ssyncadd.s32 @!p0 $0xFFFFF800;
	s1 =	sadd.s32 s28, s26  }
0x19e: {  	[tilespmem:s25], [sflag:$0x6] =	stream.linear.gather [hbm4b:s1+s3], $0x80, $0x38;
	[tilespmem:$0x1D000] =	vst v63  }
0x19f: {  	s15 =	simm.s32 $0x680;
	s6 =	sadd.s32 s28, s30  }
0x1a0: {  	[tilespmem:s15], [sflag:$0x6] =	stream.linear.gather [hbm4b:s6+s3], $0x80, $0x38;
	[tilespmem:$0x1D000] =	vst v63  }
0x1a1: {  	_ =	swait.ge [sflag:s29], $0x80  }
0x1a2: {  	[sflag:s29] =	ssyncset.done $0x0  }
0x1a3: {  	[sflag:s29] =	ssyncadd.s32 $0xFFFFFF80  }
0x1a4: {  	_ =	swait.ge [sflag:s29], $0x80  }
0x1a5: {  	[sflag:s29] =	ssyncset.done $0x0  }
0x1a6: {  	s26 =	simm.s32 $0x2000;
	[sflag:s29] =	ssyncadd.s32 $0xFFFFFF80  }
0x1a7: {  	[tilespmem:s26], [sflag:$0xC] =	stream.indirect.gather [hbm4b:s4+s12], $0x10, s18, s12, $0xb8;
	[tilespmem:$0x1D000] =	vst v63  }
0x1a8: {  	_ =	swait.ge [sflag:s31], $0x800  }
0x1a9: {  	[sflag:s31] =	ssyncset.done $0x0  }
0x1aa: {  	s0 =	simm.s32 @!p0 $0x17;
	[sflag:s31] =	ssyncadd.s32 $0xFFFFF800  }
0x1ab: {  	[spmem:s2] =	stream.indirect.scatter.add.f32 [tilespmem:s17], [sflag:$0x11], $0x10, s13, s12, $0xb8;
	[tilespmem:$0x1D000] =	vst v63  }
0x1ac: {  	_ =	swait.ge @!p0 [sflag:s0], $0x800  }
0x1ad: {  	s13 =	simm.s32 $0x300;
	s18 =	rddreg [dreg:$0x6];
	[sflag:s0] =	ssyncset.done @!p0 $0x0  }
0x1ae: {  	s30 =	rddreg [dreg:$0x5];
	[sflag:s0] =	ssyncadd.s32 @!p0 $0xFFFFF800;
	s1 =	sadd.s32 s28, s18  }
0x1af: {  	[tilespmem:s13], [sflag:$0x7] =	stream.linear.gather [hbm4b:s1+s3], $0x80, $0x38;
	[tilespmem:$0x1D000] =	vst v63  }
0x1b0: {  	s17 =	simm.s32 $0x700;
	s6 =	sadd.s32 s28, s30  }
0x1b1: {  	[tilespmem:s17], [sflag:$0x7] =	stream.linear.gather [hbm4b:s6+s3], $0x80, $0x38;
	[tilespmem:$0x1D000] =	vst v63  }
0x1b2: {  	_ =	swait.ge [sflag:s5], $0x80  }
0x1b3: {  	[sflag:s5] =	ssyncset.done $0x0  }
0x1b4: {  	[sflag:s5] =	ssyncadd.s32 $0xFFFFFF80  }
0x1b5: {  	_ =	swait.ge [sflag:s5], $0x80  }
0x1b6: {  	[sflag:s5] =	ssyncset.done $0x0  }
0x1b7: {  	s30 =	simm.s32 $0x2800;
	[sflag:s5] =	ssyncadd.s32 $0xFFFFFF80  }
0x1b8: {  	[tilespmem:s30], [sflag:$0xD] =	stream.indirect.gather [hbm4b:s4+s12], $0x10, s9, s12, $0xb8;
	[tilespmem:$0x1D000] =	vst v63  }
0x1b9: {  	_ =	swait.ge [sflag:s8], $0x800  }
0x1ba: {  	[sflag:s8] =	ssyncset.done $0x0  }
0x1bb: {  	s0 =	simm.s32 @!p0 $0x18;
	[sflag:s8] =	ssyncadd.s32 $0xFFFFF800  }
0x1bc: {  	[spmem:s2] =	stream.indirect.scatter.add.f32 [tilespmem:s21], [sflag:$0x12], $0x10, s14, s12, $0xb8;
	[tilespmem:$0x1D000] =	vst v63  }
0x1bd: {  	_ =	swait.ge @!p0 [sflag:s0], $0x800  }
0x1be: {  	s1 =	simm.s32 $0x380;
	s9 =	rddreg [dreg:$0x4];
	[sflag:s0] =	ssyncset.done @!p0 $0x0  }
0x1bf: {  	s14 =	rddreg [dreg:$0x3];
	[sflag:s0] =	ssyncadd.s32 @!p0 $0xFFFFF800;
	s18 =	sadd.s32 s28, s9  }
0x1c0: {  	[tilespmem:s1], [sflag:$0x8] =	stream.linear.gather [hbm4b:s18+s3], $0x80, $0x38;
	[tilespmem:$0x1D000] =	vst v63  }
0x1c1: {  	s6 =	simm.s32 $0x780;
	s21 =	sadd.s32 s28, s14  }
0x1c2: {  	[tilespmem:s6], [sflag:$0x8] =	stream.linear.gather [hbm4b:s21+s3], $0x80, $0x38;
	[tilespmem:$0x1D000] =	vst v63  }
0x1c3: {  	_ =	swait.ge [sflag:s10], $0x80  }
0x1c4: {  	[sflag:s10] =	ssyncset.done $0x0  }
0x1c5: {  	[sflag:s10] =	ssyncadd.s32 $0xFFFFFF80  }
0x1c6: {  	_ =	swait.ge [sflag:s10], $0x80  }
0x1c7: {  	[sflag:s10] =	ssyncset.done $0x0  }
0x1c8: {  	s0 =	simm.s32 $0x3000;
	[sflag:s10] =	ssyncadd.s32 $0xFFFFFF80  }
0x1c9: {  	[tilespmem:s0], [sflag:$0xE] =	stream.indirect.gather [hbm4b:s4+s12], $0x10, s25, s12, $0xb8;
	[tilespmem:$0x1D000] =	vst v63  }
0x1ca: {  	_ =	swait.ge [sflag:s23], $0x800  }
0x1cb: {  	[sflag:s23] =	ssyncset.done $0x0  }
0x1cc: {  	s28 =	simm.s32 $0x7;
	[sflag:s23] =	ssyncadd.s32 $0xFFFFF800  }
0x1cd: {  	[spmem:s2] =	stream.indirect.scatter.add.f32 [tilespmem:s22], [sflag:$0x13], $0x10, s19, s12, $0xb8;
	[tilespmem:$0x1D000] =	vst v63  }
0x1ce: {  	_ =	swait.ge [sflag:s28], $0x80  }
0x1cf: {  	[sflag:s28] =	ssyncset.done $0x0  }
0x1d0: {  	[sflag:s28] =	ssyncadd.s32 $0xFFFFFF80  }
0x1d1: {  	_ =	swait.ge [sflag:s28], $0x80  }
0x1d2: {  	[sflag:s28] =	ssyncset.done $0x0  }
0x1d3: {  	s9 =	simm.s32 $0x3800;
	s18 =	simm.s32 $0x8;
	[sflag:s28] =	ssyncadd.s32 $0xFFFFFF80  }
0x1d4: {  	[tilespmem:s9], [sflag:$0xF] =	stream.indirect.gather [hbm4b:s4+s12], $0x10, s13, s12, $0xb8;
	[tilespmem:$0x1D000] =	vst v63  }
0x1d5: {  	_ =	swait.ge [sflag:s18], $0x80  }
0x1d6: {  	[sflag:s18] =	ssyncset.done $0x0  }
0x1d7: {  	[sflag:s18] =	ssyncadd.s32 $0xFFFFFF80  }
0x1d8: {  	_ =	swait.ge [sflag:s18], $0x80  }
0x1d9: {  	[sflag:s18] =	ssyncset.done $0x0  }
0x1da: {  	s19 =	simm.s32 $0x4000;
	s22 =	simm.s32 $0xC;
	[sflag:s18] =	ssyncadd.s32 $0xFFFFFF80  }
0x1db: {  	[tilespmem:s19], [sflag:$0x10] =	stream.indirect.gather [hbm4b:s4+s12], $0x10, s1, s12, $0xb8;
	[tilespmem:$0x1D000] =	vst v63  }
0x1dc: {  	_ =	swait.ge [sflag:s22], $0x800  }
0x1dd: {  	[sflag:s22] =	ssyncset.done $0x0  }
0x1de: {  	s25 =	simm.s32 $0xD;
	[sflag:s22] =	ssyncadd.s32 $0xFFFFF800  }
0x1df: {  	[spmem:s2] =	stream.indirect.scatter.add.f32 [tilespmem:s26], [sflag:$0x14], $0x10, s11, s12, $0xb8;
	[tilespmem:$0x1D000] =	vst v63  }
0x1e0: {  	_ =	swait.ge [sflag:s25], $0x800  }
0x1e1: {  	[sflag:s25] =	ssyncset.done $0x0  }
0x1e2: {  	s26 =	simm.s32 $0xE;
	[sflag:s25] =	ssyncadd.s32 $0xFFFFF800  }
0x1e3: {  	[spmem:s2] =	stream.indirect.scatter.add.f32 [tilespmem:s30], [sflag:$0x15], $0x10, s7, s12, $0xb8;
	[tilespmem:$0x1D000] =	vst v63  }
0x1e4: {  	_ =	swait.ge [sflag:s26], $0x800  }
0x1e5: {  	[sflag:s26] =	ssyncset.done $0x0  }
0x1e6: {  	s28 =	simm.s32 $0xF;
	[sflag:s26] =	ssyncadd.s32 $0xFFFFF800  }
0x1e7: {  	[spmem:s2] =	stream.indirect.scatter.add.f32 [tilespmem:s0], [sflag:$0x16], $0x10, s15, s12, $0xb8;
	[tilespmem:$0x1D000] =	vst v63  }
0x1e8: {  	_ =	swait.ge [sflag:s28], $0x800  }
0x1e9: {  	[sflag:s28] =	ssyncset.done $0x0  }
0x1ea: {  	s30 =	simm.s32 $0x10;
	[sflag:s28] =	ssyncadd.s32 $0xFFFFF800  }
0x1eb: {  	[spmem:s2] =	stream.indirect.scatter.add.f32 [tilespmem:s9], [sflag:$0x17], $0x10, s17, s12, $0xb8;
	[tilespmem:$0x1D000] =	vst v63  }
0x1ec: {  	_ =	swait.ge [sflag:s30], $0x800  }
0x1ed: {  	[sflag:s30] =	ssyncset.done $0x0  }
0x1ee: {  	s1 =	simm.s32 $0x11;
	[sflag:s30] =	ssyncadd.s32 $0xFFFFF800  }
0x1ef: {  	[spmem:s2] =	stream.indirect.scatter.add.f32 [tilespmem:s19], [sflag:$0x18], $0x10, s6, s12, $0xb8;
	[tilespmem:$0x1D000] =	vst v63  }
0x1f0: {  	_ =	swait.ge [sflag:s1], $0x800  }
0x1f1: {  	[sflag:s1] =	ssyncset.done $0x0  }
0x1f2: {  	s6 =	simm.s32 $0x12;
	[sflag:s1] =	ssyncadd.s32 $0xFFFFF800  }
0x1f3: {  	_ =	swait.ge [sflag:s6], $0x800  }
0x1f4: {  	[sflag:s6] =	ssyncset.done $0x0  }
0x1f5: {  	s7 =	simm.s32 $0x13;
	[sflag:s6] =	ssyncadd.s32 $0xFFFFF800  }
0x1f6: {  	_ =	swait.ge [sflag:s7], $0x800  }
0x1f7: {  	[sflag:s7] =	ssyncset.done $0x0  }
0x1f8: {  	s9 =	simm.s32 $0x14;
	[sflag:s7] =	ssyncadd.s32 $0xFFFFF800  }
0x1f9: {  	_ =	swait.ge [sflag:s9], $0x800  }
0x1fa: {  	[sflag:s9] =	ssyncset.done $0x0  }
0x1fb: {  	s11 =	simm.s32 $0x15;
	[sflag:s9] =	ssyncadd.s32 $0xFFFFF800  }
0x1fc: {  	_ =	swait.ge [sflag:s11], $0x800  }
0x1fd: {  	[sflag:s11] =	ssyncset.done $0x0  }
0x1fe: {  	s13 =	simm.s32 $0x16;
	[sflag:s11] =	ssyncadd.s32 $0xFFFFF800  }
0x1ff: {  	_ =	swait.ge [sflag:s13], $0x800  }
0x200: {  	[sflag:s13] =	ssyncset.done $0x0  }
0x201: {  	s15 =	simm.s32 $0x17;
	[sflag:s13] =	ssyncadd.s32 $0xFFFFF800  }
0x202: {  	_ =	swait.ge [sflag:s15], $0x800  }
0x203: {  	[sflag:s15] =	ssyncset.done $0x0  }
0x204: {  	s17 =	simm.s32 $0x18;
	[sflag:s15] =	ssyncadd.s32 $0xFFFFF800  }
0x205: {  	_ =	swait.ge [sflag:s17], $0x800  }
0x206: {  	[sflag:s17] =	ssyncset.done $0x0  }
0x207: {  	[sflag:s17] =	ssyncadd.s32 $0xFFFFF800  }
0x208: {  	[bflag:$0x0] =	sbarrier.arrive $0xFFFF  }
0x209: {  	s7 =	rddreg [dreg:$0x15]  }
0x20a: {  	s19 =	rddreg [dreg:$0x16]  }
0x20b: {  	s1 =	simm.s32 $0x19;
	s26 =	rddreg [dreg:$0x19]  }
0x20c: {  	[hbm:s19], [sflag:s7] =	dma.local [spmem:s26], $0x3100  }
0x20d: {  	_ =	swait.ge [sflag:s1], $0x3100  }
0x20e: {  	s28 =	rddreg [dreg:$0x18]  }
0x20f: {  	s30 =	rddreg [dreg:$0x17];
	s6 =	sadd.s32 $0x1, s28  }
0x210: {  	p0 =	sne.s32 s6, s30  }
.Ltmp1:
0x211: {  	_ = 	snop;
	(pc) =	sbr.rel @p0 .LBB2_1-.Ltmp1, $4  }
0x212: {  	_ = 	snop  }
0x213: {  	s14 =	simm.s32 $0x500  }
0x214: {  	s21 =	simm.s32 $0x1800;
	s18 =	simm.s32 $0x3000;
	[sflag:s1] =	ssyncset.done $0x0  }
0x215: {  	s22 =	simm.s32 $0x700;
	s25 =	simm.s32 $0x780;
	[sflag:s1] =	ssyncadd.s32 $0xFFFFCF00  }
0x216: {  	_ =	sfence.sel $0x180000  }
0x217: {  	[bflag:$0x0] =	sbarrier.arrive $0xFFFF  }
0x218: {  	_ =	strace $0x9000004D  }
0x219: {  	s0 =	stileid.u32;
	[bflag:$0x2] =	sbarrier.arrive $0xFFFF  }
0x21a: {  	p0 =	sne.s32 s0, $0x0;
	s0 =	rddreg [dreg:$0x2]  }
0x21b: {  	s0 =	sadd.s32 @!p0 $0x100000, s0  }
0x21c: {  	[sflag:s0] =	ssyncadd.tile.s32 @!p0 $0x1;
	_ =	shalt  }
.Lfunc_end2:
_tile_overlayer_lowered:
.L_overlay_start_2:
0x21d: {  	(tag) =	ssettag $0x2  }
0x21e: {  	s0 =	rddreg [dreg:$0x0];
	s2 =	stileid.u32  }
0x21f: {  	s1 =	rddreg [dreg:$0x1];
	p0 =	sne.s32 s2, $0x0  }
0x220: {  	s3 =	rddreg [dreg:$0x2];
	[bflag:$0x3] =	sbarrier.arrive $0xFFFF;
	s2 =	simm.s32 @!p0 $0x1C19  }
0x221: {  	[timem:s3], [sflag:s2] =	dma.local @!p0 [hbm:s0], s1  }
0x222: {  	s0 =	simm.s32 @!p0 $0x19  }
0x223: {  	_ =	swait.ge @!p0 [sflag:s0], s1  }
0x224: {  	s1 =	ssub.s32 @!p0 $0x0, s1;
	[sflag:s0] =	ssyncset.done @!p0 $0x0  }
0x225: {  	[sflag:s0] =	ssyncadd.s32 @!p0 s1  }
0x226: {  	[bflag:$0x3] =	sbarrier.arrive $0xFFFF  }
0x227: {  	_ =	shalt  }

</sc_bundles>
